<compile_context>
chip_gen: v7x
topology: tpu7x:2x2x1
jax: 0.10.2.dev20260603
libtpu: 0.0.44.dev20260713+nightly
codegen_flags: <defaults>
</compile_context>

<pallas_src>
import jax
import jax.numpy as jnp
from jax import lax
from jax.experimental import pallas as pl
from jax.experimental.pallas import tpu as pltpu, tpu_sc as plsc

N_NODES = 10000
FEAT = 1433
D = 512
B_ROWS = 1024
S = 48
U_SIZE = 16384
T = B_ROWS * S

NC, NS = 2, 16
NW = NC * NS
TPW = T // NW
BPW = B_ROWS // NW
CHUNK = 64
NCH = TPW // CHUNK

BM = 512


def _proj_body(ft_ref, w_ref, b_ref, o_ref):
    o_ref[...] = (
        lax.dot_general(ft_ref[...].astype(jnp.bfloat16),
                        w_ref[...].astype(jnp.bfloat16),
                        (((0,), (0,)), ((), ())),
                        preferred_element_type=jnp.float32)
        + b_ref[...]
    )


def _mask_body(seq_ref, o_ref):
    col = lax.broadcasted_iota(jnp.int32, (B_ROWS, S), 1) + 1
    o_ref[...] = col > seq_ref[...]


def _sc_gather_body(proj_hbm, uni_hbm, samp_hbm, nodes_hbm,
                    neighs_out, nodes_out,
                    samp_v, nid_v, nidx_v, rows0, rows1, rows2,
                    gsem0, gsem1, gsem2, osem0, osem1, osem2,
                    isem0, isem1, isem2, nsem):
    sid = lax.axis_index("s")
    wid = lax.axis_index("c") * NS + sid
    base = wid * TPW
    nb = wid * BPW

    samp_cp = pltpu.async_copy(samp_hbm.at[pl.ds(base, TPW)], samp_v, gsem0)
    nidx_cp = pltpu.async_copy(nodes_hbm.at[pl.ds(nb, BPW)], nidx_v, nsem)
    samp_cp.wait()
    nidx_cp.wait()

    gsems = (gsem0, gsem1, gsem2)
    osems = (osem0, osem1, osem2)
    isems = (isem0, isem1, isem2)
    rows = (rows0, rows1, rows2)
    NB = 3

    def idx_gather(c):
        return pltpu.async_copy(
            uni_hbm.at[samp_v.at[pl.ds(c * CHUNK, CHUNK)]], nid_v.at[c],
            isems[c % NB])

    def row_gather(c):
        return pltpu.async_copy(proj_hbm.at[nid_v.at[c]], rows[c % NB],
                                gsems[c % NB])

    icp = [None, None, None]
    gcp = [None, None, None]
    ocp = [None, None, None]
    icp[0] = idx_gather(0)
    icp[1] = idx_gather(1)
    icp[0].wait()
    gcp[0] = row_gather(0)
    icp[2] = idx_gather(2)
    icp[1].wait()
    gcp[1] = row_gather(1)
    for c in range(NCH):
        cur = c % NB
        nxt = c + NB - 1
        if nxt < NCH:
            if nxt + 1 < NCH:
                icp[(nxt + 1) % NB] = idx_gather(nxt + 1)
            if c >= 1:
                ocp[nxt % NB].wait()
            icp[nxt % NB].wait()
            gcp[nxt % NB] = row_gather(nxt)
        gcp[cur].wait()
        ocp[cur] = pltpu.async_copy(
            rows[cur], neighs_out.at[pl.ds(base + c * CHUNK, CHUNK)],
            osems[cur])
    ocp[(NCH - 3) % NB].wait()
    ocp[(NCH - 2) % NB].wait()
    ocp[(NCH - 1) % NB].wait()

    pltpu.async_copy(proj_hbm.at[nidx_v], rows0.at[pl.ds(0, BPW)],
                     nsem).wait()
    pltpu.sync_copy(rows0.at[pl.ds(0, BPW)], nodes_out.at[pl.ds(nb, BPW)])


_sc_gather = pl.kernel(
    _sc_gather_body,
    out_type=[
        jax.ShapeDtypeStruct((T, D), jnp.float32),
        jax.ShapeDtypeStruct((B_ROWS, D), jnp.float32),
    ],
    mesh=plsc.VectorSubcoreMesh(core_axis_name="c", subcore_axis_name="s"),
    scratch_types=[
        pltpu.VMEM((TPW,), jnp.int32),
        pltpu.VMEM((NCH, CHUNK), jnp.int32),
        pltpu.VMEM((BPW,), jnp.int32),
        pltpu.VMEM((CHUNK, D), jnp.float32),
        pltpu.VMEM((CHUNK, D), jnp.float32),
        pltpu.VMEM((CHUNK, D), jnp.float32),
        pltpu.SemaphoreType.DMA,
        pltpu.SemaphoreType.DMA,
        pltpu.SemaphoreType.DMA,
        pltpu.SemaphoreType.DMA,
        pltpu.SemaphoreType.DMA,
        pltpu.SemaphoreType.DMA,
        pltpu.SemaphoreType.DMA,
        pltpu.SemaphoreType.DMA,
        pltpu.SemaphoreType.DMA,
        pltpu.SemaphoreType.DMA,
    ],
)


def kernel(nodes, unique_nodes_list, samp_neighs_t, seq_length, features,
           W_in, b_in):
    nodes_i = nodes.astype(jnp.int32)
    uni_i = unique_nodes_list.astype(jnp.int32)
    samp_i = samp_neighs_t.astype(jnp.int32).reshape(-1)

    proj = pl.pallas_call(
        _proj_body,
        grid=(pl.cdiv(N_NODES, BM),),
        in_specs=[
            pl.BlockSpec((FEAT, BM), lambda i: (0, i)),
            pl.BlockSpec((FEAT, D), lambda i: (0, 0)),
            pl.BlockSpec((1, D), lambda i: (0, 0)),
        ],
        out_specs=pl.BlockSpec((BM, D), lambda i: (i, 0)),
        out_shape=jax.ShapeDtypeStruct((N_NODES, D), jnp.float32),
        compiler_params=pltpu.CompilerParams(
            fuse_transposed_lhs_in_matmul=True),
    )(features.T, W_in, b_in.reshape(1, D))

    mask = pl.pallas_call(
        _mask_body,
        out_shape=jax.ShapeDtypeStruct((B_ROWS, S), jnp.bool_),
    )(seq_length.astype(jnp.int32).reshape(B_ROWS, 1))

    neighs_flat, nodes_emb = _sc_gather(proj, uni_i, samp_i, nodes_i)
    return (nodes_emb, neighs_flat.reshape(B_ROWS, S, D), samp_neighs_t,
            mask)

# --- scband reference (transcript-rebuilt; emitter-appended) ---
"""Pipeline reference for scband-node2-vec-sampler-16320875725120 (READ-ONLY COPY).

The authoritative reference and input builder live on the scoring server;
editing this copy changes nothing except your own understanding.
"""

import jax, jax.numpy as jnp
import numpy as np

NUM_NODES = 10000
FEAT_DIM = 1433
EMB_SIZE = 512
B = 1024
U = 16384
NUM_SAMPLE = 48


def setup_inputs(seed: int = 0) -> dict:
    key = jax.random.key(seed)
    k = jax.random.split(key, 8)
    nodes = jax.random.randint(k[0], (B,), 0, NUM_NODES)
    unique_nodes_list = jax.random.randint(k[1], (U,), 0, NUM_NODES)
    samp_neighs_t = jax.random.randint(k[2], (B, NUM_SAMPLE), 0, U)
    seq_length = jax.random.randint(k[3], (B,), 1, NUM_SAMPLE + 1)
    features = jax.random.normal(k[4], (NUM_NODES, FEAT_DIM), dtype=jnp.float32)
    W_in = jax.random.normal(k[5], (FEAT_DIM, EMB_SIZE), dtype=jnp.float32) * (1.0 / np.sqrt(FEAT_DIM))
    b_in = jnp.zeros((EMB_SIZE,), dtype=jnp.float32)
    return {
        "nodes": nodes,
        "unique_nodes_list": unique_nodes_list,
        "samp_neighs_t": samp_neighs_t,
        "seq_length": seq_length,
        "features": features,
        "W_in": W_in,
        "b_in": b_in,
    }


def reference(nodes, unique_nodes_list, samp_neighs_t, seq_length, features, W_in, b_in):
    # Embedding-style feature lookup for the union of walk-visited nodes (gather)
    embed_matrix = jnp.take(features, unique_nodes_list, axis=0).astype(jnp.float32)
    nodes_emb = jnp.take(features, nodes, axis=0).astype(jnp.float32)
    # input_l=True path: dense input projection (Linear(1433, emb_size)), lap_enc is None
    embed_matrix = embed_matrix @ W_in + b_in
    nodes_emb = nodes_emb @ W_in + b_in
    # gather padded walk-union neighborhoods from the unique-node embedding matrix
    neighs_emb = jnp.take(embed_matrix, samp_neighs_t.reshape(-1), axis=0).reshape(-1, NUM_SAMPLE, EMB_SIZE)
    # padding mask: positions beyond each ragged sequence length are masked
    padding_mask = jnp.arange(1, NUM_SAMPLE + 1, dtype=seq_length.dtype)[None, :] > seq_length[:, None]
    return (nodes_emb, neighs_emb, samp_neighs_t, padding_mask)

if __name__ == "__main__":
    import jax
    _d = setup_inputs()
    print(jax.jit(kernel)(*tuple(_d.values())))

</pallas_src>

<mosaic_0001>
#map = affine_map<(d0, d1) -> (0, 0)>
#map1 = affine_map<(d0, d1) -> (0)>
module attributes {stable_mosaic.version = 14 : i64} {
  func.func @_sc_gather_body(%arg0: i32, %arg1: i32, %arg2: memref<10000x512xf32, #tpu.memory_space<hbm>>, %arg3: memref<16384xi32, #tpu.memory_space<hbm>>, %arg4: memref<49152xi32, #tpu.memory_space<hbm>>, %arg5: memref<1024xi32, #tpu.memory_space<hbm>>, %arg6: memref<49152x512xf32, #tpu.memory_space<hbm>>, %arg7: memref<1024x512xf32, #tpu.memory_space<hbm>>, %arg8: memref<1536xi32, #tpu.memory_space<vmem>>, %arg9: memref<24x64xi32, #tpu.memory_space<vmem>>, %arg10: memref<32xi32, #tpu.memory_space<vmem>>, %arg11: memref<64x512xf32, #tpu.memory_space<vmem>>, %arg12: memref<64x512xf32, #tpu.memory_space<vmem>>, %arg13: memref<64x512xf32, #tpu.memory_space<vmem>>, %arg14: memref<!tpu.dma_semaphore, #tpu.memory_space<semaphore_mem>>, %arg15: memref<!tpu.dma_semaphore, #tpu.memory_space<semaphore_mem>>, %arg16: memref<!tpu.dma_semaphore, #tpu.memory_space<semaphore_mem>>, %arg17: memref<!tpu.dma_semaphore, #tpu.memory_space<semaphore_mem>>, %arg18: memref<!tpu.dma_semaphore, #tpu.memory_space<semaphore_mem>>, %arg19: memref<!tpu.dma_semaphore, #tpu.memory_space<semaphore_mem>>, %arg20: memref<!tpu.dma_semaphore, #tpu.memory_space<semaphore_mem>>, %arg21: memref<!tpu.dma_semaphore, #tpu.memory_space<semaphore_mem>>, %arg22: memref<!tpu.dma_semaphore, #tpu.memory_space<semaphore_mem>>, %arg23: memref<!tpu.dma_semaphore, #tpu.memory_space<semaphore_mem>>) attributes {dimension_semantics = [#tpu.dimension_semantics<core_parallel>, #tpu.dimension_semantics<subcore_parallel>], iteration_bounds = array<i64: 2, 16>, scalar_prefetch = 0 : i64, scratch_operands = 16 : i64, tpu.core_type = #tpu.core_type<sc_vector_subcore>, window_params = [{transform_indices = #map}, {transform_indices = #map1}, {transform_indices = #map1}, {transform_indices = #map1}, {transform_indices = #map}, {transform_indices = #map}]} {
    %mul3A = arith.constant 16 : i32
    %mul3A_0 = arith.muli %arg0, %mul3A : i32
    %add3A = arith.addi %mul3A_0, %arg1 : i32
    %mul3A_1 = arith.constant 1536 : i32
    %mul3A_2 = arith.muli %add3A, %mul3A_1 : i32
    %mul3A_3 = arith.constant 32 : i32
    %mul3A_4 = arith.muli %add3A, %mul3A_3 : i32
    %dma_start3A = tpu.memref_slice %arg4[%mul3A_2] : memref<49152xi32, #tpu.memory_space<hbm>> -> memref<1536xi32, #tpu.memory_space<hbm>>
    %dma_start3A_5 = tpu.memref_slice %arg4[%mul3A_2] : memref<49152xi32, #tpu.memory_space<hbm>> -> memref<1536xi32, #tpu.memory_space<hbm>>
    tpu.enqueue_dma source(%dma_start3A_5 : memref<1536xi32, #tpu.memory_space<hbm>>) target(%arg8 : memref<1536xi32, #tpu.memory_space<vmem>>) target_semaphore(%arg14 : memref<!tpu.dma_semaphore, #tpu.memory_space<semaphore_mem>>)
    %dma_start3A_6 = tpu.memref_slice %arg5[%mul3A_4] : memref<1024xi32, #tpu.memory_space<hbm>> -> memref<32xi32, #tpu.memory_space<hbm>>
    %dma_start3A_7 = tpu.memref_slice %arg5[%mul3A_4] : memref<1024xi32, #tpu.memory_space<hbm>> -> memref<32xi32, #tpu.memory_space<hbm>>
    tpu.enqueue_dma source(%dma_start3A_7 : memref<32xi32, #tpu.memory_space<hbm>>) target(%arg10 : memref<32xi32, #tpu.memory_space<vmem>>) target_semaphore(%arg23 : memref<!tpu.dma_semaphore, #tpu.memory_space<semaphore_mem>>)
    %dma_wait3A = tpu.memref_slice %arg4[%mul3A_2] : memref<49152xi32, #tpu.memory_space<hbm>> -> memref<1536xi32, #tpu.memory_space<hbm>>
    %dma_wait3A_8 = tpu.memref_slice %arg4[%mul3A_2] : memref<49152xi32, #tpu.memory_space<hbm>> -> memref<1536xi32, #tpu.memory_space<hbm>>
    tpu.wait_dma2 semaphore(%arg14 : memref<!tpu.dma_semaphore, #tpu.memory_space<semaphore_mem>>) src(%dma_wait3A_8 : memref<1536xi32, #tpu.memory_space<hbm>>) dst(%arg8 : memref<1536xi32, #tpu.memory_space<vmem>>)
    %dma_wait3A_9 = tpu.memref_slice %arg5[%mul3A_4] : memref<1024xi32, #tpu.memory_space<hbm>> -> memref<32xi32, #tpu.memory_space<hbm>>
    %dma_wait3A_10 = tpu.memref_slice %arg5[%mul3A_4] : memref<1024xi32, #tpu.memory_space<hbm>> -> memref<32xi32, #tpu.memory_space<hbm>>
    tpu.wait_dma2 semaphore(%arg23 : memref<!tpu.dma_semaphore, #tpu.memory_space<semaphore_mem>>) src(%dma_wait3A_10 : memref<32xi32, #tpu.memory_space<hbm>>) dst(%arg10 : memref<32xi32, #tpu.memory_space<vmem>>)
    %dma_start3A_11 = arith.constant 0 : i32
    %dma_start3A_12 = arith.constant 0 : i32
    %dma_start3A_13 = tpu.memref_slice %arg9[%dma_start3A_11, %dma_start3A_12] : memref<24x64xi32, #tpu.memory_space<vmem>> -> memref<1x64xi32, #tpu.memory_space<vmem>>
    %dma_start3A_14 = tpu.memref_squeeze %dma_start3A_13 : memref<1x64xi32, #tpu.memory_space<vmem>> -> memref<64xi32, #tpu.memory_space<vmem>>
    %dma_start3A_15 = arith.constant 0 : i32
    %dma_start3A_16 = tpu.memref_slice %arg8[%dma_start3A_15] : memref<1536xi32, #tpu.memory_space<vmem>> -> memref<64xi32, #tpu.memory_space<vmem>>
    %dma_start3A_17 = arith.constant 0 : i32
    %dma_start3A_18 = tpu.memref_slice %arg3[%dma_start3A_17] : memref<16384xi32, #tpu.memory_space<hbm>> -> memref<16384xi32, #tpu.memory_space<hbm>>
    tpu.enqueue_indirect_dma source(%dma_start3A_18 : memref<16384xi32, #tpu.memory_space<hbm>>) target(%dma_start3A_14 : memref<64xi32, #tpu.memory_space<vmem>>) offsets(%dma_start3A_16 : memref<64xi32, #tpu.memory_space<vmem>>) semaphore(%arg20 : memref<!tpu.dma_semaphore, #tpu.memory_space<semaphore_mem>>)
    %dma_start3A_19 = arith.constant 1 : i32
    %dma_start3A_20 = arith.constant 0 : i32
    %dma_start3A_21 = tpu.memref_slice %arg9[%dma_start3A_19, %dma_start3A_20] : memref<24x64xi32, #tpu.memory_space<vmem>> -> memref<1x64xi32, #tpu.memory_space<vmem>>
    %dma_start3A_22 = tpu.memref_squeeze %dma_start3A_21 : memref<1x64xi32, #tpu.memory_space<vmem>> -> memref<64xi32, #tpu.memory_space<vmem>>
    %dma_start3A_23 = arith.constant 64 : i32
    %dma_start3A_24 = tpu.memref_slice %arg8[%dma_start3A_23] : memref<1536xi32, #tpu.memory_space<vmem>> -> memref<64xi32, #tpu.memory_space<vmem>>
    %dma_start3A_25 = arith.constant 0 : i32
    %dma_start3A_26 = tpu.memref_slice %arg3[%dma_start3A_25] : memref<16384xi32, #tpu.memory_space<hbm>> -> memref<16384xi32, #tpu.memory_space<hbm>>
    tpu.enqueue_indirect_dma source(%dma_start3A_26 : memref<16384xi32, #tpu.memory_space<hbm>>) target(%dma_start3A_22 : memref<64xi32, #tpu.memory_space<vmem>>) offsets(%dma_start3A_24 : memref<64xi32, #tpu.memory_space<vmem>>) semaphore(%arg21 : memref<!tpu.dma_semaphore, #tpu.memory_space<semaphore_mem>>)
    %dma_wait3A_27 = arith.constant 0 : i32
    %dma_wait3A_28 = arith.constant 0 : i32
    %dma_wait3A_29 = tpu.memref_slice %arg9[%dma_wait3A_27, %dma_wait3A_28] : memref<24x64xi32, #tpu.memory_space<vmem>> -> memref<1x64xi32, #tpu.memory_space<vmem>>
    %dma_wait3A_30 = tpu.memref_squeeze %dma_wait3A_29 : memref<1x64xi32, #tpu.memory_space<vmem>> -> memref<64xi32, #tpu.memory_space<vmem>>
    %dma_wait3A_31 = arith.constant 0 : i32
    %dma_wait3A_32 = tpu.memref_slice %arg8[%dma_wait3A_31] : memref<1536xi32, #tpu.memory_space<vmem>> -> memref<64xi32, #tpu.memory_space<vmem>>
    %dma_wait3A_33 = arith.constant 0 : i32
    %dma_wait3A_34 = tpu.memref_slice %arg3[%dma_wait3A_33] : memref<16384xi32, #tpu.memory_space<hbm>> -> memref<16384xi32, #tpu.memory_space<hbm>>
    tpu.wait_indirect_dma semaphore(%arg20 : memref<!tpu.dma_semaphore, #tpu.memory_space<semaphore_mem>>) src(%dma_wait3A_34 : memref<16384xi32, #tpu.memory_space<hbm>>) dst(%dma_wait3A_30 : memref<64xi32, #tpu.memory_space<vmem>>)
    %dma_start3A_35 = arith.constant 0 : i32
    %dma_start3A_36 = arith.constant 0 : i32
    %dma_start3A_37 = tpu.memref_slice %arg9[%dma_start3A_35, %dma_start3A_36] : memref<24x64xi32, #tpu.memory_space<vmem>> -> memref<1x64xi32, #tpu.memory_space<vmem>>
    %dma_start3A_38 = tpu.memref_squeeze %dma_start3A_37 : memref<1x64xi32, #tpu.memory_space<vmem>> -> memref<64xi32, #tpu.memory_space<vmem>>
    %dma_start3A_39 = arith.constant 0 : i32
    %dma_start3A_40 = arith.constant 0 : i32
    %dma_start3A_41 = tpu.memref_slice %arg2[%dma_start3A_39, %dma_start3A_40] : memref<10000x512xf32, #tpu.memory_space<hbm>> -> memref<10000x512xf32, #tpu.memory_space<hbm>>
    tpu.enqueue_indirect_dma source(%dma_start3A_41 : memref<10000x512xf32, #tpu.memory_space<hbm>>) target(%arg11 : memref<64x512xf32, #tpu.memory_space<vmem>>) offsets(%dma_start3A_38 : memref<64xi32, #tpu.memory_space<vmem>>) semaphore(%arg14 : memref<!tpu.dma_semaphore, #tpu.memory_space<semaphore_mem>>)
    %dma_start3A_42 = arith.constant 2 : i32
    %dma_start3A_43 = arith.constant 0 : i32
    %dma_start3A_44 = tpu.memref_slice %arg9[%dma_start3A_42, %dma_start3A_43] : memref<24x64xi32, #tpu.memory_space<vmem>> -> memref<1x64xi32, #tpu.memory_space<vmem>>
    %dma_start3A_45 = tpu.memref_squeeze %dma_start3A_44 : memref<1x64xi32, #tpu.memory_space<vmem>> -> memref<64xi32, #tpu.memory_space<vmem>>
    %dma_start3A_46 = arith.constant 128 : i32
    %dma_start3A_47 = tpu.memref_slice %arg8[%dma_start3A_46] : memref<1536xi32, #tpu.memory_space<vmem>> -> memref<64xi32, #tpu.memory_space<vmem>>
    %dma_start3A_48 = arith.constant 0 : i32
    %dma_start3A_49 = tpu.memref_slice %arg3[%dma_start3A_48] : memref<16384xi32, #tpu.memory_space<hbm>> -> memref<16384xi32, #tpu.memory_space<hbm>>
    tpu.enqueue_indirect_dma source(%dma_start3A_49 : memref<16384xi32, #tpu.memory_space<hbm>>) target(%dma_start3A_45 : memref<64xi32, #tpu.memory_space<vmem>>) offsets(%dma_start3A_47 : memref<64xi32, #tpu.memory_space<vmem>>) semaphore(%arg22 : memref<!tpu.dma_semaphore, #tpu.memory_space<semaphore_mem>>)
    %dma_wait3A_50 = arith.constant 1 : i32
    %dma_wait3A_51 = arith.constant 0 : i32
    %dma_wait3A_52 = tpu.memref_slice %arg9[%dma_wait3A_50, %dma_wait3A_51] : memref<24x64xi32, #tpu.memory_space<vmem>> -> memref<1x64xi32, #tpu.memory_space<vmem>>
    %dma_wait3A_53 = tpu.memref_squeeze %dma_wait3A_52 : memref<1x64xi32, #tpu.memory_space<vmem>> -> memref<64xi32, #tpu.memory_space<vmem>>
    %dma_wait3A_54 = arith.constant 64 : i32
    %dma_wait3A_55 = tpu.memref_slice %arg8[%dma_wait3A_54] : memref<1536xi32, #tpu.memory_space<vmem>> -> memref<64xi32, #tpu.memory_space<vmem>>
    %dma_wait3A_56 = arith.constant 0 : i32
    %dma_wait3A_57 = tpu.memref_slice %arg3[%dma_wait3A_56] : memref<16384xi32, #tpu.memory_space<hbm>> -> memref<16384xi32, #tpu.memory_space<hbm>>
    tpu.wait_indirect_dma semaphore(%arg21 : memref<!tpu.dma_semaphore, #tpu.memory_space<semaphore_mem>>) src(%dma_wait3A_57 : memref<16384xi32, #tpu.memory_space<hbm>>) dst(%dma_wait3A_53 : memref<64xi32, #tpu.memory_space<vmem>>)
    %dma_start3A_58 = arith.constant 1 : i32
    %dma_start3A_59 = arith.constant 0 : i32
    %dma_start3A_60 = tpu.memref_slice %arg9[%dma_start3A_58, %dma_start3A_59] : memref<24x64xi32, #tpu.memory_space<vmem>> -> memref<1x64xi32, #tpu.memory_space<vmem>>
    %dma_start3A_61 = tpu.memref_squeeze %dma_start3A_60 : memref<1x64xi32, #tpu.memory_space<vmem>> -> memref<64xi32, #tpu.memory_space<vmem>>
    %dma_start3A_62 = arith.constant 0 : i32
    %dma_start3A_63 = arith.constant 0 : i32
    %dma_start3A_64 = tpu.memref_slice %arg2[%dma_start3A_62, %dma_start3A_63] : memref<10000x512xf32, #tpu.memory_space<hbm>> -> memref<10000x512xf32, #tpu.memory_space<hbm>>
    tpu.enqueue_indirect_dma source(%dma_start3A_64 : memref<10000x512xf32, #tpu.memory_space<hbm>>) target(%arg12 : memref<64x512xf32, #tpu.memory_space<vmem>>) offsets(%dma_start3A_61 : memref<64xi32, #tpu.memory_space<vmem>>) semaphore(%arg15 : memref<!tpu.dma_semaphore, #tpu.memory_space<semaphore_mem>>)
    %dma_start3A_65 = arith.constant 3 : i32
    %dma_start3A_66 = arith.constant 0 : i32
    %dma_start3A_67 = tpu.memref_slice %arg9[%dma_start3A_65, %dma_start3A_66] : memref<24x64xi32, #tpu.memory_space<vmem>> -> memref<1x64xi32, #tpu.memory_space<vmem>>
    %dma_start3A_68 = tpu.memref_squeeze %dma_start3A_67 : memref<1x64xi32, #tpu.memory_space<vmem>> -> memref<64xi32, #tpu.memory_space<vmem>>
    %dma_start3A_69 = arith.constant 192 : i32
    %dma_start3A_70 = tpu.memref_slice %arg8[%dma_start3A_69] : memref<1536xi32, #tpu.memory_space<vmem>> -> memref<64xi32, #tpu.memory_space<vmem>>
    %dma_start3A_71 = arith.constant 0 : i32
    %dma_start3A_72 = tpu.memref_slice %arg3[%dma_start3A_71] : memref<16384xi32, #tpu.memory_space<hbm>> -> memref<16384xi32, #tpu.memory_space<hbm>>
    tpu.enqueue_indirect_dma source(%dma_start3A_72 : memref<16384xi32, #tpu.memory_space<hbm>>) target(%dma_start3A_68 : memref<64xi32, #tpu.memory_space<vmem>>) offsets(%dma_start3A_70 : memref<64xi32, #tpu.memory_space<vmem>>) semaphore(%arg20 : memref<!tpu.dma_semaphore, #tpu.memory_space<semaphore_mem>>)
    %dma_wait3A_73 = arith.constant 2 : i32
    %dma_wait3A_74 = arith.constant 0 : i32
    %dma_wait3A_75 = tpu.memref_slice %arg9[%dma_wait3A_73, %dma_wait3A_74] : memref<24x64xi32, #tpu.memory_space<vmem>> -> memref<1x64xi32, #tpu.memory_space<vmem>>
    %dma_wait3A_76 = tpu.memref_squeeze %dma_wait3A_75 : memref<1x64xi32, #tpu.memory_space<vmem>> -> memref<64xi32, #tpu.memory_space<vmem>>
    %dma_wait3A_77 = arith.constant 128 : i32
    %dma_wait3A_78 = tpu.memref_slice %arg8[%dma_wait3A_77] : memref<1536xi32, #tpu.memory_space<vmem>> -> memref<64xi32, #tpu.memory_space<vmem>>
    %dma_wait3A_79 = arith.constant 0 : i32
    %dma_wait3A_80 = tpu.memref_slice %arg3[%dma_wait3A_79] : memref<16384xi32, #tpu.memory_space<hbm>> -> memref<16384xi32, #tpu.memory_space<hbm>>
    tpu.wait_indirect_dma semaphore(%arg22 : memref<!tpu.dma_semaphore, #tpu.memory_space<semaphore_mem>>) src(%dma_wait3A_80 : memref<16384xi32, #tpu.memory_space<hbm>>) dst(%dma_wait3A_76 : memref<64xi32, #tpu.memory_space<vmem>>)
    %dma_start3A_81 = arith.constant 2 : i32
    %dma_start3A_82 = arith.constant 0 : i32
    %dma_start3A_83 = tpu.memref_slice %arg9[%dma_start3A_81, %dma_start3A_82] : memref<24x64xi32, #tpu.memory_space<vmem>> -> memref<1x64xi32, #tpu.memory_space<vmem>>
    %dma_start3A_84 = tpu.memref_squeeze %dma_start3A_83 : memref<1x64xi32, #tpu.memory_space<vmem>> -> memref<64xi32, #tpu.memory_space<vmem>>
    %dma_start3A_85 = arith.constant 0 : i32
    %dma_start3A_86 = arith.constant 0 : i32
    %dma_start3A_87 = tpu.memref_slice %arg2[%dma_start3A_85, %dma_start3A_86] : memref<10000x512xf32, #tpu.memory_space<hbm>> -> memref<10000x512xf32, #tpu.memory_space<hbm>>
    tpu.enqueue_indirect_dma source(%dma_start3A_87 : memref<10000x512xf32, #tpu.memory_space<hbm>>) target(%arg13 : memref<64x512xf32, #tpu.memory_space<vmem>>) offsets(%dma_start3A_84 : memref<64xi32, #tpu.memory_space<vmem>>) semaphore(%arg16 : memref<!tpu.dma_semaphore, #tpu.memory_space<semaphore_mem>>)
    %dma_wait3A_88 = arith.constant 0 : i32
    %dma_wait3A_89 = arith.constant 0 : i32
    %dma_wait3A_90 = tpu.memref_slice %arg9[%dma_wait3A_88, %dma_wait3A_89] : memref<24x64xi32, #tpu.memory_space<vmem>> -> memref<1x64xi32, #tpu.memory_space<vmem>>
    %dma_wait3A_91 = tpu.memref_squeeze %dma_wait3A_90 : memref<1x64xi32, #tpu.memory_space<vmem>> -> memref<64xi32, #tpu.memory_space<vmem>>
    %dma_wait3A_92 = arith.constant 0 : i32
    %dma_wait3A_93 = arith.constant 0 : i32
    %dma_wait3A_94 = tpu.memref_slice %arg2[%dma_wait3A_92, %dma_wait3A_93] : memref<10000x512xf32, #tpu.memory_space<hbm>> -> memref<10000x512xf32, #tpu.memory_space<hbm>>
    tpu.wait_indirect_dma semaphore(%arg14 : memref<!tpu.dma_semaphore, #tpu.memory_space<semaphore_mem>>) src(%dma_wait3A_94 : memref<10000x512xf32, #tpu.memory_space<hbm>>) dst(%arg11 : memref<64x512xf32, #tpu.memory_space<vmem>>)
    %add3A_95 = arith.constant 0 : i32
    %add3A_96 = arith.addi %mul3A_2, %add3A_95 : i32
    %dma_start3A_97 = arith.constant 0 : i32
    %dma_start3A_98 = tpu.memref_slice %arg6[%add3A_96, %dma_start3A_97] : memref<49152x512xf32, #tpu.memory_space<hbm>> -> memref<64x512xf32, #tpu.memory_space<hbm>>
    %dma_start3A_99 = arith.constant 0 : i32
    %dma_start3A_100 = tpu.memref_slice %arg6[%add3A_96, %dma_start3A_99] : memref<49152x512xf32, #tpu.memory_space<hbm>> -> memref<64x512xf32, #tpu.memory_space<hbm>>
    tpu.enqueue_dma source(%arg11 : memref<64x512xf32, #tpu.memory_space<vmem>>) target(%dma_start3A_100 : memref<64x512xf32, #tpu.memory_space<hbm>>) target_semaphore(%arg17 : memref<!tpu.dma_semaphore, #tpu.memory_space<semaphore_mem>>)
    %dma_start3A_101 = arith.constant 4 : i32
    %dma_start3A_102 = arith.constant 0 : i32
    %dma_start3A_103 = tpu.memref_slice %arg9[%dma_start3A_101, %dma_start3A_102] : memref<24x64xi32, #tpu.memory_space<vmem>> -> memref<1x64xi32, #tpu.memory_space<vmem>>
    %dma_start3A_104 = tpu.memref_squeeze %dma_start3A_103 : memref<1x64xi32, #tpu.memory_space<vmem>> -> memref<64xi32, #tpu.memory_space<vmem>>
    %dma_start3A_105 = arith.constant 256 : i32
    %dma_start3A_106 = tpu.memref_slice %arg8[%dma_start3A_105] : memref<1536xi32, #tpu.memory_space<vmem>> -> memref<64xi32, #tpu.memory_space<vmem>>
    %dma_start3A_107 = arith.constant 0 : i32
    %dma_start3A_108 = tpu.memref_slice %arg3[%dma_start3A_107] : memref<16384xi32, #tpu.memory_space<hbm>> -> memref<16384xi32, #tpu.memory_space<hbm>>
    tpu.enqueue_indirect_dma source(%dma_start3A_108 : memref<16384xi32, #tpu.memory_space<hbm>>) target(%dma_start3A_104 : memref<64xi32, #tpu.memory_space<vmem>>) offsets(%dma_start3A_106 : memref<64xi32, #tpu.memory_space<vmem>>) semaphore(%arg21 : memref<!tpu.dma_semaphore, #tpu.memory_space<semaphore_mem>>)
    %dma_wait3A_109 = arith.constant 0 : i32
    %dma_wait3A_110 = tpu.memref_slice %arg6[%add3A_96, %dma_wait3A_109] : memref<49152x512xf32, #tpu.memory_space<hbm>> -> memref<64x512xf32, #tpu.memory_space<hbm>>
    %dma_wait3A_111 = arith.constant 0 : i32
    %dma_wait3A_112 = tpu.memref_slice %arg6[%add3A_96, %dma_wait3A_111] : memref<49152x512xf32, #tpu.memory_space<hbm>> -> memref<64x512xf32, #tpu.memory_space<hbm>>
    tpu.wait_dma2 semaphore(%arg17 : memref<!tpu.dma_semaphore, #tpu.memory_space<semaphore_mem>>) src(%arg11 : memref<64x512xf32, #tpu.memory_space<vmem>>) dst(%dma_wait3A_112 : memref<64x512xf32, #tpu.memory_space<hbm>>)
    %dma_wait3A_113 = arith.constant 3 : i32
    %dma_wait3A_114 = arith.constant 0 : i32
    %dma_wait3A_115 = tpu.memref_slice %arg9[%dma_wait3A_113, %dma_wait3A_114] : memref<24x64xi32, #tpu.memory_space<vmem>> -> memref<1x64xi32, #tpu.memory_space<vmem>>
    %dma_wait3A_116 = tpu.memref_squeeze %dma_wait3A_115 : memref<1x64xi32, #tpu.memory_space<vmem>> -> memref<64xi32, #tpu.memory_space<vmem>>
    %dma_wait3A_117 = arith.constant 192 : i32
    %dma_wait3A_118 = tpu.memref_slice %arg8[%dma_wait3A_117] : memref<1536xi32, #tpu.memory_space<vmem>> -> memref<64xi32, #tpu.memory_space<vmem>>
    %dma_wait3A_119 = arith.constant 0 : i32
    %dma_wait3A_120 = tpu.memref_slice %arg3[%dma_wait3A_119] : memref<16384xi32, #tpu.memory_space<hbm>> -> memref<16384xi32, #tpu.memory_space<hbm>>
    tpu.wait_indirect_dma semaphore(%arg20 : memref<!tpu.dma_semaphore, #tpu.memory_space<semaphore_mem>>) src(%dma_wait3A_120 : memref<16384xi32, #tpu.memory_space<hbm>>) dst(%dma_wait3A_116 : memref<64xi32, #tpu.memory_space<vmem>>)
    %dma_start3A_121 = arith.constant 3 : i32
    %dma_start3A_122 = arith.constant 0 : i32
    %dma_start3A_123 = tpu.memref_slice %arg9[%dma_start3A_121, %dma_start3A_122] : memref<24x64xi32, #tpu.memory_space<vmem>> -> memref<1x64xi32, #tpu.memory_space<vmem>>
    %dma_start3A_124 = tpu.memref_squeeze %dma_start3A_123 : memref<1x64xi32, #tpu.memory_space<vmem>> -> memref<64xi32, #tpu.memory_space<vmem>>
    %dma_start3A_125 = arith.constant 0 : i32
    %dma_start3A_126 = arith.constant 0 : i32
    %dma_start3A_127 = tpu.memref_slice %arg2[%dma_start3A_125, %dma_start3A_126] : memref<10000x512xf32, #tpu.memory_space<hbm>> -> memref<10000x512xf32, #tpu.memory_space<hbm>>
    tpu.enqueue_indirect_dma source(%dma_start3A_127 : memref<10000x512xf32, #tpu.memory_space<hbm>>) target(%arg11 : memref<64x512xf32, #tpu.memory_space<vmem>>) offsets(%dma_start3A_124 : memref<64xi32, #tpu.memory_space<vmem>>) semaphore(%arg14 : memref<!tpu.dma_semaphore, #tpu.memory_space<semaphore_mem>>)
    %dma_wait3A_128 = arith.constant 1 : i32
    %dma_wait3A_129 = arith.constant 0 : i32
    %dma_wait3A_130 = tpu.memref_slice %arg9[%dma_wait3A_128, %dma_wait3A_129] : memref<24x64xi32, #tpu.memory_space<vmem>> -> memref<1x64xi32, #tpu.memory_space<vmem>>
    %dma_wait3A_131 = tpu.memref_squeeze %dma_wait3A_130 : memref<1x64xi32, #tpu.memory_space<vmem>> -> memref<64xi32, #tpu.memory_space<vmem>>
    %dma_wait3A_132 = arith.constant 0 : i32
    %dma_wait3A_133 = arith.constant 0 : i32
    %dma_wait3A_134 = tpu.memref_slice %arg2[%dma_wait3A_132, %dma_wait3A_133] : memref<10000x512xf32, #tpu.memory_space<hbm>> -> memref<10000x512xf32, #tpu.memory_space<hbm>>
    tpu.wait_indirect_dma semaphore(%arg15 : memref<!tpu.dma_semaphore, #tpu.memory_space<semaphore_mem>>) src(%dma_wait3A_134 : memref<10000x512xf32, #tpu.memory_space<hbm>>) dst(%arg12 : memref<64x512xf32, #tpu.memory_space<vmem>>)
    %add3A_135 = arith.constant 64 : i32
    %add3A_136 = arith.addi %mul3A_2, %add3A_135 : i32
    %dma_start3A_137 = arith.constant 0 : i32
    %dma_start3A_138 = tpu.memref_slice %arg6[%add3A_136, %dma_start3A_137] : memref<49152x512xf32, #tpu.memory_space<hbm>> -> memref<64x512xf32, #tpu.memory_space<hbm>>
    %dma_start3A_139 = arith.constant 0 : i32
    %dma_start3A_140 = tpu.memref_slice %arg6[%add3A_136, %dma_start3A_139] : memref<49152x512xf32, #tpu.memory_space<hbm>> -> memref<64x512xf32, #tpu.memory_space<hbm>>
    tpu.enqueue_dma source(%arg12 : memref<64x512xf32, #tpu.memory_space<vmem>>) target(%dma_start3A_140 : memref<64x512xf32, #tpu.memory_space<hbm>>) target_semaphore(%arg18 : memref<!tpu.dma_semaphore, #tpu.memory_space<semaphore_mem>>)
    %dma_start3A_141 = arith.constant 5 : i32
    %dma_start3A_142 = arith.constant 0 : i32
    %dma_start3A_143 = tpu.memref_slice %arg9[%dma_start3A_141, %dma_start3A_142] : memref<24x64xi32, #tpu.memory_space<vmem>> -> memref<1x64xi32, #tpu.memory_space<vmem>>
    %dma_start3A_144 = tpu.memref_squeeze %dma_start3A_143 : memref<1x64xi32, #tpu.memory_space<vmem>> -> memref<64xi32, #tpu.memory_space<vmem>>
    %dma_start3A_145 = arith.constant 320 : i32
    %dma_start3A_146 = tpu.memref_slice %arg8[%dma_start3A_145] : memref<1536xi32, #tpu.memory_space<vmem>> -> memref<64xi32, #tpu.memory_space<vmem>>
    %dma_start3A_147 = arith.constant 0 : i32
    %dma_start3A_148 = tpu.memref_slice %arg3[%dma_start3A_147] : memref<16384xi32, #tpu.memory_space<hbm>> -> memref<16384xi32, #tpu.memory_space<hbm>>
    tpu.enqueue_indirect_dma source(%dma_start3A_148 : memref<16384xi32, #tpu.memory_space<hbm>>) target(%dma_start3A_144 : memref<64xi32, #tpu.memory_space<vmem>>) offsets(%dma_start3A_146 : memref<64xi32, #tpu.memory_space<vmem>>) semaphore(%arg22 : memref<!tpu.dma_semaphore, #tpu.memory_space<semaphore_mem>>)
    %dma_wait3A_149 = arith.constant 0 : i32
    %dma_wait3A_150 = tpu.memref_slice %arg6[%add3A_136, %dma_wait3A_149] : memref<49152x512xf32, #tpu.memory_space<hbm>> -> memref<64x512xf32, #tpu.memory_space<hbm>>
    %dma_wait3A_151 = arith.constant 0 : i32
    %dma_wait3A_152 = tpu.memref_slice %arg6[%add3A_136, %dma_wait3A_151] : memref<49152x512xf32, #tpu.memory_space<hbm>> -> memref<64x512xf32, #tpu.memory_space<hbm>>
    tpu.wait_dma2 semaphore(%arg18 : memref<!tpu.dma_semaphore, #tpu.memory_space<semaphore_mem>>) src(%arg12 : memref<64x512xf32, #tpu.memory_space<vmem>>) dst(%dma_wait3A_152 : memref<64x512xf32, #tpu.memory_space<hbm>>)
    %dma_wait3A_153 = arith.constant 4 : i32
    %dma_wait3A_154 = arith.constant 0 : i32
    %dma_wait3A_155 = tpu.memref_slice %arg9[%dma_wait3A_153, %dma_wait3A_154] : memref<24x64xi32, #tpu.memory_space<vmem>> -> memref<1x64xi32, #tpu.memory_space<vmem>>
    %dma_wait3A_156 = tpu.memref_squeeze %dma_wait3A_155 : memref<1x64xi32, #tpu.memory_space<vmem>> -> memref<64xi32, #tpu.memory_space<vmem>>
    %dma_wait3A_157 = arith.constant 256 : i32
    %dma_wait3A_158 = tpu.memref_slice %arg8[%dma_wait3A_157] : memref<1536xi32, #tpu.memory_space<vmem>> -> memref<64xi32, #tpu.memory_space<vmem>>
    %dma_wait3A_159 = arith.constant 0 : i32
    %dma_wait3A_160 = tpu.memref_slice %arg3[%dma_wait3A_159] : memref<16384xi32, #tpu.memory_space<hbm>> -> memref<16384xi32, #tpu.memory_space<hbm>>
    tpu.wait_indirect_dma semaphore(%arg21 : memref<!tpu.dma_semaphore, #tpu.memory_space<semaphore_mem>>) src(%dma_wait3A_160 : memref<16384xi32, #tpu.memory_space<hbm>>) dst(%dma_wait3A_156 : memref<64xi32, #tpu.memory_space<vmem>>)
    %dma_start3A_161 = arith.constant 4 : i32
    %dma_start3A_162 = arith.constant 0 : i32
    %dma_start3A_163 = tpu.memref_slice %arg9[%dma_start3A_161, %dma_start3A_162] : memref<24x64xi32, #tpu.memory_space<vmem>> -> memref<1x64xi32, #tpu.memory_space<vmem>>
    %dma_start3A_164 = tpu.memref_squeeze %dma_start3A_163 : memref<1x64xi32, #tpu.memory_space<vmem>> -> memref<64xi32, #tpu.memory_space<vmem>>
    %dma_start3A_165 = arith.constant 0 : i32
    %dma_start3A_166 = arith.constant 0 : i32
    %dma_start3A_167 = tpu.memref_slice %arg2[%dma_start3A_165, %dma_start3A_166] : memref<10000x512xf32, #tpu.memory_space<hbm>> -> memref<10000x512xf32, #tpu.memory_space<hbm>>
    tpu.enqueue_indirect_dma source(%dma_start3A_167 : memref<10000x512xf32, #tpu.memory_space<hbm>>) target(%arg12 : memref<64x512xf32, #tpu.memory_space<vmem>>) offsets(%dma_start3A_164 : memref<64xi32, #tpu.memory_space<vmem>>) semaphore(%arg15 : memref<!tpu.dma_semaphore, #tpu.memory_space<semaphore_mem>>)
    %dma_wait3A_168 = arith.constant 2 : i32
    %dma_wait3A_169 = arith.constant 0 : i32
    %dma_wait3A_170 = tpu.memref_slice %arg9[%dma_wait3A_168, %dma_wait3A_169] : memref<24x64xi32, #tpu.memory_space<vmem>> -> memref<1x64xi32, #tpu.memory_space<vmem>>
    %dma_wait3A_171 = tpu.memref_squeeze %dma_wait3A_170 : memref<1x64xi32, #tpu.memory_space<vmem>> -> memref<64xi32, #tpu.memory_space<vmem>>
    %dma_wait3A_172 = arith.constant 0 : i32
    %dma_wait3A_173 = arith.constant 0 : i32
    %dma_wait3A_174 = tpu.memref_slice %arg2[%dma_wait3A_172, %dma_wait3A_173] : memref<10000x512xf32, #tpu.memory_space<hbm>> -> memref<10000x512xf32, #tpu.memory_space<hbm>>
    tpu.wait_indirect_dma semaphore(%arg16 : memref<!tpu.dma_semaphore, #tpu.memory_space<semaphore_mem>>) src(%dma_wait3A_174 : memref<10000x512xf32, #tpu.memory_space<hbm>>) dst(%arg13 : memref<64x512xf32, #tpu.memory_space<vmem>>)
    %add3A_175 = arith.constant 128 : i32
    %add3A_176 = arith.addi %mul3A_2, %add3A_175 : i32
    %dma_start3A_177 = arith.constant 0 : i32
    %dma_start3A_178 = tpu.memref_slice %arg6[%add3A_176, %dma_start3A_177] : memref<49152x512xf32, #tpu.memory_space<hbm>> -> memref<64x512xf32, #tpu.memory_space<hbm>>
    %dma_start3A_179 = arith.constant 0 : i32
    %dma_start3A_180 = tpu.memref_slice %arg6[%add3A_176, %dma_start3A_179] : memref<49152x512xf32, #tpu.memory_space<hbm>> -> memref<64x512xf32, #tpu.memory_space<hbm>>
    tpu.enqueue_dma source(%arg13 : memref<64x512xf32, #tpu.memory_space<vmem>>) target(%dma_start3A_180 : memref<64x512xf32, #tpu.memory_space<hbm>>) target_semaphore(%arg19 : memref<!tpu.dma_semaphore, #tpu.memory_space<semaphore_mem>>)
    %dma_start3A_181 = arith.constant 6 : i32
    %dma_start3A_182 = arith.constant 0 : i32
    %dma_start3A_183 = tpu.memref_slice %arg9[%dma_start3A_181, %dma_start3A_182] : memref<24x64xi32, #tpu.memory_space<vmem>> -> memref<1x64xi32, #tpu.memory_space<vmem>>
    %dma_start3A_184 = tpu.memref_squeeze %dma_start3A_183 : memref<1x64xi32, #tpu.memory_space<vmem>> -> memref<64xi32, #tpu.memory_space<vmem>>
    %dma_start3A_185 = arith.constant 384 : i32
    %dma_start3A_186 = tpu.memref_slice %arg8[%dma_start3A_185] : memref<1536xi32, #tpu.memory_space<vmem>> -> memref<64xi32, #tpu.memory_space<vmem>>
    %dma_start3A_187 = arith.constant 0 : i32
    %dma_start3A_188 = tpu.memref_slice %arg3[%dma_start3A_187] : memref<16384xi32, #tpu.memory_space<hbm>> -> memref<16384xi32, #tpu.memory_space<hbm>>
    tpu.enqueue_indirect_dma source(%dma_start3A_188 : memref<16384xi32, #tpu.memory_space<hbm>>) target(%dma_start3A_184 : memref<64xi32, #tpu.memory_space<vmem>>) offsets(%dma_start3A_186 : memref<64xi32, #tpu.memory_space<vmem>>) semaphore(%arg20 : memref<!tpu.dma_semaphore, #tpu.memory_space<semaphore_mem>>)
    %dma_wait3A_189 = arith.constant 0 : i32
    %dma_wait3A_190 = tpu.memref_slice %arg6[%add3A_176, %dma_wait3A_189] : memref<49152x512xf32, #tpu.memory_space<hbm>> -> memref<64x512xf32, #tpu.memory_space<hbm>>
    %dma_wait3A_191 = arith.constant 0 : i32
    %dma_wait3A_192 = tpu.memref_slice %arg6[%add3A_176, %dma_wait3A_191] : memref<49152x512xf32, #tpu.memory_space<hbm>> -> memref<64x512xf32, #tpu.memory_space<hbm>>
    tpu.wait_dma2 semaphore(%arg19 : memref<!tpu.dma_semaphore, #tpu.memory_space<semaphore_mem>>) src(%arg13 : memref<64x512xf32, #tpu.memory_space<vmem>>) dst(%dma_wait3A_192 : memref<64x512xf32, #tpu.memory_space<hbm>>)
    %dma_wait3A_193 = arith.constant 5 : i32
    %dma_wait3A_194 = arith.constant 0 : i32
    %dma_wait3A_195 = tpu.memref_slice %arg9[%dma_wait3A_193, %dma_wait3A_194] : memref<24x64xi32, #tpu.memory_space<vmem>> -> memref<1x64xi32, #tpu.memory_space<vmem>>
    %dma_wait3A_196 = tpu.memref_squeeze %dma_wait3A_195 : memref<1x64xi32, #tpu.memory_space<vmem>> -> memref<64xi32, #tpu.memory_space<vmem>>
    %dma_wait3A_197 = arith.constant 320 : i32
    %dma_wait3A_198 = tpu.memref_slice %arg8[%dma_wait3A_197] : memref<1536xi32, #tpu.memory_space<vmem>> -> memref<64xi32, #tpu.memory_space<vmem>>
    %dma_wait3A_199 = arith.constant 0 : i32
    %dma_wait3A_200 = tpu.memref_slice %arg3[%dma_wait3A_199] : memref<16384xi32, #tpu.memory_space<hbm>> -> memref<16384xi32, #tpu.memory_space<hbm>>
    tpu.wait_indirect_dma semaphore(%arg22 : memref<!tpu.dma_semaphore, #tpu.memory_space<semaphore_mem>>) src(%dma_wait3A_200 : memref<16384xi32, #tpu.memory_space<hbm>>) dst(%dma_wait3A_196 : memref<64xi32, #tpu.memory_space<vmem>>)
    %dma_start3A_201 = arith.constant 5 : i32
    %dma_start3A_202 = arith.constant 0 : i32
    %dma_start3A_203 = tpu.memref_slice %arg9[%dma_start3A_201, %dma_start3A_202] : memref<24x64xi32, #tpu.memory_space<vmem>> -> memref<1x64xi32, #tpu.memory_space<vmem>>
    %dma_start3A_204 = tpu.memref_squeeze %dma_start3A_203 : memref<1x64xi32, #tpu.memory_space<vmem>> -> memref<64xi32, #tpu.memory_space<vmem>>
    %dma_start3A_205 = arith.constant 0 : i32
    %dma_start3A_206 = arith.constant 0 : i32
    %dma_start3A_207 = tpu.memref_slice %arg2[%dma_start3A_205, %dma_start3A_206] : memref<10000x512xf32, #tpu.memory_space<hbm>> -> memref<10000x512xf32, #tpu.memory_space<hbm>>
    tpu.enqueue_indirect_dma source(%dma_start3A_207 : memref<10000x512xf32, #tpu.memory_space<hbm>>) target(%arg13 : memref<64x512xf32, #tpu.memory_space<vmem>>) offsets(%dma_start3A_204 : memref<64xi32, #tpu.memory_space<vmem>>) semaphore(%arg16 : memref<!tpu.dma_semaphore, #tpu.memory_space<semaphore_mem>>)
    %dma_wait3A_208 = arith.constant 3 : i32
    %dma_wait3A_209 = arith.constant 0 : i32
    %dma_wait3A_210 = tpu.memref_slice %arg9[%dma_wait3A_208, %dma_wait3A_209] : memref<24x64xi32, #tpu.memory_space<vmem>> -> memref<1x64xi32, #tpu.memory_space<vmem>>
    %dma_wait3A_211 = tpu.memref_squeeze %dma_wait3A_210 : memref<1x64xi32, #tpu.memory_space<vmem>> -> memref<64xi32, #tpu.memory_space<vmem>>
    %dma_wait3A_212 = arith.constant 0 : i32
    %dma_wait3A_213 = arith.constant 0 : i32
    %dma_wait3A_214 = tpu.memref_slice %arg2[%dma_wait3A_212, %dma_wait3A_213] : memref<10000x512xf32, #tpu.memory_space<hbm>> -> memref<10000x512xf32, #tpu.memory_space<hbm>>
    tpu.wait_indirect_dma semaphore(%arg14 : memref<!tpu.dma_semaphore, #tpu.memory_space<semaphore_mem>>) src(%dma_wait3A_214 : memref<10000x512xf32, #tpu.memory_space<hbm>>) dst(%arg11 : memref<64x512xf32, #tpu.memory_space<vmem>>)
    %add3A_215 = arith.constant 192 : i32
    %add3A_216 = arith.addi %mul3A_2, %add3A_215 : i32
    %dma_start3A_217 = arith.constant 0 : i32
    %dma_start3A_218 = tpu.memref_slice %arg6[%add3A_216, %dma_start3A_217] : memref<49152x512xf32, #tpu.memory_space<hbm>> -> memref<64x512xf32, #tpu.memory_space<hbm>>
    %dma_start3A_219 = arith.constant 0 : i32
    %dma_start3A_220 = tpu.memref_slice %arg6[%add3A_216, %dma_start3A_219] : memref<49152x512xf32, #tpu.memory_space<hbm>> -> memref<64x512xf32, #tpu.memory_space<hbm>>
    tpu.enqueue_dma source(%arg11 : memref<64x512xf32, #tpu.memory_space<vmem>>) target(%dma_start3A_220 : memref<64x512xf32, #tpu.memory_space<hbm>>) target_semaphore(%arg17 : memref<!tpu.dma_semaphore, #tpu.memory_space<semaphore_mem>>)
    %dma_start3A_221 = arith.constant 7 : i32
    %dma_start3A_222 = arith.constant 0 : i32
    %dma_start3A_223 = tpu.memref_slice %arg9[%dma_start3A_221, %dma_start3A_222] : memref<24x64xi32, #tpu.memory_space<vmem>> -> memref<1x64xi32, #tpu.memory_space<vmem>>
    %dma_start3A_224 = tpu.memref_squeeze %dma_start3A_223 : memref<1x64xi32, #tpu.memory_space<vmem>> -> memref<64xi32, #tpu.memory_space<vmem>>
    %dma_start3A_225 = arith.constant 448 : i32
    %dma_start3A_226 = tpu.memref_slice %arg8[%dma_start3A_225] : memref<1536xi32, #tpu.memory_space<vmem>> -> memref<64xi32, #tpu.memory_space<vmem>>
    %dma_start3A_227 = arith.constant 0 : i32
    %dma_start3A_228 = tpu.memref_slice %arg3[%dma_start3A_227] : memref<16384xi32, #tpu.memory_space<hbm>> -> memref<16384xi32, #tpu.memory_space<hbm>>
    tpu.enqueue_indirect_dma source(%dma_start3A_228 : memref<16384xi32, #tpu.memory_space<hbm>>) target(%dma_start3A_224 : memref<64xi32, #tpu.memory_space<vmem>>) offsets(%dma_start3A_226 : memref<64xi32, #tpu.memory_space<vmem>>) semaphore(%arg21 : memref<!tpu.dma_semaphore, #tpu.memory_space<semaphore_mem>>)
    %dma_wait3A_229 = arith.constant 0 : i32
    %dma_wait3A_230 = tpu.memref_slice %arg6[%add3A_216, %dma_wait3A_229] : memref<49152x512xf32, #tpu.memory_space<hbm>> -> memref<64x512xf32, #tpu.memory_space<hbm>>
    %dma_wait3A_231 = arith.constant 0 : i32
    %dma_wait3A_232 = tpu.memref_slice %arg6[%add3A_216, %dma_wait3A_231] : memref<49152x512xf32, #tpu.memory_space<hbm>> -> memref<64x512xf32, #tpu.memory_space<hbm>>
    tpu.wait_dma2 semaphore(%arg17 : memref<!tpu.dma_semaphore, #tpu.memory_space<semaphore_mem>>) src(%arg11 : memref<64x512xf32, #tpu.memory_space<vmem>>) dst(%dma_wait3A_232 : memref<64x512xf32, #tpu.memory_space<hbm>>)
    %dma_wait3A_233 = arith.constant 6 : i32
    %dma_wait3A_234 = arith.constant 0 : i32
    %dma_wait3A_235 = tpu.memref_slice %arg9[%dma_wait3A_233, %dma_wait3A_234] : memref<24x64xi32, #tpu.memory_space<vmem>> -> memref<1x64xi32, #tpu.memory_space<vmem>>
    %dma_wait3A_236 = tpu.memref_squeeze %dma_wait3A_235 : memref<1x64xi32, #tpu.memory_space<vmem>> -> memref<64xi32, #tpu.memory_space<vmem>>
    %dma_wait3A_237 = arith.constant 384 : i32
    %dma_wait3A_238 = tpu.memref_slice %arg8[%dma_wait3A_237] : memref<1536xi32, #tpu.memory_space<vmem>> -> memref<64xi32, #tpu.memory_space<vmem>>
    %dma_wait3A_239 = arith.constant 0 : i32
    %dma_wait3A_240 = tpu.memref_slice %arg3[%dma_wait3A_239] : memref<16384xi32, #tpu.memory_space<hbm>> -> memref<16384xi32, #tpu.memory_space<hbm>>
    tpu.wait_indirect_dma semaphore(%arg20 : memref<!tpu.dma_semaphore, #tpu.memory_space<semaphore_mem>>) src(%dma_wait3A_240 : memref<16384xi32, #tpu.memory_space<hbm>>) dst(%dma_wait3A_236 : memref<64xi32, #tpu.memory_space<vmem>>)
    %dma_start3A_241 = arith.constant 6 : i32
    %dma_start3A_242 = arith.constant 0 : i32
    %dma_start3A_243 = tpu.memref_slice %arg9[%dma_start3A_241, %dma_start3A_242] : memref<24x64xi32, #tpu.memory_space<vmem>> -> memref<1x64xi32, #tpu.memory_space<vmem>>
    %dma_start3A_244 = tpu.memref_squeeze %dma_start3A_243 : memref<1x64xi32, #tpu.memory_space<vmem>> -> memref<64xi32, #tpu.memory_space<vmem>>
    %dma_start3A_245 = arith.constant 0 : i32
    %dma_start3A_246 = arith.constant 0 : i32
    %dma_start3A_247 = tpu.memref_slice %arg2[%dma_start3A_245, %dma_start3A_246] : memref<10000x512xf32, #tpu.memory_space<hbm>> -> memref<10000x512xf32, #tpu.memory_space<hbm>>
    tpu.enqueue_indirect_dma source(%dma_start3A_247 : memref<10000x512xf32, #tpu.memory_space<hbm>>) target(%arg11 : memref<64x512xf32, #tpu.memory_space<vmem>>) offsets(%dma_start3A_244 : memref<64xi32, #tpu.memory_space<vmem>>) semaphore(%arg14 : memref<!tpu.dma_semaphore, #tpu.memory_space<semaphore_mem>>)
    %dma_wait3A_248 = arith.constant 4 : i32
    %dma_wait3A_249 = arith.constant 0 : i32
    %dma_wait3A_250 = tpu.memref_slice %arg9[%dma_wait3A_248, %dma_wait3A_249] : memref<24x64xi32, #tpu.memory_space<vmem>> -> memref<1x64xi32, #tpu.memory_space<vmem>>
    %dma_wait3A_251 = tpu.memref_squeeze %dma_wait3A_250 : memref<1x64xi32, #tpu.memory_space<vmem>> -> memref<64xi32, #tpu.memory_space<vmem>>
    %dma_wait3A_252 = arith.constant 0 : i32
    %dma_wait3A_253 = arith.constant 0 : i32
    %dma_wait3A_254 = tpu.memref_slice %arg2[%dma_wait3A_252, %dma_wait3A_253] : memref<10000x512xf32, #tpu.memory_space<hbm>> -> memref<10000x512xf32, #tpu.memory_space<hbm>>
    tpu.wait_indirect_dma semaphore(%arg15 : memref<!tpu.dma_semaphore, #tpu.memory_space<semaphore_mem>>) src(%dma_wait3A_254 : memref<10000x512xf32, #tpu.memory_space<hbm>>) dst(%arg12 : memref<64x512xf32, #tpu.memory_space<vmem>>)
    %add3A_255 = arith.constant 256 : i32
    %add3A_256 = arith.addi %mul3A_2, %add3A_255 : i32
    %dma_start3A_257 = arith.constant 0 : i32
    %dma_start3A_258 = tpu.memref_slice %arg6[%add3A_256, %dma_start3A_257] : memref<49152x512xf32, #tpu.memory_space<hbm>> -> memref<64x512xf32, #tpu.memory_space<hbm>>
    %dma_start3A_259 = arith.constant 0 : i32
    %dma_start3A_260 = tpu.memref_slice %arg6[%add3A_256, %dma_start3A_259] : memref<49152x512xf32, #tpu.memory_space<hbm>> -> memref<64x512xf32, #tpu.memory_space<hbm>>
    tpu.enqueue_dma source(%arg12 : memref<64x512xf32, #tpu.memory_space<vmem>>) target(%dma_start3A_260 : memref<64x512xf32, #tpu.memory_space<hbm>>) target_semaphore(%arg18 : memref<!tpu.dma_semaphore, #tpu.memory_space<semaphore_mem>>)
    %dma_start3A_261 = arith.constant 8 : i32
    %dma_start3A_262 = arith.constant 0 : i32
    %dma_start3A_263 = tpu.memref_slice %arg9[%dma_start3A_261, %dma_start3A_262] : memref<24x64xi32, #tpu.memory_space<vmem>> -> memref<1x64xi32, #tpu.memory_space<vmem>>
    %dma_start3A_264 = tpu.memref_squeeze %dma_start3A_263 : memref<1x64xi32, #tpu.memory_space<vmem>> -> memref<64xi32, #tpu.memory_space<vmem>>
    %dma_start3A_265 = arith.constant 512 : i32
    %dma_start3A_266 = tpu.memref_slice %arg8[%dma_start3A_265] : memref<1536xi32, #tpu.memory_space<vmem>> -> memref<64xi32, #tpu.memory_space<vmem>>
    %dma_start3A_267 = arith.constant 0 : i32
    %dma_start3A_268 = tpu.memref_slice %arg3[%dma_start3A_267] : memref<16384xi32, #tpu.memory_space<hbm>> -> memref<16384xi32, #tpu.memory_space<hbm>>
    tpu.enqueue_indirect_dma source(%dma_start3A_268 : memref<16384xi32, #tpu.memory_space<hbm>>) target(%dma_start3A_264 : memref<64xi32, #tpu.memory_space<vmem>>) offsets(%dma_start3A_266 : memref<64xi32, #tpu.memory_space<vmem>>) semaphore(%arg22 : memref<!tpu.dma_semaphore, #tpu.memory_space<semaphore_mem>>)
    %dma_wait3A_269 = arith.constant 0 : i32
    %dma_wait3A_270 = tpu.memref_slice %arg6[%add3A_256, %dma_wait3A_269] : memref<49152x512xf32, #tpu.memory_space<hbm>> -> memref<64x512xf32, #tpu.memory_space<hbm>>
    %dma_wait3A_271 = arith.constant 0 : i32
    %dma_wait3A_272 = tpu.memref_slice %arg6[%add3A_256, %dma_wait3A_271] : memref<49152x512xf32, #tpu.memory_space<hbm>> -> memref<64x512xf32, #tpu.memory_space<hbm>>
    tpu.wait_dma2 semaphore(%arg18 : memref<!tpu.dma_semaphore, #tpu.memory_space<semaphore_mem>>) src(%arg12 : memref<64x512xf32, #tpu.memory_space<vmem>>) dst(%dma_wait3A_272 : memref<64x512xf32, #tpu.memory_space<hbm>>)
    %dma_wait3A_273 = arith.constant 7 : i32
    %dma_wait3A_274 = arith.constant 0 : i32
    %dma_wait3A_275 = tpu.memref_slice %arg9[%dma_wait3A_273, %dma_wait3A_274] : memref<24x64xi32, #tpu.memory_space<vmem>> -> memref<1x64xi32, #tpu.memory_space<vmem>>
    %dma_wait3A_276 = tpu.memref_squeeze %dma_wait3A_275 : memref<1x64xi32, #tpu.memory_space<vmem>> -> memref<64xi32, #tpu.memory_space<vmem>>
    %dma_wait3A_277 = arith.constant 448 : i32
    %dma_wait3A_278 = tpu.memref_slice %arg8[%dma_wait3A_277] : memref<1536xi32, #tpu.memory_space<vmem>> -> memref<64xi32, #tpu.memory_space<vmem>>
    %dma_wait3A_279 = arith.constant 0 : i32
    %dma_wait3A_280 = tpu.memref_slice %arg3[%dma_wait3A_279] : memref<16384xi32, #tpu.memory_space<hbm>> -> memref<16384xi32, #tpu.memory_space<hbm>>
    tpu.wait_indirect_dma semaphore(%arg21 : memref<!tpu.dma_semaphore, #tpu.memory_space<semaphore_mem>>) src(%dma_wait3A_280 : memref<16384xi32, #tpu.memory_space<hbm>>) dst(%dma_wait3A_276 : memref<64xi32, #tpu.memory_space<vmem>>)
    %dma_start3A_281 = arith.constant 7 : i32
    %dma_start3A_282 = arith.constant 0 : i32
    %dma_start3A_283 = tpu.memref_slice %arg9[%dma_start3A_281, %dma_start3A_282] : memref<24x64xi32, #tpu.memory_space<vmem>> -> memref<1x64xi32, #tpu.memory_space<vmem>>
    %dma_start3A_284 = tpu.memref_squeeze %dma_start3A_283 : memref<1x64xi32, #tpu.memory_space<vmem>> -> memref<64xi32, #tpu.memory_space<vmem>>
    %dma_start3A_285 = arith.constant 0 : i32
    %dma_start3A_286 = arith.constant 0 : i32
    %dma_start3A_287 = tpu.memref_slice %arg2[%dma_start3A_285, %dma_start3A_286] : memref<10000x512xf32, #tpu.memory_space<hbm>> -> memref<10000x512xf32, #tpu.memory_space<hbm>>
    tpu.enqueue_indirect_dma source(%dma_start3A_287 : memref<10000x512xf32, #tpu.memory_space<hbm>>) target(%arg12 : memref<64x512xf32, #tpu.memory_space<vmem>>) offsets(%dma_start3A_284 : memref<64xi32, #tpu.memory_space<vmem>>) semaphore(%arg15 : memref<!tpu.dma_semaphore, #tpu.memory_space<semaphore_mem>>)
    %dma_wait3A_288 = arith.constant 5 : i32
    %dma_wait3A_289 = arith.constant 0 : i32
    %dma_wait3A_290 = tpu.memref_slice %arg9[%dma_wait3A_288, %dma_wait3A_289] : memref<24x64xi32, #tpu.memory_space<vmem>> -> memref<1x64xi32, #tpu.memory_space<vmem>>
    %dma_wait3A_291 = tpu.memref_squeeze %dma_wait3A_290 : memref<1x64xi32, #tpu.memory_space<vmem>> -> memref<64xi32, #tpu.memory_space<vmem>>
    %dma_wait3A_292 = arith.constant 0 : i32
    %dma_wait3A_293 = arith.constant 0 : i32
    %dma_wait3A_294 = tpu.memref_slice %arg2[%dma_wait3A_292, %dma_wait3A_293] : memref<10000x512xf32, #tpu.memory_space<hbm>> -> memref<10000x512xf32, #tpu.memory_space<hbm>>
    tpu.wait_indirect_dma semaphore(%arg16 : memref<!tpu.dma_semaphore, #tpu.memory_space<semaphore_mem>>) src(%dma_wait3A_294 : memref<10000x512xf32, #tpu.memory_space<hbm>>) dst(%arg13 : memref<64x512xf32, #tpu.memory_space<vmem>>)
    %add3A_295 = arith.constant 320 : i32
    %add3A_296 = arith.addi %mul3A_2, %add3A_295 : i32
    %dma_start3A_297 = arith.constant 0 : i32
    %dma_start3A_298 = tpu.memref_slice %arg6[%add3A_296, %dma_start3A_297] : memref<49152x512xf32, #tpu.memory_space<hbm>> -> memref<64x512xf32, #tpu.memory_space<hbm>>
    %dma_start3A_299 = arith.constant 0 : i32
    %dma_start3A_300 = tpu.memref_slice %arg6[%add3A_296, %dma_start3A_299] : memref<49152x512xf32, #tpu.memory_space<hbm>> -> memref<64x512xf32, #tpu.memory_space<hbm>>
    tpu.enqueue_dma source(%arg13 : memref<64x512xf32, #tpu.memory_space<vmem>>) target(%dma_start3A_300 : memref<64x512xf32, #tpu.memory_space<hbm>>) target_semaphore(%arg19 : memref<!tpu.dma_semaphore, #tpu.memory_space<semaphore_mem>>)
    %dma_start3A_301 = arith.constant 9 : i32
    %dma_start3A_302 = arith.constant 0 : i32
    %dma_start3A_303 = tpu.memref_slice %arg9[%dma_start3A_301, %dma_start3A_302] : memref<24x64xi32, #tpu.memory_space<vmem>> -> memref<1x64xi32, #tpu.memory_space<vmem>>
    %dma_start3A_304 = tpu.memref_squeeze %dma_start3A_303 : memref<1x64xi32, #tpu.memory_space<vmem>> -> memref<64xi32, #tpu.memory_space<vmem>>
    %dma_start3A_305 = arith.constant 576 : i32
    %dma_start3A_306 = tpu.memref_slice %arg8[%dma_start3A_305] : memref<1536xi32, #tpu.memory_space<vmem>> -> memref<64xi32, #tpu.memory_space<vmem>>
    %dma_start3A_307 = arith.constant 0 : i32
    %dma_start3A_308 = tpu.memref_slice %arg3[%dma_start3A_307] : memref<16384xi32, #tpu.memory_space<hbm>> -> memref<16384xi32, #tpu.memory_space<hbm>>
    tpu.enqueue_indirect_dma source(%dma_start3A_308 : memref<16384xi32, #tpu.memory_space<hbm>>) target(%dma_start3A_304 : memref<64xi32, #tpu.memory_space<vmem>>) offsets(%dma_start3A_306 : memref<64xi32, #tpu.memory_space<vmem>>) semaphore(%arg20 : memref<!tpu.dma_semaphore, #tpu.memory_space<semaphore_mem>>)
    %dma_wait3A_309 = arith.constant 0 : i32
    %dma_wait3A_310 = tpu.memref_slice %arg6[%add3A_296, %dma_wait3A_309] : memref<49152x512xf32, #tpu.memory_space<hbm>> -> memref<64x512xf32, #tpu.memory_space<hbm>>
    %dma_wait3A_311 = arith.constant 0 : i32
    %dma_wait3A_312 = tpu.memref_slice %arg6[%add3A_296, %dma_wait3A_311] : memref<49152x512xf32, #tpu.memory_space<hbm>> -> memref<64x512xf32, #tpu.memory_space<hbm>>
    tpu.wait_dma2 semaphore(%arg19 : memref<!tpu.dma_semaphore, #tpu.memory_space<semaphore_mem>>) src(%arg13 : memref<64x512xf32, #tpu.memory_space<vmem>>) dst(%dma_wait3A_312 : memref<64x512xf32, #tpu.memory_space<hbm>>)
    %dma_wait3A_313 = arith.constant 8 : i32
    %dma_wait3A_314 = arith.constant 0 : i32
    %dma_wait3A_315 = tpu.memref_slice %arg9[%dma_wait3A_313, %dma_wait3A_314] : memref<24x64xi32, #tpu.memory_space<vmem>> -> memref<1x64xi32, #tpu.memory_space<vmem>>
    %dma_wait3A_316 = tpu.memref_squeeze %dma_wait3A_315 : memref<1x64xi32, #tpu.memory_space<vmem>> -> memref<64xi32, #tpu.memory_space<vmem>>
    %dma_wait3A_317 = arith.constant 512 : i32
    %dma_wait3A_318 = tpu.memref_slice %arg8[%dma_wait3A_317] : memref<1536xi32, #tpu.memory_space<vmem>> -> memref<64xi32, #tpu.memory_space<vmem>>
    %dma_wait3A_319 = arith.constant 0 : i32
    %dma_wait3A_320 = tpu.memref_slice %arg3[%dma_wait3A_319] : memref<16384xi32, #tpu.memory_space<hbm>> -> memref<16384xi32, #tpu.memory_space<hbm>>
    tpu.wait_indirect_dma semaphore(%arg22 : memref<!tpu.dma_semaphore, #tpu.memory_space<semaphore_mem>>) src(%dma_wait3A_320 : memref<16384xi32, #tpu.memory_space<hbm>>) dst(%dma_wait3A_316 : memref<64xi32, #tpu.memory_space<vmem>>)
    %dma_start3A_321 = arith.constant 8 : i32
    %dma_start3A_322 = arith.constant 0 : i32
    %dma_start3A_323 = tpu.memref_slice %arg9[%dma_start3A_321, %dma_start3A_322] : memref<24x64xi32, #tpu.memory_space<vmem>> -> memref<1x64xi32, #tpu.memory_space<vmem>>
    %dma_start3A_324 = tpu.memref_squeeze %dma_start3A_323 : memref<1x64xi32, #tpu.memory_space<vmem>> -> memref<64xi32, #tpu.memory_space<vmem>>
    %dma_start3A_325 = arith.constant 0 : i32
    %dma_start3A_326 = arith.constant 0 : i32
    %dma_start3A_327 = tpu.memref_slice %arg2[%dma_start3A_325, %dma_start3A_326] : memref<10000x512xf32, #tpu.memory_space<hbm>> -> memref<10000x512xf32, #tpu.memory_space<hbm>>
    tpu.enqueue_indirect_dma source(%dma_start3A_327 : memref<10000x512xf32, #tpu.memory_space<hbm>>) target(%arg13 : memref<64x512xf32, #tpu.memory_space<vmem>>) offsets(%dma_start3A_324 : memref<64xi32, #tpu.memory_space<vmem>>) semaphore(%arg16 : memref<!tpu.dma_semaphore, #tpu.memory_space<semaphore_mem>>)
    %dma_wait3A_328 = arith.constant 6 : i32
    %dma_wait3A_329 = arith.constant 0 : i32
    %dma_wait3A_330 = tpu.memref_slice %arg9[%dma_wait3A_328, %dma_wait3A_329] : memref<24x64xi32, #tpu.memory_space<vmem>> -> memref<1x64xi32, #tpu.memory_space<vmem>>
    %dma_wait3A_331 = tpu.memref_squeeze %dma_wait3A_330 : memref<1x64xi32, #tpu.memory_space<vmem>> -> memref<64xi32, #tpu.memory_space<vmem>>
    %dma_wait3A_332 = arith.constant 0 : i32
    %dma_wait3A_333 = arith.constant 0 : i32
    %dma_wait3A_334 = tpu.memref_slice %arg2[%dma_wait3A_332, %dma_wait3A_333] : memref<10000x512xf32, #tpu.memory_space<hbm>> -> memref<10000x512xf32, #tpu.memory_space<hbm>>
    tpu.wait_indirect_dma semaphore(%arg14 : memref<!tpu.dma_semaphore, #tpu.memory_space<semaphore_mem>>) src(%dma_wait3A_334 : memref<10000x512xf32, #tpu.memory_space<hbm>>) dst(%arg11 : memref<64x512xf32, #tpu.memory_space<vmem>>)
    %add3A_335 = arith.constant 384 : i32
    %add3A_336 = arith.addi %mul3A_2, %add3A_335 : i32
    %dma_start3A_337 = arith.constant 0 : i32
    %dma_start3A_338 = tpu.memref_slice %arg6[%add3A_336, %dma_start3A_337] : memref<49152x512xf32, #tpu.memory_space<hbm>> -> memref<64x512xf32, #tpu.memory_space<hbm>>
    %dma_start3A_339 = arith.constant 0 : i32
    %dma_start3A_340 = tpu.memref_slice %arg6[%add3A_336, %dma_start3A_339] : memref<49152x512xf32, #tpu.memory_space<hbm>> -> memref<64x512xf32, #tpu.memory_space<hbm>>
    tpu.enqueue_dma source(%arg11 : memref<64x512xf32, #tpu.memory_space<vmem>>) target(%dma_start3A_340 : memref<64x512xf32, #tpu.memory_space<hbm>>) target_semaphore(%arg17 : memref<!tpu.dma_semaphore, #tpu.memory_space<semaphore_mem>>)
    %dma_start3A_341 = arith.constant 10 : i32
    %dma_start3A_342 = arith.constant 0 : i32
    %dma_start3A_343 = tpu.memref_slice %arg9[%dma_start3A_341, %dma_start3A_342] : memref<24x64xi32, #tpu.memory_space<vmem>> -> memref<1x64xi32, #tpu.memory_space<vmem>>
    %dma_start3A_344 = tpu.memref_squeeze %dma_start3A_343 : memref<1x64xi32, #tpu.memory_space<vmem>> -> memref<64xi32, #tpu.memory_space<vmem>>
    %dma_start3A_345 = arith.constant 640 : i32
    %dma_start3A_346 = tpu.memref_slice %arg8[%dma_start3A_345] : memref<1536xi32, #tpu.memory_space<vmem>> -> memref<64xi32, #tpu.memory_space<vmem>>
    %dma_start3A_347 = arith.constant 0 : i32
    %dma_start3A_348 = tpu.memref_slice %arg3[%dma_start3A_347] : memref<16384xi32, #tpu.memory_space<hbm>> -> memref<16384xi32, #tpu.memory_space<hbm>>
    tpu.enqueue_indirect_dma source(%dma_start3A_348 : memref<16384xi32, #tpu.memory_space<hbm>>) target(%dma_start3A_344 : memref<64xi32, #tpu.memory_space<vmem>>) offsets(%dma_start3A_346 : memref<64xi32, #tpu.memory_space<vmem>>) semaphore(%arg21 : memref<!tpu.dma_semaphore, #tpu.memory_space<semaphore_mem>>)
    %dma_wait3A_349 = arith.constant 0 : i32
    %dma_wait3A_350 = tpu.memref_slice %arg6[%add3A_336, %dma_wait3A_349] : memref<49152x512xf32, #tpu.memory_space<hbm>> -> memref<64x512xf32, #tpu.memory_space<hbm>>
    %dma_wait3A_351 = arith.constant 0 : i32
    %dma_wait3A_352 = tpu.memref_slice %arg6[%add3A_336, %dma_wait3A_351] : memref<49152x512xf32, #tpu.memory_space<hbm>> -> memref<64x512xf32, #tpu.memory_space<hbm>>
    tpu.wait_dma2 semaphore(%arg17 : memref<!tpu.dma_semaphore, #tpu.memory_space<semaphore_mem>>) src(%arg11 : memref<64x512xf32, #tpu.memory_space<vmem>>) dst(%dma_wait3A_352 : memref<64x512xf32, #tpu.memory_space<hbm>>)
    %dma_wait3A_353 = arith.constant 9 : i32
    %dma_wait3A_354 = arith.constant 0 : i32
    %dma_wait3A_355 = tpu.memref_slice %arg9[%dma_wait3A_353, %dma_wait3A_354] : memref<24x64xi32, #tpu.memory_space<vmem>> -> memref<1x64xi32, #tpu.memory_space<vmem>>
    %dma_wait3A_356 = tpu.memref_squeeze %dma_wait3A_355 : memref<1x64xi32, #tpu.memory_space<vmem>> -> memref<64xi32, #tpu.memory_space<vmem>>
    %dma_wait3A_357 = arith.constant 576 : i32
    %dma_wait3A_358 = tpu.memref_slice %arg8[%dma_wait3A_357] : memref<1536xi32, #tpu.memory_space<vmem>> -> memref<64xi32, #tpu.memory_space<vmem>>
    %dma_wait3A_359 = arith.constant 0 : i32
    %dma_wait3A_360 = tpu.memref_slice %arg3[%dma_wait3A_359] : memref<16384xi32, #tpu.memory_space<hbm>> -> memref<16384xi32, #tpu.memory_space<hbm>>
    tpu.wait_indirect_dma semaphore(%arg20 : memref<!tpu.dma_semaphore, #tpu.memory_space<semaphore_mem>>) src(%dma_wait3A_360 : memref<16384xi32, #tpu.memory_space<hbm>>) dst(%dma_wait3A_356 : memref<64xi32, #tpu.memory_space<vmem>>)
    %dma_start3A_361 = arith.constant 9 : i32
    %dma_start3A_362 = arith.constant 0 : i32
    %dma_start3A_363 = tpu.memref_slice %arg9[%dma_start3A_361, %dma_start3A_362] : memref<24x64xi32, #tpu.memory_space<vmem>> -> memref<1x64xi32, #tpu.memory_space<vmem>>
    %dma_start3A_364 = tpu.memref_squeeze %dma_start3A_363 : memref<1x64xi32, #tpu.memory_space<vmem>> -> memref<64xi32, #tpu.memory_space<vmem>>
    %dma_start3A_365 = arith.constant 0 : i32
    %dma_start3A_366 = arith.constant 0 : i32
    %dma_start3A_367 = tpu.memref_slice %arg2[%dma_start3A_365, %dma_start3A_366] : memref<10000x512xf32, #tpu.memory_space<hbm>> -> memref<10000x512xf32, #tpu.memory_space<hbm>>
    tpu.enqueue_indirect_dma source(%dma_start3A_367 : memref<10000x512xf32, #tpu.memory_space<hbm>>) target(%arg11 : memref<64x512xf32, #tpu.memory_space<vmem>>) offsets(%dma_start3A_364 : memref<64xi32, #tpu.memory_space<vmem>>) semaphore(%arg14 : memref<!tpu.dma_semaphore, #tpu.memory_space<semaphore_mem>>)
    %dma_wait3A_368 = arith.constant 7 : i32
    %dma_wait3A_369 = arith.constant 0 : i32
    %dma_wait3A_370 = tpu.memref_slice %arg9[%dma_wait3A_368, %dma_wait3A_369] : memref<24x64xi32, #tpu.memory_space<vmem>> -> memref<1x64xi32, #tpu.memory_space<vmem>>
    %dma_wait3A_371 = tpu.memref_squeeze %dma_wait3A_370 : memref<1x64xi32, #tpu.memory_space<vmem>> -> memref<64xi32, #tpu.memory_space<vmem>>
    %dma_wait3A_372 = arith.constant 0 : i32
    %dma_wait3A_373 = arith.constant 0 : i32
    %dma_wait3A_374 = tpu.memref_slice %arg2[%dma_wait3A_372, %dma_wait3A_373] : memref<10000x512xf32, #tpu.memory_space<hbm>> -> memref<10000x512xf32, #tpu.memory_space<hbm>>
    tpu.wait_indirect_dma semaphore(%arg15 : memref<!tpu.dma_semaphore, #tpu.memory_space<semaphore_mem>>) src(%dma_wait3A_374 : memref<10000x512xf32, #tpu.memory_space<hbm>>) dst(%arg12 : memref<64x512xf32, #tpu.memory_space<vmem>>)
    %add3A_375 = arith.constant 448 : i32
    %add3A_376 = arith.addi %mul3A_2, %add3A_375 : i32
    %dma_start3A_377 = arith.constant 0 : i32
    %dma_start3A_378 = tpu.memref_slice %arg6[%add3A_376, %dma_start3A_377] : memref<49152x512xf32, #tpu.memory_space<hbm>> -> memref<64x512xf32, #tpu.memory_space<hbm>>
    %dma_start3A_379 = arith.constant 0 : i32
    %dma_start3A_380 = tpu.memref_slice %arg6[%add3A_376, %dma_start3A_379] : memref<49152x512xf32, #tpu.memory_space<hbm>> -> memref<64x512xf32, #tpu.memory_space<hbm>>
    tpu.enqueue_dma source(%arg12 : memref<64x512xf32, #tpu.memory_space<vmem>>) target(%dma_start3A_380 : memref<64x512xf32, #tpu.memory_space<hbm>>) target_semaphore(%arg18 : memref<!tpu.dma_semaphore, #tpu.memory_space<semaphore_mem>>)
    %dma_start3A_381 = arith.constant 11 : i32
    %dma_start3A_382 = arith.constant 0 : i32
    %dma_start3A_383 = tpu.memref_slice %arg9[%dma_start3A_381, %dma_start3A_382] : memref<24x64xi32, #tpu.memory_space<vmem>> -> memref<1x64xi32, #tpu.memory_space<vmem>>
    %dma_start3A_384 = tpu.memref_squeeze %dma_start3A_383 : memref<1x64xi32, #tpu.memory_space<vmem>> -> memref<64xi32, #tpu.memory_space<vmem>>
    %dma_start3A_385 = arith.constant 704 : i32
    %dma_start3A_386 = tpu.memref_slice %arg8[%dma_start3A_385] : memref<1536xi32, #tpu.memory_space<vmem>> -> memref<64xi32, #tpu.memory_space<vmem>>
    %dma_start3A_387 = arith.constant 0 : i32
    %dma_start3A_388 = tpu.memref_slice %arg3[%dma_start3A_387] : memref<16384xi32, #tpu.memory_space<hbm>> -> memref<16384xi32, #tpu.memory_space<hbm>>
    tpu.enqueue_indirect_dma source(%dma_start3A_388 : memref<16384xi32, #tpu.memory_space<hbm>>) target(%dma_start3A_384 : memref<64xi32, #tpu.memory_space<vmem>>) offsets(%dma_start3A_386 : memref<64xi32, #tpu.memory_space<vmem>>) semaphore(%arg22 : memref<!tpu.dma_semaphore, #tpu.memory_space<semaphore_mem>>)
    %dma_wait3A_389 = arith.constant 0 : i32
    %dma_wait3A_390 = tpu.memref_slice %arg6[%add3A_376, %dma_wait3A_389] : memref<49152x512xf32, #tpu.memory_space<hbm>> -> memref<64x512xf32, #tpu.memory_space<hbm>>
    %dma_wait3A_391 = arith.constant 0 : i32
    %dma_wait3A_392 = tpu.memref_slice %arg6[%add3A_376, %dma_wait3A_391] : memref<49152x512xf32, #tpu.memory_space<hbm>> -> memref<64x512xf32, #tpu.memory_space<hbm>>
    tpu.wait_dma2 semaphore(%arg18 : memref<!tpu.dma_semaphore, #tpu.memory_space<semaphore_mem>>) src(%arg12 : memref<64x512xf32, #tpu.memory_space<vmem>>) dst(%dma_wait3A_392 : memref<64x512xf32, #tpu.memory_space<hbm>>)
    %dma_wait3A_393 = arith.constant 10 : i32
    %dma_wait3A_394 = arith.constant 0 : i32
    %dma_wait3A_395 = tpu.memref_slice %arg9[%dma_wait3A_393, %dma_wait3A_394] : memref<24x64xi32, #tpu.memory_space<vmem>> -> memref<1x64xi32, #tpu.memory_space<vmem>>
    %dma_wait3A_396 = tpu.memref_squeeze %dma_wait3A_395 : memref<1x64xi32, #tpu.memory_space<vmem>> -> memref<64xi32, #tpu.memory_space<vmem>>
    %dma_wait3A_397 = arith.constant 640 : i32
    %dma_wait3A_398 = tpu.memref_slice %arg8[%dma_wait3A_397] : memref<1536xi32, #tpu.memory_space<vmem>> -> memref<64xi32, #tpu.memory_space<vmem>>
    %dma_wait3A_399 = arith.constant 0 : i32
    %dma_wait3A_400 = tpu.memref_slice %arg3[%dma_wait3A_399] : memref<16384xi32, #tpu.memory_space<hbm>> -> memref<16384xi32, #tpu.memory_space<hbm>>
    tpu.wait_indirect_dma semaphore(%arg21 : memref<!tpu.dma_semaphore, #tpu.memory_space<semaphore_mem>>) src(%dma_wait3A_400 : memref<16384xi32, #tpu.memory_space<hbm>>) dst(%dma_wait3A_396 : memref<64xi32, #tpu.memory_space<vmem>>)
    %dma_start3A_401 = arith.constant 10 : i32
    %dma_start3A_402 = arith.constant 0 : i32
    %dma_start3A_403 = tpu.memref_slice %arg9[%dma_start3A_401, %dma_start3A_402] : memref<24x64xi32, #tpu.memory_space<vmem>> -> memref<1x64xi32, #tpu.memory_space<vmem>>
    %dma_start3A_404 = tpu.memref_squeeze %dma_start3A_403 : memref<1x64xi32, #tpu.memory_space<vmem>> -> memref<64xi32, #tpu.memory_space<vmem>>
    %dma_start3A_405 = arith.constant 0 : i32
    %dma_start3A_406 = arith.constant 0 : i32
    %dma_start3A_407 = tpu.memref_slice %arg2[%dma_start3A_405, %dma_start3A_406] : memref<10000x512xf32, #tpu.memory_space<hbm>> -> memref<10000x512xf32, #tpu.memory_space<hbm>>
    tpu.enqueue_indirect_dma source(%dma_start3A_407 : memref<10000x512xf32, #tpu.memory_space<hbm>>) target(%arg12 : memref<64x512xf32, #tpu.memory_space<vmem>>) offsets(%dma_start3A_404 : memref<64xi32, #tpu.memory_space<vmem>>) semaphore(%arg15 : memref<!tpu.dma_semaphore, #tpu.memory_space<semaphore_mem>>)
    %dma_wait3A_408 = arith.constant 8 : i32
    %dma_wait3A_409 = arith.constant 0 : i32
    %dma_wait3A_410 = tpu.memref_slice %arg9[%dma_wait3A_408, %dma_wait3A_409] : memref<24x64xi32, #tpu.memory_space<vmem>> -> memref<1x64xi32, #tpu.memory_space<vmem>>
    %dma_wait3A_411 = tpu.memref_squeeze %dma_wait3A_410 : memref<1x64xi32, #tpu.memory_space<vmem>> -> memref<64xi32, #tpu.memory_space<vmem>>
    %dma_wait3A_412 = arith.constant 0 : i32
    %dma_wait3A_413 = arith.constant 0 : i32
    %dma_wait3A_414 = tpu.memref_slice %arg2[%dma_wait3A_412, %dma_wait3A_413] : memref<10000x512xf32, #tpu.memory_space<hbm>> -> memref<10000x512xf32, #tpu.memory_space<hbm>>
    tpu.wait_indirect_dma semaphore(%arg16 : memref<!tpu.dma_semaphore, #tpu.memory_space<semaphore_mem>>) src(%dma_wait3A_414 : memref<10000x512xf32, #tpu.memory_space<hbm>>) dst(%arg13 : memref<64x512xf32, #tpu.memory_space<vmem>>)
    %add3A_415 = arith.constant 512 : i32
    %add3A_416 = arith.addi %mul3A_2, %add3A_415 : i32
    %dma_start3A_417 = arith.constant 0 : i32
    %dma_start3A_418 = tpu.memref_slice %arg6[%add3A_416, %dma_start3A_417] : memref<49152x512xf32, #tpu.memory_space<hbm>> -> memref<64x512xf32, #tpu.memory_space<hbm>>
    %dma_start3A_419 = arith.constant 0 : i32
    %dma_start3A_420 = tpu.memref_slice %arg6[%add3A_416, %dma_start3A_419] : memref<49152x512xf32, #tpu.memory_space<hbm>> -> memref<64x512xf32, #tpu.memory_space<hbm>>
    tpu.enqueue_dma source(%arg13 : memref<64x512xf32, #tpu.memory_space<vmem>>) target(%dma_start3A_420 : memref<64x512xf32, #tpu.memory_space<hbm>>) target_semaphore(%arg19 : memref<!tpu.dma_semaphore, #tpu.memory_space<semaphore_mem>>)
    %dma_start3A_421 = arith.constant 12 : i32
    %dma_start3A_422 = arith.constant 0 : i32
    %dma_start3A_423 = tpu.memref_slice %arg9[%dma_start3A_421, %dma_start3A_422] : memref<24x64xi32, #tpu.memory_space<vmem>> -> memref<1x64xi32, #tpu.memory_space<vmem>>
    %dma_start3A_424 = tpu.memref_squeeze %dma_start3A_423 : memref<1x64xi32, #tpu.memory_space<vmem>> -> memref<64xi32, #tpu.memory_space<vmem>>
    %dma_start3A_425 = arith.constant 768 : i32
    %dma_start3A_426 = tpu.memref_slice %arg8[%dma_start3A_425] : memref<1536xi32, #tpu.memory_space<vmem>> -> memref<64xi32, #tpu.memory_space<vmem>>
    %dma_start3A_427 = arith.constant 0 : i32
    %dma_start3A_428 = tpu.memref_slice %arg3[%dma_start3A_427] : memref<16384xi32, #tpu.memory_space<hbm>> -> memref<16384xi32, #tpu.memory_space<hbm>>
    tpu.enqueue_indirect_dma source(%dma_start3A_428 : memref<16384xi32, #tpu.memory_space<hbm>>) target(%dma_start3A_424 : memref<64xi32, #tpu.memory_space<vmem>>) offsets(%dma_start3A_426 : memref<64xi32, #tpu.memory_space<vmem>>) semaphore(%arg20 : memref<!tpu.dma_semaphore, #tpu.memory_space<semaphore_mem>>)
    %dma_wait3A_429 = arith.constant 0 : i32
    %dma_wait3A_430 = tpu.memref_slice %arg6[%add3A_416, %dma_wait3A_429] : memref<49152x512xf32, #tpu.memory_space<hbm>> -> memref<64x512xf32, #tpu.memory_space<hbm>>
    %dma_wait3A_431 = arith.constant 0 : i32
    %dma_wait3A_432 = tpu.memref_slice %arg6[%add3A_416, %dma_wait3A_431] : memref<49152x512xf32, #tpu.memory_space<hbm>> -> memref<64x512xf32, #tpu.memory_space<hbm>>
    tpu.wait_dma2 semaphore(%arg19 : memref<!tpu.dma_semaphore, #tpu.memory_space<semaphore_mem>>) src(%arg13 : memref<64x512xf32, #tpu.memory_space<vmem>>) dst(%dma_wait3A_432 : memref<64x512xf32, #tpu.memory_space<hbm>>)
    %dma_wait3A_433 = arith.constant 11 : i32
    %dma_wait3A_434 = arith.constant 0 : i32
    %dma_wait3A_435 = tpu.memref_slice %arg9[%dma_wait3A_433, %dma_wait3A_434] : memref<24x64xi32, #tpu.memory_space<vmem>> -> memref<1x64xi32, #tpu.memory_space<vmem>>
    %dma_wait3A_436 = tpu.memref_squeeze %dma_wait3A_435 : memref<1x64xi32, #tpu.memory_space<vmem>> -> memref<64xi32, #tpu.memory_space<vmem>>
    %dma_wait3A_437 = arith.constant 704 : i32
    %dma_wait3A_438 = tpu.memref_slice %arg8[%dma_wait3A_437] : memref<1536xi32, #tpu.memory_space<vmem>> -> memref<64xi32, #tpu.memory_space<vmem>>
    %dma_wait3A_439 = arith.constant 0 : i32
    %dma_wait3A_440 = tpu.memref_slice %arg3[%dma_wait3A_439] : memref<16384xi32, #tpu.memory_space<hbm>> -> memref<16384xi32, #tpu.memory_space<hbm>>
    tpu.wait_indirect_dma semaphore(%arg22 : memref<!tpu.dma_semaphore, #tpu.memory_space<semaphore_mem>>) src(%dma_wait3A_440 : memref<16384xi32, #tpu.memory_space<hbm>>) dst(%dma_wait3A_436 : memref<64xi32, #tpu.memory_space<vmem>>)
    %dma_start3A_441 = arith.constant 11 : i32
    %dma_start3A_442 = arith.constant 0 : i32
    %dma_start3A_443 = tpu.memref_slice %arg9[%dma_start3A_441, %dma_start3A_442] : memref<24x64xi32, #tpu.memory_space<vmem>> -> memref<1x64xi32, #tpu.memory_space<vmem>>
    %dma_start3A_444 = tpu.memref_squeeze %dma_start3A_443 : memref<1x64xi32, #tpu.memory_space<vmem>> -> memref<64xi32, #tpu.memory_space<vmem>>
    %dma_start3A_445 = arith.constant 0 : i32
    %dma_start3A_446 = arith.constant 0 : i32
    %dma_start3A_447 = tpu.memref_slice %arg2[%dma_start3A_445, %dma_start3A_446] : memref<10000x512xf32, #tpu.memory_space<hbm>> -> memref<10000x512xf32, #tpu.memory_space<hbm>>
    tpu.enqueue_indirect_dma source(%dma_start3A_447 : memref<10000x512xf32, #tpu.memory_space<hbm>>) target(%arg13 : memref<64x512xf32, #tpu.memory_space<vmem>>) offsets(%dma_start3A_444 : memref<64xi32, #tpu.memory_space<vmem>>) semaphore(%arg16 : memref<!tpu.dma_semaphore, #tpu.memory_space<semaphore_mem>>)
    %dma_wait3A_448 = arith.constant 9 : i32
    %dma_wait3A_449 = arith.constant 0 : i32
    %dma_wait3A_450 = tpu.memref_slice %arg9[%dma_wait3A_448, %dma_wait3A_449] : memref<24x64xi32, #tpu.memory_space<vmem>> -> memref<1x64xi32, #tpu.memory_space<vmem>>
    %dma_wait3A_451 = tpu.memref_squeeze %dma_wait3A_450 : memref<1x64xi32, #tpu.memory_space<vmem>> -> memref<64xi32, #tpu.memory_space<vmem>>
    %dma_wait3A_452 = arith.constant 0 : i32
    %dma_wait3A_453 = arith.constant 0 : i32
    %dma_wait3A_454 = tpu.memref_slice %arg2[%dma_wait3A_452, %dma_wait3A_453] : memref<10000x512xf32, #tpu.memory_space<hbm>> -> memref<10000x512xf32, #tpu.memory_space<hbm>>
    tpu.wait_indirect_dma semaphore(%arg14 : memref<!tpu.dma_semaphore, #tpu.memory_space<semaphore_mem>>) src(%dma_wait3A_454 : memref<10000x512xf32, #tpu.memory_space<hbm>>) dst(%arg11 : memref<64x512xf32, #tpu.memory_space<vmem>>)
    %add3A_455 = arith.constant 576 : i32
    %add3A_456 = arith.addi %mul3A_2, %add3A_455 : i32
    %dma_start3A_457 = arith.constant 0 : i32
    %dma_start3A_458 = tpu.memref_slice %arg6[%add3A_456, %dma_start3A_457] : memref<49152x512xf32, #tpu.memory_space<hbm>> -> memref<64x512xf32, #tpu.memory_space<hbm>>
    %dma_start3A_459 = arith.constant 0 : i32
    %dma_start3A_460 = tpu.memref_slice %arg6[%add3A_456, %dma_start3A_459] : memref<49152x512xf32, #tpu.memory_space<hbm>> -> memref<64x512xf32, #tpu.memory_space<hbm>>
    tpu.enqueue_dma source(%arg11 : memref<64x512xf32, #tpu.memory_space<vmem>>) target(%dma_start3A_460 : memref<64x512xf32, #tpu.memory_space<hbm>>) target_semaphore(%arg17 : memref<!tpu.dma_semaphore, #tpu.memory_space<semaphore_mem>>)
    %dma_start3A_461 = arith.constant 13 : i32
    %dma_start3A_462 = arith.constant 0 : i32
    %dma_start3A_463 = tpu.memref_slice %arg9[%dma_start3A_461, %dma_start3A_462] : memref<24x64xi32, #tpu.memory_space<vmem>> -> memref<1x64xi32, #tpu.memory_space<vmem>>
    %dma_start3A_464 = tpu.memref_squeeze %dma_start3A_463 : memref<1x64xi32, #tpu.memory_space<vmem>> -> memref<64xi32, #tpu.memory_space<vmem>>
    %dma_start3A_465 = arith.constant 832 : i32
    %dma_start3A_466 = tpu.memref_slice %arg8[%dma_start3A_465] : memref<1536xi32, #tpu.memory_space<vmem>> -> memref<64xi32, #tpu.memory_space<vmem>>
    %dma_start3A_467 = arith.constant 0 : i32
    %dma_start3A_468 = tpu.memref_slice %arg3[%dma_start3A_467] : memref<16384xi32, #tpu.memory_space<hbm>> -> memref<16384xi32, #tpu.memory_space<hbm>>
    tpu.enqueue_indirect_dma source(%dma_start3A_468 : memref<16384xi32, #tpu.memory_space<hbm>>) target(%dma_start3A_464 : memref<64xi32, #tpu.memory_space<vmem>>) offsets(%dma_start3A_466 : memref<64xi32, #tpu.memory_space<vmem>>) semaphore(%arg21 : memref<!tpu.dma_semaphore, #tpu.memory_space<semaphore_mem>>)
    %dma_wait3A_469 = arith.constant 0 : i32
    %dma_wait3A_470 = tpu.memref_slice %arg6[%add3A_456, %dma_wait3A_469] : memref<49152x512xf32, #tpu.memory_space<hbm>> -> memref<64x512xf32, #tpu.memory_space<hbm>>
    %dma_wait3A_471 = arith.constant 0 : i32
    %dma_wait3A_472 = tpu.memref_slice %arg6[%add3A_456, %dma_wait3A_471] : memref<49152x512xf32, #tpu.memory_space<hbm>> -> memref<64x512xf32, #tpu.memory_space<hbm>>
    tpu.wait_dma2 semaphore(%arg17 : memref<!tpu.dma_semaphore, #tpu.memory_space<semaphore_mem>>) src(%arg11 : memref<64x512xf32, #tpu.memory_space<vmem>>) dst(%dma_wait3A_472 : memref<64x512xf32, #tpu.memory_space<hbm>>)
    %dma_wait3A_473 = arith.constant 12 : i32
    %dma_wait3A_474 = arith.constant 0 : i32
    %dma_wait3A_475 = tpu.memref_slice %arg9[%dma_wait3A_473, %dma_wait3A_474] : memref<24x64xi32, #tpu.memory_space<vmem>> -> memref<1x64xi32, #tpu.memory_space<vmem>>
    %dma_wait3A_476 = tpu.memref_squeeze %dma_wait3A_475 : memref<1x64xi32, #tpu.memory_space<vmem>> -> memref<64xi32, #tpu.memory_space<vmem>>
    %dma_wait3A_477 = arith.constant 768 : i32
    %dma_wait3A_478 = tpu.memref_slice %arg8[%dma_wait3A_477] : memref<1536xi32, #tpu.memory_space<vmem>> -> memref<64xi32, #tpu.memory_space<vmem>>
    %dma_wait3A_479 = arith.constant 0 : i32
    %dma_wait3A_480 = tpu.memref_slice %arg3[%dma_wait3A_479] : memref<16384xi32, #tpu.memory_space<hbm>> -> memref<16384xi32, #tpu.memory_space<hbm>>
    tpu.wait_indirect_dma semaphore(%arg20 : memref<!tpu.dma_semaphore, #tpu.memory_space<semaphore_mem>>) src(%dma_wait3A_480 : memref<16384xi32, #tpu.memory_space<hbm>>) dst(%dma_wait3A_476 : memref<64xi32, #tpu.memory_space<vmem>>)
    %dma_start3A_481 = arith.constant 12 : i32
    %dma_start3A_482 = arith.constant 0 : i32
    %dma_start3A_483 = tpu.memref_slice %arg9[%dma_start3A_481, %dma_start3A_482] : memref<24x64xi32, #tpu.memory_space<vmem>> -> memref<1x64xi32, #tpu.memory_space<vmem>>
    %dma_start3A_484 = tpu.memref_squeeze %dma_start3A_483 : memref<1x64xi32, #tpu.memory_space<vmem>> -> memref<64xi32, #tpu.memory_space<vmem>>
    %dma_start3A_485 = arith.constant 0 : i32
    %dma_start3A_486 = arith.constant 0 : i32
    %dma_start3A_487 = tpu.memref_slice %arg2[%dma_start3A_485, %dma_start3A_486] : memref<10000x512xf32, #tpu.memory_space<hbm>> -> memref<10000x512xf32, #tpu.memory_space<hbm>>
    tpu.enqueue_indirect_dma source(%dma_start3A_487 : memref<10000x512xf32, #tpu.memory_space<hbm>>) target(%arg11 : memref<64x512xf32, #tpu.memory_space<vmem>>) offsets(%dma_start3A_484 : memref<64xi32, #tpu.memory_space<vmem>>) semaphore(%arg14 : memref<!tpu.dma_semaphore, #tpu.memory_space<semaphore_mem>>)
    %dma_wait3A_488 = arith.constant 10 : i32
    %dma_wait3A_489 = arith.constant 0 : i32
    %dma_wait3A_490 = tpu.memref_slice %arg9[%dma_wait3A_488, %dma_wait3A_489] : memref<24x64xi32, #tpu.memory_space<vmem>> -> memref<1x64xi32, #tpu.memory_space<vmem>>
    %dma_wait3A_491 = tpu.memref_squeeze %dma_wait3A_490 : memref<1x64xi32, #tpu.memory_space<vmem>> -> memref<64xi32, #tpu.memory_space<vmem>>
    %dma_wait3A_492 = arith.constant 0 : i32
    %dma_wait3A_493 = arith.constant 0 : i32
    %dma_wait3A_494 = tpu.memref_slice %arg2[%dma_wait3A_492, %dma_wait3A_493] : memref<10000x512xf32, #tpu.memory_space<hbm>> -> memref<10000x512xf32, #tpu.memory_space<hbm>>
    tpu.wait_indirect_dma semaphore(%arg15 : memref<!tpu.dma_semaphore, #tpu.memory_space<semaphore_mem>>) src(%dma_wait3A_494 : memref<10000x512xf32, #tpu.memory_space<hbm>>) dst(%arg12 : memref<64x512xf32, #tpu.memory_space<vmem>>)
    %add3A_495 = arith.constant 640 : i32
    %add3A_496 = arith.addi %mul3A_2, %add3A_495 : i32
    %dma_start3A_497 = arith.constant 0 : i32
    %dma_start3A_498 = tpu.memref_slice %arg6[%add3A_496, %dma_start3A_497] : memref<49152x512xf32, #tpu.memory_space<hbm>> -> memref<64x512xf32, #tpu.memory_space<hbm>>
    %dma_start3A_499 = arith.constant 0 : i32
    %dma_start3A_500 = tpu.memref_slice %arg6[%add3A_496, %dma_start3A_499] : memref<49152x512xf32, #tpu.memory_space<hbm>> -> memref<64x512xf32, #tpu.memory_space<hbm>>
    tpu.enqueue_dma source(%arg12 : memref<64x512xf32, #tpu.memory_space<vmem>>) target(%dma_start3A_500 : memref<64x512xf32, #tpu.memory_space<hbm>>) target_semaphore(%arg18 : memref<!tpu.dma_semaphore, #tpu.memory_space<semaphore_mem>>)
    %dma_start3A_501 = arith.constant 14 : i32
    %dma_start3A_502 = arith.constant 0 : i32
    %dma_start3A_503 = tpu.memref_slice %arg9[%dma_start3A_501, %dma_start3A_502] : memref<24x64xi32, #tpu.memory_space<vmem>> -> memref<1x64xi32, #tpu.memory_space<vmem>>
    %dma_start3A_504 = tpu.memref_squeeze %dma_start3A_503 : memref<1x64xi32, #tpu.memory_space<vmem>> -> memref<64xi32, #tpu.memory_space<vmem>>
    %dma_start3A_505 = arith.constant 896 : i32
    %dma_start3A_506 = tpu.memref_slice %arg8[%dma_start3A_505] : memref<1536xi32, #tpu.memory_space<vmem>> -> memref<64xi32, #tpu.memory_space<vmem>>
    %dma_start3A_507 = arith.constant 0 : i32
    %dma_start3A_508 = tpu.memref_slice %arg3[%dma_start3A_507] : memref<16384xi32, #tpu.memory_space<hbm>> -> memref<16384xi32, #tpu.memory_space<hbm>>
    tpu.enqueue_indirect_dma source(%dma_start3A_508 : memref<16384xi32, #tpu.memory_space<hbm>>) target(%dma_start3A_504 : memref<64xi32, #tpu.memory_space<vmem>>) offsets(%dma_start3A_506 : memref<64xi32, #tpu.memory_space<vmem>>) semaphore(%arg22 : memref<!tpu.dma_semaphore, #tpu.memory_space<semaphore_mem>>)
    %dma_wait3A_509 = arith.constant 0 : i32
    %dma_wait3A_510 = tpu.memref_slice %arg6[%add3A_496, %dma_wait3A_509] : memref<49152x512xf32, #tpu.memory_space<hbm>> -> memref<64x512xf32, #tpu.memory_space<hbm>>
    %dma_wait3A_511 = arith.constant 0 : i32
    %dma_wait3A_512 = tpu.memref_slice %arg6[%add3A_496, %dma_wait3A_511] : memref<49152x512xf32, #tpu.memory_space<hbm>> -> memref<64x512xf32, #tpu.memory_space<hbm>>
    tpu.wait_dma2 semaphore(%arg18 : memref<!tpu.dma_semaphore, #tpu.memory_space<semaphore_mem>>) src(%arg12 : memref<64x512xf32, #tpu.memory_space<vmem>>) dst(%dma_wait3A_512 : memref<64x512xf32, #tpu.memory_space<hbm>>)
    %dma_wait3A_513 = arith.constant 13 : i32
    %dma_wait3A_514 = arith.constant 0 : i32
    %dma_wait3A_515 = tpu.memref_slice %arg9[%dma_wait3A_513, %dma_wait3A_514] : memref<24x64xi32, #tpu.memory_space<vmem>> -> memref<1x64xi32, #tpu.memory_space<vmem>>
    %dma_wait3A_516 = tpu.memref_squeeze %dma_wait3A_515 : memref<1x64xi32, #tpu.memory_space<vmem>> -> memref<64xi32, #tpu.memory_space<vmem>>
    %dma_wait3A_517 = arith.constant 832 : i32
    %dma_wait3A_518 = tpu.memref_slice %arg8[%dma_wait3A_517] : memref<1536xi32, #tpu.memory_space<vmem>> -> memref<64xi32, #tpu.memory_space<vmem>>
    %dma_wait3A_519 = arith.constant 0 : i32
    %dma_wait3A_520 = tpu.memref_slice %arg3[%dma_wait3A_519] : memref<16384xi32, #tpu.memory_space<hbm>> -> memref<16384xi32, #tpu.memory_space<hbm>>
    tpu.wait_indirect_dma semaphore(%arg21 : memref<!tpu.dma_semaphore, #tpu.memory_space<semaphore_mem>>) src(%dma_wait3A_520 : memref<16384xi32, #tpu.memory_space<hbm>>) dst(%dma_wait3A_516 : memref<64xi32, #tpu.memory_space<vmem>>)
    %dma_start3A_521 = arith.constant 13 : i32
    %dma_start3A_522 = arith.constant 0 : i32
    %dma_start3A_523 = tpu.memref_slice %arg9[%dma_start3A_521, %dma_start3A_522] : memref<24x64xi32, #tpu.memory_space<vmem>> -> memref<1x64xi32, #tpu.memory_space<vmem>>
    %dma_start3A_524 = tpu.memref_squeeze %dma_start3A_523 : memref<1x64xi32, #tpu.memory_space<vmem>> -> memref<64xi32, #tpu.memory_space<vmem>>
    %dma_start3A_525 = arith.constant 0 : i32
    %dma_start3A_526 = arith.constant 0 : i32
    %dma_start3A_527 = tpu.memref_slice %arg2[%dma_start3A_525, %dma_start3A_526] : memref<10000x512xf32, #tpu.memory_space<hbm>> -> memref<10000x512xf32, #tpu.memory_space<hbm>>
    tpu.enqueue_indirect_dma source(%dma_start3A_527 : memref<10000x512xf32, #tpu.memory_space<hbm>>) target(%arg12 : memref<64x512xf32, #tpu.memory_space<vmem>>) offsets(%dma_start3A_524 : memref<64xi32, #tpu.memory_space<vmem>>) semaphore(%arg15 : memref<!tpu.dma_semaphore, #tpu.memory_space<semaphore_mem>>)
    %dma_wait3A_528 = arith.constant 11 : i32
    %dma_wait3A_529 = arith.constant 0 : i32
    %dma_wait3A_530 = tpu.memref_slice %arg9[%dma_wait3A_528, %dma_wait3A_529] : memref<24x64xi32, #tpu.memory_space<vmem>> -> memref<1x64xi32, #tpu.memory_space<vmem>>
    %dma_wait3A_531 = tpu.memref_squeeze %dma_wait3A_530 : memref<1x64xi32, #tpu.memory_space<vmem>> -> memref<64xi32, #tpu.memory_space<vmem>>
    %dma_wait3A_532 = arith.constant 0 : i32
    %dma_wait3A_533 = arith.constant 0 : i32
    %dma_wait3A_534 = tpu.memref_slice %arg2[%dma_wait3A_532, %dma_wait3A_533] : memref<10000x512xf32, #tpu.memory_space<hbm>> -> memref<10000x512xf32, #tpu.memory_space<hbm>>
    tpu.wait_indirect_dma semaphore(%arg16 : memref<!tpu.dma_semaphore, #tpu.memory_space<semaphore_mem>>) src(%dma_wait3A_534 : memref<10000x512xf32, #tpu.memory_space<hbm>>) dst(%arg13 : memref<64x512xf32, #tpu.memory_space<vmem>>)
    %add3A_535 = arith.constant 704 : i32
    %add3A_536 = arith.addi %mul3A_2, %add3A_535 : i32
    %dma_start3A_537 = arith.constant 0 : i32
    %dma_start3A_538 = tpu.memref_slice %arg6[%add3A_536, %dma_start3A_537] : memref<49152x512xf32, #tpu.memory_space<hbm>> -> memref<64x512xf32, #tpu.memory_space<hbm>>
    %dma_start3A_539 = arith.constant 0 : i32
    %dma_start3A_540 = tpu.memref_slice %arg6[%add3A_536, %dma_start3A_539] : memref<49152x512xf32, #tpu.memory_space<hbm>> -> memref<64x512xf32, #tpu.memory_space<hbm>>
    tpu.enqueue_dma source(%arg13 : memref<64x512xf32, #tpu.memory_space<vmem>>) target(%dma_start3A_540 : memref<64x512xf32, #tpu.memory_space<hbm>>) target_semaphore(%arg19 : memref<!tpu.dma_semaphore, #tpu.memory_space<semaphore_mem>>)
    %dma_start3A_541 = arith.constant 15 : i32
    %dma_start3A_542 = arith.constant 0 : i32
    %dma_start3A_543 = tpu.memref_slice %arg9[%dma_start3A_541, %dma_start3A_542] : memref<24x64xi32, #tpu.memory_space<vmem>> -> memref<1x64xi32, #tpu.memory_space<vmem>>
    %dma_start3A_544 = tpu.memref_squeeze %dma_start3A_543 : memref<1x64xi32, #tpu.memory_space<vmem>> -> memref<64xi32, #tpu.memory_space<vmem>>
    %dma_start3A_545 = arith.constant 960 : i32
    %dma_start3A_546 = tpu.memref_slice %arg8[%dma_start3A_545] : memref<1536xi32, #tpu.memory_space<vmem>> -> memref<64xi32, #tpu.memory_space<vmem>>
    %dma_start3A_547 = arith.constant 0 : i32
    %dma_start3A_548 = tpu.memref_slice %arg3[%dma_start3A_547] : memref<16384xi32, #tpu.memory_space<hbm>> -> memref<16384xi32, #tpu.memory_space<hbm>>
    tpu.enqueue_indirect_dma source(%dma_start3A_548 : memref<16384xi32, #tpu.memory_space<hbm>>) target(%dma_start3A_544 : memref<64xi32, #tpu.memory_space<vmem>>) offsets(%dma_start3A_546 : memref<64xi32, #tpu.memory_space<vmem>>) semaphore(%arg20 : memref<!tpu.dma_semaphore, #tpu.memory_space<semaphore_mem>>)
    %dma_wait3A_549 = arith.constant 0 : i32
    %dma_wait3A_550 = tpu.memref_slice %arg6[%add3A_536, %dma_wait3A_549] : memref<49152x512xf32, #tpu.memory_space<hbm>> -> memref<64x512xf32, #tpu.memory_space<hbm>>
    %dma_wait3A_551 = arith.constant 0 : i32
    %dma_wait3A_552 = tpu.memref_slice %arg6[%add3A_536, %dma_wait3A_551] : memref<49152x512xf32, #tpu.memory_space<hbm>> -> memref<64x512xf32, #tpu.memory_space<hbm>>
    tpu.wait_dma2 semaphore(%arg19 : memref<!tpu.dma_semaphore, #tpu.memory_space<semaphore_mem>>) src(%arg13 : memref<64x512xf32, #tpu.memory_space<vmem>>) dst(%dma_wait3A_552 : memref<64x512xf32, #tpu.memory_space<hbm>>)
    %dma_wait3A_553 = arith.constant 14 : i32
    %dma_wait3A_554 = arith.constant 0 : i32
    %dma_wait3A_555 = tpu.memref_slice %arg9[%dma_wait3A_553, %dma_wait3A_554] : memref<24x64xi32, #tpu.memory_space<vmem>> -> memref<1x64xi32, #tpu.memory_space<vmem>>
    %dma_wait3A_556 = tpu.memref_squeeze %dma_wait3A_555 : memref<1x64xi32, #tpu.memory_space<vmem>> -> memref<64xi32, #tpu.memory_space<vmem>>
    %dma_wait3A_557 = arith.constant 896 : i32
    %dma_wait3A_558 = tpu.memref_slice %arg8[%dma_wait3A_557] : memref<1536xi32, #tpu.memory_space<vmem>> -> memref<64xi32, #tpu.memory_space<vmem>>
    %dma_wait3A_559 = arith.constant 0 : i32
    %dma_wait3A_560 = tpu.memref_slice %arg3[%dma_wait3A_559] : memref<16384xi32, #tpu.memory_space<hbm>> -> memref<16384xi32, #tpu.memory_space<hbm>>
    tpu.wait_indirect_dma semaphore(%arg22 : memref<!tpu.dma_semaphore, #tpu.memory_space<semaphore_mem>>) src(%dma_wait3A_560 : memref<16384xi32, #tpu.memory_space<hbm>>) dst(%dma_wait3A_556 : memref<64xi32, #tpu.memory_space<vmem>>)
    %dma_start3A_561 = arith.constant 14 : i32
    %dma_start3A_562 = arith.constant 0 : i32
    %dma_start3A_563 = tpu.memref_slice %arg9[%dma_start3A_561, %dma_start3A_562] : memref<24x64xi32, #tpu.memory_space<vmem>> -> memref<1x64xi32, #tpu.memory_space<vmem>>
    %dma_start3A_564 = tpu.memref_squeeze %dma_start3A_563 : memref<1x64xi32, #tpu.memory_space<vmem>> -> memref<64xi32, #tpu.memory_space<vmem>>
    %dma_start3A_565 = arith.constant 0 : i32
    %dma_start3A_566 = arith.constant 0 : i32
    %dma_start3A_567 = tpu.memref_slice %arg2[%dma_start3A_565, %dma_start3A_566] : memref<10000x512xf32, #tpu.memory_space<hbm>> -> memref<10000x512xf32, #tpu.memory_space<hbm>>
    tpu.enqueue_indirect_dma source(%dma_start3A_567 : memref<10000x512xf32, #tpu.memory_space<hbm>>) target(%arg13 : memref<64x512xf32, #tpu.memory_space<vmem>>) offsets(%dma_start3A_564 : memref<64xi32, #tpu.memory_space<vmem>>) semaphore(%arg16 : memref<!tpu.dma_semaphore, #tpu.memory_space<semaphore_mem>>)
    %dma_wait3A_568 = arith.constant 12 : i32
    %dma_wait3A_569 = arith.constant 0 : i32
    %dma_wait3A_570 = tpu.memref_slice %arg9[%dma_wait3A_568, %dma_wait3A_569] : memref<24x64xi32, #tpu.memory_space<vmem>> -> memref<1x64xi32, #tpu.memory_space<vmem>>
    %dma_wait3A_571 = tpu.memref_squeeze %dma_wait3A_570 : memref<1x64xi32, #tpu.memory_space<vmem>> -> memref<64xi32, #tpu.memory_space<vmem>>
    %dma_wait3A_572 = arith.constant 0 : i32
    %dma_wait3A_573 = arith.constant 0 : i32
    %dma_wait3A_574 = tpu.memref_slice %arg2[%dma_wait3A_572, %dma_wait3A_573] : memref<10000x512xf32, #tpu.memory_space<hbm>> -> memref<10000x512xf32, #tpu.memory_space<hbm>>
    tpu.wait_indirect_dma semaphore(%arg14 : memref<!tpu.dma_semaphore, #tpu.memory_space<semaphore_mem>>) src(%dma_wait3A_574 : memref<10000x512xf32, #tpu.memory_space<hbm>>) dst(%arg11 : memref<64x512xf32, #tpu.memory_space<vmem>>)
    %add3A_575 = arith.constant 768 : i32
    %add3A_576 = arith.addi %mul3A_2, %add3A_575 : i32
    %dma_start3A_577 = arith.constant 0 : i32
    %dma_start3A_578 = tpu.memref_slice %arg6[%add3A_576, %dma_start3A_577] : memref<49152x512xf32, #tpu.memory_space<hbm>> -> memref<64x512xf32, #tpu.memory_space<hbm>>
    %dma_start3A_579 = arith.constant 0 : i32
    %dma_start3A_580 = tpu.memref_slice %arg6[%add3A_576, %dma_start3A_579] : memref<49152x512xf32, #tpu.memory_space<hbm>> -> memref<64x512xf32, #tpu.memory_space<hbm>>
    tpu.enqueue_dma source(%arg11 : memref<64x512xf32, #tpu.memory_space<vmem>>) target(%dma_start3A_580 : memref<64x512xf32, #tpu.memory_space<hbm>>) target_semaphore(%arg17 : memref<!tpu.dma_semaphore, #tpu.memory_space<semaphore_mem>>)
    %dma_start3A_581 = arith.constant 16 : i32
    %dma_start3A_582 = arith.constant 0 : i32
    %dma_start3A_583 = tpu.memref_slice %arg9[%dma_start3A_581, %dma_start3A_582] : memref<24x64xi32, #tpu.memory_space<vmem>> -> memref<1x64xi32, #tpu.memory_space<vmem>>
    %dma_start3A_584 = tpu.memref_squeeze %dma_start3A_583 : memref<1x64xi32, #tpu.memory_space<vmem>> -> memref<64xi32, #tpu.memory_space<vmem>>
    %dma_start3A_585 = arith.constant 1024 : i32
    %dma_start3A_586 = tpu.memref_slice %arg8[%dma_start3A_585] : memref<1536xi32, #tpu.memory_space<vmem>> -> memref<64xi32, #tpu.memory_space<vmem>>
    %dma_start3A_587 = arith.constant 0 : i32
    %dma_start3A_588 = tpu.memref_slice %arg3[%dma_start3A_587] : memref<16384xi32, #tpu.memory_space<hbm>> -> memref<16384xi32, #tpu.memory_space<hbm>>
    tpu.enqueue_indirect_dma source(%dma_start3A_588 : memref<16384xi32, #tpu.memory_space<hbm>>) target(%dma_start3A_584 : memref<64xi32, #tpu.memory_space<vmem>>) offsets(%dma_start3A_586 : memref<64xi32, #tpu.memory_space<vmem>>) semaphore(%arg21 : memref<!tpu.dma_semaphore, #tpu.memory_space<semaphore_mem>>)
    %dma_wait3A_589 = arith.constant 0 : i32
    %dma_wait3A_590 = tpu.memref_slice %arg6[%add3A_576, %dma_wait3A_589] : memref<49152x512xf32, #tpu.memory_space<hbm>> -> memref<64x512xf32, #tpu.memory_space<hbm>>
    %dma_wait3A_591 = arith.constant 0 : i32
    %dma_wait3A_592 = tpu.memref_slice %arg6[%add3A_576, %dma_wait3A_591] : memref<49152x512xf32, #tpu.memory_space<hbm>> -> memref<64x512xf32, #tpu.memory_space<hbm>>
    tpu.wait_dma2 semaphore(%arg17 : memref<!tpu.dma_semaphore, #tpu.memory_space<semaphore_mem>>) src(%arg11 : memref<64x512xf32, #tpu.memory_space<vmem>>) dst(%dma_wait3A_592 : memref<64x512xf32, #tpu.memory_space<hbm>>)
    %dma_wait3A_593 = arith.constant 15 : i32
    %dma_wait3A_594 = arith.constant 0 : i32
    %dma_wait3A_595 = tpu.memref_slice %arg9[%dma_wait3A_593, %dma_wait3A_594] : memref<24x64xi32, #tpu.memory_space<vmem>> -> memref<1x64xi32, #tpu.memory_space<vmem>>
    %dma_wait3A_596 = tpu.memref_squeeze %dma_wait3A_595 : memref<1x64xi32, #tpu.memory_space<vmem>> -> memref<64xi32, #tpu.memory_space<vmem>>
    %dma_wait3A_597 = arith.constant 960 : i32
    %dma_wait3A_598 = tpu.memref_slice %arg8[%dma_wait3A_597] : memref<1536xi32, #tpu.memory_space<vmem>> -> memref<64xi32, #tpu.memory_space<vmem>>
    %dma_wait3A_599 = arith.constant 0 : i32
    %dma_wait3A_600 = tpu.memref_slice %arg3[%dma_wait3A_599] : memref<16384xi32, #tpu.memory_space<hbm>> -> memref<16384xi32, #tpu.memory_space<hbm>>
    tpu.wait_indirect_dma semaphore(%arg20 : memref<!tpu.dma_semaphore, #tpu.memory_space<semaphore_mem>>) src(%dma_wait3A_600 : memref<16384xi32, #tpu.memory_space<hbm>>) dst(%dma_wait3A_596 : memref<64xi32, #tpu.memory_space<vmem>>)
    %dma_start3A_601 = arith.constant 15 : i32
    %dma_start3A_602 = arith.constant 0 : i32
    %dma_start3A_603 = tpu.memref_slice %arg9[%dma_start3A_601, %dma_start3A_602] : memref<24x64xi32, #tpu.memory_space<vmem>> -> memref<1x64xi32, #tpu.memory_space<vmem>>
    %dma_start3A_604 = tpu.memref_squeeze %dma_start3A_603 : memref<1x64xi32, #tpu.memory_space<vmem>> -> memref<64xi32, #tpu.memory_space<vmem>>
    %dma_start3A_605 = arith.constant 0 : i32
    %dma_start3A_606 = arith.constant 0 : i32
    %dma_start3A_607 = tpu.memref_slice %arg2[%dma_start3A_605, %dma_start3A_606] : memref<10000x512xf32, #tpu.memory_space<hbm>> -> memref<10000x512xf32, #tpu.memory_space<hbm>>
    tpu.enqueue_indirect_dma source(%dma_start3A_607 : memref<10000x512xf32, #tpu.memory_space<hbm>>) target(%arg11 : memref<64x512xf32, #tpu.memory_space<vmem>>) offsets(%dma_start3A_604 : memref<64xi32, #tpu.memory_space<vmem>>) semaphore(%arg14 : memref<!tpu.dma_semaphore, #tpu.memory_space<semaphore_mem>>)
    %dma_wait3A_608 = arith.constant 13 : i32
    %dma_wait3A_609 = arith.constant 0 : i32
    %dma_wait3A_610 = tpu.memref_slice %arg9[%dma_wait3A_608, %dma_wait3A_609] : memref<24x64xi32, #tpu.memory_space<vmem>> -> memref<1x64xi32, #tpu.memory_space<vmem>>
    %dma_wait3A_611 = tpu.memref_squeeze %dma_wait3A_610 : memref<1x64xi32, #tpu.memory_space<vmem>> -> memref<64xi32, #tpu.memory_space<vmem>>
    %dma_wait3A_612 = arith.constant 0 : i32
    %dma_wait3A_613 = arith.constant 0 : i32
    %dma_wait3A_614 = tpu.memref_slice %arg2[%dma_wait3A_612, %dma_wait3A_613] : memref<10000x512xf32, #tpu.memory_space<hbm>> -> memref<10000x512xf32, #tpu.memory_space<hbm>>
    tpu.wait_indirect_dma semaphore(%arg15 : memref<!tpu.dma_semaphore, #tpu.memory_space<semaphore_mem>>) src(%dma_wait3A_614 : memref<10000x512xf32, #tpu.memory_space<hbm>>) dst(%arg12 : memref<64x512xf32, #tpu.memory_space<vmem>>)
    %add3A_615 = arith.constant 832 : i32
    %add3A_616 = arith.addi %mul3A_2, %add3A_615 : i32
    %dma_start3A_617 = arith.constant 0 : i32
    %dma_start3A_618 = tpu.memref_slice %arg6[%add3A_616, %dma_start3A_617] : memref<49152x512xf32, #tpu.memory_space<hbm>> -> memref<64x512xf32, #tpu.memory_space<hbm>>
    %dma_start3A_619 = arith.constant 0 : i32
    %dma_start3A_620 = tpu.memref_slice %arg6[%add3A_616, %dma_start3A_619] : memref<49152x512xf32, #tpu.memory_space<hbm>> -> memref<64x512xf32, #tpu.memory_space<hbm>>
    tpu.enqueue_dma source(%arg12 : memref<64x512xf32, #tpu.memory_space<vmem>>) target(%dma_start3A_620 : memref<64x512xf32, #tpu.memory_space<hbm>>) target_semaphore(%arg18 : memref<!tpu.dma_semaphore, #tpu.memory_space<semaphore_mem>>)
    %dma_start3A_621 = arith.constant 17 : i32
    %dma_start3A_622 = arith.constant 0 : i32
    %dma_start3A_623 = tpu.memref_slice %arg9[%dma_start3A_621, %dma_start3A_622] : memref<24x64xi32, #tpu.memory_space<vmem>> -> memref<1x64xi32, #tpu.memory_space<vmem>>
    %dma_start3A_624 = tpu.memref_squeeze %dma_start3A_623 : memref<1x64xi32, #tpu.memory_space<vmem>> -> memref<64xi32, #tpu.memory_space<vmem>>
    %dma_start3A_625 = arith.constant 1088 : i32
    %dma_start3A_626 = tpu.memref_slice %arg8[%dma_start3A_625] : memref<1536xi32, #tpu.memory_space<vmem>> -> memref<64xi32, #tpu.memory_space<vmem>>
    %dma_start3A_627 = arith.constant 0 : i32
    %dma_start3A_628 = tpu.memref_slice %arg3[%dma_start3A_627] : memref<16384xi32, #tpu.memory_space<hbm>> -> memref<16384xi32, #tpu.memory_space<hbm>>
    tpu.enqueue_indirect_dma source(%dma_start3A_628 : memref<16384xi32, #tpu.memory_space<hbm>>) target(%dma_start3A_624 : memref<64xi32, #tpu.memory_space<vmem>>) offsets(%dma_start3A_626 : memref<64xi32, #tpu.memory_space<vmem>>) semaphore(%arg22 : memref<!tpu.dma_semaphore, #tpu.memory_space<semaphore_mem>>)
    %dma_wait3A_629 = arith.constant 0 : i32
    %dma_wait3A_630 = tpu.memref_slice %arg6[%add3A_616, %dma_wait3A_629] : memref<49152x512xf32, #tpu.memory_space<hbm>> -> memref<64x512xf32, #tpu.memory_space<hbm>>
    %dma_wait3A_631 = arith.constant 0 : i32
    %dma_wait3A_632 = tpu.memref_slice %arg6[%add3A_616, %dma_wait3A_631] : memref<49152x512xf32, #tpu.memory_space<hbm>> -> memref<64x512xf32, #tpu.memory_space<hbm>>
    tpu.wait_dma2 semaphore(%arg18 : memref<!tpu.dma_semaphore, #tpu.memory_space<semaphore_mem>>) src(%arg12 : memref<64x512xf32, #tpu.memory_space<vmem>>) dst(%dma_wait3A_632 : memref<64x512xf32, #tpu.memory_space<hbm>>)
    %dma_wait3A_633 = arith.constant 16 : i32
    %dma_wait3A_634 = arith.constant 0 : i32
    %dma_wait3A_635 = tpu.memref_slice %arg9[%dma_wait3A_633, %dma_wait3A_634] : memref<24x64xi32, #tpu.memory_space<vmem>> -> memref<1x64xi32, #tpu.memory_space<vmem>>
    %dma_wait3A_636 = tpu.memref_squeeze %dma_wait3A_635 : memref<1x64xi32, #tpu.memory_space<vmem>> -> memref<64xi32, #tpu.memory_space<vmem>>
    %dma_wait3A_637 = arith.constant 1024 : i32
    %dma_wait3A_638 = tpu.memref_slice %arg8[%dma_wait3A_637] : memref<1536xi32, #tpu.memory_space<vmem>> -> memref<64xi32, #tpu.memory_space<vmem>>
    %dma_wait3A_639 = arith.constant 0 : i32
    %dma_wait3A_640 = tpu.memref_slice %arg3[%dma_wait3A_639] : memref<16384xi32, #tpu.memory_space<hbm>> -> memref<16384xi32, #tpu.memory_space<hbm>>
    tpu.wait_indirect_dma semaphore(%arg21 : memref<!tpu.dma_semaphore, #tpu.memory_space<semaphore_mem>>) src(%dma_wait3A_640 : memref<16384xi32, #tpu.memory_space<hbm>>) dst(%dma_wait3A_636 : memref<64xi32, #tpu.memory_space<vmem>>)
    %dma_start3A_641 = arith.constant 16 : i32
    %dma_start3A_642 = arith.constant 0 : i32
    %dma_start3A_643 = tpu.memref_slice %arg9[%dma_start3A_641, %dma_start3A_642] : memref<24x64xi32, #tpu.memory_space<vmem>> -> memref<1x64xi32, #tpu.memory_space<vmem>>
    %dma_start3A_644 = tpu.memref_squeeze %dma_start3A_643 : memref<1x64xi32, #tpu.memory_space<vmem>> -> memref<64xi32, #tpu.memory_space<vmem>>
    %dma_start3A_645 = arith.constant 0 : i32
    %dma_start3A_646 = arith.constant 0 : i32
    %dma_start3A_647 = tpu.memref_slice %arg2[%dma_start3A_645, %dma_start3A_646] : memref<10000x512xf32, #tpu.memory_space<hbm>> -> memref<10000x512xf32, #tpu.memory_space<hbm>>
    tpu.enqueue_indirect_dma source(%dma_start3A_647 : memref<10000x512xf32, #tpu.memory_space<hbm>>) target(%arg12 : memref<64x512xf32, #tpu.memory_space<vmem>>) offsets(%dma_start3A_644 : memref<64xi32, #tpu.memory_space<vmem>>) semaphore(%arg15 : memref<!tpu.dma_semaphore, #tpu.memory_space<semaphore_mem>>)
    %dma_wait3A_648 = arith.constant 14 : i32
    %dma_wait3A_649 = arith.constant 0 : i32
    %dma_wait3A_650 = tpu.memref_slice %arg9[%dma_wait3A_648, %dma_wait3A_649] : memref<24x64xi32, #tpu.memory_space<vmem>> -> memref<1x64xi32, #tpu.memory_space<vmem>>
    %dma_wait3A_651 = tpu.memref_squeeze %dma_wait3A_650 : memref<1x64xi32, #tpu.memory_space<vmem>> -> memref<64xi32, #tpu.memory_space<vmem>>
    %dma_wait3A_652 = arith.constant 0 : i32
    %dma_wait3A_653 = arith.constant 0 : i32
    %dma_wait3A_654 = tpu.memref_slice %arg2[%dma_wait3A_652, %dma_wait3A_653] : memref<10000x512xf32, #tpu.memory_space<hbm>> -> memref<10000x512xf32, #tpu.memory_space<hbm>>
    tpu.wait_indirect_dma semaphore(%arg16 : memref<!tpu.dma_semaphore, #tpu.memory_space<semaphore_mem>>) src(%dma_wait3A_654 : memref<10000x512xf32, #tpu.memory_space<hbm>>) dst(%arg13 : memref<64x512xf32, #tpu.memory_space<vmem>>)
    %add3A_655 = arith.constant 896 : i32
    %add3A_656 = arith.addi %mul3A_2, %add3A_655 : i32
    %dma_start3A_657 = arith.constant 0 : i32
    %dma_start3A_658 = tpu.memref_slice %arg6[%add3A_656, %dma_start3A_657] : memref<49152x512xf32, #tpu.memory_space<hbm>> -> memref<64x512xf32, #tpu.memory_space<hbm>>
    %dma_start3A_659 = arith.constant 0 : i32
    %dma_start3A_660 = tpu.memref_slice %arg6[%add3A_656, %dma_start3A_659] : memref<49152x512xf32, #tpu.memory_space<hbm>> -> memref<64x512xf32, #tpu.memory_space<hbm>>
    tpu.enqueue_dma source(%arg13 : memref<64x512xf32, #tpu.memory_space<vmem>>) target(%dma_start3A_660 : memref<64x512xf32, #tpu.memory_space<hbm>>) target_semaphore(%arg19 : memref<!tpu.dma_semaphore, #tpu.memory_space<semaphore_mem>>)
    %dma_start3A_661 = arith.constant 18 : i32
    %dma_start3A_662 = arith.constant 0 : i32
    %dma_start3A_663 = tpu.memref_slice %arg9[%dma_start3A_661, %dma_start3A_662] : memref<24x64xi32, #tpu.memory_space<vmem>> -> memref<1x64xi32, #tpu.memory_space<vmem>>
    %dma_start3A_664 = tpu.memref_squeeze %dma_start3A_663 : memref<1x64xi32, #tpu.memory_space<vmem>> -> memref<64xi32, #tpu.memory_space<vmem>>
    %dma_start3A_665 = arith.constant 1152 : i32
    %dma_start3A_666 = tpu.memref_slice %arg8[%dma_start3A_665] : memref<1536xi32, #tpu.memory_space<vmem>> -> memref<64xi32, #tpu.memory_space<vmem>>
    %dma_start3A_667 = arith.constant 0 : i32
    %dma_start3A_668 = tpu.memref_slice %arg3[%dma_start3A_667] : memref<16384xi32, #tpu.memory_space<hbm>> -> memref<16384xi32, #tpu.memory_space<hbm>>
    tpu.enqueue_indirect_dma source(%dma_start3A_668 : memref<16384xi32, #tpu.memory_space<hbm>>) target(%dma_start3A_664 : memref<64xi32, #tpu.memory_space<vmem>>) offsets(%dma_start3A_666 : memref<64xi32, #tpu.memory_space<vmem>>) semaphore(%arg20 : memref<!tpu.dma_semaphore, #tpu.memory_space<semaphore_mem>>)
    %dma_wait3A_669 = arith.constant 0 : i32
    %dma_wait3A_670 = tpu.memref_slice %arg6[%add3A_656, %dma_wait3A_669] : memref<49152x512xf32, #tpu.memory_space<hbm>> -> memref<64x512xf32, #tpu.memory_space<hbm>>
    %dma_wait3A_671 = arith.constant 0 : i32
    %dma_wait3A_672 = tpu.memref_slice %arg6[%add3A_656, %dma_wait3A_671] : memref<49152x512xf32, #tpu.memory_space<hbm>> -> memref<64x512xf32, #tpu.memory_space<hbm>>
    tpu.wait_dma2 semaphore(%arg19 : memref<!tpu.dma_semaphore, #tpu.memory_space<semaphore_mem>>) src(%arg13 : memref<64x512xf32, #tpu.memory_space<vmem>>) dst(%dma_wait3A_672 : memref<64x512xf32, #tpu.memory_space<hbm>>)
    %dma_wait3A_673 = arith.constant 17 : i32
    %dma_wait3A_674 = arith.constant 0 : i32
    %dma_wait3A_675 = tpu.memref_slice %arg9[%dma_wait3A_673, %dma_wait3A_674] : memref<24x64xi32, #tpu.memory_space<vmem>> -> memref<1x64xi32, #tpu.memory_space<vmem>>
    %dma_wait3A_676 = tpu.memref_squeeze %dma_wait3A_675 : memref<1x64xi32, #tpu.memory_space<vmem>> -> memref<64xi32, #tpu.memory_space<vmem>>
    %dma_wait3A_677 = arith.constant 1088 : i32
    %dma_wait3A_678 = tpu.memref_slice %arg8[%dma_wait3A_677] : memref<1536xi32, #tpu.memory_space<vmem>> -> memref<64xi32, #tpu.memory_space<vmem>>
    %dma_wait3A_679 = arith.constant 0 : i32
    %dma_wait3A_680 = tpu.memref_slice %arg3[%dma_wait3A_679] : memref<16384xi32, #tpu.memory_space<hbm>> -> memref<16384xi32, #tpu.memory_space<hbm>>
    tpu.wait_indirect_dma semaphore(%arg22 : memref<!tpu.dma_semaphore, #tpu.memory_space<semaphore_mem>>) src(%dma_wait3A_680 : memref<16384xi32, #tpu.memory_space<hbm>>) dst(%dma_wait3A_676 : memref<64xi32, #tpu.memory_space<vmem>>)
    %dma_start3A_681 = arith.constant 17 : i32
    %dma_start3A_682 = arith.constant 0 : i32
    %dma_start3A_683 = tpu.memref_slice %arg9[%dma_start3A_681, %dma_start3A_682] : memref<24x64xi32, #tpu.memory_space<vmem>> -> memref<1x64xi32, #tpu.memory_space<vmem>>
    %dma_start3A_684 = tpu.memref_squeeze %dma_start3A_683 : memref<1x64xi32, #tpu.memory_space<vmem>> -> memref<64xi32, #tpu.memory_space<vmem>>
    %dma_start3A_685 = arith.constant 0 : i32
    %dma_start3A_686 = arith.constant 0 : i32
    %dma_start3A_687 = tpu.memref_slice %arg2[%dma_start3A_685, %dma_start3A_686] : memref<10000x512xf32, #tpu.memory_space<hbm>> -> memref<10000x512xf32, #tpu.memory_space<hbm>>
    tpu.enqueue_indirect_dma source(%dma_start3A_687 : memref<10000x512xf32, #tpu.memory_space<hbm>>) target(%arg13 : memref<64x512xf32, #tpu.memory_space<vmem>>) offsets(%dma_start3A_684 : memref<64xi32, #tpu.memory_space<vmem>>) semaphore(%arg16 : memref<!tpu.dma_semaphore, #tpu.memory_space<semaphore_mem>>)
    %dma_wait3A_688 = arith.constant 15 : i32
    %dma_wait3A_689 = arith.constant 0 : i32
    %dma_wait3A_690 = tpu.memref_slice %arg9[%dma_wait3A_688, %dma_wait3A_689] : memref<24x64xi32, #tpu.memory_space<vmem>> -> memref<1x64xi32, #tpu.memory_space<vmem>>
    %dma_wait3A_691 = tpu.memref_squeeze %dma_wait3A_690 : memref<1x64xi32, #tpu.memory_space<vmem>> -> memref<64xi32, #tpu.memory_space<vmem>>
    %dma_wait3A_692 = arith.constant 0 : i32
    %dma_wait3A_693 = arith.constant 0 : i32
    %dma_wait3A_694 = tpu.memref_slice %arg2[%dma_wait3A_692, %dma_wait3A_693] : memref<10000x512xf32, #tpu.memory_space<hbm>> -> memref<10000x512xf32, #tpu.memory_space<hbm>>
    tpu.wait_indirect_dma semaphore(%arg14 : memref<!tpu.dma_semaphore, #tpu.memory_space<semaphore_mem>>) src(%dma_wait3A_694 : memref<10000x512xf32, #tpu.memory_space<hbm>>) dst(%arg11 : memref<64x512xf32, #tpu.memory_space<vmem>>)
    %add3A_695 = arith.constant 960 : i32
    %add3A_696 = arith.addi %mul3A_2, %add3A_695 : i32
    %dma_start3A_697 = arith.constant 0 : i32
    %dma_start3A_698 = tpu.memref_slice %arg6[%add3A_696, %dma_start3A_697] : memref<49152x512xf32, #tpu.memory_space<hbm>> -> memref<64x512xf32, #tpu.memory_space<hbm>>
    %dma_start3A_699 = arith.constant 0 : i32
    %dma_start3A_700 = tpu.memref_slice %arg6[%add3A_696, %dma_start3A_699] : memref<49152x512xf32, #tpu.memory_space<hbm>> -> memref<64x512xf32, #tpu.memory_space<hbm>>
    tpu.enqueue_dma source(%arg11 : memref<64x512xf32, #tpu.memory_space<vmem>>) target(%dma_start3A_700 : memref<64x512xf32, #tpu.memory_space<hbm>>) target_semaphore(%arg17 : memref<!tpu.dma_semaphore, #tpu.memory_space<semaphore_mem>>)
    %dma_start3A_701 = arith.constant 19 : i32
    %dma_start3A_702 = arith.constant 0 : i32
    %dma_start3A_703 = tpu.memref_slice %arg9[%dma_start3A_701, %dma_start3A_702] : memref<24x64xi32, #tpu.memory_space<vmem>> -> memref<1x64xi32, #tpu.memory_space<vmem>>
    %dma_start3A_704 = tpu.memref_squeeze %dma_start3A_703 : memref<1x64xi32, #tpu.memory_space<vmem>> -> memref<64xi32, #tpu.memory_space<vmem>>
    %dma_start3A_705 = arith.constant 1216 : i32
    %dma_start3A_706 = tpu.memref_slice %arg8[%dma_start3A_705] : memref<1536xi32, #tpu.memory_space<vmem>> -> memref<64xi32, #tpu.memory_space<vmem>>
    %dma_start3A_707 = arith.constant 0 : i32
    %dma_start3A_708 = tpu.memref_slice %arg3[%dma_start3A_707] : memref<16384xi32, #tpu.memory_space<hbm>> -> memref<16384xi32, #tpu.memory_space<hbm>>
    tpu.enqueue_indirect_dma source(%dma_start3A_708 : memref<16384xi32, #tpu.memory_space<hbm>>) target(%dma_start3A_704 : memref<64xi32, #tpu.memory_space<vmem>>) offsets(%dma_start3A_706 : memref<64xi32, #tpu.memory_space<vmem>>) semaphore(%arg21 : memref<!tpu.dma_semaphore, #tpu.memory_space<semaphore_mem>>)
    %dma_wait3A_709 = arith.constant 0 : i32
    %dma_wait3A_710 = tpu.memref_slice %arg6[%add3A_696, %dma_wait3A_709] : memref<49152x512xf32, #tpu.memory_space<hbm>> -> memref<64x512xf32, #tpu.memory_space<hbm>>
    %dma_wait3A_711 = arith.constant 0 : i32
    %dma_wait3A_712 = tpu.memref_slice %arg6[%add3A_696, %dma_wait3A_711] : memref<49152x512xf32, #tpu.memory_space<hbm>> -> memref<64x512xf32, #tpu.memory_space<hbm>>
    tpu.wait_dma2 semaphore(%arg17 : memref<!tpu.dma_semaphore, #tpu.memory_space<semaphore_mem>>) src(%arg11 : memref<64x512xf32, #tpu.memory_space<vmem>>) dst(%dma_wait3A_712 : memref<64x512xf32, #tpu.memory_space<hbm>>)
    %dma_wait3A_713 = arith.constant 18 : i32
    %dma_wait3A_714 = arith.constant 0 : i32
    %dma_wait3A_715 = tpu.memref_slice %arg9[%dma_wait3A_713, %dma_wait3A_714] : memref<24x64xi32, #tpu.memory_space<vmem>> -> memref<1x64xi32, #tpu.memory_space<vmem>>
    %dma_wait3A_716 = tpu.memref_squeeze %dma_wait3A_715 : memref<1x64xi32, #tpu.memory_space<vmem>> -> memref<64xi32, #tpu.memory_space<vmem>>
    %dma_wait3A_717 = arith.constant 1152 : i32
    %dma_wait3A_718 = tpu.memref_slice %arg8[%dma_wait3A_717] : memref<1536xi32, #tpu.memory_space<vmem>> -> memref<64xi32, #tpu.memory_space<vmem>>
    %dma_wait3A_719 = arith.constant 0 : i32
    %dma_wait3A_720 = tpu.memref_slice %arg3[%dma_wait3A_719] : memref<16384xi32, #tpu.memory_space<hbm>> -> memref<16384xi32, #tpu.memory_space<hbm>>
    tpu.wait_indirect_dma semaphore(%arg20 : memref<!tpu.dma_semaphore, #tpu.memory_space<semaphore_mem>>) src(%dma_wait3A_720 : memref<16384xi32, #tpu.memory_space<hbm>>) dst(%dma_wait3A_716 : memref<64xi32, #tpu.memory_space<vmem>>)
    %dma_start3A_721 = arith.constant 18 : i32
    %dma_start3A_722 = arith.constant 0 : i32
    %dma_start3A_723 = tpu.memref_slice %arg9[%dma_start3A_721, %dma_start3A_722] : memref<24x64xi32, #tpu.memory_space<vmem>> -> memref<1x64xi32, #tpu.memory_space<vmem>>
    %dma_start3A_724 = tpu.memref_squeeze %dma_start3A_723 : memref<1x64xi32, #tpu.memory_space<vmem>> -> memref<64xi32, #tpu.memory_space<vmem>>
    %dma_start3A_725 = arith.constant 0 : i32
    %dma_start3A_726 = arith.constant 0 : i32
    %dma_start3A_727 = tpu.memref_slice %arg2[%dma_start3A_725, %dma_start3A_726] : memref<10000x512xf32, #tpu.memory_space<hbm>> -> memref<10000x512xf32, #tpu.memory_space<hbm>>
    tpu.enqueue_indirect_dma source(%dma_start3A_727 : memref<10000x512xf32, #tpu.memory_space<hbm>>) target(%arg11 : memref<64x512xf32, #tpu.memory_space<vmem>>) offsets(%dma_start3A_724 : memref<64xi32, #tpu.memory_space<vmem>>) semaphore(%arg14 : memref<!tpu.dma_semaphore, #tpu.memory_space<semaphore_mem>>)
    %dma_wait3A_728 = arith.constant 16 : i32
    %dma_wait3A_729 = arith.constant 0 : i32
    %dma_wait3A_730 = tpu.memref_slice %arg9[%dma_wait3A_728, %dma_wait3A_729] : memref<24x64xi32, #tpu.memory_space<vmem>> -> memref<1x64xi32, #tpu.memory_space<vmem>>
    %dma_wait3A_731 = tpu.memref_squeeze %dma_wait3A_730 : memref<1x64xi32, #tpu.memory_space<vmem>> -> memref<64xi32, #tpu.memory_space<vmem>>
    %dma_wait3A_732 = arith.constant 0 : i32
    %dma_wait3A_733 = arith.constant 0 : i32
    %dma_wait3A_734 = tpu.memref_slice %arg2[%dma_wait3A_732, %dma_wait3A_733] : memref<10000x512xf32, #tpu.memory_space<hbm>> -> memref<10000x512xf32, #tpu.memory_space<hbm>>
    tpu.wait_indirect_dma semaphore(%arg15 : memref<!tpu.dma_semaphore, #tpu.memory_space<semaphore_mem>>) src(%dma_wait3A_734 : memref<10000x512xf32, #tpu.memory_space<hbm>>) dst(%arg12 : memref<64x512xf32, #tpu.memory_space<vmem>>)
    %add3A_735 = arith.constant 1024 : i32
    %add3A_736 = arith.addi %mul3A_2, %add3A_735 : i32
    %dma_start3A_737 = arith.constant 0 : i32
    %dma_start3A_738 = tpu.memref_slice %arg6[%add3A_736, %dma_start3A_737] : memref<49152x512xf32, #tpu.memory_space<hbm>> -> memref<64x512xf32, #tpu.memory_space<hbm>>
    %dma_start3A_739 = arith.constant 0 : i32
    %dma_start3A_740 = tpu.memref_slice %arg6[%add3A_736, %dma_start3A_739] : memref<49152x512xf32, #tpu.memory_space<hbm>> -> memref<64x512xf32, #tpu.memory_space<hbm>>
    tpu.enqueue_dma source(%arg12 : memref<64x512xf32, #tpu.memory_space<vmem>>) target(%dma_start3A_740 : memref<64x512xf32, #tpu.memory_space<hbm>>) target_semaphore(%arg18 : memref<!tpu.dma_semaphore, #tpu.memory_space<semaphore_mem>>)
    %dma_start3A_741 = arith.constant 20 : i32
    %dma_start3A_742 = arith.constant 0 : i32
    %dma_start3A_743 = tpu.memref_slice %arg9[%dma_start3A_741, %dma_start3A_742] : memref<24x64xi32, #tpu.memory_space<vmem>> -> memref<1x64xi32, #tpu.memory_space<vmem>>
    %dma_start3A_744 = tpu.memref_squeeze %dma_start3A_743 : memref<1x64xi32, #tpu.memory_space<vmem>> -> memref<64xi32, #tpu.memory_space<vmem>>
    %dma_start3A_745 = arith.constant 1280 : i32
    %dma_start3A_746 = tpu.memref_slice %arg8[%dma_start3A_745] : memref<1536xi32, #tpu.memory_space<vmem>> -> memref<64xi32, #tpu.memory_space<vmem>>
    %dma_start3A_747 = arith.constant 0 : i32
    %dma_start3A_748 = tpu.memref_slice %arg3[%dma_start3A_747] : memref<16384xi32, #tpu.memory_space<hbm>> -> memref<16384xi32, #tpu.memory_space<hbm>>
    tpu.enqueue_indirect_dma source(%dma_start3A_748 : memref<16384xi32, #tpu.memory_space<hbm>>) target(%dma_start3A_744 : memref<64xi32, #tpu.memory_space<vmem>>) offsets(%dma_start3A_746 : memref<64xi32, #tpu.memory_space<vmem>>) semaphore(%arg22 : memref<!tpu.dma_semaphore, #tpu.memory_space<semaphore_mem>>)
    %dma_wait3A_749 = arith.constant 0 : i32
    %dma_wait3A_750 = tpu.memref_slice %arg6[%add3A_736, %dma_wait3A_749] : memref<49152x512xf32, #tpu.memory_space<hbm>> -> memref<64x512xf32, #tpu.memory_space<hbm>>
    %dma_wait3A_751 = arith.constant 0 : i32
    %dma_wait3A_752 = tpu.memref_slice %arg6[%add3A_736, %dma_wait3A_751] : memref<49152x512xf32, #tpu.memory_space<hbm>> -> memref<64x512xf32, #tpu.memory_space<hbm>>
    tpu.wait_dma2 semaphore(%arg18 : memref<!tpu.dma_semaphore, #tpu.memory_space<semaphore_mem>>) src(%arg12 : memref<64x512xf32, #tpu.memory_space<vmem>>) dst(%dma_wait3A_752 : memref<64x512xf32, #tpu.memory_space<hbm>>)
    %dma_wait3A_753 = arith.constant 19 : i32
    %dma_wait3A_754 = arith.constant 0 : i32
    %dma_wait3A_755 = tpu.memref_slice %arg9[%dma_wait3A_753, %dma_wait3A_754] : memref<24x64xi32, #tpu.memory_space<vmem>> -> memref<1x64xi32, #tpu.memory_space<vmem>>
    %dma_wait3A_756 = tpu.memref_squeeze %dma_wait3A_755 : memref<1x64xi32, #tpu.memory_space<vmem>> -> memref<64xi32, #tpu.memory_space<vmem>>
    %dma_wait3A_757 = arith.constant 1216 : i32
    %dma_wait3A_758 = tpu.memref_slice %arg8[%dma_wait3A_757] : memref<1536xi32, #tpu.memory_space<vmem>> -> memref<64xi32, #tpu.memory_space<vmem>>
    %dma_wait3A_759 = arith.constant 0 : i32
    %dma_wait3A_760 = tpu.memref_slice %arg3[%dma_wait3A_759] : memref<16384xi32, #tpu.memory_space<hbm>> -> memref<16384xi32, #tpu.memory_space<hbm>>
    tpu.wait_indirect_dma semaphore(%arg21 : memref<!tpu.dma_semaphore, #tpu.memory_space<semaphore_mem>>) src(%dma_wait3A_760 : memref<16384xi32, #tpu.memory_space<hbm>>) dst(%dma_wait3A_756 : memref<64xi32, #tpu.memory_space<vmem>>)
    %dma_start3A_761 = arith.constant 19 : i32
    %dma_start3A_762 = arith.constant 0 : i32
    %dma_start3A_763 = tpu.memref_slice %arg9[%dma_start3A_761, %dma_start3A_762] : memref<24x64xi32, #tpu.memory_space<vmem>> -> memref<1x64xi32, #tpu.memory_space<vmem>>
    %dma_start3A_764 = tpu.memref_squeeze %dma_start3A_763 : memref<1x64xi32, #tpu.memory_space<vmem>> -> memref<64xi32, #tpu.memory_space<vmem>>
    %dma_start3A_765 = arith.constant 0 : i32
    %dma_start3A_766 = arith.constant 0 : i32
    %dma_start3A_767 = tpu.memref_slice %arg2[%dma_start3A_765, %dma_start3A_766] : memref<10000x512xf32, #tpu.memory_space<hbm>> -> memref<10000x512xf32, #tpu.memory_space<hbm>>
    tpu.enqueue_indirect_dma source(%dma_start3A_767 : memref<10000x512xf32, #tpu.memory_space<hbm>>) target(%arg12 : memref<64x512xf32, #tpu.memory_space<vmem>>) offsets(%dma_start3A_764 : memref<64xi32, #tpu.memory_space<vmem>>) semaphore(%arg15 : memref<!tpu.dma_semaphore, #tpu.memory_space<semaphore_mem>>)
    %dma_wait3A_768 = arith.constant 17 : i32
    %dma_wait3A_769 = arith.constant 0 : i32
    %dma_wait3A_770 = tpu.memref_slice %arg9[%dma_wait3A_768, %dma_wait3A_769] : memref<24x64xi32, #tpu.memory_space<vmem>> -> memref<1x64xi32, #tpu.memory_space<vmem>>
    %dma_wait3A_771 = tpu.memref_squeeze %dma_wait3A_770 : memref<1x64xi32, #tpu.memory_space<vmem>> -> memref<64xi32, #tpu.memory_space<vmem>>
    %dma_wait3A_772 = arith.constant 0 : i32
    %dma_wait3A_773 = arith.constant 0 : i32
    %dma_wait3A_774 = tpu.memref_slice %arg2[%dma_wait3A_772, %dma_wait3A_773] : memref<10000x512xf32, #tpu.memory_space<hbm>> -> memref<10000x512xf32, #tpu.memory_space<hbm>>
    tpu.wait_indirect_dma semaphore(%arg16 : memref<!tpu.dma_semaphore, #tpu.memory_space<semaphore_mem>>) src(%dma_wait3A_774 : memref<10000x512xf32, #tpu.memory_space<hbm>>) dst(%arg13 : memref<64x512xf32, #tpu.memory_space<vmem>>)
    %add3A_775 = arith.constant 1088 : i32
    %add3A_776 = arith.addi %mul3A_2, %add3A_775 : i32
    %dma_start3A_777 = arith.constant 0 : i32
    %dma_start3A_778 = tpu.memref_slice %arg6[%add3A_776, %dma_start3A_777] : memref<49152x512xf32, #tpu.memory_space<hbm>> -> memref<64x512xf32, #tpu.memory_space<hbm>>
    %dma_start3A_779 = arith.constant 0 : i32
    %dma_start3A_780 = tpu.memref_slice %arg6[%add3A_776, %dma_start3A_779] : memref<49152x512xf32, #tpu.memory_space<hbm>> -> memref<64x512xf32, #tpu.memory_space<hbm>>
    tpu.enqueue_dma source(%arg13 : memref<64x512xf32, #tpu.memory_space<vmem>>) target(%dma_start3A_780 : memref<64x512xf32, #tpu.memory_space<hbm>>) target_semaphore(%arg19 : memref<!tpu.dma_semaphore, #tpu.memory_space<semaphore_mem>>)
    %dma_start3A_781 = arith.constant 21 : i32
    %dma_start3A_782 = arith.constant 0 : i32
    %dma_start3A_783 = tpu.memref_slice %arg9[%dma_start3A_781, %dma_start3A_782] : memref<24x64xi32, #tpu.memory_space<vmem>> -> memref<1x64xi32, #tpu.memory_space<vmem>>
    %dma_start3A_784 = tpu.memref_squeeze %dma_start3A_783 : memref<1x64xi32, #tpu.memory_space<vmem>> -> memref<64xi32, #tpu.memory_space<vmem>>
    %dma_start3A_785 = arith.constant 1344 : i32
    %dma_start3A_786 = tpu.memref_slice %arg8[%dma_start3A_785] : memref<1536xi32, #tpu.memory_space<vmem>> -> memref<64xi32, #tpu.memory_space<vmem>>
    %dma_start3A_787 = arith.constant 0 : i32
    %dma_start3A_788 = tpu.memref_slice %arg3[%dma_start3A_787] : memref<16384xi32, #tpu.memory_space<hbm>> -> memref<16384xi32, #tpu.memory_space<hbm>>
    tpu.enqueue_indirect_dma source(%dma_start3A_788 : memref<16384xi32, #tpu.memory_space<hbm>>) target(%dma_start3A_784 : memref<64xi32, #tpu.memory_space<vmem>>) offsets(%dma_start3A_786 : memref<64xi32, #tpu.memory_space<vmem>>) semaphore(%arg20 : memref<!tpu.dma_semaphore, #tpu.memory_space<semaphore_mem>>)
    %dma_wait3A_789 = arith.constant 0 : i32
    %dma_wait3A_790 = tpu.memref_slice %arg6[%add3A_776, %dma_wait3A_789] : memref<49152x512xf32, #tpu.memory_space<hbm>> -> memref<64x512xf32, #tpu.memory_space<hbm>>
    %dma_wait3A_791 = arith.constant 0 : i32
    %dma_wait3A_792 = tpu.memref_slice %arg6[%add3A_776, %dma_wait3A_791] : memref<49152x512xf32, #tpu.memory_space<hbm>> -> memref<64x512xf32, #tpu.memory_space<hbm>>
    tpu.wait_dma2 semaphore(%arg19 : memref<!tpu.dma_semaphore, #tpu.memory_space<semaphore_mem>>) src(%arg13 : memref<64x512xf32, #tpu.memory_space<vmem>>) dst(%dma_wait3A_792 : memref<64x512xf32, #tpu.memory_space<hbm>>)
    %dma_wait3A_793 = arith.constant 20 : i32
    %dma_wait3A_794 = arith.constant 0 : i32
    %dma_wait3A_795 = tpu.memref_slice %arg9[%dma_wait3A_793, %dma_wait3A_794] : memref<24x64xi32, #tpu.memory_space<vmem>> -> memref<1x64xi32, #tpu.memory_space<vmem>>
    %dma_wait3A_796 = tpu.memref_squeeze %dma_wait3A_795 : memref<1x64xi32, #tpu.memory_space<vmem>> -> memref<64xi32, #tpu.memory_space<vmem>>
    %dma_wait3A_797 = arith.constant 1280 : i32
    %dma_wait3A_798 = tpu.memref_slice %arg8[%dma_wait3A_797] : memref<1536xi32, #tpu.memory_space<vmem>> -> memref<64xi32, #tpu.memory_space<vmem>>
    %dma_wait3A_799 = arith.constant 0 : i32
    %dma_wait3A_800 = tpu.memref_slice %arg3[%dma_wait3A_799] : memref<16384xi32, #tpu.memory_space<hbm>> -> memref<16384xi32, #tpu.memory_space<hbm>>
    tpu.wait_indirect_dma semaphore(%arg22 : memref<!tpu.dma_semaphore, #tpu.memory_space<semaphore_mem>>) src(%dma_wait3A_800 : memref<16384xi32, #tpu.memory_space<hbm>>) dst(%dma_wait3A_796 : memref<64xi32, #tpu.memory_space<vmem>>)
    %dma_start3A_801 = arith.constant 20 : i32
    %dma_start3A_802 = arith.constant 0 : i32
    %dma_start3A_803 = tpu.memref_slice %arg9[%dma_start3A_801, %dma_start3A_802] : memref<24x64xi32, #tpu.memory_space<vmem>> -> memref<1x64xi32, #tpu.memory_space<vmem>>
    %dma_start3A_804 = tpu.memref_squeeze %dma_start3A_803 : memref<1x64xi32, #tpu.memory_space<vmem>> -> memref<64xi32, #tpu.memory_space<vmem>>
    %dma_start3A_805 = arith.constant 0 : i32
    %dma_start3A_806 = arith.constant 0 : i32
    %dma_start3A_807 = tpu.memref_slice %arg2[%dma_start3A_805, %dma_start3A_806] : memref<10000x512xf32, #tpu.memory_space<hbm>> -> memref<10000x512xf32, #tpu.memory_space<hbm>>
    tpu.enqueue_indirect_dma source(%dma_start3A_807 : memref<10000x512xf32, #tpu.memory_space<hbm>>) target(%arg13 : memref<64x512xf32, #tpu.memory_space<vmem>>) offsets(%dma_start3A_804 : memref<64xi32, #tpu.memory_space<vmem>>) semaphore(%arg16 : memref<!tpu.dma_semaphore, #tpu.memory_space<semaphore_mem>>)
    %dma_wait3A_808 = arith.constant 18 : i32
    %dma_wait3A_809 = arith.constant 0 : i32
    %dma_wait3A_810 = tpu.memref_slice %arg9[%dma_wait3A_808, %dma_wait3A_809] : memref<24x64xi32, #tpu.memory_space<vmem>> -> memref<1x64xi32, #tpu.memory_space<vmem>>
    %dma_wait3A_811 = tpu.memref_squeeze %dma_wait3A_810 : memref<1x64xi32, #tpu.memory_space<vmem>> -> memref<64xi32, #tpu.memory_space<vmem>>
    %dma_wait3A_812 = arith.constant 0 : i32
    %dma_wait3A_813 = arith.constant 0 : i32
    %dma_wait3A_814 = tpu.memref_slice %arg2[%dma_wait3A_812, %dma_wait3A_813] : memref<10000x512xf32, #tpu.memory_space<hbm>> -> memref<10000x512xf32, #tpu.memory_space<hbm>>
    tpu.wait_indirect_dma semaphore(%arg14 : memref<!tpu.dma_semaphore, #tpu.memory_space<semaphore_mem>>) src(%dma_wait3A_814 : memref<10000x512xf32, #tpu.memory_space<hbm>>) dst(%arg11 : memref<64x512xf32, #tpu.memory_space<vmem>>)
    %add3A_815 = arith.constant 1152 : i32
    %add3A_816 = arith.addi %mul3A_2, %add3A_815 : i32
    %dma_start3A_817 = arith.constant 0 : i32
    %dma_start3A_818 = tpu.memref_slice %arg6[%add3A_816, %dma_start3A_817] : memref<49152x512xf32, #tpu.memory_space<hbm>> -> memref<64x512xf32, #tpu.memory_space<hbm>>
    %dma_start3A_819 = arith.constant 0 : i32
    %dma_start3A_820 = tpu.memref_slice %arg6[%add3A_816, %dma_start3A_819] : memref<49152x512xf32, #tpu.memory_space<hbm>> -> memref<64x512xf32, #tpu.memory_space<hbm>>
    tpu.enqueue_dma source(%arg11 : memref<64x512xf32, #tpu.memory_space<vmem>>) target(%dma_start3A_820 : memref<64x512xf32, #tpu.memory_space<hbm>>) target_semaphore(%arg17 : memref<!tpu.dma_semaphore, #tpu.memory_space<semaphore_mem>>)
    %dma_start3A_821 = arith.constant 22 : i32
    %dma_start3A_822 = arith.constant 0 : i32
    %dma_start3A_823 = tpu.memref_slice %arg9[%dma_start3A_821, %dma_start3A_822] : memref<24x64xi32, #tpu.memory_space<vmem>> -> memref<1x64xi32, #tpu.memory_space<vmem>>
    %dma_start3A_824 = tpu.memref_squeeze %dma_start3A_823 : memref<1x64xi32, #tpu.memory_space<vmem>> -> memref<64xi32, #tpu.memory_space<vmem>>
    %dma_start3A_825 = arith.constant 1408 : i32
    %dma_start3A_826 = tpu.memref_slice %arg8[%dma_start3A_825] : memref<1536xi32, #tpu.memory_space<vmem>> -> memref<64xi32, #tpu.memory_space<vmem>>
    %dma_start3A_827 = arith.constant 0 : i32
    %dma_start3A_828 = tpu.memref_slice %arg3[%dma_start3A_827] : memref<16384xi32, #tpu.memory_space<hbm>> -> memref<16384xi32, #tpu.memory_space<hbm>>
    tpu.enqueue_indirect_dma source(%dma_start3A_828 : memref<16384xi32, #tpu.memory_space<hbm>>) target(%dma_start3A_824 : memref<64xi32, #tpu.memory_space<vmem>>) offsets(%dma_start3A_826 : memref<64xi32, #tpu.memory_space<vmem>>) semaphore(%arg21 : memref<!tpu.dma_semaphore, #tpu.memory_space<semaphore_mem>>)
    %dma_wait3A_829 = arith.constant 0 : i32
    %dma_wait3A_830 = tpu.memref_slice %arg6[%add3A_816, %dma_wait3A_829] : memref<49152x512xf32, #tpu.memory_space<hbm>> -> memref<64x512xf32, #tpu.memory_space<hbm>>
    %dma_wait3A_831 = arith.constant 0 : i32
    %dma_wait3A_832 = tpu.memref_slice %arg6[%add3A_816, %dma_wait3A_831] : memref<49152x512xf32, #tpu.memory_space<hbm>> -> memref<64x512xf32, #tpu.memory_space<hbm>>
    tpu.wait_dma2 semaphore(%arg17 : memref<!tpu.dma_semaphore, #tpu.memory_space<semaphore_mem>>) src(%arg11 : memref<64x512xf32, #tpu.memory_space<vmem>>) dst(%dma_wait3A_832 : memref<64x512xf32, #tpu.memory_space<hbm>>)
    %dma_wait3A_833 = arith.constant 21 : i32
    %dma_wait3A_834 = arith.constant 0 : i32
    %dma_wait3A_835 = tpu.memref_slice %arg9[%dma_wait3A_833, %dma_wait3A_834] : memref<24x64xi32, #tpu.memory_space<vmem>> -> memref<1x64xi32, #tpu.memory_space<vmem>>
    %dma_wait3A_836 = tpu.memref_squeeze %dma_wait3A_835 : memref<1x64xi32, #tpu.memory_space<vmem>> -> memref<64xi32, #tpu.memory_space<vmem>>
    %dma_wait3A_837 = arith.constant 1344 : i32
    %dma_wait3A_838 = tpu.memref_slice %arg8[%dma_wait3A_837] : memref<1536xi32, #tpu.memory_space<vmem>> -> memref<64xi32, #tpu.memory_space<vmem>>
    %dma_wait3A_839 = arith.constant 0 : i32
    %dma_wait3A_840 = tpu.memref_slice %arg3[%dma_wait3A_839] : memref<16384xi32, #tpu.memory_space<hbm>> -> memref<16384xi32, #tpu.memory_space<hbm>>
    tpu.wait_indirect_dma semaphore(%arg20 : memref<!tpu.dma_semaphore, #tpu.memory_space<semaphore_mem>>) src(%dma_wait3A_840 : memref<16384xi32, #tpu.memory_space<hbm>>) dst(%dma_wait3A_836 : memref<64xi32, #tpu.memory_space<vmem>>)
    %dma_start3A_841 = arith.constant 21 : i32
    %dma_start3A_842 = arith.constant 0 : i32
    %dma_start3A_843 = tpu.memref_slice %arg9[%dma_start3A_841, %dma_start3A_842] : memref<24x64xi32, #tpu.memory_space<vmem>> -> memref<1x64xi32, #tpu.memory_space<vmem>>
    %dma_start3A_844 = tpu.memref_squeeze %dma_start3A_843 : memref<1x64xi32, #tpu.memory_space<vmem>> -> memref<64xi32, #tpu.memory_space<vmem>>
    %dma_start3A_845 = arith.constant 0 : i32
    %dma_start3A_846 = arith.constant 0 : i32
    %dma_start3A_847 = tpu.memref_slice %arg2[%dma_start3A_845, %dma_start3A_846] : memref<10000x512xf32, #tpu.memory_space<hbm>> -> memref<10000x512xf32, #tpu.memory_space<hbm>>
    tpu.enqueue_indirect_dma source(%dma_start3A_847 : memref<10000x512xf32, #tpu.memory_space<hbm>>) target(%arg11 : memref<64x512xf32, #tpu.memory_space<vmem>>) offsets(%dma_start3A_844 : memref<64xi32, #tpu.memory_space<vmem>>) semaphore(%arg14 : memref<!tpu.dma_semaphore, #tpu.memory_space<semaphore_mem>>)
    %dma_wait3A_848 = arith.constant 19 : i32
    %dma_wait3A_849 = arith.constant 0 : i32
    %dma_wait3A_850 = tpu.memref_slice %arg9[%dma_wait3A_848, %dma_wait3A_849] : memref<24x64xi32, #tpu.memory_space<vmem>> -> memref<1x64xi32, #tpu.memory_space<vmem>>
    %dma_wait3A_851 = tpu.memref_squeeze %dma_wait3A_850 : memref<1x64xi32, #tpu.memory_space<vmem>> -> memref<64xi32, #tpu.memory_space<vmem>>
    %dma_wait3A_852 = arith.constant 0 : i32
    %dma_wait3A_853 = arith.constant 0 : i32
    %dma_wait3A_854 = tpu.memref_slice %arg2[%dma_wait3A_852, %dma_wait3A_853] : memref<10000x512xf32, #tpu.memory_space<hbm>> -> memref<10000x512xf32, #tpu.memory_space<hbm>>
    tpu.wait_indirect_dma semaphore(%arg15 : memref<!tpu.dma_semaphore, #tpu.memory_space<semaphore_mem>>) src(%dma_wait3A_854 : memref<10000x512xf32, #tpu.memory_space<hbm>>) dst(%arg12 : memref<64x512xf32, #tpu.memory_space<vmem>>)
    %add3A_855 = arith.constant 1216 : i32
    %add3A_856 = arith.addi %mul3A_2, %add3A_855 : i32
    %dma_start3A_857 = arith.constant 0 : i32
    %dma_start3A_858 = tpu.memref_slice %arg6[%add3A_856, %dma_start3A_857] : memref<49152x512xf32, #tpu.memory_space<hbm>> -> memref<64x512xf32, #tpu.memory_space<hbm>>
    %dma_start3A_859 = arith.constant 0 : i32
    %dma_start3A_860 = tpu.memref_slice %arg6[%add3A_856, %dma_start3A_859] : memref<49152x512xf32, #tpu.memory_space<hbm>> -> memref<64x512xf32, #tpu.memory_space<hbm>>
    tpu.enqueue_dma source(%arg12 : memref<64x512xf32, #tpu.memory_space<vmem>>) target(%dma_start3A_860 : memref<64x512xf32, #tpu.memory_space<hbm>>) target_semaphore(%arg18 : memref<!tpu.dma_semaphore, #tpu.memory_space<semaphore_mem>>)
    %dma_start3A_861 = arith.constant 23 : i32
    %dma_start3A_862 = arith.constant 0 : i32
    %dma_start3A_863 = tpu.memref_slice %arg9[%dma_start3A_861, %dma_start3A_862] : memref<24x64xi32, #tpu.memory_space<vmem>> -> memref<1x64xi32, #tpu.memory_space<vmem>>
    %dma_start3A_864 = tpu.memref_squeeze %dma_start3A_863 : memref<1x64xi32, #tpu.memory_space<vmem>> -> memref<64xi32, #tpu.memory_space<vmem>>
    %dma_start3A_865 = arith.constant 1472 : i32
    %dma_start3A_866 = tpu.memref_slice %arg8[%dma_start3A_865] : memref<1536xi32, #tpu.memory_space<vmem>> -> memref<64xi32, #tpu.memory_space<vmem>>
    %dma_start3A_867 = arith.constant 0 : i32
    %dma_start3A_868 = tpu.memref_slice %arg3[%dma_start3A_867] : memref<16384xi32, #tpu.memory_space<hbm>> -> memref<16384xi32, #tpu.memory_space<hbm>>
    tpu.enqueue_indirect_dma source(%dma_start3A_868 : memref<16384xi32, #tpu.memory_space<hbm>>) target(%dma_start3A_864 : memref<64xi32, #tpu.memory_space<vmem>>) offsets(%dma_start3A_866 : memref<64xi32, #tpu.memory_space<vmem>>) semaphore(%arg22 : memref<!tpu.dma_semaphore, #tpu.memory_space<semaphore_mem>>)
    %dma_wait3A_869 = arith.constant 0 : i32
    %dma_wait3A_870 = tpu.memref_slice %arg6[%add3A_856, %dma_wait3A_869] : memref<49152x512xf32, #tpu.memory_space<hbm>> -> memref<64x512xf32, #tpu.memory_space<hbm>>
    %dma_wait3A_871 = arith.constant 0 : i32
    %dma_wait3A_872 = tpu.memref_slice %arg6[%add3A_856, %dma_wait3A_871] : memref<49152x512xf32, #tpu.memory_space<hbm>> -> memref<64x512xf32, #tpu.memory_space<hbm>>
    tpu.wait_dma2 semaphore(%arg18 : memref<!tpu.dma_semaphore, #tpu.memory_space<semaphore_mem>>) src(%arg12 : memref<64x512xf32, #tpu.memory_space<vmem>>) dst(%dma_wait3A_872 : memref<64x512xf32, #tpu.memory_space<hbm>>)
    %dma_wait3A_873 = arith.constant 22 : i32
    %dma_wait3A_874 = arith.constant 0 : i32
    %dma_wait3A_875 = tpu.memref_slice %arg9[%dma_wait3A_873, %dma_wait3A_874] : memref<24x64xi32, #tpu.memory_space<vmem>> -> memref<1x64xi32, #tpu.memory_space<vmem>>
    %dma_wait3A_876 = tpu.memref_squeeze %dma_wait3A_875 : memref<1x64xi32, #tpu.memory_space<vmem>> -> memref<64xi32, #tpu.memory_space<vmem>>
    %dma_wait3A_877 = arith.constant 1408 : i32
    %dma_wait3A_878 = tpu.memref_slice %arg8[%dma_wait3A_877] : memref<1536xi32, #tpu.memory_space<vmem>> -> memref<64xi32, #tpu.memory_space<vmem>>
    %dma_wait3A_879 = arith.constant 0 : i32
    %dma_wait3A_880 = tpu.memref_slice %arg3[%dma_wait3A_879] : memref<16384xi32, #tpu.memory_space<hbm>> -> memref<16384xi32, #tpu.memory_space<hbm>>
    tpu.wait_indirect_dma semaphore(%arg21 : memref<!tpu.dma_semaphore, #tpu.memory_space<semaphore_mem>>) src(%dma_wait3A_880 : memref<16384xi32, #tpu.memory_space<hbm>>) dst(%dma_wait3A_876 : memref<64xi32, #tpu.memory_space<vmem>>)
    %dma_start3A_881 = arith.constant 22 : i32
    %dma_start3A_882 = arith.constant 0 : i32
    %dma_start3A_883 = tpu.memref_slice %arg9[%dma_start3A_881, %dma_start3A_882] : memref<24x64xi32, #tpu.memory_space<vmem>> -> memref<1x64xi32, #tpu.memory_space<vmem>>
    %dma_start3A_884 = tpu.memref_squeeze %dma_start3A_883 : memref<1x64xi32, #tpu.memory_space<vmem>> -> memref<64xi32, #tpu.memory_space<vmem>>
    %dma_start3A_885 = arith.constant 0 : i32
    %dma_start3A_886 = arith.constant 0 : i32
    %dma_start3A_887 = tpu.memref_slice %arg2[%dma_start3A_885, %dma_start3A_886] : memref<10000x512xf32, #tpu.memory_space<hbm>> -> memref<10000x512xf32, #tpu.memory_space<hbm>>
    tpu.enqueue_indirect_dma source(%dma_start3A_887 : memref<10000x512xf32, #tpu.memory_space<hbm>>) target(%arg12 : memref<64x512xf32, #tpu.memory_space<vmem>>) offsets(%dma_start3A_884 : memref<64xi32, #tpu.memory_space<vmem>>) semaphore(%arg15 : memref<!tpu.dma_semaphore, #tpu.memory_space<semaphore_mem>>)
    %dma_wait3A_888 = arith.constant 20 : i32
    %dma_wait3A_889 = arith.constant 0 : i32
    %dma_wait3A_890 = tpu.memref_slice %arg9[%dma_wait3A_888, %dma_wait3A_889] : memref<24x64xi32, #tpu.memory_space<vmem>> -> memref<1x64xi32, #tpu.memory_space<vmem>>
    %dma_wait3A_891 = tpu.memref_squeeze %dma_wait3A_890 : memref<1x64xi32, #tpu.memory_space<vmem>> -> memref<64xi32, #tpu.memory_space<vmem>>
    %dma_wait3A_892 = arith.constant 0 : i32
    %dma_wait3A_893 = arith.constant 0 : i32
    %dma_wait3A_894 = tpu.memref_slice %arg2[%dma_wait3A_892, %dma_wait3A_893] : memref<10000x512xf32, #tpu.memory_space<hbm>> -> memref<10000x512xf32, #tpu.memory_space<hbm>>
    tpu.wait_indirect_dma semaphore(%arg16 : memref<!tpu.dma_semaphore, #tpu.memory_space<semaphore_mem>>) src(%dma_wait3A_894 : memref<10000x512xf32, #tpu.memory_space<hbm>>) dst(%arg13 : memref<64x512xf32, #tpu.memory_space<vmem>>)
    %add3A_895 = arith.constant 1280 : i32
    %add3A_896 = arith.addi %mul3A_2, %add3A_895 : i32
    %dma_start3A_897 = arith.constant 0 : i32
    %dma_start3A_898 = tpu.memref_slice %arg6[%add3A_896, %dma_start3A_897] : memref<49152x512xf32, #tpu.memory_space<hbm>> -> memref<64x512xf32, #tpu.memory_space<hbm>>
    %dma_start3A_899 = arith.constant 0 : i32
    %dma_start3A_900 = tpu.memref_slice %arg6[%add3A_896, %dma_start3A_899] : memref<49152x512xf32, #tpu.memory_space<hbm>> -> memref<64x512xf32, #tpu.memory_space<hbm>>
    tpu.enqueue_dma source(%arg13 : memref<64x512xf32, #tpu.memory_space<vmem>>) target(%dma_start3A_900 : memref<64x512xf32, #tpu.memory_space<hbm>>) target_semaphore(%arg19 : memref<!tpu.dma_semaphore, #tpu.memory_space<semaphore_mem>>)
    %dma_wait3A_901 = arith.constant 0 : i32
    %dma_wait3A_902 = tpu.memref_slice %arg6[%add3A_896, %dma_wait3A_901] : memref<49152x512xf32, #tpu.memory_space<hbm>> -> memref<64x512xf32, #tpu.memory_space<hbm>>
    %dma_wait3A_903 = arith.constant 0 : i32
    %dma_wait3A_904 = tpu.memref_slice %arg6[%add3A_896, %dma_wait3A_903] : memref<49152x512xf32, #tpu.memory_space<hbm>> -> memref<64x512xf32, #tpu.memory_space<hbm>>
    tpu.wait_dma2 semaphore(%arg19 : memref<!tpu.dma_semaphore, #tpu.memory_space<semaphore_mem>>) src(%arg13 : memref<64x512xf32, #tpu.memory_space<vmem>>) dst(%dma_wait3A_904 : memref<64x512xf32, #tpu.memory_space<hbm>>)
    %dma_wait3A_905 = arith.constant 23 : i32
    %dma_wait3A_906 = arith.constant 0 : i32
    %dma_wait3A_907 = tpu.memref_slice %arg9[%dma_wait3A_905, %dma_wait3A_906] : memref<24x64xi32, #tpu.memory_space<vmem>> -> memref<1x64xi32, #tpu.memory_space<vmem>>
    %dma_wait3A_908 = tpu.memref_squeeze %dma_wait3A_907 : memref<1x64xi32, #tpu.memory_space<vmem>> -> memref<64xi32, #tpu.memory_space<vmem>>
    %dma_wait3A_909 = arith.constant 1472 : i32
    %dma_wait3A_910 = tpu.memref_slice %arg8[%dma_wait3A_909] : memref<1536xi32, #tpu.memory_space<vmem>> -> memref<64xi32, #tpu.memory_space<vmem>>
    %dma_wait3A_911 = arith.constant 0 : i32
    %dma_wait3A_912 = tpu.memref_slice %arg3[%dma_wait3A_911] : memref<16384xi32, #tpu.memory_space<hbm>> -> memref<16384xi32, #tpu.memory_space<hbm>>
    tpu.wait_indirect_dma semaphore(%arg22 : memref<!tpu.dma_semaphore, #tpu.memory_space<semaphore_mem>>) src(%dma_wait3A_912 : memref<16384xi32, #tpu.memory_space<hbm>>) dst(%dma_wait3A_908 : memref<64xi32, #tpu.memory_space<vmem>>)
    %dma_start3A_913 = arith.constant 23 : i32
    %dma_start3A_914 = arith.constant 0 : i32
    %dma_start3A_915 = tpu.memref_slice %arg9[%dma_start3A_913, %dma_start3A_914] : memref<24x64xi32, #tpu.memory_space<vmem>> -> memref<1x64xi32, #tpu.memory_space<vmem>>
    %dma_start3A_916 = tpu.memref_squeeze %dma_start3A_915 : memref<1x64xi32, #tpu.memory_space<vmem>> -> memref<64xi32, #tpu.memory_space<vmem>>
    %dma_start3A_917 = arith.constant 0 : i32
    %dma_start3A_918 = arith.constant 0 : i32
    %dma_start3A_919 = tpu.memref_slice %arg2[%dma_start3A_917, %dma_start3A_918] : memref<10000x512xf32, #tpu.memory_space<hbm>> -> memref<10000x512xf32, #tpu.memory_space<hbm>>
    tpu.enqueue_indirect_dma source(%dma_start3A_919 : memref<10000x512xf32, #tpu.memory_space<hbm>>) target(%arg13 : memref<64x512xf32, #tpu.memory_space<vmem>>) offsets(%dma_start3A_916 : memref<64xi32, #tpu.memory_space<vmem>>) semaphore(%arg16 : memref<!tpu.dma_semaphore, #tpu.memory_space<semaphore_mem>>)
    %dma_wait3A_920 = arith.constant 21 : i32
    %dma_wait3A_921 = arith.constant 0 : i32
    %dma_wait3A_922 = tpu.memref_slice %arg9[%dma_wait3A_920, %dma_wait3A_921] : memref<24x64xi32, #tpu.memory_space<vmem>> -> memref<1x64xi32, #tpu.memory_space<vmem>>
    %dma_wait3A_923 = tpu.memref_squeeze %dma_wait3A_922 : memref<1x64xi32, #tpu.memory_space<vmem>> -> memref<64xi32, #tpu.memory_space<vmem>>
    %dma_wait3A_924 = arith.constant 0 : i32
    %dma_wait3A_925 = arith.constant 0 : i32
    %dma_wait3A_926 = tpu.memref_slice %arg2[%dma_wait3A_924, %dma_wait3A_925] : memref<10000x512xf32, #tpu.memory_space<hbm>> -> memref<10000x512xf32, #tpu.memory_space<hbm>>
    tpu.wait_indirect_dma semaphore(%arg14 : memref<!tpu.dma_semaphore, #tpu.memory_space<semaphore_mem>>) src(%dma_wait3A_926 : memref<10000x512xf32, #tpu.memory_space<hbm>>) dst(%arg11 : memref<64x512xf32, #tpu.memory_space<vmem>>)
    %add3A_927 = arith.constant 1344 : i32
    %add3A_928 = arith.addi %mul3A_2, %add3A_927 : i32
    %dma_start3A_929 = arith.constant 0 : i32
    %dma_start3A_930 = tpu.memref_slice %arg6[%add3A_928, %dma_start3A_929] : memref<49152x512xf32, #tpu.memory_space<hbm>> -> memref<64x512xf32, #tpu.memory_space<hbm>>
    %dma_start3A_931 = arith.constant 0 : i32
    %dma_start3A_932 = tpu.memref_slice %arg6[%add3A_928, %dma_start3A_931] : memref<49152x512xf32, #tpu.memory_space<hbm>> -> memref<64x512xf32, #tpu.memory_space<hbm>>
    tpu.enqueue_dma source(%arg11 : memref<64x512xf32, #tpu.memory_space<vmem>>) target(%dma_start3A_932 : memref<64x512xf32, #tpu.memory_space<hbm>>) target_semaphore(%arg17 : memref<!tpu.dma_semaphore, #tpu.memory_space<semaphore_mem>>)
    %dma_wait3A_933 = arith.constant 22 : i32
    %dma_wait3A_934 = arith.constant 0 : i32
    %dma_wait3A_935 = tpu.memref_slice %arg9[%dma_wait3A_933, %dma_wait3A_934] : memref<24x64xi32, #tpu.memory_space<vmem>> -> memref<1x64xi32, #tpu.memory_space<vmem>>
    %dma_wait3A_936 = tpu.memref_squeeze %dma_wait3A_935 : memref<1x64xi32, #tpu.memory_space<vmem>> -> memref<64xi32, #tpu.memory_space<vmem>>
    %dma_wait3A_937 = arith.constant 0 : i32
    %dma_wait3A_938 = arith.constant 0 : i32
    %dma_wait3A_939 = tpu.memref_slice %arg2[%dma_wait3A_937, %dma_wait3A_938] : memref<10000x512xf32, #tpu.memory_space<hbm>> -> memref<10000x512xf32, #tpu.memory_space<hbm>>
    tpu.wait_indirect_dma semaphore(%arg15 : memref<!tpu.dma_semaphore, #tpu.memory_space<semaphore_mem>>) src(%dma_wait3A_939 : memref<10000x512xf32, #tpu.memory_space<hbm>>) dst(%arg12 : memref<64x512xf32, #tpu.memory_space<vmem>>)
    %add3A_940 = arith.constant 1408 : i32
    %add3A_941 = arith.addi %mul3A_2, %add3A_940 : i32
    %dma_start3A_942 = arith.constant 0 : i32
    %dma_start3A_943 = tpu.memref_slice %arg6[%add3A_941, %dma_start3A_942] : memref<49152x512xf32, #tpu.memory_space<hbm>> -> memref<64x512xf32, #tpu.memory_space<hbm>>
    %dma_start3A_944 = arith.constant 0 : i32
    %dma_start3A_945 = tpu.memref_slice %arg6[%add3A_941, %dma_start3A_944] : memref<49152x512xf32, #tpu.memory_space<hbm>> -> memref<64x512xf32, #tpu.memory_space<hbm>>
    tpu.enqueue_dma source(%arg12 : memref<64x512xf32, #tpu.memory_space<vmem>>) target(%dma_start3A_945 : memref<64x512xf32, #tpu.memory_space<hbm>>) target_semaphore(%arg18 : memref<!tpu.dma_semaphore, #tpu.memory_space<semaphore_mem>>)
    %dma_wait3A_946 = arith.constant 23 : i32
    %dma_wait3A_947 = arith.constant 0 : i32
    %dma_wait3A_948 = tpu.memref_slice %arg9[%dma_wait3A_946, %dma_wait3A_947] : memref<24x64xi32, #tpu.memory_space<vmem>> -> memref<1x64xi32, #tpu.memory_space<vmem>>
    %dma_wait3A_949 = tpu.memref_squeeze %dma_wait3A_948 : memref<1x64xi32, #tpu.memory_space<vmem>> -> memref<64xi32, #tpu.memory_space<vmem>>
    %dma_wait3A_950 = arith.constant 0 : i32
    %dma_wait3A_951 = arith.constant 0 : i32
    %dma_wait3A_952 = tpu.memref_slice %arg2[%dma_wait3A_950, %dma_wait3A_951] : memref<10000x512xf32, #tpu.memory_space<hbm>> -> memref<10000x512xf32, #tpu.memory_space<hbm>>
    tpu.wait_indirect_dma semaphore(%arg16 : memref<!tpu.dma_semaphore, #tpu.memory_space<semaphore_mem>>) src(%dma_wait3A_952 : memref<10000x512xf32, #tpu.memory_space<hbm>>) dst(%arg13 : memref<64x512xf32, #tpu.memory_space<vmem>>)
    %add3A_953 = arith.constant 1472 : i32
    %add3A_954 = arith.addi %mul3A_2, %add3A_953 : i32
    %dma_start3A_955 = arith.constant 0 : i32
    %dma_start3A_956 = tpu.memref_slice %arg6[%add3A_954, %dma_start3A_955] : memref<49152x512xf32, #tpu.memory_space<hbm>> -> memref<64x512xf32, #tpu.memory_space<hbm>>
    %dma_start3A_957 = arith.constant 0 : i32
    %dma_start3A_958 = tpu.memref_slice %arg6[%add3A_954, %dma_start3A_957] : memref<49152x512xf32, #tpu.memory_space<hbm>> -> memref<64x512xf32, #tpu.memory_space<hbm>>
    tpu.enqueue_dma source(%arg13 : memref<64x512xf32, #tpu.memory_space<vmem>>) target(%dma_start3A_958 : memref<64x512xf32, #tpu.memory_space<hbm>>) target_semaphore(%arg19 : memref<!tpu.dma_semaphore, #tpu.memory_space<semaphore_mem>>)
    %dma_wait3A_959 = arith.constant 0 : i32
    %dma_wait3A_960 = tpu.memref_slice %arg6[%add3A_928, %dma_wait3A_959] : memref<49152x512xf32, #tpu.memory_space<hbm>> -> memref<64x512xf32, #tpu.memory_space<hbm>>
    %dma_wait3A_961 = arith.constant 0 : i32
    %dma_wait3A_962 = tpu.memref_slice %arg6[%add3A_928, %dma_wait3A_961] : memref<49152x512xf32, #tpu.memory_space<hbm>> -> memref<64x512xf32, #tpu.memory_space<hbm>>
    tpu.wait_dma2 semaphore(%arg17 : memref<!tpu.dma_semaphore, #tpu.memory_space<semaphore_mem>>) src(%arg11 : memref<64x512xf32, #tpu.memory_space<vmem>>) dst(%dma_wait3A_962 : memref<64x512xf32, #tpu.memory_space<hbm>>)
    %dma_wait3A_963 = arith.constant 0 : i32
    %dma_wait3A_964 = tpu.memref_slice %arg6[%add3A_941, %dma_wait3A_963] : memref<49152x512xf32, #tpu.memory_space<hbm>> -> memref<64x512xf32, #tpu.memory_space<hbm>>
    %dma_wait3A_965 = arith.constant 0 : i32
    %dma_wait3A_966 = tpu.memref_slice %arg6[%add3A_941, %dma_wait3A_965] : memref<49152x512xf32, #tpu.memory_space<hbm>> -> memref<64x512xf32, #tpu.memory_space<hbm>>
    tpu.wait_dma2 semaphore(%arg18 : memref<!tpu.dma_semaphore, #tpu.memory_space<semaphore_mem>>) src(%arg12 : memref<64x512xf32, #tpu.memory_space<vmem>>) dst(%dma_wait3A_966 : memref<64x512xf32, #tpu.memory_space<hbm>>)
    %dma_wait3A_967 = arith.constant 0 : i32
    %dma_wait3A_968 = tpu.memref_slice %arg6[%add3A_954, %dma_wait3A_967] : memref<49152x512xf32, #tpu.memory_space<hbm>> -> memref<64x512xf32, #tpu.memory_space<hbm>>
    %dma_wait3A_969 = arith.constant 0 : i32
    %dma_wait3A_970 = tpu.memref_slice %arg6[%add3A_954, %dma_wait3A_969] : memref<49152x512xf32, #tpu.memory_space<hbm>> -> memref<64x512xf32, #tpu.memory_space<hbm>>
    tpu.wait_dma2 semaphore(%arg19 : memref<!tpu.dma_semaphore, #tpu.memory_space<semaphore_mem>>) src(%arg13 : memref<64x512xf32, #tpu.memory_space<vmem>>) dst(%dma_wait3A_970 : memref<64x512xf32, #tpu.memory_space<hbm>>)
    %dma_start3A_971 = arith.constant 0 : i32
    %dma_start3A_972 = arith.constant 0 : i32
    %dma_start3A_973 = tpu.memref_slice %arg11[%dma_start3A_971, %dma_start3A_972] : memref<64x512xf32, #tpu.memory_space<vmem>> -> memref<32x512xf32, #tpu.memory_space<vmem>>
    %dma_start3A_974 = arith.constant 0 : i32
    %dma_start3A_975 = arith.constant 0 : i32
    %dma_start3A_976 = tpu.memref_slice %arg2[%dma_start3A_974, %dma_start3A_975] : memref<10000x512xf32, #tpu.memory_space<hbm>> -> memref<10000x512xf32, #tpu.memory_space<hbm>>
    tpu.enqueue_indirect_dma source(%dma_start3A_976 : memref<10000x512xf32, #tpu.memory_space<hbm>>) target(%dma_start3A_973 : memref<32x512xf32, #tpu.memory_space<vmem>>) offsets(%arg10 : memref<32xi32, #tpu.memory_space<vmem>>) semaphore(%arg23 : memref<!tpu.dma_semaphore, #tpu.memory_space<semaphore_mem>>)
    %dma_wait3A_977 = arith.constant 0 : i32
    %dma_wait3A_978 = arith.constant 0 : i32
    %dma_wait3A_979 = tpu.memref_slice %arg11[%dma_wait3A_977, %dma_wait3A_978] : memref<64x512xf32, #tpu.memory_space<vmem>> -> memref<32x512xf32, #tpu.memory_space<vmem>>
    %dma_wait3A_980 = arith.constant 0 : i32
    %dma_wait3A_981 = arith.constant 0 : i32
    %dma_wait3A_982 = tpu.memref_slice %arg2[%dma_wait3A_980, %dma_wait3A_981] : memref<10000x512xf32, #tpu.memory_space<hbm>> -> memref<10000x512xf32, #tpu.memory_space<hbm>>
    tpu.wait_indirect_dma semaphore(%arg23 : memref<!tpu.dma_semaphore, #tpu.memory_space<semaphore_mem>>) src(%dma_wait3A_982 : memref<10000x512xf32, #tpu.memory_space<hbm>>) dst(%dma_wait3A_979 : memref<32x512xf32, #tpu.memory_space<vmem>>)
    "tpu.region"() ({
      %run_scoped3A = tpu.sem_alloc : memref<!tpu.dma_semaphore, #tpu.memory_space<semaphore_mem>>
      %dma_start3A_983 = arith.constant 0 : i32
      %dma_start3A_984 = arith.constant 0 : i32
      %dma_start3A_985 = tpu.memref_slice %arg11[%dma_start3A_983, %dma_start3A_984] : memref<64x512xf32, #tpu.memory_space<vmem>> -> memref<32x512xf32, #tpu.memory_space<vmem>>
      %dma_start3A_986 = arith.constant 0 : i32
      %dma_start3A_987 = tpu.memref_slice %arg7[%mul3A_4, %dma_start3A_986] : memref<1024x512xf32, #tpu.memory_space<hbm>> -> memref<32x512xf32, #tpu.memory_space<hbm>>
      %dma_start3A_988 = arith.constant 0 : i32
      %dma_start3A_989 = tpu.memref_slice %arg7[%mul3A_4, %dma_start3A_988] : memref<1024x512xf32, #tpu.memory_space<hbm>> -> memref<32x512xf32, #tpu.memory_space<hbm>>
      %dma_start3A_990 = arith.constant 0 : i32
      %dma_start3A_991 = arith.constant 0 : i32
      %dma_start3A_992 = tpu.memref_slice %arg11[%dma_start3A_990, %dma_start3A_991] : memref<64x512xf32, #tpu.memory_space<vmem>> -> memref<32x512xf32, #tpu.memory_space<vmem>>
      tpu.enqueue_dma source(%dma_start3A_992 : memref<32x512xf32, #tpu.memory_space<vmem>>) target(%dma_start3A_989 : memref<32x512xf32, #tpu.memory_space<hbm>>) target_semaphore(%run_scoped3A : memref<!tpu.dma_semaphore, #tpu.memory_space<semaphore_mem>>)
      %dma_wait3A_993 = arith.constant 0 : i32
      %dma_wait3A_994 = arith.constant 0 : i32
      %dma_wait3A_995 = tpu.memref_slice %arg11[%dma_wait3A_993, %dma_wait3A_994] : memref<64x512xf32, #tpu.memory_space<vmem>> -> memref<32x512xf32, #tpu.memory_space<vmem>>
      %dma_wait3A_996 = arith.constant 0 : i32
      %dma_wait3A_997 = tpu.memref_slice %arg7[%mul3A_4, %dma_wait3A_996] : memref<1024x512xf32, #tpu.memory_space<hbm>> -> memref<32x512xf32, #tpu.memory_space<hbm>>
      %dma_wait3A_998 = arith.constant 0 : i32
      %dma_wait3A_999 = tpu.memref_slice %arg7[%mul3A_4, %dma_wait3A_998] : memref<1024x512xf32, #tpu.memory_space<hbm>> -> memref<32x512xf32, #tpu.memory_space<hbm>>
      %dma_wait3A_1000 = arith.constant 0 : i32
      %dma_wait3A_1001 = arith.constant 0 : i32
      %dma_wait3A_1002 = tpu.memref_slice %arg11[%dma_wait3A_1000, %dma_wait3A_1001] : memref<64x512xf32, #tpu.memory_space<vmem>> -> memref<32x512xf32, #tpu.memory_space<vmem>>
      tpu.wait_dma2 semaphore(%run_scoped3A : memref<!tpu.dma_semaphore, #tpu.memory_space<semaphore_mem>>) src(%dma_wait3A_1002 : memref<32x512xf32, #tpu.memory_space<vmem>>) dst(%dma_wait3A_999 : memref<32x512xf32, #tpu.memory_space<hbm>>)
      tpu.yield
    }) : () -> ()
    return
  }
}

module attributes {stable_mosaic.version = 14 : i64} {
  func.func @_proj_body(%arg0: i32, %arg1: memref<1433x512xf32, #tpu.memory_space<vmem>>, %arg2: memref<1433x512xf32, #tpu.memory_space<vmem>>, %arg3: memref<1x512xf32, #tpu.memory_space<vmem>>, %arg4: memref<512x512xf32, #tpu.memory_space<vmem>>) attributes {dimension_semantics = [#tpu.dimension_semantics<arbitrary>], iteration_bounds = array<i64: 20>, scalar_prefetch = 0 : i64, scratch_operands = 0 : i64, tpu.core_type = #tpu.core_type<tc>, window_params = [{transform_indices = @transform_0, window_bounds = array<i64: 1433, 512>}, {pipeline_mode = #tpu.pipeline_mode<synchronous>, transform_indices = @transform_1, window_bounds = array<i64: 1433, 512>}, {pipeline_mode = #tpu.pipeline_mode<synchronous>, transform_indices = @transform_2, window_bounds = array<i64: 1, 512>}, {transform_indices = @transform_3, window_bounds = array<i64: 512, 512>}]} {
    %get3A = arith.constant 0 : index
    %get3A_0 = arith.constant 0 : index
    %get3A_1 = vector.load %arg1[%get3A, %get3A_0] : memref<1433x512xf32, #tpu.memory_space<vmem>>, vector<1433x512xf32>
    %convert_element_type3A = arith.truncf %get3A_1 : vector<1433x512xf32> to vector<1433x512xbf16>
    %get3A_2 = arith.constant 0 : index
    %get3A_3 = arith.constant 0 : index
    %get3A_4 = vector.load %arg2[%get3A_2, %get3A_3] : memref<1433x512xf32, #tpu.memory_space<vmem>>, vector<1433x512xf32>
    %convert_element_type3A_5 = arith.truncf %get3A_4 : vector<1433x512xf32> to vector<1433x512xbf16>
    %dot_general3A = arith.constant dense<0.000000e+00> : vector<512x512xf32>
    %dot_general3A_6 = tpu.matmul %convert_element_type3A, %convert_element_type3A_5, %dot_general3A {dimension_numbers = #tpu.dot_dimension_numbers<[0], [0], [1], [1], [0, 1, 1, 1], [], []>, transpose_lhs_hint = true} : vector<1433x512xbf16>, vector<1433x512xbf16>, vector<512x512xf32> -> vector<512x512xf32>
    %get3A_7 = arith.constant 0 : index
    %get3A_8 = arith.constant 0 : index
    %get3A_9 = vector.load %arg3[%get3A_7, %get3A_8] : memref<1x512xf32, #tpu.memory_space<vmem>>, vector<1x512xf32>
    %add3A = vector.broadcast %get3A_9 : vector<1x512xf32> to vector<512x512xf32>
    %add3A_10 = arith.addf %dot_general3A_6, %add3A : vector<512x512xf32>
    %swap3A = arith.constant 0 : index
    %swap3A_11 = arith.constant 0 : index
    %swap3A_12 = vector.load %arg4[%swap3A, %swap3A_11] : memref<512x512xf32, #tpu.memory_space<vmem>>, vector<512x512xf32>
    tpu.vector_store %arg4[%swap3A, %swap3A_11], %add3A_10 {strides = array<i32>} : memref<512x512xf32, #tpu.memory_space<vmem>>, vector<512x512xf32>,
    return
  }
  func.func @transform_0(%arg0: i32) -> (i32, i32) {
    %c0_i32 = arith.constant 0 : i32
    %c0_i32_0 = arith.constant 0 : i32
    return %c0_i32, %arg0 : i32, i32
  }
  func.func @transform_1(%arg0: i32) -> (i32, i32) {
    %c0_i32 = arith.constant 0 : i32
    %c0_i32_0 = arith.constant 0 : i32
    %c0_i32_1 = arith.constant 0 : i32
    return %c0_i32, %c0_i32_0 : i32, i32
  }
  func.func @transform_2(%arg0: i32) -> (i32, i32) {
    %c0_i32 = arith.constant 0 : i32
    %c0_i32_0 = arith.constant 0 : i32
    %c0_i32_1 = arith.constant 0 : i32
    return %c0_i32, %c0_i32_0 : i32, i32
  }
  func.func @transform_3(%arg0: i32) -> (i32, i32) {
    %c0_i32 = arith.constant 0 : i32
    %c0_i32_0 = arith.constant 0 : i32
    return %arg0, %c0_i32 : i32, i32
  }
}

module attributes {stable_mosaic.version = 14 : i64} {
  func.func @_mask_body(%arg0: memref<1024x1xi32, #tpu.memory_space<vmem>>, %arg1: memref<1024x48xi32, #tpu.memory_space<vmem>>) attributes {dimension_semantics = [], scalar_prefetch = 0 : i64, scratch_operands = 0 : i64, tpu.core_type = #tpu.core_type<tc>} {
    %iota3A = tpu.iota {dimensions = array<i32: 1>} : vector<1024x48xi32>
    %add3A = arith.constant 1 : i32
    %add3A_0 = vector.broadcast %add3A : i32 to vector<1024x48xi32>
    %add3A_1 = arith.addi %iota3A, %add3A_0 : vector<1024x48xi32>
    %get3A = arith.constant 0 : index
    %get3A_2 = arith.constant 0 : index
    %get3A_3 = vector.load %arg0[%get3A, %get3A_2] : memref<1024x1xi32, #tpu.memory_space<vmem>>, vector<1024x1xi32>
    %gt3A = vector.broadcast %get3A_3 : vector<1024x1xi32> to vector<1024x48xi32>
    %gt3A_4 = arith.cmpi sgt, %add3A_1, %gt3A : vector<1024x48xi32>
    %swap3A = arith.constant 0 : index
    %swap3A_5 = arith.constant 0 : index
    %swap3A_6 = vector.load %arg1[%swap3A, %swap3A_5] : memref<1024x48xi32, #tpu.memory_space<vmem>>, vector<1024x48xi32>
    %swap3A_7 = arith.extui %gt3A_4 : vector<1024x48xi1> to vector<1024x48xi32>
    %swap3A_8 = arith.constant dense<0> : vector<1024x48xi32>
    %swap3A_9 = arith.cmpi ne, %swap3A_6, %swap3A_8 : vector<1024x48xi32>
    tpu.vector_store %arg1[%swap3A, %swap3A_5], %swap3A_7 {strides = array<i32>} : memref<1024x48xi32, #tpu.memory_space<vmem>>, vector<1024x48xi32>,
    return
  }
}

</mosaic_0001>

<sc_bundles>
// kernel: kernel.5.cloned.1.call-start
scs
__scs_entry_jumppad:
0x0: {  	(pc) =	sbr.rel $0x88, $3  }
0x1: {  	(tag) =	ssettag $0x0;
	lr =	simm.s32 $0x1  }
0x2: {  	[smem:$0x3F9A] =	sst lr;
	_ =	strace $0xD0000000  }
0x3: {  	_ = 	snop  }
0x4: {  	_ = 	snop  }
0x5: {  	_ = 	snop  }
0x6: {  	_ = 	snop  }
0x7: {  	_ = 	snop  }
__scs_overlays_trampoline_lowered:
0x8: {  	[smem:$0x3FA9] =	sst s0  }
0x9: {  	[smem:$0x3FAA] =	sst s1  }
0xa: {  	[smem:$0x3FAB] =	sst s2  }
0xb: {  	[smem:$0x3FAC] =	sst s3  }
0xc: {  	[smem:$0x3FAD] =	sst s4  }
0xd: {  	[smem:$0x3FAE] =	sst s5  }
0xe: {  	[smem:$0x3FAF] =	sst s6  }
0xf: {  	[smem:$0x3FB0] =	sst s7  }
0x10: {  	[smem:$0x3FB1] =	sst s8  }
0x11: {  	[smem:$0x3FB2] =	sst s9;
	s0 =	simm.s32 @!p0 $0x0  }
0x12: {  	s1 =	sld [smem:$0x3F98];
	s0 =	simm.s32 @p0 $0x1  }
0x13: {  	[smem:$0x3FB3] =	sst s0;
	s0 =	simm.s32 @!p1 $0x0  }
0x14: {  	s2 =	sld [smem:$0x3F97];
	s0 =	simm.s32 @p1 $0x1  }
0x15: {  	[smem:$0x3FB4] =	sst s0;
	s0 =	simm.s32 @!p2 $0x0  }
0x16: {  	s3 =	sld [smem:$0x3FDB];
	s0 =	simm.s32 @p2 $0x1  }
0x17: {  	s4 =	simm.s32 $0x1BF5;
	[smem:$0x3FB6] =	sst s0  }
0x18: {  	s0 =	sld [smem:$0x3F99];
	_ =	swait.ge [sflag:s4], $0x0  }
0x19: {  	s7 =	sld [smem:$0x3F9A]  }
0x1a: {  	s8 =	sadd.s32 $0xFFFFE003, lr  }
0x1b: {  	s9 =	sadd.s32 $0xFFFFFEF7, lr;
	s5 =	simm.s32 $0xFFFFFFFF;
	p2 =	slt.u32 s8, $0xFFFFF086  }
0x1c: {  	p1 =	slt.u32 s9, $0xF7A;
	s5 =	simm.s32 @!p2 $0x0  }
0x1d: {  	s5 =	simm.s32 @p1 $0x1;
	p0 =	seq.s32 s7, s2  }
0x1e: {  	s7 =	smul.u32 @!p0 $0xF7A, s2;
	p2 =	seq.s32 @!p0 s5, $0x0  }
0x1f: {  	s9 =	smul.u32 $0xF7A, s1;
	s8 =	simm.s32 @!p0 $0x1BF5;
	p2 =	por !p2, p0  }
0x20: {  	[sflag:s8] =	ssyncset.s32 @!p0 $0xFFFFF086;
	s6 =	sadd.s32 @!p0 s3, s7;
	s7 =	simm.s32 @!p0 $0x108  }
0x21: {  	s3 =	sadd.s32 s3, s9;
	s6 =	sadd.s32 @!p0 $0x88, s6;
	s7 =	simm.s32 @p2 $0x1082  }
0x22: {  	[simem:s7], [sflag:s8] =	dma.local @!p0 [hbm:s6], $0xF7A  }
0x23: {  	s9 =	sor.u32 $0xD0000000, s2;
	s6 =	simm.s32 $0x108;
	_ =	swait.ge @!p0 [sflag:s8], $0x0  }
0x24: {  	s3 =	sadd.s32 $0x88, s3;
	s6 =	simm.s32 @!p1 $0x1082;
	[sflag:s4] =	ssyncset.s32 $0xFFFFF086  }
0x25: {  	[simem:s6], [sflag:s4] =	dma.local [hbm:s3], $0xF7A  }
0x26: {  	[smem:$0x3F9A] =	sst s1;
	(tag) =	ssettag s2;
	_ =	strace s9  }
0x27: {  	s1 =	sld [smem:$0x3FAA]  }
0x28: {  	s2 =	sld [smem:$0x3FAB]  }
0x29: {  	s4 =	sld [smem:$0x3FAD]  }
0x2a: {  	p0 =	seq.s32 s5, $0x0;
	s5 =	sld [smem:$0x3FAE]  }
0x2b: {  	s6 =	sld [smem:$0x3FAF]  }
0x2c: {  	s7 =	sld [smem:$0x3FB0]  }
0x2d: {  	s3 =	simm.s32 $0x108;
	s8 =	sld [smem:$0x3FB1]  }
0x2e: {  	s3 =	simm.s32 @!p0 $0x1082;
	s9 =	sld [smem:$0x3FB2]  }
0x2f: {  	lr =	sadd.s32 s0, s3;
	s0 =	sld [smem:$0x3FA9]  }
0x30: {  	s3 =	sld [smem:$0x3FAC]  }
0x31: {  	[smem:$0x3FB5] =	sst s10  }
0x32: {  	s10 =	sld [smem:$0x3FB3];
	_ =	sdelay $0x3  }
0x33: {  	p0 =	seq.s32 s10, $0x1;
	s10 =	sld [smem:$0x3FB5];
	_ =	sdelay $0x3  }
0x34: {  	[smem:$0x3FB5] =	sst s10  }
0x35: {  	s10 =	sld [smem:$0x3FB4];
	_ =	sdelay $0x3  }
0x36: {  	p1 =	seq.s32 s10, $0x1;
	s10 =	sld [smem:$0x3FB5];
	_ =	sdelay $0x3  }
0x37: {  	[smem:$0x3FB5] =	sst s10  }
0x38: {  	s10 =	sld [smem:$0x3FB6]  }
0x39: {  	_ = 	snop;
	(pc) =	sbr.ind lr, $3  }
0x3a: {  	_ = 	snop  }
0x3b: {  	_ = 	snop  }
0x3c: {  	p2 =	seq.s32 s10, $0x1;
	s10 =	sld [smem:$0x3FB5]  }
0x3d: {  	_ =	shalt  }
0x3e: {  	_ =	shalt  }
0x3f: {  	_ =	shalt  }
0x40: {  	_ =	shalt  }
0x41: {  	_ =	shalt  }
0x42: {  	_ =	shalt  }
0x43: {  	_ =	shalt  }
0x44: {  	_ =	shalt  }
0x45: {  	_ =	shalt  }
0x46: {  	_ =	shalt  }
0x47: {  	_ =	shalt  }
0x48: {  	_ =	shalt  }
0x49: {  	_ =	shalt  }
0x4a: {  	_ =	shalt  }
0x4b: {  	_ =	shalt  }
0x4c: {  	_ =	shalt  }
0x4d: {  	_ =	shalt  }
0x4e: {  	_ =	shalt  }
0x4f: {  	_ =	shalt  }
0x50: {  	_ =	shalt  }
0x51: {  	_ =	shalt  }
0x52: {  	_ =	shalt  }
0x53: {  	_ =	shalt  }
0x54: {  	_ =	shalt  }
0x55: {  	_ =	shalt  }
0x56: {  	_ =	shalt  }
0x57: {  	_ =	shalt  }
0x58: {  	_ =	shalt  }
0x59: {  	_ =	shalt  }
0x5a: {  	_ =	shalt  }
0x5b: {  	_ =	shalt  }
0x5c: {  	_ =	shalt  }
0x5d: {  	_ =	shalt  }
0x5e: {  	_ =	shalt  }
0x5f: {  	_ =	shalt  }
0x60: {  	_ =	shalt  }
0x61: {  	_ =	shalt  }
0x62: {  	_ =	shalt  }
0x63: {  	_ =	shalt  }
0x64: {  	_ =	shalt  }
0x65: {  	_ =	shalt  }
0x66: {  	_ =	shalt  }
0x67: {  	_ =	shalt  }
0x68: {  	_ =	shalt  }
0x69: {  	_ =	shalt  }
0x6a: {  	_ =	shalt  }
0x6b: {  	_ =	shalt  }
0x6c: {  	_ =	shalt  }
0x6d: {  	_ =	shalt  }
0x6e: {  	_ =	shalt  }
0x6f: {  	_ =	shalt  }
0x70: {  	_ =	shalt  }
0x71: {  	_ =	shalt  }
0x72: {  	_ =	shalt  }
0x73: {  	_ =	shalt  }
0x74: {  	_ =	shalt  }
0x75: {  	_ =	shalt  }
0x76: {  	_ =	shalt  }
0x77: {  	_ =	shalt  }
0x78: {  	_ =	shalt  }
0x79: {  	_ =	shalt  }
0x7a: {  	_ =	shalt  }
0x7b: {  	_ =	shalt  }
0x7c: {  	_ =	shalt  }
0x7d: {  	_ =	shalt  }
0x7e: {  	_ =	shalt  }
0x7f: {  	_ =	shalt  }
0x80: {  	_ =	shalt  }
0x81: {  	_ =	shalt  }
0x82: {  	_ =	shalt  }
0x83: {  	_ =	shalt  }
0x84: {  	_ =	shalt  }
0x85: {  	_ =	shalt  }
0x86: {  	_ =	shalt  }
0x87: {  	_ =	shalt  }
.Lfunc_end0:
.L_simem_size_0:
called_computation_lowered:
.L_overlay_start_0:
0x88: {  	s2 =	sld [smem:$0x3FD9]  }
0x89: {  	s3 =	sld [smem:$0x3FFE];
	_ =	sdelay $0x1  }
0x8a: {  	s1 =	srdreg.scid  }
0x8b: {  	s0 =	sand.u32 $0x1, s1  }
0x8c: {  	s14 =	sshll.u32 s0, $0xA;
	s2 =	sadd.s32 s3, s2  }
0x8d: {  	s2 =	sadd.s32 s2, s14  }
0x8e: {  	[smem:$0x3FC1] =	sst s2  }
0x8f: {  	_ = 	snop  }
0x90: {  	s2 =	sld [smem:$0x3FD0];
	_ =	sdelay $0x1  }
0x91: {  	s15 =	sld [smem:$0x3FC9]  }
0x92: {  	s5 =	simm.s32 $0xA;
	s6 =	simm.s32 $0x10;
	s4 =	sld [smem:$0x3FC8]  }
0x93: {  	[smem:s6], [sflag:s5] =	dma.local [hbm:s2], $0x1  }
0x94: {  	_ =	swait.eq [sflag:s5], $0x1  }
0x95: {  	s16 =	sld [smem:$0x10];
	[sflag:s5] =	ssyncset.done $0x0  }
0x96: {  	s17 =	sld [smem:$0x11];
	[sflag:s5] =	ssyncadd.s32 $0xFFFFFFFF  }
0x97: {  	s18 =	sld [smem:$0x12];
	(tm) =	ssettm $0x1  }
0x98: {  	s7 =	sld [smem:$0x3FFB];
	_ =	sdelay $0x3  }
0x99: {  	_ =	strace s7  }
0x9a: {  	s7 =	sld [smem:$0x3FFC];
	_ =	sdelay $0x3  }
0x9b: {  	_ =	strace s7  }
0x9c: {  	s7 =	sld [smem:$0x3FFD];
	_ =	sdelay $0x3  }
0x9d: {  	_ =	strace s7  }
0x9e: {  	_ =	strace $0x8FFFFFFF  }
0x9f: {  	s19 =	sld [smem:$0x3FDB];
	_ =	sdelay $0x1  }
0xa0: {  	s8 =	simm.s32 $_scs_section_size  }
0xa1: {  	s9 =	simm.s32 $_size__tile_overlayer_lowered;
	s10 =	simm.s32 $_tile_overlayer_lowered  }
0xa2: {  	s22 =	simm.s32 $0x1BFF;
	s21 =	sshll.u32 s10, $0x1;
	s7 =	sadd.s32 s8, s19  }
0xa3: {  	s11 =	simm.s32 $0x0;
	s20 =	sshll.u32 s9, $0x1;
	s9 =	sadd.s32 s21, s7  }
0xa4: {  	[timem:s11], [sflag:s22] =	dma.local [hbm:s9], s20  }
0xa5: {  	_ =	swait.ge [sflag:s22], s20  }
0xa6: {  	s8 =	ssub.s32 $0x0, s20;
	[sflag:s22] =	ssyncset.done $0x0  }
0xa7: {  	[sflag:s22] =	ssyncadd.s32 s8;
	_ =	sdelay $0x1  }
0xa8: {  	s23 =	simm.s32 $0x1B8B  }
0xa9: {  	_ =	swait.ge [sflag:s23], $0x1  }
0xaa: {  	[sflag:s23] =	ssyncset.done $0x0  }
0xab: {  	s25 =	simm.s32 $0x1B8E;
	s24 =	sld [smem:$0x3FFE];
	[sflag:s23] =	ssyncadd.s32 $0xFFFFFFFF  }
0xac: {  	s26 =	simm.s32 $execute0_lowered;
	[smem:$0x3FD2] =	sst s25  }
0xad: {  	s9 =	sshll.u32 s26, $0x1;
	_ =	strace $0x80000046;
	[dreg:$0x1] =	wrdreg $0xFFFFFFFF  }
0xae: {  	s28 =	simm.s32 $_size_execute0_lowered;
	s7 =	sadd.s32 s7, s9;
	[dreg:$0x0] =	wrdreg $0x0  }
0xaf: {  	s9 =	sshll.u32 s28, $0x1;
	[dreg:$0x2] =	wrdreg s7  }
0xb0: {  	[dreg:$0x3] =	wrdreg s9  }
0xb1: {  	[dreg:$0x4] =	wrdreg $0xC0  }
0xb2: {  	_ =	task [dreg:s11], $0x5FFFF  }
0xb3: {  	[dreg:$0x1] =	wrdreg $0xFFFFFFFF  }
0xb4: {  	[dreg:$0x0] =	wrdreg $0x60  }
0xb5: {  	[dreg:$0x2] =	wrdreg s24  }
0xb6: {  	[dreg:$0x3] =	wrdreg s4  }
0xb7: {  	[dreg:$0x4] =	wrdreg s18  }
0xb8: {  	[dreg:$0x5] =	wrdreg s15  }
0xb9: {  	[dreg:$0x6] =	wrdreg s17  }
0xba: {  	[dreg:$0x7] =	wrdreg s16  }
0xbb: {  	[dreg:$0x8] =	wrdreg $0x9  }
0xbc: {  	_ =	task.clear_ibuf [dreg:s11], $0x9FFFF;
	_ =	strace $0x90000046  }
0xbd: {  	s29 =	simm.s32 $0x9;
	_ =	strace $0x80000048  }
0xbe: {  	_ =	swait.ge [sflag:s29], $0x1  }
0xbf: {  	[sflag:s29] =	ssyncadd.s32 $0xFFFFFFFF  }
0xc0: {  	_ =	strace $0x90000048  }
0xc1: {  	_ =	sfence  }
0xc2: {  	s30 =	sld [smem:$0x0];
	_ =	sdelay $0x2  }
0xc3: {  	s31 =	sshll.u32 s1, $0xD;
	s1 =	sshrl.u32 s1, $0x2  }
0xc4: {  	s3 =	sand.u32 $0x4000, s31;
	s1 =	sadd.s32 s1, s30  }
0xc5: {  	s0 =	sor.u32 s3, s0;
	s1 =	sshll.u32 s1, $0x11  }
0xc6: {  	s0 =	sor.u32 s1, s0  }
0xc7: {  	s0 =	sadd.s32 $0x8F2B, s0  }
0xc8: {  	[sflag:s0] =	ssyncadd.remote.s32 $0x1  }
0xc9: {  	_ =	sfence.sel $0xFFFF  }
0xca: {  	[dreg:$0x0] =	wrdreg $0xFFFFFFFF;
	(pc) =	sbr.abs _section_cstart, $3  }
0xcb: {  	[dreg:$0x1] =	wrdreg $0xFFFFFFFF  }
0xcc: {  	_ =	task.clear_ibuf [dreg:s11], $0x2FFFF;
	_ =	strace $0x9FFFFFFF  }
0xcd: {  	(tm) =	ssettm $0x7FFFFFFF  }
tec
execute0_lowered:
.L_overlay_start_1:
0x0: {  	(tag) =	ssettag $0x1  }
0x1: {  	s1 =	rddreg [dreg:$0x0]  }
0x2: {  	s0 =	rddreg [dreg:$0x1]  }
0x3: {  	s5 =	rddreg [dreg:$0x2];
	s2 =	srdreg.scid  }
0x4: {  	s6 =	rddreg [dreg:$0x3];
	s2 =	sand.u32 $0x1, s2  }
0x5: {  	s7 =	rddreg [dreg:$0x4];
	s8 =	stileid.u32;
	s3 =	sshll.u32 s2, $0x4  }
0x6: {  	s4 =	rddreg [dreg:$0x5];
	s8 =	sor.u32 s8, s3  }
0x7: {  	s3 =	simm.s32 $0x0;
	s9 =	smul.u32 $0xC0, s8;
	s19 =	sshll.u32 s8, $0x2  }
0x8: {  	[smem:$0x7FF] =	sst s3;
	s10 =	smul.u32 $0x18000, s8;
	s20 =	sadd.s32 s6, s19  }
0x9: {  	_ =	strace $0x80000047;
	s5 =	sadd.s32 s5, s9;
	[dreg:$0x8] =	wrdreg s20  }
0xa: {  	s21 =	sadd.s32 s7, s10;
	[dreg:$0x7] =	wrdreg s5  }
0xb: {  	s9 =	simm.s32 $0xC0;
	[smem:$0x7CD] =	sst s21  }
0xc: {  	s22 =	sadd.s32 $0x1000, s21;
	[smem:$0x7D4] =	sst s9  }
0xd: {  	s23 =	sadd.s32 $0x2000, s21;
	[dreg:$0x9] =	wrdreg s22  }
0xe: {  	s24 =	sadd.s32 $0x3000, s21;
	[dreg:$0xa] =	wrdreg s23  }
0xf: {  	s25 =	sadd.s32 $0x4000, s21;
	[dreg:$0xb] =	wrdreg s24  }
0x10: {  	s30 =	sadd.s32 $0x5000, s21;
	[dreg:$0xc] =	wrdreg s25  }
0x11: {  	s26 =	smul.u32 $0xC0000, s8;
	s31 =	sadd.s32 $0x6000, s21;
	[dreg:$0xd] =	wrdreg s30  }
0x12: {  	s10 =	sadd.s32 $0x7000, s21;
	[dreg:$0xe] =	wrdreg s31  }
0x13: {  	s6 =	sshrl.u32 s26, $0x3;
	s5 =	simm.s32 $0x600;
	[dreg:$0xf] =	wrdreg s10  }
0x14: {  	s6 =	sadd.s32 s7, s6;
	s7 =	simm.s32 $0x80;
	[smem:$0x7D0] =	sst s5  }
0x15: {  	s9 =	simm.s32 $0x380;
	[smem:$0x7D2] =	sst s7  }
0x16: {  	s11 =	sadd.s32 $0x8000, s6;
	[smem:$0x7EA] =	sst s9  }
0x17: {  	s12 =	sadd.s32 $0x9000, s6;
	[dreg:$0x10] =	wrdreg s11  }
0x18: {  	s13 =	sadd.s32 $0xA000, s6;
	[dreg:$0x11] =	wrdreg s12  }
0x19: {  	s14 =	sadd.s32 $0xB000, s6;
	[dreg:$0x12] =	wrdreg s13  }
0x1a: {  	s15 =	sadd.s32 $0xC000, s6;
	[dreg:$0x13] =	wrdreg s14  }
0x1b: {  	s16 =	sadd.s32 $0xD000, s6;
	[dreg:$0x14] =	wrdreg s15  }
0x1c: {  	s17 =	sadd.s32 $0xE000, s6;
	[dreg:$0x15] =	wrdreg s16  }
0x1d: {  	s18 =	sadd.s32 $0xF000, s6;
	[dreg:$0x16] =	wrdreg s17  }
0x1e: {  	s19 =	sadd.s32 $0x10000, s6;
	[dreg:$0x17] =	wrdreg s18  }
0x1f: {  	s20 =	sadd.s32 $0x11000, s6;
	[dreg:$0x18] =	wrdreg s19  }
0x20: {  	s21 =	sadd.s32 $0x12000, s6;
	[dreg:$0x19] =	wrdreg s20  }
0x21: {  	s22 =	sadd.s32 $0x13000, s6;
	[dreg:$0x1a] =	wrdreg s21  }
0x22: {  	s23 =	sadd.s32 $0x14000, s6;
	[dreg:$0x1b] =	wrdreg s22  }
0x23: {  	s24 =	sadd.s32 $0x15000, s6;
	[dreg:$0x1c] =	wrdreg s23  }
0x24: {  	s25 =	sadd.s32 $0x16000, s6;
	[dreg:$0x1d] =	wrdreg s24  }
0x25: {  	s26 =	sadd.s32 $0x17000, s6;
	[dreg:$0x1e] =	wrdreg s25  }
0x26: {  	s31 =	simm.s32 $0x1200;
	[dreg:$0x1f] =	wrdreg s26  }
0x27: {  	s6 =	simm.s32 $0x680;
	[smem:$0x7CF] =	sst s31  }
0x28: {  	s30 =	sshll.u32 s8, $0xB;
	s8 =	simm.s32 $0x700;
	[smem:$0x7D1] =	sst s6  }
0x29: {  	s10 =	simm.s32 $0x780;
	[smem:$0x7D3] =	sst s8  }
0x2a: {  	s7 =	simm.s32 $0xC80;
	[smem:$0x7D5] =	sst s10  }
0x2b: {  	s4 =	sadd.s32 s4, s30;
	[smem:$0x7E9] =	sst s7  }
0x2c: {  	s11 =	simm.s32 $0x100;
	[smem:$0x7CE] =	sst s4  }
0x2d: {  	s12 =	simm.s32 $0x800;
	[smem:$0x7D6] =	sst s11  }
0x2e: {  	s13 =	simm.s32 $0x140;
	[smem:$0x7D7] =	sst s12  }
0x2f: {  	s14 =	simm.s32 $0x880;
	[smem:$0x7D8] =	sst s13  }
0x30: {  	s15 =	simm.s32 $0x180;
	[smem:$0x7D9] =	sst s14  }
0x31: {  	s16 =	simm.s32 $0x900;
	[smem:$0x7DA] =	sst s15  }
0x32: {  	s17 =	simm.s32 $0x1C0;
	[smem:$0x7DB] =	sst s16  }
0x33: {  	s18 =	simm.s32 $0x980;
	[smem:$0x7DC] =	sst s17  }
0x34: {  	s19 =	simm.s32 $0x200;
	[smem:$0x7DD] =	sst s18  }
0x35: {  	s20 =	simm.s32 $0xA00;
	[smem:$0x7DE] =	sst s19  }
0x36: {  	s21 =	simm.s32 $0x240;
	[smem:$0x7DF] =	sst s20  }
0x37: {  	s22 =	simm.s32 $0xA80;
	[smem:$0x7E0] =	sst s21  }
0x38: {  	s23 =	simm.s32 $0x280;
	[smem:$0x7E1] =	sst s22  }
0x39: {  	s24 =	simm.s32 $0xB00;
	[smem:$0x7E2] =	sst s23  }
0x3a: {  	s25 =	simm.s32 $0x2C0;
	[smem:$0x7E3] =	sst s24  }
0x3b: {  	s26 =	simm.s32 $0xB80;
	[smem:$0x7E4] =	sst s25  }
0x3c: {  	s30 =	simm.s32 $0x300;
	[smem:$0x7E5] =	sst s26  }
0x3d: {  	s31 =	simm.s32 $0xC00;
	[smem:$0x7E6] =	sst s30  }
0x3e: {  	s6 =	simm.s32 $0x340;
	[smem:$0x7E7] =	sst s31  }
0x3f: {  	s10 =	simm.s32 $0xD00;
	[smem:$0x7E8] =	sst s6  }
0x40: {  	[smem:$0x7EB] =	sst s10;
	s11 =	simm.s32 $0x3C0  }
0x41: {  	s12 =	simm.s32 $0xD80;
	[smem:$0x7EC] =	sst s11  }
0x42: {  	s13 =	simm.s32 $0x400;
	[smem:$0x7ED] =	sst s12  }
0x43: {  	s14 =	simm.s32 $0xE00;
	[smem:$0x7EE] =	sst s13  }
0x44: {  	s15 =	simm.s32 $0x440;
	[smem:$0x7EF] =	sst s14  }
0x45: {  	s29 =	simm.s32 $0x8;
	s16 =	simm.s32 $0xE80;
	[smem:$0x7F0] =	sst s15  }
0x46: {  	s28 =	simm.s32 $0x6;
	s17 =	simm.s32 $0x480;
	[smem:$0x7F1] =	sst s16  }
0x47: {  	s2 =	ssub.s32 $0x2, s2;
	s18 =	simm.s32 $0xF00;
	[smem:$0x7F2] =	sst s17  }
0x48: {  	s5 =	sadd.s32 $0x1000, s1;
	s19 =	simm.s32 $0x4C0;
	[smem:$0x7F3] =	sst s18  }
0x49: {  	s8 =	sshrl.u32 s2, $0x1;
	s20 =	simm.s32 $0xF80;
	[smem:$0x7F4] =	sst s19  }
0x4a: {  	s2 =	ssub.s32 s2, s8;
	s21 =	simm.s32 $0x500;
	[smem:$0x7F5] =	sst s20  }
0x4b: {  	s6 =	sadd.s32 $0x1100, s1;
	s22 =	simm.s32 $0x1000;
	[smem:$0x7F6] =	sst s21  }
0x4c: {  	s8 =	simm.s32 $0x1;
	s23 =	simm.s32 $0x540;
	[smem:$0x7F7] =	sst s22  }
0x4d: {  	s10 =	simm.s32 $0x40;
	s24 =	simm.s32 $0x1080;
	[smem:$0x7F8] =	sst s23  }
0x4e: {  	s25 =	simm.s32 $0x580;
	s26 =	simm.s32 $0x1100;
	[smem:$0x7F9] =	sst s24  }
0x4f: {  	s30 =	simm.s32 $0x5C0;
	s31 =	simm.s32 $0x1180;
	[smem:$0x7FA] =	sst s25  }
0x50: {  	s1 =	simm.s32 $0x9;
	s7 =	smax.u32 s2, $0x1;
	[smem:$0x7FB] =	sst s26  }
0x51: {  	v2 =	vlaneseq.u32;
	s11 =	simm.s32 $0x7;
	s13 =	simm.s32 $0x1280;
	[smem:$0x7FC] =	sst s30  }
0x52: {  	vm0 =	vmmov $0xffff;
	v1 =	vshrl.u32 v2, $0x3;
	[smem:$0x7FD] =	sst s31;
	s23 =	simm.s32 $0x4;
	s24 =	simm.s32 $0x2  }
0x53: {  	v0 =	vand.u32 $0x7, v2;
	v2 =	vor.u32 $0x8, v2;
	v1 =	vmul.u32 $0x8, v1;
	s25 =	simm.s32 $0x5;
	s26 =	simm.s32 $0x3;
	s12 =	simm.s32 $0x11280  }
.LBB2_1:
0x54: {  	[smem:$0x7CC] =	sst s7  }
0x55: {  	s31 =	rddreg [dreg:$0x7]  }
0x56: {  	s9 =	sld [smem:$0x7CF]  }
0x57: {  	[tilespmem:s3], [sflag:$0x1] =	stream.linear.gather [hbm4b:s31+s3], $0x600, $0x38;
	[tilespmem:$0x19280] =	vst v63  }
0x58: {  	s2 =	rddreg [dreg:$0x8]  }
0x59: {  	[tilespmem:s9], [sflag:$0xA] =	stream.linear.gather [hbm4b:s2+s3], $0x20, $0x38;
	[tilespmem:$0x19280] =	vst v63  }
0x5a: {  	_ =	swait.ge [sflag:s8], $0x600  }
0x5b: {  	[sflag:s8] =	ssyncset.done $0x0  }
0x5c: {  	s19 =	simm.s32 $0xA;
	[sflag:s8] =	ssyncadd.s32 $0xFFFFFA00  }
0x5d: {  	_ =	swait.ge [sflag:s19], $0x20  }
0x5e: {  	s20 =	sld [smem:$0x7D0]  }
0x5f: {  	[sflag:s19] =	ssyncset.done $0x0  }
0x60: {  	s21 =	sld [smem:$0x7D1];
	[sflag:s19] =	ssyncadd.s32 $0xFFFFFFE0  }
0x61: {  	[tilespmem:s20], [sflag:$0x7] =	stream.indirect.gather [hbm4b:s0+s10], $0x1, s3, s10, $0xb8;
	[tilespmem:$0x19280] =	vst v63  }
0x62: {  	_ = 	snop  }
0x63: {  	[tilespmem:s21], [sflag:$0x8] =	stream.indirect.gather [hbm4b:s0+s10], $0x1, s10, s10, $0xb8;
	[tilespmem:$0x19280] =	vst v63  }
0x64: {  	_ =	swait.ge [sflag:s11], $0x40  }
0x65: {  	[sflag:s11] =	ssyncset.done $0x0  }
0x66: {  	[sflag:s11] =	ssyncadd.s32 $0xFFFFFFC0  }
0x67: {  	v3 =	vld [tilespmem:$0x600];
	_ =	sdelay $0x4  }
0x68: {  	v4 =	vshll.u32 v3, $0x2  }
0x69: {  	v3 =	vand.u32 $0x7, v3;
	v4 =	vand.u32 $0xFFFFFFE0, v4  }
0x6a: {  	v3 =	vor.u32 v3, v4  }
0x6b: {  	v4 =	vperm.xlane v3, v0;
	_ =	sdelay $0x1  }
0x6c: {  	v4 =	vadd.s32 v1, v4;
	_ =	sdelay $0x1  }
0x6d: {  	v3 =	vperm.xlane v3, v2;
	_ =	sdelay $0x1  }
0x6e: {  	v3 =	vadd.s32 v1, v3  }
0x6f: {  	[tilespmem:s13], [sflag:$0x1] =	stream.indirect_vreg.gather [hbm4b:s5+s3], $0x80, v4, vm0, $0xb8;
	[tilespmem:$0x19280] =	vst v63  }
0x70: {  	s22 =	simm.s32 $0x1A80  }
0x71: {  	[tilespmem:s22], [sflag:$0x1] =	stream.indirect_vreg.gather [hbm4b:s6+s3], $0x80, v4, vm0, $0xb8;
	[tilespmem:$0x19280] =	vst v63  }
0x72: {  	s30 =	simm.s32 $0x2280  }
0x73: {  	[tilespmem:s30], [sflag:$0x1] =	stream.indirect_vreg.gather [hbm4b:s5+s3], $0x80, v3, vm0, $0xb8;
	[tilespmem:$0x19280] =	vst v63  }
0x74: {  	s31 =	simm.s32 $0x2A80  }
0x75: {  	[tilespmem:s31], [sflag:$0x1] =	stream.indirect_vreg.gather [hbm4b:s6+s3], $0x80, v3, vm0, $0xb8;
	[tilespmem:$0x19280] =	vst v63  }
0x76: {  	v3 =	vld [tilespmem:$0x610];
	_ =	sdelay $0x4  }
0x77: {  	v23 =	vshll.u32 v3, $0x2  }
0x78: {  	v3 =	vand.u32 $0x7, v3;
	v4 =	vand.u32 $0xFFFFFFE0, v23  }
0x79: {  	v3 =	vor.u32 v3, v4  }
0x7a: {  	v4 =	vperm.xlane v3, v0;
	_ =	sdelay $0x1  }
0x7b: {  	v4 =	vadd.s32 v1, v4;
	_ =	sdelay $0x1  }
0x7c: {  	v3 =	vperm.xlane v3, v2;
	_ =	sdelay $0x1  }
0x7d: {  	s4 =	simm.s32 $0x3280;
	v3 =	vadd.s32 v1, v3  }
0x7e: {  	[tilespmem:s4], [sflag:$0x1] =	stream.indirect_vreg.gather [hbm4b:s5+s3], $0x80, v4, vm0, $0xb8;
	[tilespmem:$0x19280] =	vst v63  }
0x7f: {  	s7 =	simm.s32 $0x3A80  }
0x80: {  	[tilespmem:s7], [sflag:$0x1] =	stream.indirect_vreg.gather [hbm4b:s6+s3], $0x80, v4, vm0, $0xb8;
	[tilespmem:$0x19280] =	vst v63  }
0x81: {  	s9 =	simm.s32 $0x4280  }
0x82: {  	[tilespmem:s9], [sflag:$0x1] =	stream.indirect_vreg.gather [hbm4b:s5+s3], $0x80, v3, vm0, $0xb8;
	[tilespmem:$0x19280] =	vst v63  }
0x83: {  	s14 =	simm.s32 $0x4A80  }
0x84: {  	[tilespmem:s14], [sflag:$0x1] =	stream.indirect_vreg.gather [hbm4b:s6+s3], $0x80, v3, vm0, $0xb8;
	[tilespmem:$0x19280] =	vst v63  }
0x85: {  	v3 =	vld [tilespmem:$0x620];
	_ =	sdelay $0x4  }
0x86: {  	v24 =	vshll.u32 v3, $0x2  }
0x87: {  	v3 =	vand.u32 $0x7, v3;
	v4 =	vand.u32 $0xFFFFFFE0, v24  }
0x88: {  	v3 =	vor.u32 v3, v4  }
0x89: {  	v4 =	vperm.xlane v3, v0;
	_ =	sdelay $0x1  }
0x8a: {  	v4 =	vadd.s32 v1, v4;
	_ =	sdelay $0x1  }
0x8b: {  	v3 =	vperm.xlane v3, v2;
	_ =	sdelay $0x1  }
0x8c: {  	s15 =	simm.s32 $0x5280;
	v3 =	vadd.s32 v1, v3  }
0x8d: {  	[tilespmem:s15], [sflag:$0x1] =	stream.indirect_vreg.gather [hbm4b:s5+s3], $0x80, v4, vm0, $0xb8;
	[tilespmem:$0x19280] =	vst v63  }
0x8e: {  	s20 =	simm.s32 $0x5A80  }
0x8f: {  	[tilespmem:s20], [sflag:$0x1] =	stream.indirect_vreg.gather [hbm4b:s6+s3], $0x80, v4, vm0, $0xb8;
	[tilespmem:$0x19280] =	vst v63  }
0x90: {  	s21 =	simm.s32 $0x6280  }
0x91: {  	[tilespmem:s21], [sflag:$0x1] =	stream.indirect_vreg.gather [hbm4b:s5+s3], $0x80, v3, vm0, $0xb8;
	[tilespmem:$0x19280] =	vst v63  }
0x92: {  	s22 =	simm.s32 $0x6A80  }
0x93: {  	[tilespmem:s22], [sflag:$0x1] =	stream.indirect_vreg.gather [hbm4b:s6+s3], $0x80, v3, vm0, $0xb8;
	[tilespmem:$0x19280] =	vst v63  }
0x94: {  	v3 =	vld [tilespmem:$0x630];
	_ =	sdelay $0x4  }
0x95: {  	v25 =	vshll.u32 v3, $0x2  }
0x96: {  	v3 =	vand.u32 $0x7, v3;
	v4 =	vand.u32 $0xFFFFFFE0, v25  }
0x97: {  	v3 =	vor.u32 v3, v4  }
0x98: {  	v4 =	vperm.xlane v3, v0;
	_ =	sdelay $0x1  }
0x99: {  	v4 =	vadd.s32 v1, v4;
	_ =	sdelay $0x1  }
0x9a: {  	v3 =	vperm.xlane v3, v2;
	_ =	sdelay $0x1  }
0x9b: {  	s31 =	simm.s32 $0x7280;
	v3 =	vadd.s32 v1, v3  }
0x9c: {  	[tilespmem:s31], [sflag:$0x1] =	stream.indirect_vreg.gather [hbm4b:s5+s3], $0x80, v4, vm0, $0xb8;
	[tilespmem:$0x19280] =	vst v63  }
0x9d: {  	s4 =	simm.s32 $0x7A80  }
0x9e: {  	[tilespmem:s4], [sflag:$0x1] =	stream.indirect_vreg.gather [hbm4b:s6+s3], $0x80, v4, vm0, $0xb8;
	[tilespmem:$0x19280] =	vst v63  }
0x9f: {  	s7 =	simm.s32 $0x8280;
	s9 =	sld [smem:$0x7D2]  }
0xa0: {  	[tilespmem:s7], [sflag:$0x1] =	stream.indirect_vreg.gather [hbm4b:s5+s3], $0x80, v3, vm0, $0xb8;
	[tilespmem:$0x19280] =	vst v63  }
0xa1: {  	s31 =	sld [smem:$0x7D3];
	s4 =	simm.s32 $0x8A80  }
0xa2: {  	[tilespmem:s4], [sflag:$0x1] =	stream.indirect_vreg.gather [hbm4b:s6+s3], $0x80, v3, vm0, $0xb8;
	[tilespmem:$0x19280] =	vst v63  }
0xa3: {  	_ = 	snop  }
0xa4: {  	[tilespmem:s31], [sflag:$0x9] =	stream.indirect.gather [hbm4b:s0+s10], $0x1, s9, s10, $0xb8;
	[tilespmem:$0x19280] =	vst v63  }
0xa5: {  	_ =	swait.ge [sflag:s29], $0x40  }
0xa6: {  	[sflag:s29] =	ssyncset.done $0x0  }
0xa7: {  	[sflag:s29] =	ssyncadd.s32 $0xFFFFFFC0  }
0xa8: {  	v3 =	vld [tilespmem:$0x680];
	_ =	sdelay $0x4  }
0xa9: {  	v26 =	vshll.u32 v3, $0x2  }
0xaa: {  	v3 =	vand.u32 $0x7, v3;
	v4 =	vand.u32 $0xFFFFFFE0, v26  }
0xab: {  	v3 =	vor.u32 v3, v4  }
0xac: {  	v4 =	vperm.xlane v3, v0;
	_ =	sdelay $0x1  }
0xad: {  	v4 =	vadd.s32 v1, v4;
	_ =	sdelay $0x1  }
0xae: {  	v3 =	vperm.xlane v3, v2;
	_ =	sdelay $0x1  }
0xaf: {  	s4 =	simm.s32 $0x9280;
	v3 =	vadd.s32 v1, v3  }
0xb0: {  	[tilespmem:s4], [sflag:$0x2] =	stream.indirect_vreg.gather [hbm4b:s5+s3], $0x80, v4, vm0, $0xb8;
	[tilespmem:$0x19280] =	vst v63  }
0xb1: {  	s31 =	simm.s32 $0x9A80  }
0xb2: {  	[tilespmem:s31], [sflag:$0x2] =	stream.indirect_vreg.gather [hbm4b:s6+s3], $0x80, v4, vm0, $0xb8;
	[tilespmem:$0x19280] =	vst v63  }
0xb3: {  	s9 =	simm.s32 $0xA280  }
0xb4: {  	[tilespmem:s9], [sflag:$0x2] =	stream.indirect_vreg.gather [hbm4b:s5+s3], $0x80, v3, vm0, $0xb8;
	[tilespmem:$0x19280] =	vst v63  }
0xb5: {  	s31 =	simm.s32 $0xAA80  }
0xb6: {  	[tilespmem:s31], [sflag:$0x2] =	stream.indirect_vreg.gather [hbm4b:s6+s3], $0x80, v3, vm0, $0xb8;
	[tilespmem:$0x19280] =	vst v63  }
0xb7: {  	v3 =	vld [tilespmem:$0x690];
	_ =	sdelay $0x4  }
0xb8: {  	v27 =	vshll.u32 v3, $0x2  }
0xb9: {  	v3 =	vand.u32 $0x7, v3;
	v4 =	vand.u32 $0xFFFFFFE0, v27  }
0xba: {  	v3 =	vor.u32 v3, v4  }
0xbb: {  	v4 =	vperm.xlane v3, v0;
	_ =	sdelay $0x1  }
0xbc: {  	v4 =	vadd.s32 v1, v4;
	_ =	sdelay $0x1  }
0xbd: {  	v3 =	vperm.xlane v3, v2;
	_ =	sdelay $0x1  }
0xbe: {  	s9 =	simm.s32 $0xB280;
	v3 =	vadd.s32 v1, v3  }
0xbf: {  	[tilespmem:s9], [sflag:$0x2] =	stream.indirect_vreg.gather [hbm4b:s5+s3], $0x80, v4, vm0, $0xb8;
	[tilespmem:$0x19280] =	vst v63  }
0xc0: {  	s31 =	simm.s32 $0xBA80  }
0xc1: {  	[tilespmem:s31], [sflag:$0x2] =	stream.indirect_vreg.gather [hbm4b:s6+s3], $0x80, v4, vm0, $0xb8;
	[tilespmem:$0x19280] =	vst v63  }
0xc2: {  	s9 =	simm.s32 $0xC280  }
0xc3: {  	[tilespmem:s9], [sflag:$0x2] =	stream.indirect_vreg.gather [hbm4b:s5+s3], $0x80, v3, vm0, $0xb8;
	[tilespmem:$0x19280] =	vst v63  }
0xc4: {  	s31 =	simm.s32 $0xCA80  }
0xc5: {  	[tilespmem:s31], [sflag:$0x2] =	stream.indirect_vreg.gather [hbm4b:s6+s3], $0x80, v3, vm0, $0xb8;
	[tilespmem:$0x19280] =	vst v63  }
0xc6: {  	v3 =	vld [tilespmem:$0x6A0];
	_ =	sdelay $0x4  }
0xc7: {  	v28 =	vshll.u32 v3, $0x2  }
0xc8: {  	v3 =	vand.u32 $0x7, v3;
	v4 =	vand.u32 $0xFFFFFFE0, v28  }
0xc9: {  	v3 =	vor.u32 v3, v4  }
0xca: {  	v4 =	vperm.xlane v3, v0;
	_ =	sdelay $0x1  }
0xcb: {  	v4 =	vadd.s32 v1, v4;
	_ =	sdelay $0x1  }
0xcc: {  	v3 =	vperm.xlane v3, v2;
	_ =	sdelay $0x1  }
0xcd: {  	s9 =	simm.s32 $0xD280;
	v3 =	vadd.s32 v1, v3  }
0xce: {  	[tilespmem:s9], [sflag:$0x2] =	stream.indirect_vreg.gather [hbm4b:s5+s3], $0x80, v4, vm0, $0xb8;
	[tilespmem:$0x19280] =	vst v63  }
0xcf: {  	s31 =	simm.s32 $0xDA80  }
0xd0: {  	[tilespmem:s31], [sflag:$0x2] =	stream.indirect_vreg.gather [hbm4b:s6+s3], $0x80, v4, vm0, $0xb8;
	[tilespmem:$0x19280] =	vst v63  }
0xd1: {  	s9 =	simm.s32 $0xE280  }
0xd2: {  	[tilespmem:s9], [sflag:$0x2] =	stream.indirect_vreg.gather [hbm4b:s5+s3], $0x80, v3, vm0, $0xb8;
	[tilespmem:$0x19280] =	vst v63  }
0xd3: {  	s31 =	simm.s32 $0xEA80  }
0xd4: {  	[tilespmem:s31], [sflag:$0x2] =	stream.indirect_vreg.gather [hbm4b:s6+s3], $0x80, v3, vm0, $0xb8;
	[tilespmem:$0x19280] =	vst v63  }
0xd5: {  	v3 =	vld [tilespmem:$0x6B0];
	_ =	sdelay $0x4  }
0xd6: {  	v29 =	vshll.u32 v3, $0x2  }
0xd7: {  	v3 =	vand.u32 $0x7, v3;
	v4 =	vand.u32 $0xFFFFFFE0, v29  }
0xd8: {  	v3 =	vor.u32 v3, v4  }
0xd9: {  	v4 =	vperm.xlane v3, v0;
	_ =	sdelay $0x1  }
0xda: {  	v4 =	vadd.s32 v1, v4;
	_ =	sdelay $0x1  }
0xdb: {  	v3 =	vperm.xlane v3, v2;
	_ =	sdelay $0x1  }
0xdc: {  	s9 =	simm.s32 $0xF280;
	v3 =	vadd.s32 v1, v3  }
0xdd: {  	[tilespmem:s9], [sflag:$0x2] =	stream.indirect_vreg.gather [hbm4b:s5+s3], $0x80, v4, vm0, $0xb8;
	[tilespmem:$0x19280] =	vst v63  }
0xde: {  	s31 =	simm.s32 $0xFA80  }
0xdf: {  	[tilespmem:s31], [sflag:$0x2] =	stream.indirect_vreg.gather [hbm4b:s6+s3], $0x80, v4, vm0, $0xb8;
	[tilespmem:$0x19280] =	vst v63  }
0xe0: {  	s2 =	sld [smem:$0x7D4];
	s9 =	simm.s32 $0x10280  }
0xe1: {  	[tilespmem:s9], [sflag:$0x2] =	stream.indirect_vreg.gather [hbm4b:s5+s3], $0x80, v3, vm0, $0xb8;
	[tilespmem:$0x19280] =	vst v63  }
0xe2: {  	s31 =	simm.s32 $0x10A80;
	s9 =	sld [smem:$0x7D5]  }
0xe3: {  	[tilespmem:s31], [sflag:$0x2] =	stream.indirect_vreg.gather [hbm4b:s6+s3], $0x80, v3, vm0, $0xb8;
	[tilespmem:$0x19280] =	vst v63  }
0xe4: {  	_ = 	snop  }
0xe5: {  	[tilespmem:s9], [sflag:$0x7] =	stream.indirect.gather [hbm4b:s0+s10], $0x1, s2, s10, $0xb8;
	[tilespmem:$0x19280] =	vst v63  }
0xe6: {  	_ =	swait.ge [sflag:s1], $0x40  }
0xe7: {  	[sflag:s1] =	ssyncset.done $0x0  }
0xe8: {  	[sflag:s1] =	ssyncadd.s32 $0xFFFFFFC0  }
0xe9: {  	v3 =	vld [tilespmem:$0x700];
	_ =	sdelay $0x4  }
0xea: {  	v30 =	vshll.u32 v3, $0x2  }
0xeb: {  	v3 =	vand.u32 $0x7, v3;
	v4 =	vand.u32 $0xFFFFFFE0, v30  }
0xec: {  	v3 =	vor.u32 v3, v4  }
0xed: {  	v4 =	vperm.xlane v3, v0;
	_ =	sdelay $0x1  }
0xee: {  	v4 =	vadd.s32 v1, v4;
	_ =	sdelay $0x1  }
0xef: {  	v3 =	vperm.xlane v3, v2;
	_ =	sdelay $0x1  }
0xf0: {  	v3 =	vadd.s32 v1, v3  }
0xf1: {  	[tilespmem:s12], [sflag:$0x3] =	stream.indirect_vreg.gather [hbm4b:s5+s3], $0x80, v4, vm0, $0xb8;
	[tilespmem:$0x19280] =	vst v63  }
0xf2: {  	s31 =	simm.s32 $0x11A80  }
0xf3: {  	[tilespmem:s31], [sflag:$0x3] =	stream.indirect_vreg.gather [hbm4b:s6+s3], $0x80, v4, vm0, $0xb8;
	[tilespmem:$0x19280] =	vst v63  }
0xf4: {  	s9 =	simm.s32 $0x12280  }
0xf5: {  	[tilespmem:s9], [sflag:$0x3] =	stream.indirect_vreg.gather [hbm4b:s5+s3], $0x80, v3, vm0, $0xb8;
	[tilespmem:$0x19280] =	vst v63  }
0xf6: {  	s31 =	simm.s32 $0x12A80  }
0xf7: {  	[tilespmem:s31], [sflag:$0x3] =	stream.indirect_vreg.gather [hbm4b:s6+s3], $0x80, v3, vm0, $0xb8;
	[tilespmem:$0x19280] =	vst v63  }
0xf8: {  	v3 =	vld [tilespmem:$0x710];
	_ =	sdelay $0x4  }
0xf9: {  	v31 =	vshll.u32 v3, $0x2  }
0xfa: {  	v3 =	vand.u32 $0x7, v3;
	v4 =	vand.u32 $0xFFFFFFE0, v31  }
0xfb: {  	v3 =	vor.u32 v3, v4  }
0xfc: {  	v4 =	vperm.xlane v3, v0;
	_ =	sdelay $0x1  }
0xfd: {  	v4 =	vadd.s32 v1, v4;
	_ =	sdelay $0x1  }
0xfe: {  	v3 =	vperm.xlane v3, v2;
	_ =	sdelay $0x1  }
0xff: {  	s9 =	simm.s32 $0x13280;
	v3 =	vadd.s32 v1, v3  }
0x100: {  	[tilespmem:s9], [sflag:$0x3] =	stream.indirect_vreg.gather [hbm4b:s5+s3], $0x80, v4, vm0, $0xb8;
	[tilespmem:$0x19280] =	vst v63  }
0x101: {  	s31 =	simm.s32 $0x13A80  }
0x102: {  	[tilespmem:s31], [sflag:$0x3] =	stream.indirect_vreg.gather [hbm4b:s6+s3], $0x80, v4, vm0, $0xb8;
	[tilespmem:$0x19280] =	vst v63  }
0x103: {  	s9 =	simm.s32 $0x14280  }
0x104: {  	[tilespmem:s9], [sflag:$0x3] =	stream.indirect_vreg.gather [hbm4b:s5+s3], $0x80, v3, vm0, $0xb8;
	[tilespmem:$0x19280] =	vst v63  }
0x105: {  	s31 =	simm.s32 $0x14A80  }
0x106: {  	[tilespmem:s31], [sflag:$0x3] =	stream.indirect_vreg.gather [hbm4b:s6+s3], $0x80, v3, vm0, $0xb8;
	[tilespmem:$0x19280] =	vst v63  }
0x107: {  	v3 =	vld [tilespmem:$0x720];
	_ =	sdelay $0x4  }
0x108: {  	v32 =	vshll.u32 v3, $0x2  }
0x109: {  	v3 =	vand.u32 $0x7, v3;
	v4 =	vand.u32 $0xFFFFFFE0, v32  }
0x10a: {  	v3 =	vor.u32 v3, v4  }
0x10b: {  	v4 =	vperm.xlane v3, v0;
	_ =	sdelay $0x1  }
0x10c: {  	v4 =	vadd.s32 v1, v4;
	_ =	sdelay $0x1  }
0x10d: {  	v3 =	vperm.xlane v3, v2;
	_ =	sdelay $0x1  }
0x10e: {  	s9 =	simm.s32 $0x15280;
	v3 =	vadd.s32 v1, v3  }
0x10f: {  	[tilespmem:s9], [sflag:$0x3] =	stream.indirect_vreg.gather [hbm4b:s5+s3], $0x80, v4, vm0, $0xb8;
	[tilespmem:$0x19280] =	vst v63  }
0x110: {  	s31 =	simm.s32 $0x15A80  }
0x111: {  	[tilespmem:s31], [sflag:$0x3] =	stream.indirect_vreg.gather [hbm4b:s6+s3], $0x80, v4, vm0, $0xb8;
	[tilespmem:$0x19280] =	vst v63  }
0x112: {  	s9 =	simm.s32 $0x16280  }
0x113: {  	[tilespmem:s9], [sflag:$0x3] =	stream.indirect_vreg.gather [hbm4b:s5+s3], $0x80, v3, vm0, $0xb8;
	[tilespmem:$0x19280] =	vst v63  }
0x114: {  	s31 =	simm.s32 $0x16A80  }
0x115: {  	[tilespmem:s31], [sflag:$0x3] =	stream.indirect_vreg.gather [hbm4b:s6+s3], $0x80, v3, vm0, $0xb8;
	[tilespmem:$0x19280] =	vst v63  }
0x116: {  	v3 =	vld [tilespmem:$0x730];
	_ =	sdelay $0x4  }
0x117: {  	v33 =	vshll.u32 v3, $0x2  }
0x118: {  	v3 =	vand.u32 $0x7, v3;
	v4 =	vand.u32 $0xFFFFFFE0, v33  }
0x119: {  	v3 =	vor.u32 v3, v4  }
0x11a: {  	v4 =	vperm.xlane v3, v0;
	_ =	sdelay $0x1  }
0x11b: {  	v4 =	vadd.s32 v1, v4;
	_ =	sdelay $0x1  }
0x11c: {  	v3 =	vperm.xlane v3, v2;
	_ =	sdelay $0x1  }
0x11d: {  	s9 =	simm.s32 $0x17280;
	v3 =	vadd.s32 v1, v3  }
0x11e: {  	[tilespmem:s9], [sflag:$0x3] =	stream.indirect_vreg.gather [hbm4b:s5+s3], $0x80, v4, vm0, $0xb8;
	[tilespmem:$0x19280] =	vst v63  }
0x11f: {  	s31 =	simm.s32 $0x17A80  }
0x120: {  	[tilespmem:s31], [sflag:$0x3] =	stream.indirect_vreg.gather [hbm4b:s6+s3], $0x80, v4, vm0, $0xb8;
	[tilespmem:$0x19280] =	vst v63  }
0x121: {  	s9 =	simm.s32 $0x18280  }
0x122: {  	[tilespmem:s9], [sflag:$0x3] =	stream.indirect_vreg.gather [hbm4b:s5+s3], $0x80, v3, vm0, $0xb8;
	[tilespmem:$0x19280] =	vst v63  }
0x123: {  	s31 =	simm.s32 $0x18A80  }
0x124: {  	[tilespmem:s31], [sflag:$0x3] =	stream.indirect_vreg.gather [hbm4b:s6+s3], $0x80, v3, vm0, $0xb8;
	[tilespmem:$0x19280] =	vst v63  }
0x125: {  	_ =	swait.ge [sflag:s8], $0x8000  }
0x126: {  	s31 =	sld [smem:$0x7CD]  }
0x127: {  	[sflag:s8] =	ssyncset.done $0x0;
	s2 =	sld [smem:$0x7D6]  }
0x128: {  	s9 =	sld [smem:$0x7D7];
	[sflag:s8] =	ssyncadd.s32 $0xFFFF8000  }
0x129: {  	[hbm4b:s31+s3] =	stream.linear.scatter [tilespmem:s13], [sflag:$0x4], $0x8000, $0x38;
	[tilespmem:$0x19280] =	vst v63  }
0x12a: {  	_ = 	snop  }
0x12b: {  	[tilespmem:s9], [sflag:$0x8] =	stream.indirect.gather [hbm4b:s0+s10], $0x1, s2, s10, $0xb8;
	[tilespmem:$0x19280] =	vst v63  }
0x12c: {  	_ =	swait.ge [sflag:s23], $0x8000  }
0x12d: {  	[sflag:s23] =	ssyncset.done $0x0  }
0x12e: {  	[sflag:s23] =	ssyncadd.s32 $0xFFFF8000  }
0x12f: {  	_ =	swait.ge [sflag:s11], $0x40  }
0x130: {  	[sflag:s11] =	ssyncset.done $0x0  }
0x131: {  	[sflag:s11] =	ssyncadd.s32 $0xFFFFFFC0  }
0x132: {  	v3 =	vld [tilespmem:$0x780];
	_ =	sdelay $0x4  }
0x133: {  	v34 =	vshll.u32 v3, $0x2  }
0x134: {  	v3 =	vand.u32 $0x7, v3;
	v4 =	vand.u32 $0xFFFFFFE0, v34  }
0x135: {  	v3 =	vor.u32 v3, v4  }
0x136: {  	v4 =	vperm.xlane v3, v0;
	_ =	sdelay $0x1  }
0x137: {  	v4 =	vadd.s32 v1, v4;
	_ =	sdelay $0x1  }
0x138: {  	v3 =	vperm.xlane v3, v2;
	_ =	sdelay $0x1  }
0x139: {  	v3 =	vadd.s32 v1, v3  }
0x13a: {  	[tilespmem:s13], [sflag:$0x1] =	stream.indirect_vreg.gather [hbm4b:s5+s3], $0x80, v4, vm0, $0xb8;
	[tilespmem:$0x19280] =	vst v63  }
0x13b: {  	s9 =	simm.s32 $0x1A80  }
0x13c: {  	[tilespmem:s9], [sflag:$0x1] =	stream.indirect_vreg.gather [hbm4b:s6+s3], $0x80, v4, vm0, $0xb8;
	[tilespmem:$0x19280] =	vst v63  }
0x13d: {  	s19 =	simm.s32 $0x2280  }
0x13e: {  	[tilespmem:s19], [sflag:$0x1] =	stream.indirect_vreg.gather [hbm4b:s5+s3], $0x80, v3, vm0, $0xb8;
	[tilespmem:$0x19280] =	vst v63  }
0x13f: {  	s16 =	simm.s32 $0x2A80  }
0x140: {  	[tilespmem:s16], [sflag:$0x1] =	stream.indirect_vreg.gather [hbm4b:s6+s3], $0x80, v3, vm0, $0xb8;
	[tilespmem:$0x19280] =	vst v63  }
0x141: {  	v3 =	vld [tilespmem:$0x790];
	_ =	sdelay $0x4  }
0x142: {  	v35 =	vshll.u32 v3, $0x2  }
0x143: {  	v3 =	vand.u32 $0x7, v3;
	v4 =	vand.u32 $0xFFFFFFE0, v35  }
0x144: {  	v3 =	vor.u32 v3, v4  }
0x145: {  	v4 =	vperm.xlane v3, v0;
	_ =	sdelay $0x1  }
0x146: {  	v4 =	vadd.s32 v1, v4;
	_ =	sdelay $0x1  }
0x147: {  	v3 =	vperm.xlane v3, v2;
	_ =	sdelay $0x1  }
0x148: {  	s18 =	simm.s32 $0x3280;
	v3 =	vadd.s32 v1, v3  }
0x149: {  	[tilespmem:s18], [sflag:$0x1] =	stream.indirect_vreg.gather [hbm4b:s5+s3], $0x80, v4, vm0, $0xb8;
	[tilespmem:$0x19280] =	vst v63  }
0x14a: {  	s31 =	simm.s32 $0x3A80  }
0x14b: {  	[tilespmem:s31], [sflag:$0x1] =	stream.indirect_vreg.gather [hbm4b:s6+s3], $0x80, v4, vm0, $0xb8;
	[tilespmem:$0x19280] =	vst v63  }
0x14c: {  	s9 =	simm.s32 $0x4280  }
0x14d: {  	[tilespmem:s9], [sflag:$0x1] =	stream.indirect_vreg.gather [hbm4b:s5+s3], $0x80, v3, vm0, $0xb8;
	[tilespmem:$0x19280] =	vst v63  }
0x14e: {  	s17 =	simm.s32 $0x4A80  }
0x14f: {  	[tilespmem:s17], [sflag:$0x1] =	stream.indirect_vreg.gather [hbm4b:s6+s3], $0x80, v3, vm0, $0xb8;
	[tilespmem:$0x19280] =	vst v63  }
0x150: {  	v3 =	vld [tilespmem:$0x7A0];
	_ =	sdelay $0x4  }
0x151: {  	v36 =	vshll.u32 v3, $0x2  }
0x152: {  	v3 =	vand.u32 $0x7, v3;
	v4 =	vand.u32 $0xFFFFFFE0, v36  }
0x153: {  	v3 =	vor.u32 v3, v4  }
0x154: {  	v4 =	vperm.xlane v3, v0;
	_ =	sdelay $0x1  }
0x155: {  	v4 =	vadd.s32 v1, v4;
	_ =	sdelay $0x1  }
0x156: {  	v3 =	vperm.xlane v3, v2;
	_ =	sdelay $0x1  }
0x157: {  	s30 =	simm.s32 $0x5280;
	v3 =	vadd.s32 v1, v3  }
0x158: {  	[tilespmem:s30], [sflag:$0x1] =	stream.indirect_vreg.gather [hbm4b:s5+s3], $0x80, v4, vm0, $0xb8;
	[tilespmem:$0x19280] =	vst v63  }
0x159: {  	s20 =	simm.s32 $0x5A80  }
0x15a: {  	[tilespmem:s20], [sflag:$0x1] =	stream.indirect_vreg.gather [hbm4b:s6+s3], $0x80, v4, vm0, $0xb8;
	[tilespmem:$0x19280] =	vst v63  }
0x15b: {  	s21 =	simm.s32 $0x6280  }
0x15c: {  	[tilespmem:s21], [sflag:$0x1] =	stream.indirect_vreg.gather [hbm4b:s5+s3], $0x80, v3, vm0, $0xb8;
	[tilespmem:$0x19280] =	vst v63  }
0x15d: {  	s15 =	simm.s32 $0x6A80  }
0x15e: {  	[tilespmem:s15], [sflag:$0x1] =	stream.indirect_vreg.gather [hbm4b:s6+s3], $0x80, v3, vm0, $0xb8;
	[tilespmem:$0x19280] =	vst v63  }
0x15f: {  	v3 =	vld [tilespmem:$0x7B0];
	_ =	sdelay $0x4  }
0x160: {  	v37 =	vshll.u32 v3, $0x2  }
0x161: {  	v3 =	vand.u32 $0x7, v3;
	v4 =	vand.u32 $0xFFFFFFE0, v37  }
0x162: {  	v3 =	vor.u32 v3, v4  }
0x163: {  	v4 =	vperm.xlane v3, v0;
	_ =	sdelay $0x1  }
0x164: {  	v4 =	vadd.s32 v1, v4;
	_ =	sdelay $0x1  }
0x165: {  	v3 =	vperm.xlane v3, v2;
	_ =	sdelay $0x1  }
0x166: {  	s22 =	simm.s32 $0x7280;
	v3 =	vadd.s32 v1, v3  }
0x167: {  	[tilespmem:s22], [sflag:$0x1] =	stream.indirect_vreg.gather [hbm4b:s5+s3], $0x80, v4, vm0, $0xb8;
	[tilespmem:$0x19280] =	vst v63  }
0x168: {  	s21 =	simm.s32 $0x7A80  }
0x169: {  	[tilespmem:s21], [sflag:$0x1] =	stream.indirect_vreg.gather [hbm4b:s6+s3], $0x80, v4, vm0, $0xb8;
	[tilespmem:$0x19280] =	vst v63  }
0x16a: {  	s14 =	simm.s32 $0x8280  }
0x16b: {  	[tilespmem:s14], [sflag:$0x1] =	stream.indirect_vreg.gather [hbm4b:s5+s3], $0x80, v3, vm0, $0xb8;
	[tilespmem:$0x19280] =	vst v63  }
0x16c: {  	s7 =	simm.s32 $0x8A80  }
0x16d: {  	[tilespmem:s7], [sflag:$0x1] =	stream.indirect_vreg.gather [hbm4b:s6+s3], $0x80, v3, vm0, $0xb8;
	[tilespmem:$0x19280] =	vst v63  }
0x16e: {  	_ =	swait.ge [sflag:s24], $0x8000  }
0x16f: {  	s22 =	rddreg [dreg:$0x9]  }
0x170: {  	[sflag:s24] =	ssyncset.done $0x0;
	s30 =	sld [smem:$0x7D8]  }
0x171: {  	s7 =	sld [smem:$0x7D9];
	[sflag:s24] =	ssyncadd.s32 $0xFFFF8000  }
0x172: {  	[hbm4b:s22+s3] =	stream.linear.scatter [tilespmem:s4], [sflag:$0x5], $0x8000, $0x38;
	[tilespmem:$0x19280] =	vst v63  }
0x173: {  	_ = 	snop  }
0x174: {  	[tilespmem:s7], [sflag:$0x9] =	stream.indirect.gather [hbm4b:s0+s10], $0x1, s30, s10, $0xb8;
	[tilespmem:$0x19280] =	vst v63  }
0x175: {  	_ =	swait.ge [sflag:s25], $0x8000  }
0x176: {  	[sflag:s25] =	ssyncset.done $0x0  }
0x177: {  	[sflag:s25] =	ssyncadd.s32 $0xFFFF8000  }
0x178: {  	_ =	swait.ge [sflag:s29], $0x40  }
0x179: {  	[sflag:s29] =	ssyncset.done $0x0  }
0x17a: {  	[sflag:s29] =	ssyncadd.s32 $0xFFFFFFC0  }
0x17b: {  	v3 =	vld [tilespmem:$0x800];
	_ =	sdelay $0x4  }
0x17c: {  	v38 =	vshll.u32 v3, $0x2  }
0x17d: {  	v3 =	vand.u32 $0x7, v3;
	v4 =	vand.u32 $0xFFFFFFE0, v38  }
0x17e: {  	v3 =	vor.u32 v3, v4  }
0x17f: {  	v4 =	vperm.xlane v3, v0;
	_ =	sdelay $0x1  }
0x180: {  	v4 =	vadd.s32 v1, v4;
	_ =	sdelay $0x1  }
0x181: {  	v3 =	vperm.xlane v3, v2;
	_ =	sdelay $0x1  }
0x182: {  	v3 =	vadd.s32 v1, v3  }
0x183: {  	[tilespmem:s4], [sflag:$0x2] =	stream.indirect_vreg.gather [hbm4b:s5+s3], $0x80, v4, vm0, $0xb8;
	[tilespmem:$0x19280] =	vst v63  }
0x184: {  	s14 =	simm.s32 $0x9A80  }
0x185: {  	[tilespmem:s14], [sflag:$0x2] =	stream.indirect_vreg.gather [hbm4b:s6+s3], $0x80, v4, vm0, $0xb8;
	[tilespmem:$0x19280] =	vst v63  }
0x186: {  	s15 =	simm.s32 $0xA280  }
0x187: {  	[tilespmem:s15], [sflag:$0x2] =	stream.indirect_vreg.gather [hbm4b:s5+s3], $0x80, v3, vm0, $0xb8;
	[tilespmem:$0x19280] =	vst v63  }
0x188: {  	s20 =	simm.s32 $0xAA80  }
0x189: {  	[tilespmem:s20], [sflag:$0x2] =	stream.indirect_vreg.gather [hbm4b:s6+s3], $0x80, v3, vm0, $0xb8;
	[tilespmem:$0x19280] =	vst v63  }
0x18a: {  	v3 =	vld [tilespmem:$0x810];
	_ =	sdelay $0x4  }
0x18b: {  	v39 =	vshll.u32 v3, $0x2  }
0x18c: {  	v3 =	vand.u32 $0x7, v3;
	v4 =	vand.u32 $0xFFFFFFE0, v39  }
0x18d: {  	v3 =	vor.u32 v3, v4  }
0x18e: {  	v4 =	vperm.xlane v3, v0;
	_ =	sdelay $0x1  }
0x18f: {  	v4 =	vadd.s32 v1, v4;
	_ =	sdelay $0x1  }
0x190: {  	v3 =	vperm.xlane v3, v2;
	_ =	sdelay $0x1  }
0x191: {  	s21 =	simm.s32 $0xB280;
	v3 =	vadd.s32 v1, v3  }
0x192: {  	[tilespmem:s21], [sflag:$0x2] =	stream.indirect_vreg.gather [hbm4b:s5+s3], $0x80, v4, vm0, $0xb8;
	[tilespmem:$0x19280] =	vst v63  }
0x193: {  	s31 =	simm.s32 $0xBA80  }
0x194: {  	[tilespmem:s31], [sflag:$0x2] =	stream.indirect_vreg.gather [hbm4b:s6+s3], $0x80, v4, vm0, $0xb8;
	[tilespmem:$0x19280] =	vst v63  }
0x195: {  	s7 =	simm.s32 $0xC280  }
0x196: {  	[tilespmem:s7], [sflag:$0x2] =	stream.indirect_vreg.gather [hbm4b:s5+s3], $0x80, v3, vm0, $0xb8;
	[tilespmem:$0x19280] =	vst v63  }
0x197: {  	s9 =	simm.s32 $0xCA80  }
0x198: {  	[tilespmem:s9], [sflag:$0x2] =	stream.indirect_vreg.gather [hbm4b:s6+s3], $0x80, v3, vm0, $0xb8;
	[tilespmem:$0x19280] =	vst v63  }
0x199: {  	v3 =	vld [tilespmem:$0x820];
	_ =	sdelay $0x4  }
0x19a: {  	v40 =	vshll.u32 v3, $0x2  }
0x19b: {  	v3 =	vand.u32 $0x7, v3;
	v4 =	vand.u32 $0xFFFFFFE0, v40  }
0x19c: {  	v3 =	vor.u32 v3, v4  }
0x19d: {  	v4 =	vperm.xlane v3, v0;
	_ =	sdelay $0x1  }
0x19e: {  	v4 =	vadd.s32 v1, v4;
	_ =	sdelay $0x1  }
0x19f: {  	v3 =	vperm.xlane v3, v2;
	_ =	sdelay $0x1  }
0x1a0: {  	s14 =	simm.s32 $0xD280;
	v3 =	vadd.s32 v1, v3  }
0x1a1: {  	[tilespmem:s14], [sflag:$0x2] =	stream.indirect_vreg.gather [hbm4b:s5+s3], $0x80, v4, vm0, $0xb8;
	[tilespmem:$0x19280] =	vst v63  }
0x1a2: {  	s15 =	simm.s32 $0xDA80  }
0x1a3: {  	[tilespmem:s15], [sflag:$0x2] =	stream.indirect_vreg.gather [hbm4b:s6+s3], $0x80, v4, vm0, $0xb8;
	[tilespmem:$0x19280] =	vst v63  }
0x1a4: {  	s20 =	simm.s32 $0xE280  }
0x1a5: {  	[tilespmem:s20], [sflag:$0x2] =	stream.indirect_vreg.gather [hbm4b:s5+s3], $0x80, v3, vm0, $0xb8;
	[tilespmem:$0x19280] =	vst v63  }
0x1a6: {  	s21 =	simm.s32 $0xEA80  }
0x1a7: {  	[tilespmem:s21], [sflag:$0x2] =	stream.indirect_vreg.gather [hbm4b:s6+s3], $0x80, v3, vm0, $0xb8;
	[tilespmem:$0x19280] =	vst v63  }
0x1a8: {  	v3 =	vld [tilespmem:$0x830];
	_ =	sdelay $0x4  }
0x1a9: {  	v41 =	vshll.u32 v3, $0x2  }
0x1aa: {  	v3 =	vand.u32 $0x7, v3;
	v4 =	vand.u32 $0xFFFFFFE0, v41  }
0x1ab: {  	v3 =	vor.u32 v3, v4  }
0x1ac: {  	v4 =	vperm.xlane v3, v0;
	_ =	sdelay $0x1  }
0x1ad: {  	v4 =	vadd.s32 v1, v4;
	_ =	sdelay $0x1  }
0x1ae: {  	v3 =	vperm.xlane v3, v2;
	_ =	sdelay $0x1  }
0x1af: {  	s31 =	simm.s32 $0xF280;
	v3 =	vadd.s32 v1, v3  }
0x1b0: {  	[tilespmem:s31], [sflag:$0x2] =	stream.indirect_vreg.gather [hbm4b:s5+s3], $0x80, v4, vm0, $0xb8;
	[tilespmem:$0x19280] =	vst v63  }
0x1b1: {  	s7 =	simm.s32 $0xFA80  }
0x1b2: {  	[tilespmem:s7], [sflag:$0x2] =	stream.indirect_vreg.gather [hbm4b:s6+s3], $0x80, v4, vm0, $0xb8;
	[tilespmem:$0x19280] =	vst v63  }
0x1b3: {  	s9 =	simm.s32 $0x10280  }
0x1b4: {  	[tilespmem:s9], [sflag:$0x2] =	stream.indirect_vreg.gather [hbm4b:s5+s3], $0x80, v3, vm0, $0xb8;
	[tilespmem:$0x19280] =	vst v63  }
0x1b5: {  	s14 =	simm.s32 $0x10A80  }
0x1b6: {  	[tilespmem:s14], [sflag:$0x2] =	stream.indirect_vreg.gather [hbm4b:s6+s3], $0x80, v3, vm0, $0xb8;
	[tilespmem:$0x19280] =	vst v63  }
0x1b7: {  	_ =	swait.ge [sflag:s26], $0x8000  }
0x1b8: {  	s15 =	rddreg [dreg:$0xa]  }
0x1b9: {  	[sflag:s26] =	ssyncset.done $0x0;
	s20 =	sld [smem:$0x7DA]  }
0x1ba: {  	s21 =	sld [smem:$0x7DB];
	[sflag:s26] =	ssyncadd.s32 $0xFFFF8000  }
0x1bb: {  	[hbm4b:s15+s3] =	stream.linear.scatter [tilespmem:s12], [sflag:$0x6], $0x8000, $0x38;
	[tilespmem:$0x19280] =	vst v63  }
0x1bc: {  	_ = 	snop  }
0x1bd: {  	[tilespmem:s21], [sflag:$0x7] =	stream.indirect.gather [hbm4b:s0+s10], $0x1, s20, s10, $0xb8;
	[tilespmem:$0x19280] =	vst v63  }
0x1be: {  	_ =	swait.ge [sflag:s28], $0x8000  }
0x1bf: {  	[sflag:s28] =	ssyncset.done $0x0  }
0x1c0: {  	[sflag:s28] =	ssyncadd.s32 $0xFFFF8000  }
0x1c1: {  	_ =	swait.ge [sflag:s1], $0x40  }
0x1c2: {  	[sflag:s1] =	ssyncset.done $0x0  }
0x1c3: {  	[sflag:s1] =	ssyncadd.s32 $0xFFFFFFC0  }
0x1c4: {  	v3 =	vld [tilespmem:$0x880];
	_ =	sdelay $0x4  }
0x1c5: {  	v42 =	vshll.u32 v3, $0x2  }
0x1c6: {  	v3 =	vand.u32 $0x7, v3;
	v4 =	vand.u32 $0xFFFFFFE0, v42  }
0x1c7: {  	v3 =	vor.u32 v3, v4  }
0x1c8: {  	v4 =	vperm.xlane v3, v0;
	_ =	sdelay $0x1  }
0x1c9: {  	v4 =	vadd.s32 v1, v4;
	_ =	sdelay $0x1  }
0x1ca: {  	v3 =	vperm.xlane v3, v2;
	_ =	sdelay $0x1  }
0x1cb: {  	v3 =	vadd.s32 v1, v3  }
0x1cc: {  	[tilespmem:s12], [sflag:$0x3] =	stream.indirect_vreg.gather [hbm4b:s5+s3], $0x80, v4, vm0, $0xb8;
	[tilespmem:$0x19280] =	vst v63  }
0x1cd: {  	s7 =	simm.s32 $0x11A80  }
0x1ce: {  	[tilespmem:s7], [sflag:$0x3] =	stream.indirect_vreg.gather [hbm4b:s6+s3], $0x80, v4, vm0, $0xb8;
	[tilespmem:$0x19280] =	vst v63  }
0x1cf: {  	s9 =	simm.s32 $0x12280  }
0x1d0: {  	[tilespmem:s9], [sflag:$0x3] =	stream.indirect_vreg.gather [hbm4b:s5+s3], $0x80, v3, vm0, $0xb8;
	[tilespmem:$0x19280] =	vst v63  }
0x1d1: {  	s14 =	simm.s32 $0x12A80  }
0x1d2: {  	[tilespmem:s14], [sflag:$0x3] =	stream.indirect_vreg.gather [hbm4b:s6+s3], $0x80, v3, vm0, $0xb8;
	[tilespmem:$0x19280] =	vst v63  }
0x1d3: {  	v3 =	vld [tilespmem:$0x890];
	_ =	sdelay $0x4  }
0x1d4: {  	v43 =	vshll.u32 v3, $0x2  }
0x1d5: {  	v3 =	vand.u32 $0x7, v3;
	v4 =	vand.u32 $0xFFFFFFE0, v43  }
0x1d6: {  	v3 =	vor.u32 v3, v4  }
0x1d7: {  	v4 =	vperm.xlane v3, v0;
	_ =	sdelay $0x1  }
0x1d8: {  	v4 =	vadd.s32 v1, v4;
	_ =	sdelay $0x1  }
0x1d9: {  	v3 =	vperm.xlane v3, v2;
	_ =	sdelay $0x1  }
0x1da: {  	s15 =	simm.s32 $0x13280;
	v3 =	vadd.s32 v1, v3  }
0x1db: {  	[tilespmem:s15], [sflag:$0x3] =	stream.indirect_vreg.gather [hbm4b:s5+s3], $0x80, v4, vm0, $0xb8;
	[tilespmem:$0x19280] =	vst v63  }
0x1dc: {  	s20 =	simm.s32 $0x13A80  }
0x1dd: {  	[tilespmem:s20], [sflag:$0x3] =	stream.indirect_vreg.gather [hbm4b:s6+s3], $0x80, v4, vm0, $0xb8;
	[tilespmem:$0x19280] =	vst v63  }
0x1de: {  	s21 =	simm.s32 $0x14280  }
0x1df: {  	[tilespmem:s21], [sflag:$0x3] =	stream.indirect_vreg.gather [hbm4b:s5+s3], $0x80, v3, vm0, $0xb8;
	[tilespmem:$0x19280] =	vst v63  }
0x1e0: {  	s31 =	simm.s32 $0x14A80  }
0x1e1: {  	[tilespmem:s31], [sflag:$0x3] =	stream.indirect_vreg.gather [hbm4b:s6+s3], $0x80, v3, vm0, $0xb8;
	[tilespmem:$0x19280] =	vst v63  }
0x1e2: {  	v3 =	vld [tilespmem:$0x8A0];
	_ =	sdelay $0x4  }
0x1e3: {  	v44 =	vshll.u32 v3, $0x2  }
0x1e4: {  	v3 =	vand.u32 $0x7, v3;
	v4 =	vand.u32 $0xFFFFFFE0, v44  }
0x1e5: {  	v3 =	vor.u32 v3, v4  }
0x1e6: {  	v4 =	vperm.xlane v3, v0;
	_ =	sdelay $0x1  }
0x1e7: {  	v4 =	vadd.s32 v1, v4;
	_ =	sdelay $0x1  }
0x1e8: {  	v3 =	vperm.xlane v3, v2;
	_ =	sdelay $0x1  }
0x1e9: {  	s7 =	simm.s32 $0x15280;
	v3 =	vadd.s32 v1, v3  }
0x1ea: {  	[tilespmem:s7], [sflag:$0x3] =	stream.indirect_vreg.gather [hbm4b:s5+s3], $0x80, v4, vm0, $0xb8;
	[tilespmem:$0x19280] =	vst v63  }
0x1eb: {  	s9 =	simm.s32 $0x15A80  }
0x1ec: {  	[tilespmem:s9], [sflag:$0x3] =	stream.indirect_vreg.gather [hbm4b:s6+s3], $0x80, v4, vm0, $0xb8;
	[tilespmem:$0x19280] =	vst v63  }
0x1ed: {  	s14 =	simm.s32 $0x16280  }
0x1ee: {  	[tilespmem:s14], [sflag:$0x3] =	stream.indirect_vreg.gather [hbm4b:s5+s3], $0x80, v3, vm0, $0xb8;
	[tilespmem:$0x19280] =	vst v63  }
0x1ef: {  	s15 =	simm.s32 $0x16A80  }
0x1f0: {  	[tilespmem:s15], [sflag:$0x3] =	stream.indirect_vreg.gather [hbm4b:s6+s3], $0x80, v3, vm0, $0xb8;
	[tilespmem:$0x19280] =	vst v63  }
0x1f1: {  	v3 =	vld [tilespmem:$0x8B0];
	_ =	sdelay $0x4  }
0x1f2: {  	v45 =	vshll.u32 v3, $0x2  }
0x1f3: {  	v3 =	vand.u32 $0x7, v3;
	v4 =	vand.u32 $0xFFFFFFE0, v45  }
0x1f4: {  	v3 =	vor.u32 v3, v4  }
0x1f5: {  	v4 =	vperm.xlane v3, v0;
	_ =	sdelay $0x1  }
0x1f6: {  	v4 =	vadd.s32 v1, v4;
	_ =	sdelay $0x1  }
0x1f7: {  	v3 =	vperm.xlane v3, v2;
	_ =	sdelay $0x1  }
0x1f8: {  	s20 =	simm.s32 $0x17280;
	v3 =	vadd.s32 v1, v3  }
0x1f9: {  	[tilespmem:s20], [sflag:$0x3] =	stream.indirect_vreg.gather [hbm4b:s5+s3], $0x80, v4, vm0, $0xb8;
	[tilespmem:$0x19280] =	vst v63  }
0x1fa: {  	s21 =	simm.s32 $0x17A80  }
0x1fb: {  	[tilespmem:s21], [sflag:$0x3] =	stream.indirect_vreg.gather [hbm4b:s6+s3], $0x80, v4, vm0, $0xb8;
	[tilespmem:$0x19280] =	vst v63  }
0x1fc: {  	s31 =	simm.s32 $0x18280  }
0x1fd: {  	[tilespmem:s31], [sflag:$0x3] =	stream.indirect_vreg.gather [hbm4b:s5+s3], $0x80, v3, vm0, $0xb8;
	[tilespmem:$0x19280] =	vst v63  }
0x1fe: {  	s7 =	simm.s32 $0x18A80  }
0x1ff: {  	[tilespmem:s7], [sflag:$0x3] =	stream.indirect_vreg.gather [hbm4b:s6+s3], $0x80, v3, vm0, $0xb8;
	[tilespmem:$0x19280] =	vst v63  }
0x200: {  	_ =	swait.ge [sflag:s8], $0x8000  }
0x201: {  	s9 =	rddreg [dreg:$0xb]  }
0x202: {  	[sflag:s8] =	ssyncset.done $0x0;
	s14 =	sld [smem:$0x7DC]  }
0x203: {  	s15 =	sld [smem:$0x7DD];
	[sflag:s8] =	ssyncadd.s32 $0xFFFF8000  }
0x204: {  	[hbm4b:s9+s3] =	stream.linear.scatter [tilespmem:s13], [sflag:$0x4], $0x8000, $0x38;
	[tilespmem:$0x19280] =	vst v63  }
0x205: {  	_ = 	snop  }
0x206: {  	[tilespmem:s15], [sflag:$0x8] =	stream.indirect.gather [hbm4b:s0+s10], $0x1, s14, s10, $0xb8;
	[tilespmem:$0x19280] =	vst v63  }
0x207: {  	_ =	swait.ge [sflag:s23], $0x8000  }
0x208: {  	[sflag:s23] =	ssyncset.done $0x0  }
0x209: {  	[sflag:s23] =	ssyncadd.s32 $0xFFFF8000  }
0x20a: {  	_ =	swait.ge [sflag:s11], $0x40  }
0x20b: {  	[sflag:s11] =	ssyncset.done $0x0  }
0x20c: {  	[sflag:s11] =	ssyncadd.s32 $0xFFFFFFC0  }
0x20d: {  	v3 =	vld [tilespmem:$0x900];
	_ =	sdelay $0x4  }
0x20e: {  	v46 =	vshll.u32 v3, $0x2  }
0x20f: {  	v3 =	vand.u32 $0x7, v3;
	v4 =	vand.u32 $0xFFFFFFE0, v46  }
0x210: {  	v3 =	vor.u32 v3, v4  }
0x211: {  	v4 =	vperm.xlane v3, v0;
	_ =	sdelay $0x1  }
0x212: {  	v4 =	vadd.s32 v1, v4;
	_ =	sdelay $0x1  }
0x213: {  	v3 =	vperm.xlane v3, v2;
	_ =	sdelay $0x1  }
0x214: {  	v3 =	vadd.s32 v1, v3  }
0x215: {  	[tilespmem:s13], [sflag:$0x1] =	stream.indirect_vreg.gather [hbm4b:s5+s3], $0x80, v4, vm0, $0xb8;
	[tilespmem:$0x19280] =	vst v63  }
0x216: {  	s20 =	simm.s32 $0x1A80  }
0x217: {  	[tilespmem:s20], [sflag:$0x1] =	stream.indirect_vreg.gather [hbm4b:s6+s3], $0x80, v4, vm0, $0xb8;
	[tilespmem:$0x19280] =	vst v63  }
0x218: {  	s21 =	simm.s32 $0x2280  }
0x219: {  	[tilespmem:s21], [sflag:$0x1] =	stream.indirect_vreg.gather [hbm4b:s5+s3], $0x80, v3, vm0, $0xb8;
	[tilespmem:$0x19280] =	vst v63  }
0x21a: {  	s16 =	simm.s32 $0x2A80  }
0x21b: {  	[tilespmem:s16], [sflag:$0x1] =	stream.indirect_vreg.gather [hbm4b:s6+s3], $0x80, v3, vm0, $0xb8;
	[tilespmem:$0x19280] =	vst v63  }
0x21c: {  	v3 =	vld [tilespmem:$0x910];
	_ =	sdelay $0x4  }
0x21d: {  	v47 =	vshll.u32 v3, $0x2  }
0x21e: {  	v3 =	vand.u32 $0x7, v3;
	v4 =	vand.u32 $0xFFFFFFE0, v47  }
0x21f: {  	v3 =	vor.u32 v3, v4  }
0x220: {  	v4 =	vperm.xlane v3, v0;
	_ =	sdelay $0x1  }
0x221: {  	v4 =	vadd.s32 v1, v4;
	_ =	sdelay $0x1  }
0x222: {  	v3 =	vperm.xlane v3, v2;
	_ =	sdelay $0x1  }
0x223: {  	s19 =	simm.s32 $0x3280;
	v3 =	vadd.s32 v1, v3  }
0x224: {  	[tilespmem:s19], [sflag:$0x1] =	stream.indirect_vreg.gather [hbm4b:s5+s3], $0x80, v4, vm0, $0xb8;
	[tilespmem:$0x19280] =	vst v63  }
0x225: {  	s18 =	simm.s32 $0x3A80  }
0x226: {  	[tilespmem:s18], [sflag:$0x1] =	stream.indirect_vreg.gather [hbm4b:s6+s3], $0x80, v4, vm0, $0xb8;
	[tilespmem:$0x19280] =	vst v63  }
0x227: {  	s31 =	simm.s32 $0x4280  }
0x228: {  	[tilespmem:s31], [sflag:$0x1] =	stream.indirect_vreg.gather [hbm4b:s5+s3], $0x80, v3, vm0, $0xb8;
	[tilespmem:$0x19280] =	vst v63  }
0x229: {  	s17 =	simm.s32 $0x4A80  }
0x22a: {  	[tilespmem:s17], [sflag:$0x1] =	stream.indirect_vreg.gather [hbm4b:s6+s3], $0x80, v3, vm0, $0xb8;
	[tilespmem:$0x19280] =	vst v63  }
0x22b: {  	v3 =	vld [tilespmem:$0x920];
	_ =	sdelay $0x4  }
0x22c: {  	v48 =	vshll.u32 v3, $0x2  }
0x22d: {  	v3 =	vand.u32 $0x7, v3;
	v4 =	vand.u32 $0xFFFFFFE0, v48  }
0x22e: {  	v3 =	vor.u32 v3, v4  }
0x22f: {  	v4 =	vperm.xlane v3, v0;
	_ =	sdelay $0x1  }
0x230: {  	v4 =	vadd.s32 v1, v4;
	_ =	sdelay $0x1  }
0x231: {  	v3 =	vperm.xlane v3, v2;
	_ =	sdelay $0x1  }
0x232: {  	s9 =	simm.s32 $0x5280;
	v3 =	vadd.s32 v1, v3  }
0x233: {  	[tilespmem:s9], [sflag:$0x1] =	stream.indirect_vreg.gather [hbm4b:s5+s3], $0x80, v4, vm0, $0xb8;
	[tilespmem:$0x19280] =	vst v63  }
0x234: {  	s17 =	simm.s32 $0x5A80  }
0x235: {  	[tilespmem:s17], [sflag:$0x1] =	stream.indirect_vreg.gather [hbm4b:s6+s3], $0x80, v4, vm0, $0xb8;
	[tilespmem:$0x19280] =	vst v63  }
0x236: {  	s19 =	simm.s32 $0x6280  }
0x237: {  	[tilespmem:s19], [sflag:$0x1] =	stream.indirect_vreg.gather [hbm4b:s5+s3], $0x80, v3, vm0, $0xb8;
	[tilespmem:$0x19280] =	vst v63  }
0x238: {  	s31 =	simm.s32 $0x6A80  }
0x239: {  	[tilespmem:s31], [sflag:$0x1] =	stream.indirect_vreg.gather [hbm4b:s6+s3], $0x80, v3, vm0, $0xb8;
	[tilespmem:$0x19280] =	vst v63  }
0x23a: {  	v3 =	vld [tilespmem:$0x930];
	_ =	sdelay $0x4  }
0x23b: {  	v49 =	vshll.u32 v3, $0x2  }
0x23c: {  	v3 =	vand.u32 $0x7, v3;
	v4 =	vand.u32 $0xFFFFFFE0, v49  }
0x23d: {  	v3 =	vor.u32 v3, v4  }
0x23e: {  	v4 =	vperm.xlane v3, v0;
	_ =	sdelay $0x1  }
0x23f: {  	v4 =	vadd.s32 v1, v4;
	_ =	sdelay $0x1  }
0x240: {  	v3 =	vperm.xlane v3, v2;
	_ =	sdelay $0x1  }
0x241: {  	s9 =	simm.s32 $0x7280;
	v3 =	vadd.s32 v1, v3  }
0x242: {  	[tilespmem:s9], [sflag:$0x1] =	stream.indirect_vreg.gather [hbm4b:s5+s3], $0x80, v4, vm0, $0xb8;
	[tilespmem:$0x19280] =	vst v63  }
0x243: {  	s17 =	simm.s32 $0x7A80  }
0x244: {  	[tilespmem:s17], [sflag:$0x1] =	stream.indirect_vreg.gather [hbm4b:s6+s3], $0x80, v4, vm0, $0xb8;
	[tilespmem:$0x19280] =	vst v63  }
0x245: {  	s19 =	simm.s32 $0x8280  }
0x246: {  	[tilespmem:s19], [sflag:$0x1] =	stream.indirect_vreg.gather [hbm4b:s5+s3], $0x80, v3, vm0, $0xb8;
	[tilespmem:$0x19280] =	vst v63  }
0x247: {  	s31 =	simm.s32 $0x8A80  }
0x248: {  	[tilespmem:s31], [sflag:$0x1] =	stream.indirect_vreg.gather [hbm4b:s6+s3], $0x80, v3, vm0, $0xb8;
	[tilespmem:$0x19280] =	vst v63  }
0x249: {  	_ =	swait.ge [sflag:s24], $0x8000  }
0x24a: {  	s9 =	rddreg [dreg:$0xc]  }
0x24b: {  	[sflag:s24] =	ssyncset.done $0x0;
	s17 =	sld [smem:$0x7DE]  }
0x24c: {  	s19 =	sld [smem:$0x7DF];
	[sflag:s24] =	ssyncadd.s32 $0xFFFF8000  }
0x24d: {  	[hbm4b:s9+s3] =	stream.linear.scatter [tilespmem:s4], [sflag:$0x5], $0x8000, $0x38;
	[tilespmem:$0x19280] =	vst v63  }
0x24e: {  	_ = 	snop  }
0x24f: {  	[tilespmem:s19], [sflag:$0x9] =	stream.indirect.gather [hbm4b:s0+s10], $0x1, s17, s10, $0xb8;
	[tilespmem:$0x19280] =	vst v63  }
0x250: {  	_ =	swait.ge [sflag:s25], $0x8000  }
0x251: {  	[sflag:s25] =	ssyncset.done $0x0  }
0x252: {  	[sflag:s25] =	ssyncadd.s32 $0xFFFF8000  }
0x253: {  	_ =	swait.ge [sflag:s29], $0x40  }
0x254: {  	[sflag:s29] =	ssyncset.done $0x0  }
0x255: {  	[sflag:s29] =	ssyncadd.s32 $0xFFFFFFC0  }
0x256: {  	v3 =	vld [tilespmem:$0x980];
	_ =	sdelay $0x4  }
0x257: {  	v50 =	vshll.u32 v3, $0x2  }
0x258: {  	v3 =	vand.u32 $0x7, v3;
	v4 =	vand.u32 $0xFFFFFFE0, v50  }
0x259: {  	v3 =	vor.u32 v3, v4  }
0x25a: {  	v4 =	vperm.xlane v3, v0;
	_ =	sdelay $0x1  }
0x25b: {  	v4 =	vadd.s32 v1, v4;
	_ =	sdelay $0x1  }
0x25c: {  	v3 =	vperm.xlane v3, v2;
	_ =	sdelay $0x1  }
0x25d: {  	v3 =	vadd.s32 v1, v3  }
0x25e: {  	[tilespmem:s4], [sflag:$0x2] =	stream.indirect_vreg.gather [hbm4b:s5+s3], $0x80, v4, vm0, $0xb8;
	[tilespmem:$0x19280] =	vst v63  }
0x25f: {  	s22 =	simm.s32 $0x9A80  }
0x260: {  	[tilespmem:s22], [sflag:$0x2] =	stream.indirect_vreg.gather [hbm4b:s6+s3], $0x80, v4, vm0, $0xb8;
	[tilespmem:$0x19280] =	vst v63  }
0x261: {  	s30 =	simm.s32 $0xA280  }
0x262: {  	[tilespmem:s30], [sflag:$0x2] =	stream.indirect_vreg.gather [hbm4b:s5+s3], $0x80, v3, vm0, $0xb8;
	[tilespmem:$0x19280] =	vst v63  }
0x263: {  	s30 =	simm.s32 $0xAA80  }
0x264: {  	[tilespmem:s30], [sflag:$0x2] =	stream.indirect_vreg.gather [hbm4b:s6+s3], $0x80, v3, vm0, $0xb8;
	[tilespmem:$0x19280] =	vst v63  }
0x265: {  	v3 =	vld [tilespmem:$0x990];
	_ =	sdelay $0x4  }
0x266: {  	v51 =	vshll.u32 v3, $0x2  }
0x267: {  	v3 =	vand.u32 $0x7, v3;
	v4 =	vand.u32 $0xFFFFFFE0, v51  }
0x268: {  	v3 =	vor.u32 v3, v4  }
0x269: {  	v4 =	vperm.xlane v3, v0;
	_ =	sdelay $0x1  }
0x26a: {  	v4 =	vadd.s32 v1, v4;
	_ =	sdelay $0x1  }
0x26b: {  	v3 =	vperm.xlane v3, v2;
	_ =	sdelay $0x1  }
0x26c: {  	s31 =	simm.s32 $0xB280;
	v3 =	vadd.s32 v1, v3  }
0x26d: {  	[tilespmem:s31], [sflag:$0x2] =	stream.indirect_vreg.gather [hbm4b:s5+s3], $0x80, v4, vm0, $0xb8;
	[tilespmem:$0x19280] =	vst v63  }
0x26e: {  	s9 =	simm.s32 $0xBA80  }
0x26f: {  	[tilespmem:s9], [sflag:$0x2] =	stream.indirect_vreg.gather [hbm4b:s6+s3], $0x80, v4, vm0, $0xb8;
	[tilespmem:$0x19280] =	vst v63  }
0x270: {  	s17 =	simm.s32 $0xC280  }
0x271: {  	[tilespmem:s17], [sflag:$0x2] =	stream.indirect_vreg.gather [hbm4b:s5+s3], $0x80, v3, vm0, $0xb8;
	[tilespmem:$0x19280] =	vst v63  }
0x272: {  	s19 =	simm.s32 $0xCA80  }
0x273: {  	[tilespmem:s19], [sflag:$0x2] =	stream.indirect_vreg.gather [hbm4b:s6+s3], $0x80, v3, vm0, $0xb8;
	[tilespmem:$0x19280] =	vst v63  }
0x274: {  	v3 =	vld [tilespmem:$0x9A0];
	_ =	sdelay $0x4  }
0x275: {  	v52 =	vshll.u32 v3, $0x2  }
0x276: {  	v3 =	vand.u32 $0x7, v3;
	v4 =	vand.u32 $0xFFFFFFE0, v52  }
0x277: {  	v3 =	vor.u32 v3, v4  }
0x278: {  	v4 =	vperm.xlane v3, v0;
	_ =	sdelay $0x1  }
0x279: {  	v4 =	vadd.s32 v1, v4;
	_ =	sdelay $0x1  }
0x27a: {  	v3 =	vperm.xlane v3, v2;
	_ =	sdelay $0x1  }
0x27b: {  	s30 =	simm.s32 $0xD280;
	v3 =	vadd.s32 v1, v3  }
0x27c: {  	[tilespmem:s30], [sflag:$0x2] =	stream.indirect_vreg.gather [hbm4b:s5+s3], $0x80, v4, vm0, $0xb8;
	[tilespmem:$0x19280] =	vst v63  }
0x27d: {  	s31 =	simm.s32 $0xDA80  }
0x27e: {  	[tilespmem:s31], [sflag:$0x2] =	stream.indirect_vreg.gather [hbm4b:s6+s3], $0x80, v4, vm0, $0xb8;
	[tilespmem:$0x19280] =	vst v63  }
0x27f: {  	s9 =	simm.s32 $0xE280  }
0x280: {  	[tilespmem:s9], [sflag:$0x2] =	stream.indirect_vreg.gather [hbm4b:s5+s3], $0x80, v3, vm0, $0xb8;
	[tilespmem:$0x19280] =	vst v63  }
0x281: {  	s17 =	simm.s32 $0xEA80  }
0x282: {  	[tilespmem:s17], [sflag:$0x2] =	stream.indirect_vreg.gather [hbm4b:s6+s3], $0x80, v3, vm0, $0xb8;
	[tilespmem:$0x19280] =	vst v63  }
0x283: {  	v3 =	vld [tilespmem:$0x9B0];
	_ =	sdelay $0x4  }
0x284: {  	v53 =	vshll.u32 v3, $0x2  }
0x285: {  	v3 =	vand.u32 $0x7, v3;
	v4 =	vand.u32 $0xFFFFFFE0, v53  }
0x286: {  	v3 =	vor.u32 v3, v4  }
0x287: {  	v4 =	vperm.xlane v3, v0;
	_ =	sdelay $0x1  }
0x288: {  	v4 =	vadd.s32 v1, v4;
	_ =	sdelay $0x1  }
0x289: {  	v3 =	vperm.xlane v3, v2;
	_ =	sdelay $0x1  }
0x28a: {  	s19 =	simm.s32 $0xF280;
	v3 =	vadd.s32 v1, v3  }
0x28b: {  	[tilespmem:s19], [sflag:$0x2] =	stream.indirect_vreg.gather [hbm4b:s5+s3], $0x80, v4, vm0, $0xb8;
	[tilespmem:$0x19280] =	vst v63  }
0x28c: {  	s30 =	simm.s32 $0xFA80  }
0x28d: {  	[tilespmem:s30], [sflag:$0x2] =	stream.indirect_vreg.gather [hbm4b:s6+s3], $0x80, v4, vm0, $0xb8;
	[tilespmem:$0x19280] =	vst v63  }
0x28e: {  	s31 =	simm.s32 $0x10280  }
0x28f: {  	[tilespmem:s31], [sflag:$0x2] =	stream.indirect_vreg.gather [hbm4b:s5+s3], $0x80, v3, vm0, $0xb8;
	[tilespmem:$0x19280] =	vst v63  }
0x290: {  	s9 =	simm.s32 $0x10A80  }
0x291: {  	[tilespmem:s9], [sflag:$0x2] =	stream.indirect_vreg.gather [hbm4b:s6+s3], $0x80, v3, vm0, $0xb8;
	[tilespmem:$0x19280] =	vst v63  }
0x292: {  	_ =	swait.ge [sflag:s26], $0x8000  }
0x293: {  	s17 =	rddreg [dreg:$0xd]  }
0x294: {  	[sflag:s26] =	ssyncset.done $0x0;
	s19 =	sld [smem:$0x7E0]  }
0x295: {  	s30 =	sld [smem:$0x7E1];
	[sflag:s26] =	ssyncadd.s32 $0xFFFF8000  }
0x296: {  	[hbm4b:s17+s3] =	stream.linear.scatter [tilespmem:s12], [sflag:$0x6], $0x8000, $0x38;
	[tilespmem:$0x19280] =	vst v63  }
0x297: {  	_ = 	snop  }
0x298: {  	[tilespmem:s30], [sflag:$0x7] =	stream.indirect.gather [hbm4b:s0+s10], $0x1, s19, s10, $0xb8;
	[tilespmem:$0x19280] =	vst v63  }
0x299: {  	_ =	swait.ge [sflag:s28], $0x8000  }
0x29a: {  	[sflag:s28] =	ssyncset.done $0x0  }
0x29b: {  	[sflag:s28] =	ssyncadd.s32 $0xFFFF8000  }
0x29c: {  	_ =	swait.ge [sflag:s1], $0x40  }
0x29d: {  	[sflag:s1] =	ssyncset.done $0x0  }
0x29e: {  	[sflag:s1] =	ssyncadd.s32 $0xFFFFFFC0  }
0x29f: {  	v3 =	vld [tilespmem:$0xA00];
	_ =	sdelay $0x4  }
0x2a0: {  	v54 =	vshll.u32 v3, $0x2  }
0x2a1: {  	v3 =	vand.u32 $0x7, v3;
	v4 =	vand.u32 $0xFFFFFFE0, v54  }
0x2a2: {  	v3 =	vor.u32 v3, v4  }
0x2a3: {  	v4 =	vperm.xlane v3, v0;
	_ =	sdelay $0x1  }
0x2a4: {  	v4 =	vadd.s32 v1, v4;
	_ =	sdelay $0x1  }
0x2a5: {  	v3 =	vperm.xlane v3, v2;
	_ =	sdelay $0x1  }
0x2a6: {  	v3 =	vadd.s32 v1, v3  }
0x2a7: {  	[tilespmem:s12], [sflag:$0x3] =	stream.indirect_vreg.gather [hbm4b:s5+s3], $0x80, v4, vm0, $0xb8;
	[tilespmem:$0x19280] =	vst v63  }
0x2a8: {  	s9 =	simm.s32 $0x11A80  }
0x2a9: {  	[tilespmem:s9], [sflag:$0x3] =	stream.indirect_vreg.gather [hbm4b:s6+s3], $0x80, v4, vm0, $0xb8;
	[tilespmem:$0x19280] =	vst v63  }
0x2aa: {  	s17 =	simm.s32 $0x12280  }
0x2ab: {  	[tilespmem:s17], [sflag:$0x3] =	stream.indirect_vreg.gather [hbm4b:s5+s3], $0x80, v3, vm0, $0xb8;
	[tilespmem:$0x19280] =	vst v63  }
0x2ac: {  	s19 =	simm.s32 $0x12A80  }
0x2ad: {  	[tilespmem:s19], [sflag:$0x3] =	stream.indirect_vreg.gather [hbm4b:s6+s3], $0x80, v3, vm0, $0xb8;
	[tilespmem:$0x19280] =	vst v63  }
0x2ae: {  	v3 =	vld [tilespmem:$0xA10];
	_ =	sdelay $0x4  }
0x2af: {  	v55 =	vshll.u32 v3, $0x2  }
0x2b0: {  	v3 =	vand.u32 $0x7, v3;
	v4 =	vand.u32 $0xFFFFFFE0, v55  }
0x2b1: {  	v3 =	vor.u32 v3, v4  }
0x2b2: {  	v4 =	vperm.xlane v3, v0;
	_ =	sdelay $0x1  }
0x2b3: {  	v4 =	vadd.s32 v1, v4;
	_ =	sdelay $0x1  }
0x2b4: {  	v3 =	vperm.xlane v3, v2;
	_ =	sdelay $0x1  }
0x2b5: {  	s30 =	simm.s32 $0x13280;
	v3 =	vadd.s32 v1, v3  }
0x2b6: {  	[tilespmem:s30], [sflag:$0x3] =	stream.indirect_vreg.gather [hbm4b:s5+s3], $0x80, v4, vm0, $0xb8;
	[tilespmem:$0x19280] =	vst v63  }
0x2b7: {  	s31 =	simm.s32 $0x13A80  }
0x2b8: {  	[tilespmem:s31], [sflag:$0x3] =	stream.indirect_vreg.gather [hbm4b:s6+s3], $0x80, v4, vm0, $0xb8;
	[tilespmem:$0x19280] =	vst v63  }
0x2b9: {  	s9 =	simm.s32 $0x14280  }
0x2ba: {  	[tilespmem:s9], [sflag:$0x3] =	stream.indirect_vreg.gather [hbm4b:s5+s3], $0x80, v3, vm0, $0xb8;
	[tilespmem:$0x19280] =	vst v63  }
0x2bb: {  	s17 =	simm.s32 $0x14A80  }
0x2bc: {  	[tilespmem:s17], [sflag:$0x3] =	stream.indirect_vreg.gather [hbm4b:s6+s3], $0x80, v3, vm0, $0xb8;
	[tilespmem:$0x19280] =	vst v63  }
0x2bd: {  	v3 =	vld [tilespmem:$0xA20];
	_ =	sdelay $0x4  }
0x2be: {  	v56 =	vshll.u32 v3, $0x2  }
0x2bf: {  	v3 =	vand.u32 $0x7, v3;
	v4 =	vand.u32 $0xFFFFFFE0, v56  }
0x2c0: {  	v3 =	vor.u32 v3, v4  }
0x2c1: {  	v4 =	vperm.xlane v3, v0;
	_ =	sdelay $0x1  }
0x2c2: {  	v4 =	vadd.s32 v1, v4;
	_ =	sdelay $0x1  }
0x2c3: {  	v3 =	vperm.xlane v3, v2;
	_ =	sdelay $0x1  }
0x2c4: {  	s19 =	simm.s32 $0x15280;
	v3 =	vadd.s32 v1, v3  }
0x2c5: {  	[tilespmem:s19], [sflag:$0x3] =	stream.indirect_vreg.gather [hbm4b:s5+s3], $0x80, v4, vm0, $0xb8;
	[tilespmem:$0x19280] =	vst v63  }
0x2c6: {  	s30 =	simm.s32 $0x15A80  }
0x2c7: {  	[tilespmem:s30], [sflag:$0x3] =	stream.indirect_vreg.gather [hbm4b:s6+s3], $0x80, v4, vm0, $0xb8;
	[tilespmem:$0x19280] =	vst v63  }
0x2c8: {  	s31 =	simm.s32 $0x16280  }
0x2c9: {  	[tilespmem:s31], [sflag:$0x3] =	stream.indirect_vreg.gather [hbm4b:s5+s3], $0x80, v3, vm0, $0xb8;
	[tilespmem:$0x19280] =	vst v63  }
0x2ca: {  	s9 =	simm.s32 $0x16A80  }
0x2cb: {  	[tilespmem:s9], [sflag:$0x3] =	stream.indirect_vreg.gather [hbm4b:s6+s3], $0x80, v3, vm0, $0xb8;
	[tilespmem:$0x19280] =	vst v63  }
0x2cc: {  	v3 =	vld [tilespmem:$0xA30];
	_ =	sdelay $0x4  }
0x2cd: {  	v57 =	vshll.u32 v3, $0x2  }
0x2ce: {  	v3 =	vand.u32 $0x7, v3;
	v4 =	vand.u32 $0xFFFFFFE0, v57  }
0x2cf: {  	v3 =	vor.u32 v3, v4  }
0x2d0: {  	v4 =	vperm.xlane v3, v0;
	_ =	sdelay $0x1  }
0x2d1: {  	v4 =	vadd.s32 v1, v4;
	_ =	sdelay $0x1  }
0x2d2: {  	v3 =	vperm.xlane v3, v2;
	_ =	sdelay $0x1  }
0x2d3: {  	s17 =	simm.s32 $0x17280;
	v3 =	vadd.s32 v1, v3  }
0x2d4: {  	[tilespmem:s17], [sflag:$0x3] =	stream.indirect_vreg.gather [hbm4b:s5+s3], $0x80, v4, vm0, $0xb8;
	[tilespmem:$0x19280] =	vst v63  }
0x2d5: {  	s19 =	simm.s32 $0x17A80  }
0x2d6: {  	[tilespmem:s19], [sflag:$0x3] =	stream.indirect_vreg.gather [hbm4b:s6+s3], $0x80, v4, vm0, $0xb8;
	[tilespmem:$0x19280] =	vst v63  }
0x2d7: {  	s30 =	simm.s32 $0x18280  }
0x2d8: {  	[tilespmem:s30], [sflag:$0x3] =	stream.indirect_vreg.gather [hbm4b:s5+s3], $0x80, v3, vm0, $0xb8;
	[tilespmem:$0x19280] =	vst v63  }
0x2d9: {  	s31 =	simm.s32 $0x18A80  }
0x2da: {  	[tilespmem:s31], [sflag:$0x3] =	stream.indirect_vreg.gather [hbm4b:s6+s3], $0x80, v3, vm0, $0xb8;
	[tilespmem:$0x19280] =	vst v63  }
0x2db: {  	_ =	swait.ge [sflag:s8], $0x8000  }
0x2dc: {  	s9 =	rddreg [dreg:$0xe]  }
0x2dd: {  	[sflag:s8] =	ssyncset.done $0x0;
	s17 =	sld [smem:$0x7E2]  }
0x2de: {  	s19 =	sld [smem:$0x7E3];
	[sflag:s8] =	ssyncadd.s32 $0xFFFF8000  }
0x2df: {  	[hbm4b:s9+s3] =	stream.linear.scatter [tilespmem:s13], [sflag:$0x4], $0x8000, $0x38;
	[tilespmem:$0x19280] =	vst v63  }
0x2e0: {  	_ = 	snop  }
0x2e1: {  	[tilespmem:s19], [sflag:$0x8] =	stream.indirect.gather [hbm4b:s0+s10], $0x1, s17, s10, $0xb8;
	[tilespmem:$0x19280] =	vst v63  }
0x2e2: {  	_ =	swait.ge [sflag:s23], $0x8000  }
0x2e3: {  	[sflag:s23] =	ssyncset.done $0x0  }
0x2e4: {  	[sflag:s23] =	ssyncadd.s32 $0xFFFF8000  }
0x2e5: {  	_ =	swait.ge [sflag:s11], $0x40  }
0x2e6: {  	[sflag:s11] =	ssyncset.done $0x0  }
0x2e7: {  	[sflag:s11] =	ssyncadd.s32 $0xFFFFFFC0  }
0x2e8: {  	v3 =	vld [tilespmem:$0xA80];
	_ =	sdelay $0x4  }
0x2e9: {  	v58 =	vshll.u32 v3, $0x2  }
0x2ea: {  	v3 =	vand.u32 $0x7, v3;
	v4 =	vand.u32 $0xFFFFFFE0, v58  }
0x2eb: {  	v3 =	vor.u32 v3, v4  }
0x2ec: {  	v4 =	vperm.xlane v3, v0;
	_ =	sdelay $0x1  }
0x2ed: {  	v4 =	vadd.s32 v1, v4;
	_ =	sdelay $0x1  }
0x2ee: {  	v3 =	vperm.xlane v3, v2;
	_ =	sdelay $0x1  }
0x2ef: {  	v3 =	vadd.s32 v1, v3  }
0x2f0: {  	[tilespmem:s13], [sflag:$0x1] =	stream.indirect_vreg.gather [hbm4b:s5+s3], $0x80, v4, vm0, $0xb8;
	[tilespmem:$0x19280] =	vst v63  }
0x2f1: {  	s14 =	simm.s32 $0x1A80  }
0x2f2: {  	[tilespmem:s14], [sflag:$0x1] =	stream.indirect_vreg.gather [hbm4b:s6+s3], $0x80, v4, vm0, $0xb8;
	[tilespmem:$0x19280] =	vst v63  }
0x2f3: {  	s7 =	simm.s32 $0x2280  }
0x2f4: {  	[tilespmem:s7], [sflag:$0x1] =	stream.indirect_vreg.gather [hbm4b:s5+s3], $0x80, v3, vm0, $0xb8;
	[tilespmem:$0x19280] =	vst v63  }
0x2f5: {  	s15 =	simm.s32 $0x2A80  }
0x2f6: {  	[tilespmem:s15], [sflag:$0x1] =	stream.indirect_vreg.gather [hbm4b:s6+s3], $0x80, v3, vm0, $0xb8;
	[tilespmem:$0x19280] =	vst v63  }
0x2f7: {  	v3 =	vld [tilespmem:$0xA90];
	_ =	sdelay $0x4  }
0x2f8: {  	v59 =	vshll.u32 v3, $0x2  }
0x2f9: {  	v3 =	vand.u32 $0x7, v3;
	v4 =	vand.u32 $0xFFFFFFE0, v59  }
0x2fa: {  	v3 =	vor.u32 v3, v4  }
0x2fb: {  	v4 =	vperm.xlane v3, v0;
	_ =	sdelay $0x1  }
0x2fc: {  	v4 =	vadd.s32 v1, v4;
	_ =	sdelay $0x1  }
0x2fd: {  	v3 =	vperm.xlane v3, v2;
	_ =	sdelay $0x1  }
0x2fe: {  	s21 =	simm.s32 $0x3280;
	v3 =	vadd.s32 v1, v3  }
0x2ff: {  	[tilespmem:s21], [sflag:$0x1] =	stream.indirect_vreg.gather [hbm4b:s5+s3], $0x80, v4, vm0, $0xb8;
	[tilespmem:$0x19280] =	vst v63  }
0x300: {  	s20 =	simm.s32 $0x3A80  }
0x301: {  	[tilespmem:s20], [sflag:$0x1] =	stream.indirect_vreg.gather [hbm4b:s6+s3], $0x80, v4, vm0, $0xb8;
	[tilespmem:$0x19280] =	vst v63  }
0x302: {  	s18 =	simm.s32 $0x4280  }
0x303: {  	[tilespmem:s18], [sflag:$0x1] =	stream.indirect_vreg.gather [hbm4b:s5+s3], $0x80, v3, vm0, $0xb8;
	[tilespmem:$0x19280] =	vst v63  }
0x304: {  	s16 =	simm.s32 $0x4A80  }
0x305: {  	[tilespmem:s16], [sflag:$0x1] =	stream.indirect_vreg.gather [hbm4b:s6+s3], $0x80, v3, vm0, $0xb8;
	[tilespmem:$0x19280] =	vst v63  }
0x306: {  	v3 =	vld [tilespmem:$0xAA0];
	_ =	sdelay $0x4  }
0x307: {  	v60 =	vshll.u32 v3, $0x2  }
0x308: {  	v3 =	vand.u32 $0x7, v3;
	v4 =	vand.u32 $0xFFFFFFE0, v60  }
0x309: {  	v3 =	vor.u32 v3, v4  }
0x30a: {  	v4 =	vperm.xlane v3, v0;
	_ =	sdelay $0x1  }
0x30b: {  	v4 =	vadd.s32 v1, v4;
	_ =	sdelay $0x1  }
0x30c: {  	v3 =	vperm.xlane v3, v2;
	_ =	sdelay $0x1  }
0x30d: {  	s21 =	simm.s32 $0x5280;
	v3 =	vadd.s32 v1, v3  }
0x30e: {  	[tilespmem:s21], [sflag:$0x1] =	stream.indirect_vreg.gather [hbm4b:s5+s3], $0x80, v4, vm0, $0xb8;
	[tilespmem:$0x19280] =	vst v63  }
0x30f: {  	s31 =	simm.s32 $0x5A80  }
0x310: {  	[tilespmem:s31], [sflag:$0x1] =	stream.indirect_vreg.gather [hbm4b:s6+s3], $0x80, v4, vm0, $0xb8;
	[tilespmem:$0x19280] =	vst v63  }
0x311: {  	s9 =	simm.s32 $0x6280  }
0x312: {  	[tilespmem:s9], [sflag:$0x1] =	stream.indirect_vreg.gather [hbm4b:s5+s3], $0x80, v3, vm0, $0xb8;
	[tilespmem:$0x19280] =	vst v63  }
0x313: {  	s16 =	simm.s32 $0x6A80  }
0x314: {  	[tilespmem:s16], [sflag:$0x1] =	stream.indirect_vreg.gather [hbm4b:s6+s3], $0x80, v3, vm0, $0xb8;
	[tilespmem:$0x19280] =	vst v63  }
0x315: {  	v3 =	vld [tilespmem:$0xAB0];
	_ =	sdelay $0x4  }
0x316: {  	v61 =	vshll.u32 v3, $0x2  }
0x317: {  	v3 =	vand.u32 $0x7, v3;
	v4 =	vand.u32 $0xFFFFFFE0, v61  }
0x318: {  	v3 =	vor.u32 v3, v4  }
0x319: {  	v4 =	vperm.xlane v3, v0;
	_ =	sdelay $0x1  }
0x31a: {  	v4 =	vadd.s32 v1, v4;
	_ =	sdelay $0x1  }
0x31b: {  	v3 =	vperm.xlane v3, v2;
	_ =	sdelay $0x1  }
0x31c: {  	s18 =	simm.s32 $0x7280;
	v3 =	vadd.s32 v1, v3  }
0x31d: {  	[tilespmem:s18], [sflag:$0x1] =	stream.indirect_vreg.gather [hbm4b:s5+s3], $0x80, v4, vm0, $0xb8;
	[tilespmem:$0x19280] =	vst v63  }
0x31e: {  	s21 =	simm.s32 $0x7A80  }
0x31f: {  	[tilespmem:s21], [sflag:$0x1] =	stream.indirect_vreg.gather [hbm4b:s6+s3], $0x80, v4, vm0, $0xb8;
	[tilespmem:$0x19280] =	vst v63  }
0x320: {  	s31 =	simm.s32 $0x8280  }
0x321: {  	[tilespmem:s31], [sflag:$0x1] =	stream.indirect_vreg.gather [hbm4b:s5+s3], $0x80, v3, vm0, $0xb8;
	[tilespmem:$0x19280] =	vst v63  }
0x322: {  	s9 =	simm.s32 $0x8A80  }
0x323: {  	[tilespmem:s9], [sflag:$0x1] =	stream.indirect_vreg.gather [hbm4b:s6+s3], $0x80, v3, vm0, $0xb8;
	[tilespmem:$0x19280] =	vst v63  }
0x324: {  	_ =	swait.ge [sflag:s24], $0x8000  }
0x325: {  	s16 =	rddreg [dreg:$0xf]  }
0x326: {  	[sflag:s24] =	ssyncset.done $0x0;
	s18 =	sld [smem:$0x7E4]  }
0x327: {  	s21 =	sld [smem:$0x7E5];
	[sflag:s24] =	ssyncadd.s32 $0xFFFF8000  }
0x328: {  	[hbm4b:s16+s3] =	stream.linear.scatter [tilespmem:s4], [sflag:$0x5], $0x8000, $0x38;
	[tilespmem:$0x19280] =	vst v63  }
0x329: {  	_ = 	snop  }
0x32a: {  	[tilespmem:s21], [sflag:$0x9] =	stream.indirect.gather [hbm4b:s0+s10], $0x1, s18, s10, $0xb8;
	[tilespmem:$0x19280] =	vst v63  }
0x32b: {  	_ =	swait.ge [sflag:s25], $0x8000  }
0x32c: {  	[sflag:s25] =	ssyncset.done $0x0  }
0x32d: {  	[sflag:s25] =	ssyncadd.s32 $0xFFFF8000  }
0x32e: {  	_ =	swait.ge [sflag:s29], $0x40  }
0x32f: {  	[sflag:s29] =	ssyncset.done $0x0  }
0x330: {  	[sflag:s29] =	ssyncadd.s32 $0xFFFFFFC0  }
0x331: {  	v3 =	vld [tilespmem:$0xB00];
	_ =	sdelay $0x4  }
0x332: {  	v62 =	vshll.u32 v3, $0x2  }
0x333: {  	v3 =	vand.u32 $0x7, v3;
	v4 =	vand.u32 $0xFFFFFFE0, v62  }
0x334: {  	v3 =	vor.u32 v3, v4  }
0x335: {  	v4 =	vperm.xlane v3, v0;
	_ =	sdelay $0x1  }
0x336: {  	v4 =	vadd.s32 v1, v4;
	_ =	sdelay $0x1  }
0x337: {  	v3 =	vperm.xlane v3, v2;
	_ =	sdelay $0x1  }
0x338: {  	v3 =	vadd.s32 v1, v3  }
0x339: {  	[tilespmem:s4], [sflag:$0x2] =	stream.indirect_vreg.gather [hbm4b:s5+s3], $0x80, v4, vm0, $0xb8;
	[tilespmem:$0x19280] =	vst v63  }
0x33a: {  	s22 =	simm.s32 $0x9A80  }
0x33b: {  	[tilespmem:s22], [sflag:$0x2] =	stream.indirect_vreg.gather [hbm4b:s6+s3], $0x80, v4, vm0, $0xb8;
	[tilespmem:$0x19280] =	vst v63  }
0x33c: {  	s22 =	simm.s32 $0xA280  }
0x33d: {  	[tilespmem:s22], [sflag:$0x2] =	stream.indirect_vreg.gather [hbm4b:s5+s3], $0x80, v3, vm0, $0xb8;
	[tilespmem:$0x19280] =	vst v63  }
0x33e: {  	s31 =	simm.s32 $0xAA80  }
0x33f: {  	[tilespmem:s31], [sflag:$0x2] =	stream.indirect_vreg.gather [hbm4b:s6+s3], $0x80, v3, vm0, $0xb8;
	[tilespmem:$0x19280] =	vst v63  }
0x340: {  	v3 =	vld [tilespmem:$0xB10];
	_ =	sdelay $0x4  }
0x341: {  	v63 =	vshll.u32 v3, $0x2  }
0x342: {  	v3 =	vand.u32 $0x7, v3;
	v4 =	vand.u32 $0xFFFFFFE0, v63  }
0x343: {  	v3 =	vor.u32 v3, v4  }
0x344: {  	v4 =	vperm.xlane v3, v0;
	_ =	sdelay $0x1  }
0x345: {  	v4 =	vadd.s32 v1, v4;
	_ =	sdelay $0x1  }
0x346: {  	v3 =	vperm.xlane v3, v2;
	_ =	sdelay $0x1  }
0x347: {  	s9 =	simm.s32 $0xB280;
	v3 =	vadd.s32 v1, v3  }
0x348: {  	[tilespmem:s9], [sflag:$0x2] =	stream.indirect_vreg.gather [hbm4b:s5+s3], $0x80, v4, vm0, $0xb8;
	[tilespmem:$0x19280] =	vst v63  }
0x349: {  	s16 =	simm.s32 $0xBA80  }
0x34a: {  	[tilespmem:s16], [sflag:$0x2] =	stream.indirect_vreg.gather [hbm4b:s6+s3], $0x80, v4, vm0, $0xb8;
	[tilespmem:$0x19280] =	vst v63  }
0x34b: {  	s21 =	simm.s32 $0xC280  }
0x34c: {  	[tilespmem:s21], [sflag:$0x2] =	stream.indirect_vreg.gather [hbm4b:s5+s3], $0x80, v3, vm0, $0xb8;
	[tilespmem:$0x19280] =	vst v63  }
0x34d: {  	s31 =	simm.s32 $0xCA80  }
0x34e: {  	[tilespmem:s31], [sflag:$0x2] =	stream.indirect_vreg.gather [hbm4b:s6+s3], $0x80, v3, vm0, $0xb8;
	[tilespmem:$0x19280] =	vst v63  }
0x34f: {  	v3 =	vld [tilespmem:$0xB20];
	_ =	sdelay $0x4  }
0x350: {  	v8 =	vshll.u32 v3, $0x2  }
0x351: {  	v3 =	vand.u32 $0x7, v3;
	v4 =	vand.u32 $0xFFFFFFE0, v8  }
0x352: {  	v3 =	vor.u32 v3, v4  }
0x353: {  	v4 =	vperm.xlane v3, v0;
	_ =	sdelay $0x1  }
0x354: {  	v4 =	vadd.s32 v1, v4;
	_ =	sdelay $0x1  }
0x355: {  	v3 =	vperm.xlane v3, v2;
	_ =	sdelay $0x1  }
0x356: {  	s9 =	simm.s32 $0xD280;
	v3 =	vadd.s32 v1, v3  }
0x357: {  	[tilespmem:s9], [sflag:$0x2] =	stream.indirect_vreg.gather [hbm4b:s5+s3], $0x80, v4, vm0, $0xb8;
	[tilespmem:$0x19280] =	vst v63  }
0x358: {  	s16 =	simm.s32 $0xDA80  }
0x359: {  	[tilespmem:s16], [sflag:$0x2] =	stream.indirect_vreg.gather [hbm4b:s6+s3], $0x80, v4, vm0, $0xb8;
	[tilespmem:$0x19280] =	vst v63  }
0x35a: {  	s21 =	simm.s32 $0xE280  }
0x35b: {  	[tilespmem:s21], [sflag:$0x2] =	stream.indirect_vreg.gather [hbm4b:s5+s3], $0x80, v3, vm0, $0xb8;
	[tilespmem:$0x19280] =	vst v63  }
0x35c: {  	s31 =	simm.s32 $0xEA80  }
0x35d: {  	[tilespmem:s31], [sflag:$0x2] =	stream.indirect_vreg.gather [hbm4b:s6+s3], $0x80, v3, vm0, $0xb8;
	[tilespmem:$0x19280] =	vst v63  }
0x35e: {  	v3 =	vld [tilespmem:$0xB30];
	_ =	sdelay $0x4  }
0x35f: {  	v9 =	vshll.u32 v3, $0x2  }
0x360: {  	v3 =	vand.u32 $0x7, v3;
	v4 =	vand.u32 $0xFFFFFFE0, v9  }
0x361: {  	v3 =	vor.u32 v3, v4  }
0x362: {  	v4 =	vperm.xlane v3, v0;
	_ =	sdelay $0x1  }
0x363: {  	v4 =	vadd.s32 v1, v4;
	_ =	sdelay $0x1  }
0x364: {  	v3 =	vperm.xlane v3, v2;
	_ =	sdelay $0x1  }
0x365: {  	s9 =	simm.s32 $0xF280;
	v3 =	vadd.s32 v1, v3  }
0x366: {  	[tilespmem:s9], [sflag:$0x2] =	stream.indirect_vreg.gather [hbm4b:s5+s3], $0x80, v4, vm0, $0xb8;
	[tilespmem:$0x19280] =	vst v63  }
0x367: {  	s16 =	simm.s32 $0xFA80  }
0x368: {  	[tilespmem:s16], [sflag:$0x2] =	stream.indirect_vreg.gather [hbm4b:s6+s3], $0x80, v4, vm0, $0xb8;
	[tilespmem:$0x19280] =	vst v63  }
0x369: {  	s21 =	simm.s32 $0x10280  }
0x36a: {  	[tilespmem:s21], [sflag:$0x2] =	stream.indirect_vreg.gather [hbm4b:s5+s3], $0x80, v3, vm0, $0xb8;
	[tilespmem:$0x19280] =	vst v63  }
0x36b: {  	s31 =	simm.s32 $0x10A80  }
0x36c: {  	[tilespmem:s31], [sflag:$0x2] =	stream.indirect_vreg.gather [hbm4b:s6+s3], $0x80, v3, vm0, $0xb8;
	[tilespmem:$0x19280] =	vst v63  }
0x36d: {  	_ =	swait.ge [sflag:s26], $0x8000  }
0x36e: {  	s9 =	rddreg [dreg:$0x10]  }
0x36f: {  	[sflag:s26] =	ssyncset.done $0x0;
	s16 =	sld [smem:$0x7E6]  }
0x370: {  	s21 =	sld [smem:$0x7E7];
	[sflag:s26] =	ssyncadd.s32 $0xFFFF8000  }
0x371: {  	[hbm4b:s9+s3] =	stream.linear.scatter [tilespmem:s12], [sflag:$0x6], $0x8000, $0x38;
	[tilespmem:$0x19280] =	vst v63  }
0x372: {  	_ = 	snop  }
0x373: {  	[tilespmem:s21], [sflag:$0x7] =	stream.indirect.gather [hbm4b:s0+s10], $0x1, s16, s10, $0xb8;
	[tilespmem:$0x19280] =	vst v63  }
0x374: {  	_ =	swait.ge [sflag:s28], $0x8000  }
0x375: {  	[sflag:s28] =	ssyncset.done $0x0  }
0x376: {  	[sflag:s28] =	ssyncadd.s32 $0xFFFF8000  }
0x377: {  	_ =	swait.ge [sflag:s1], $0x40  }
0x378: {  	[sflag:s1] =	ssyncset.done $0x0  }
0x379: {  	[sflag:s1] =	ssyncadd.s32 $0xFFFFFFC0  }
0x37a: {  	v3 =	vld [tilespmem:$0xB80];
	_ =	sdelay $0x4  }
0x37b: {  	v10 =	vshll.u32 v3, $0x2  }
0x37c: {  	v3 =	vand.u32 $0x7, v3;
	v4 =	vand.u32 $0xFFFFFFE0, v10  }
0x37d: {  	v3 =	vor.u32 v3, v4  }
0x37e: {  	v4 =	vperm.xlane v3, v0;
	_ =	sdelay $0x1  }
0x37f: {  	v4 =	vadd.s32 v1, v4;
	_ =	sdelay $0x1  }
0x380: {  	v3 =	vperm.xlane v3, v2;
	_ =	sdelay $0x1  }
0x381: {  	v3 =	vadd.s32 v1, v3  }
0x382: {  	[tilespmem:s12], [sflag:$0x3] =	stream.indirect_vreg.gather [hbm4b:s5+s3], $0x80, v4, vm0, $0xb8;
	[tilespmem:$0x19280] =	vst v63  }
0x383: {  	s16 =	simm.s32 $0x11A80  }
0x384: {  	[tilespmem:s16], [sflag:$0x3] =	stream.indirect_vreg.gather [hbm4b:s6+s3], $0x80, v4, vm0, $0xb8;
	[tilespmem:$0x19280] =	vst v63  }
0x385: {  	s21 =	simm.s32 $0x12280  }
0x386: {  	[tilespmem:s21], [sflag:$0x3] =	stream.indirect_vreg.gather [hbm4b:s5+s3], $0x80, v3, vm0, $0xb8;
	[tilespmem:$0x19280] =	vst v63  }
0x387: {  	s31 =	simm.s32 $0x12A80  }
0x388: {  	[tilespmem:s31], [sflag:$0x3] =	stream.indirect_vreg.gather [hbm4b:s6+s3], $0x80, v3, vm0, $0xb8;
	[tilespmem:$0x19280] =	vst v63  }
0x389: {  	v3 =	vld [tilespmem:$0xB90];
	_ =	sdelay $0x4  }
0x38a: {  	v11 =	vshll.u32 v3, $0x2  }
0x38b: {  	v3 =	vand.u32 $0x7, v3;
	v4 =	vand.u32 $0xFFFFFFE0, v11  }
0x38c: {  	v3 =	vor.u32 v3, v4  }
0x38d: {  	v4 =	vperm.xlane v3, v0;
	_ =	sdelay $0x1  }
0x38e: {  	v4 =	vadd.s32 v1, v4;
	_ =	sdelay $0x1  }
0x38f: {  	v3 =	vperm.xlane v3, v2;
	_ =	sdelay $0x1  }
0x390: {  	s9 =	simm.s32 $0x13280;
	v3 =	vadd.s32 v1, v3  }
0x391: {  	[tilespmem:s9], [sflag:$0x3] =	stream.indirect_vreg.gather [hbm4b:s5+s3], $0x80, v4, vm0, $0xb8;
	[tilespmem:$0x19280] =	vst v63  }
0x392: {  	s16 =	simm.s32 $0x13A80  }
0x393: {  	[tilespmem:s16], [sflag:$0x3] =	stream.indirect_vreg.gather [hbm4b:s6+s3], $0x80, v4, vm0, $0xb8;
	[tilespmem:$0x19280] =	vst v63  }
0x394: {  	s21 =	simm.s32 $0x14280  }
0x395: {  	[tilespmem:s21], [sflag:$0x3] =	stream.indirect_vreg.gather [hbm4b:s5+s3], $0x80, v3, vm0, $0xb8;
	[tilespmem:$0x19280] =	vst v63  }
0x396: {  	s31 =	simm.s32 $0x14A80  }
0x397: {  	[tilespmem:s31], [sflag:$0x3] =	stream.indirect_vreg.gather [hbm4b:s6+s3], $0x80, v3, vm0, $0xb8;
	[tilespmem:$0x19280] =	vst v63  }
0x398: {  	v3 =	vld [tilespmem:$0xBA0];
	_ =	sdelay $0x4  }
0x399: {  	v12 =	vshll.u32 v3, $0x2  }
0x39a: {  	v3 =	vand.u32 $0x7, v3;
	v4 =	vand.u32 $0xFFFFFFE0, v12  }
0x39b: {  	v3 =	vor.u32 v3, v4  }
0x39c: {  	v4 =	vperm.xlane v3, v0;
	_ =	sdelay $0x1  }
0x39d: {  	v4 =	vadd.s32 v1, v4;
	_ =	sdelay $0x1  }
0x39e: {  	v3 =	vperm.xlane v3, v2;
	_ =	sdelay $0x1  }
0x39f: {  	s9 =	simm.s32 $0x15280;
	v3 =	vadd.s32 v1, v3  }
0x3a0: {  	[tilespmem:s9], [sflag:$0x3] =	stream.indirect_vreg.gather [hbm4b:s5+s3], $0x80, v4, vm0, $0xb8;
	[tilespmem:$0x19280] =	vst v63  }
0x3a1: {  	s16 =	simm.s32 $0x15A80  }
0x3a2: {  	[tilespmem:s16], [sflag:$0x3] =	stream.indirect_vreg.gather [hbm4b:s6+s3], $0x80, v4, vm0, $0xb8;
	[tilespmem:$0x19280] =	vst v63  }
0x3a3: {  	s21 =	simm.s32 $0x16280  }
0x3a4: {  	[tilespmem:s21], [sflag:$0x3] =	stream.indirect_vreg.gather [hbm4b:s5+s3], $0x80, v3, vm0, $0xb8;
	[tilespmem:$0x19280] =	vst v63  }
0x3a5: {  	s31 =	simm.s32 $0x16A80  }
0x3a6: {  	[tilespmem:s31], [sflag:$0x3] =	stream.indirect_vreg.gather [hbm4b:s6+s3], $0x80, v3, vm0, $0xb8;
	[tilespmem:$0x19280] =	vst v63  }
0x3a7: {  	v3 =	vld [tilespmem:$0xBB0];
	_ =	sdelay $0x4  }
0x3a8: {  	v13 =	vshll.u32 v3, $0x2  }
0x3a9: {  	v3 =	vand.u32 $0x7, v3;
	v4 =	vand.u32 $0xFFFFFFE0, v13  }
0x3aa: {  	v3 =	vor.u32 v3, v4  }
0x3ab: {  	v4 =	vperm.xlane v3, v0;
	_ =	sdelay $0x1  }
0x3ac: {  	v4 =	vadd.s32 v1, v4;
	_ =	sdelay $0x1  }
0x3ad: {  	v3 =	vperm.xlane v3, v2;
	_ =	sdelay $0x1  }
0x3ae: {  	s9 =	simm.s32 $0x17280;
	v3 =	vadd.s32 v1, v3  }
0x3af: {  	[tilespmem:s9], [sflag:$0x3] =	stream.indirect_vreg.gather [hbm4b:s5+s3], $0x80, v4, vm0, $0xb8;
	[tilespmem:$0x19280] =	vst v63  }
0x3b0: {  	s16 =	simm.s32 $0x17A80  }
0x3b1: {  	[tilespmem:s16], [sflag:$0x3] =	stream.indirect_vreg.gather [hbm4b:s6+s3], $0x80, v4, vm0, $0xb8;
	[tilespmem:$0x19280] =	vst v63  }
0x3b2: {  	s21 =	simm.s32 $0x18280  }
0x3b3: {  	[tilespmem:s21], [sflag:$0x3] =	stream.indirect_vreg.gather [hbm4b:s5+s3], $0x80, v3, vm0, $0xb8;
	[tilespmem:$0x19280] =	vst v63  }
0x3b4: {  	s31 =	simm.s32 $0x18A80  }
0x3b5: {  	[tilespmem:s31], [sflag:$0x3] =	stream.indirect_vreg.gather [hbm4b:s6+s3], $0x80, v3, vm0, $0xb8;
	[tilespmem:$0x19280] =	vst v63  }
0x3b6: {  	_ =	swait.ge [sflag:s8], $0x8000  }
0x3b7: {  	s9 =	rddreg [dreg:$0x11]  }
0x3b8: {  	[sflag:s8] =	ssyncset.done $0x0;
	s16 =	sld [smem:$0x7E8]  }
0x3b9: {  	s21 =	sld [smem:$0x7E9];
	[sflag:s8] =	ssyncadd.s32 $0xFFFF8000  }
0x3ba: {  	[hbm4b:s9+s3] =	stream.linear.scatter [tilespmem:s13], [sflag:$0x4], $0x8000, $0x38;
	[tilespmem:$0x19280] =	vst v63  }
0x3bb: {  	_ = 	snop  }
0x3bc: {  	[tilespmem:s21], [sflag:$0x8] =	stream.indirect.gather [hbm4b:s0+s10], $0x1, s16, s10, $0xb8;
	[tilespmem:$0x19280] =	vst v63  }
0x3bd: {  	_ =	swait.ge [sflag:s23], $0x8000  }
0x3be: {  	[sflag:s23] =	ssyncset.done $0x0  }
0x3bf: {  	[sflag:s23] =	ssyncadd.s32 $0xFFFF8000  }
0x3c0: {  	_ =	swait.ge [sflag:s11], $0x40  }
0x3c1: {  	[sflag:s11] =	ssyncset.done $0x0  }
0x3c2: {  	[sflag:s11] =	ssyncadd.s32 $0xFFFFFFC0  }
0x3c3: {  	v3 =	vld [tilespmem:$0xC00];
	_ =	sdelay $0x4  }
0x3c4: {  	v14 =	vshll.u32 v3, $0x2  }
0x3c5: {  	v3 =	vand.u32 $0x7, v3;
	v4 =	vand.u32 $0xFFFFFFE0, v14  }
0x3c6: {  	v3 =	vor.u32 v3, v4  }
0x3c7: {  	v4 =	vperm.xlane v3, v0;
	_ =	sdelay $0x1  }
0x3c8: {  	v4 =	vadd.s32 v1, v4;
	_ =	sdelay $0x1  }
0x3c9: {  	v3 =	vperm.xlane v3, v2;
	_ =	sdelay $0x1  }
0x3ca: {  	v3 =	vadd.s32 v1, v3  }
0x3cb: {  	[tilespmem:s13], [sflag:$0x1] =	stream.indirect_vreg.gather [hbm4b:s5+s3], $0x80, v4, vm0, $0xb8;
	[tilespmem:$0x19280] =	vst v63  }
0x3cc: {  	s14 =	simm.s32 $0x1A80  }
0x3cd: {  	[tilespmem:s14], [sflag:$0x1] =	stream.indirect_vreg.gather [hbm4b:s6+s3], $0x80, v4, vm0, $0xb8;
	[tilespmem:$0x19280] =	vst v63  }
0x3ce: {  	s17 =	simm.s32 $0x2280  }
0x3cf: {  	[tilespmem:s17], [sflag:$0x1] =	stream.indirect_vreg.gather [hbm4b:s5+s3], $0x80, v3, vm0, $0xb8;
	[tilespmem:$0x19280] =	vst v63  }
0x3d0: {  	s7 =	simm.s32 $0x2A80  }
0x3d1: {  	[tilespmem:s7], [sflag:$0x1] =	stream.indirect_vreg.gather [hbm4b:s6+s3], $0x80, v3, vm0, $0xb8;
	[tilespmem:$0x19280] =	vst v63  }
0x3d2: {  	v3 =	vld [tilespmem:$0xC10];
	_ =	sdelay $0x4  }
0x3d3: {  	v15 =	vshll.u32 v3, $0x2  }
0x3d4: {  	v3 =	vand.u32 $0x7, v3;
	v4 =	vand.u32 $0xFFFFFFE0, v15  }
0x3d5: {  	v3 =	vor.u32 v3, v4  }
0x3d6: {  	v4 =	vperm.xlane v3, v0;
	_ =	sdelay $0x1  }
0x3d7: {  	v4 =	vadd.s32 v1, v4;
	_ =	sdelay $0x1  }
0x3d8: {  	v3 =	vperm.xlane v3, v2;
	_ =	sdelay $0x1  }
0x3d9: {  	s30 =	simm.s32 $0x3280;
	v3 =	vadd.s32 v1, v3  }
0x3da: {  	[tilespmem:s30], [sflag:$0x1] =	stream.indirect_vreg.gather [hbm4b:s5+s3], $0x80, v4, vm0, $0xb8;
	[tilespmem:$0x19280] =	vst v63  }
0x3db: {  	s20 =	simm.s32 $0x3A80  }
0x3dc: {  	[tilespmem:s20], [sflag:$0x1] =	stream.indirect_vreg.gather [hbm4b:s6+s3], $0x80, v4, vm0, $0xb8;
	[tilespmem:$0x19280] =	vst v63  }
0x3dd: {  	s19 =	simm.s32 $0x4280  }
0x3de: {  	[tilespmem:s19], [sflag:$0x1] =	stream.indirect_vreg.gather [hbm4b:s5+s3], $0x80, v3, vm0, $0xb8;
	[tilespmem:$0x19280] =	vst v63  }
0x3df: {  	s15 =	simm.s32 $0x4A80  }
0x3e0: {  	[tilespmem:s15], [sflag:$0x1] =	stream.indirect_vreg.gather [hbm4b:s6+s3], $0x80, v3, vm0, $0xb8;
	[tilespmem:$0x19280] =	vst v63  }
0x3e1: {  	v3 =	vld [tilespmem:$0xC20];
	_ =	sdelay $0x4  }
0x3e2: {  	v16 =	vshll.u32 v3, $0x2  }
0x3e3: {  	v3 =	vand.u32 $0x7, v3;
	v4 =	vand.u32 $0xFFFFFFE0, v16  }
0x3e4: {  	v3 =	vor.u32 v3, v4  }
0x3e5: {  	v4 =	vperm.xlane v3, v0;
	_ =	sdelay $0x1  }
0x3e6: {  	v4 =	vadd.s32 v1, v4;
	_ =	sdelay $0x1  }
0x3e7: {  	v3 =	vperm.xlane v3, v2;
	_ =	sdelay $0x1  }
0x3e8: {  	s9 =	simm.s32 $0x5280;
	v3 =	vadd.s32 v1, v3  }
0x3e9: {  	[tilespmem:s9], [sflag:$0x1] =	stream.indirect_vreg.gather [hbm4b:s5+s3], $0x80, v4, vm0, $0xb8;
	[tilespmem:$0x19280] =	vst v63  }
0x3ea: {  	s15 =	simm.s32 $0x5A80  }
0x3eb: {  	[tilespmem:s15], [sflag:$0x1] =	stream.indirect_vreg.gather [hbm4b:s6+s3], $0x80, v4, vm0, $0xb8;
	[tilespmem:$0x19280] =	vst v63  }
0x3ec: {  	s20 =	simm.s32 $0x6280  }
0x3ed: {  	[tilespmem:s20], [sflag:$0x1] =	stream.indirect_vreg.gather [hbm4b:s5+s3], $0x80, v3, vm0, $0xb8;
	[tilespmem:$0x19280] =	vst v63  }
0x3ee: {  	s31 =	simm.s32 $0x6A80  }
0x3ef: {  	[tilespmem:s31], [sflag:$0x1] =	stream.indirect_vreg.gather [hbm4b:s6+s3], $0x80, v3, vm0, $0xb8;
	[tilespmem:$0x19280] =	vst v63  }
0x3f0: {  	v3 =	vld [tilespmem:$0xC30];
	_ =	sdelay $0x4  }
0x3f1: {  	v17 =	vshll.u32 v3, $0x2  }
0x3f2: {  	v3 =	vand.u32 $0x7, v3;
	v4 =	vand.u32 $0xFFFFFFE0, v17  }
0x3f3: {  	v3 =	vor.u32 v3, v4  }
0x3f4: {  	v4 =	vperm.xlane v3, v0;
	_ =	sdelay $0x1  }
0x3f5: {  	v4 =	vadd.s32 v1, v4;
	_ =	sdelay $0x1  }
0x3f6: {  	v3 =	vperm.xlane v3, v2;
	_ =	sdelay $0x1  }
0x3f7: {  	s9 =	simm.s32 $0x7280;
	v3 =	vadd.s32 v1, v3  }
0x3f8: {  	[tilespmem:s9], [sflag:$0x1] =	stream.indirect_vreg.gather [hbm4b:s5+s3], $0x80, v4, vm0, $0xb8;
	[tilespmem:$0x19280] =	vst v63  }
0x3f9: {  	s15 =	simm.s32 $0x7A80  }
0x3fa: {  	[tilespmem:s15], [sflag:$0x1] =	stream.indirect_vreg.gather [hbm4b:s6+s3], $0x80, v4, vm0, $0xb8;
	[tilespmem:$0x19280] =	vst v63  }
0x3fb: {  	s20 =	simm.s32 $0x8280  }
0x3fc: {  	[tilespmem:s20], [sflag:$0x1] =	stream.indirect_vreg.gather [hbm4b:s5+s3], $0x80, v3, vm0, $0xb8;
	[tilespmem:$0x19280] =	vst v63  }
0x3fd: {  	s31 =	simm.s32 $0x8A80  }
0x3fe: {  	[tilespmem:s31], [sflag:$0x1] =	stream.indirect_vreg.gather [hbm4b:s6+s3], $0x80, v3, vm0, $0xb8;
	[tilespmem:$0x19280] =	vst v63  }
0x3ff: {  	_ =	swait.ge [sflag:s24], $0x8000  }
0x400: {  	s9 =	rddreg [dreg:$0x12]  }
0x401: {  	[sflag:s24] =	ssyncset.done $0x0;
	s15 =	sld [smem:$0x7EA]  }
0x402: {  	s20 =	sld [smem:$0x7EB];
	[sflag:s24] =	ssyncadd.s32 $0xFFFF8000  }
0x403: {  	[hbm4b:s9+s3] =	stream.linear.scatter [tilespmem:s4], [sflag:$0x5], $0x8000, $0x38;
	[tilespmem:$0x19280] =	vst v63  }
0x404: {  	_ = 	snop  }
0x405: {  	[tilespmem:s20], [sflag:$0x9] =	stream.indirect.gather [hbm4b:s0+s10], $0x1, s15, s10, $0xb8;
	[tilespmem:$0x19280] =	vst v63  }
0x406: {  	_ =	swait.ge [sflag:s25], $0x8000  }
0x407: {  	[sflag:s25] =	ssyncset.done $0x0  }
0x408: {  	[sflag:s25] =	ssyncadd.s32 $0xFFFF8000  }
0x409: {  	_ =	swait.ge [sflag:s29], $0x40  }
0x40a: {  	[sflag:s29] =	ssyncset.done $0x0  }
0x40b: {  	[sflag:s29] =	ssyncadd.s32 $0xFFFFFFC0  }
0x40c: {  	v3 =	vld [tilespmem:$0xC80];
	_ =	sdelay $0x4  }
0x40d: {  	v18 =	vshll.u32 v3, $0x2  }
0x40e: {  	v3 =	vand.u32 $0x7, v3;
	v4 =	vand.u32 $0xFFFFFFE0, v18  }
0x40f: {  	v3 =	vor.u32 v3, v4  }
0x410: {  	v4 =	vperm.xlane v3, v0;
	_ =	sdelay $0x1  }
0x411: {  	v4 =	vadd.s32 v1, v4;
	_ =	sdelay $0x1  }
0x412: {  	v3 =	vperm.xlane v3, v2;
	_ =	sdelay $0x1  }
0x413: {  	v3 =	vadd.s32 v1, v3  }
0x414: {  	[tilespmem:s4], [sflag:$0x2] =	stream.indirect_vreg.gather [hbm4b:s5+s3], $0x80, v4, vm0, $0xb8;
	[tilespmem:$0x19280] =	vst v63  }
0x415: {  	s18 =	simm.s32 $0x9A80  }
0x416: {  	[tilespmem:s18], [sflag:$0x2] =	stream.indirect_vreg.gather [hbm4b:s6+s3], $0x80, v4, vm0, $0xb8;
	[tilespmem:$0x19280] =	vst v63  }
0x417: {  	s22 =	simm.s32 $0xA280  }
0x418: {  	[tilespmem:s22], [sflag:$0x2] =	stream.indirect_vreg.gather [hbm4b:s5+s3], $0x80, v3, vm0, $0xb8;
	[tilespmem:$0x19280] =	vst v63  }
0x419: {  	s31 =	simm.s32 $0xAA80  }
0x41a: {  	[tilespmem:s31], [sflag:$0x2] =	stream.indirect_vreg.gather [hbm4b:s6+s3], $0x80, v3, vm0, $0xb8;
	[tilespmem:$0x19280] =	vst v63  }
0x41b: {  	v3 =	vld [tilespmem:$0xC90];
	_ =	sdelay $0x4  }
0x41c: {  	v19 =	vshll.u32 v3, $0x2  }
0x41d: {  	v3 =	vand.u32 $0x7, v3;
	v4 =	vand.u32 $0xFFFFFFE0, v19  }
0x41e: {  	v3 =	vor.u32 v3, v4  }
0x41f: {  	v4 =	vperm.xlane v3, v0;
	_ =	sdelay $0x1  }
0x420: {  	v4 =	vadd.s32 v1, v4;
	_ =	sdelay $0x1  }
0x421: {  	v3 =	vperm.xlane v3, v2;
	_ =	sdelay $0x1  }
0x422: {  	s9 =	simm.s32 $0xB280;
	v3 =	vadd.s32 v1, v3  }
0x423: {  	[tilespmem:s9], [sflag:$0x2] =	stream.indirect_vreg.gather [hbm4b:s5+s3], $0x80, v4, vm0, $0xb8;
	[tilespmem:$0x19280] =	vst v63  }
0x424: {  	s15 =	simm.s32 $0xBA80  }
0x425: {  	[tilespmem:s15], [sflag:$0x2] =	stream.indirect_vreg.gather [hbm4b:s6+s3], $0x80, v4, vm0, $0xb8;
	[tilespmem:$0x19280] =	vst v63  }
0x426: {  	s18 =	simm.s32 $0xC280  }
0x427: {  	[tilespmem:s18], [sflag:$0x2] =	stream.indirect_vreg.gather [hbm4b:s5+s3], $0x80, v3, vm0, $0xb8;
	[tilespmem:$0x19280] =	vst v63  }
0x428: {  	s31 =	simm.s32 $0xCA80  }
0x429: {  	[tilespmem:s31], [sflag:$0x2] =	stream.indirect_vreg.gather [hbm4b:s6+s3], $0x80, v3, vm0, $0xb8;
	[tilespmem:$0x19280] =	vst v63  }
0x42a: {  	v3 =	vld [tilespmem:$0xCA0];
	_ =	sdelay $0x4  }
0x42b: {  	v20 =	vshll.u32 v3, $0x2  }
0x42c: {  	v3 =	vand.u32 $0x7, v3;
	v4 =	vand.u32 $0xFFFFFFE0, v20  }
0x42d: {  	v3 =	vor.u32 v3, v4  }
0x42e: {  	v4 =	vperm.xlane v3, v0;
	_ =	sdelay $0x1  }
0x42f: {  	v4 =	vadd.s32 v1, v4;
	_ =	sdelay $0x1  }
0x430: {  	v3 =	vperm.xlane v3, v2;
	_ =	sdelay $0x1  }
0x431: {  	s9 =	simm.s32 $0xD280;
	v3 =	vadd.s32 v1, v3  }
0x432: {  	[tilespmem:s9], [sflag:$0x2] =	stream.indirect_vreg.gather [hbm4b:s5+s3], $0x80, v4, vm0, $0xb8;
	[tilespmem:$0x19280] =	vst v63  }
0x433: {  	s15 =	simm.s32 $0xDA80  }
0x434: {  	[tilespmem:s15], [sflag:$0x2] =	stream.indirect_vreg.gather [hbm4b:s6+s3], $0x80, v4, vm0, $0xb8;
	[tilespmem:$0x19280] =	vst v63  }
0x435: {  	s18 =	simm.s32 $0xE280  }
0x436: {  	[tilespmem:s18], [sflag:$0x2] =	stream.indirect_vreg.gather [hbm4b:s5+s3], $0x80, v3, vm0, $0xb8;
	[tilespmem:$0x19280] =	vst v63  }
0x437: {  	s31 =	simm.s32 $0xEA80  }
0x438: {  	[tilespmem:s31], [sflag:$0x2] =	stream.indirect_vreg.gather [hbm4b:s6+s3], $0x80, v3, vm0, $0xb8;
	[tilespmem:$0x19280] =	vst v63  }
0x439: {  	v3 =	vld [tilespmem:$0xCB0];
	_ =	sdelay $0x4  }
0x43a: {  	v21 =	vshll.u32 v3, $0x2  }
0x43b: {  	v3 =	vand.u32 $0x7, v3;
	v4 =	vand.u32 $0xFFFFFFE0, v21  }
0x43c: {  	v3 =	vor.u32 v3, v4  }
0x43d: {  	v4 =	vperm.xlane v3, v0;
	_ =	sdelay $0x1  }
0x43e: {  	v4 =	vadd.s32 v1, v4;
	_ =	sdelay $0x1  }
0x43f: {  	v3 =	vperm.xlane v3, v2;
	_ =	sdelay $0x1  }
0x440: {  	s9 =	simm.s32 $0xF280;
	v3 =	vadd.s32 v1, v3  }
0x441: {  	[tilespmem:s9], [sflag:$0x2] =	stream.indirect_vreg.gather [hbm4b:s5+s3], $0x80, v4, vm0, $0xb8;
	[tilespmem:$0x19280] =	vst v63  }
0x442: {  	s15 =	simm.s32 $0xFA80  }
0x443: {  	[tilespmem:s15], [sflag:$0x2] =	stream.indirect_vreg.gather [hbm4b:s6+s3], $0x80, v4, vm0, $0xb8;
	[tilespmem:$0x19280] =	vst v63  }
0x444: {  	s18 =	simm.s32 $0x10280  }
0x445: {  	[tilespmem:s18], [sflag:$0x2] =	stream.indirect_vreg.gather [hbm4b:s5+s3], $0x80, v3, vm0, $0xb8;
	[tilespmem:$0x19280] =	vst v63  }
0x446: {  	s31 =	simm.s32 $0x10A80  }
0x447: {  	[tilespmem:s31], [sflag:$0x2] =	stream.indirect_vreg.gather [hbm4b:s6+s3], $0x80, v3, vm0, $0xb8;
	[tilespmem:$0x19280] =	vst v63  }
0x448: {  	_ =	swait.ge [sflag:s26], $0x8000  }
0x449: {  	s9 =	rddreg [dreg:$0x13]  }
0x44a: {  	[sflag:s26] =	ssyncset.done $0x0;
	s15 =	sld [smem:$0x7EC]  }
0x44b: {  	s18 =	sld [smem:$0x7ED];
	[sflag:s26] =	ssyncadd.s32 $0xFFFF8000  }
0x44c: {  	[hbm4b:s9+s3] =	stream.linear.scatter [tilespmem:s12], [sflag:$0x6], $0x8000, $0x38;
	[tilespmem:$0x19280] =	vst v63  }
0x44d: {  	_ = 	snop  }
0x44e: {  	[tilespmem:s18], [sflag:$0x7] =	stream.indirect.gather [hbm4b:s0+s10], $0x1, s15, s10, $0xb8;
	[tilespmem:$0x19280] =	vst v63  }
0x44f: {  	_ =	swait.ge [sflag:s28], $0x8000  }
0x450: {  	[sflag:s28] =	ssyncset.done $0x0  }
0x451: {  	[sflag:s28] =	ssyncadd.s32 $0xFFFF8000  }
0x452: {  	_ =	swait.ge [sflag:s1], $0x40  }
0x453: {  	[sflag:s1] =	ssyncset.done $0x0  }
0x454: {  	[sflag:s1] =	ssyncadd.s32 $0xFFFFFFC0  }
0x455: {  	v3 =	vld [tilespmem:$0xD00];
	_ =	sdelay $0x4  }
0x456: {  	v22 =	vshll.u32 v3, $0x2  }
0x457: {  	v3 =	vand.u32 $0x7, v3;
	v4 =	vand.u32 $0xFFFFFFE0, v22  }
0x458: {  	v3 =	vor.u32 v3, v4  }
0x459: {  	v4 =	vperm.xlane v3, v0;
	_ =	sdelay $0x1  }
0x45a: {  	v4 =	vadd.s32 v1, v4;
	_ =	sdelay $0x1  }
0x45b: {  	v3 =	vperm.xlane v3, v2;
	_ =	sdelay $0x1  }
0x45c: {  	v3 =	vadd.s32 v1, v3  }
0x45d: {  	[tilespmem:s12], [sflag:$0x3] =	stream.indirect_vreg.gather [hbm4b:s5+s3], $0x80, v4, vm0, $0xb8;
	[tilespmem:$0x19280] =	vst v63  }
0x45e: {  	s15 =	simm.s32 $0x11A80  }
0x45f: {  	[tilespmem:s15], [sflag:$0x3] =	stream.indirect_vreg.gather [hbm4b:s6+s3], $0x80, v4, vm0, $0xb8;
	[tilespmem:$0x19280] =	vst v63  }
0x460: {  	s18 =	simm.s32 $0x12280  }
0x461: {  	[tilespmem:s18], [sflag:$0x3] =	stream.indirect_vreg.gather [hbm4b:s5+s3], $0x80, v3, vm0, $0xb8;
	[tilespmem:$0x19280] =	vst v63  }
0x462: {  	s31 =	simm.s32 $0x12A80  }
0x463: {  	[tilespmem:s31], [sflag:$0x3] =	stream.indirect_vreg.gather [hbm4b:s6+s3], $0x80, v3, vm0, $0xb8;
	[tilespmem:$0x19280] =	vst v63  }
0x464: {  	v3 =	vld [tilespmem:$0xD10];
	_ =	sdelay $0x4  }
0x465: {  	v23 =	vshll.u32 v3, $0x2  }
0x466: {  	v3 =	vand.u32 $0x7, v3;
	v4 =	vand.u32 $0xFFFFFFE0, v23  }
0x467: {  	v3 =	vor.u32 v3, v4  }
0x468: {  	v4 =	vperm.xlane v3, v0;
	_ =	sdelay $0x1  }
0x469: {  	v4 =	vadd.s32 v1, v4;
	_ =	sdelay $0x1  }
0x46a: {  	v3 =	vperm.xlane v3, v2;
	_ =	sdelay $0x1  }
0x46b: {  	s9 =	simm.s32 $0x13280;
	v3 =	vadd.s32 v1, v3  }
0x46c: {  	[tilespmem:s9], [sflag:$0x3] =	stream.indirect_vreg.gather [hbm4b:s5+s3], $0x80, v4, vm0, $0xb8;
	[tilespmem:$0x19280] =	vst v63  }
0x46d: {  	s15 =	simm.s32 $0x13A80  }
0x46e: {  	[tilespmem:s15], [sflag:$0x3] =	stream.indirect_vreg.gather [hbm4b:s6+s3], $0x80, v4, vm0, $0xb8;
	[tilespmem:$0x19280] =	vst v63  }
0x46f: {  	s18 =	simm.s32 $0x14280  }
0x470: {  	[tilespmem:s18], [sflag:$0x3] =	stream.indirect_vreg.gather [hbm4b:s5+s3], $0x80, v3, vm0, $0xb8;
	[tilespmem:$0x19280] =	vst v63  }
0x471: {  	s31 =	simm.s32 $0x14A80  }
0x472: {  	[tilespmem:s31], [sflag:$0x3] =	stream.indirect_vreg.gather [hbm4b:s6+s3], $0x80, v3, vm0, $0xb8;
	[tilespmem:$0x19280] =	vst v63  }
0x473: {  	v3 =	vld [tilespmem:$0xD20];
	_ =	sdelay $0x4  }
0x474: {  	v24 =	vshll.u32 v3, $0x2  }
0x475: {  	v3 =	vand.u32 $0x7, v3;
	v4 =	vand.u32 $0xFFFFFFE0, v24  }
0x476: {  	v3 =	vor.u32 v3, v4  }
0x477: {  	v4 =	vperm.xlane v3, v0;
	_ =	sdelay $0x1  }
0x478: {  	v4 =	vadd.s32 v1, v4;
	_ =	sdelay $0x1  }
0x479: {  	v3 =	vperm.xlane v3, v2;
	_ =	sdelay $0x1  }
0x47a: {  	s9 =	simm.s32 $0x15280;
	v3 =	vadd.s32 v1, v3  }
0x47b: {  	[tilespmem:s9], [sflag:$0x3] =	stream.indirect_vreg.gather [hbm4b:s5+s3], $0x80, v4, vm0, $0xb8;
	[tilespmem:$0x19280] =	vst v63  }
0x47c: {  	s15 =	simm.s32 $0x15A80  }
0x47d: {  	[tilespmem:s15], [sflag:$0x3] =	stream.indirect_vreg.gather [hbm4b:s6+s3], $0x80, v4, vm0, $0xb8;
	[tilespmem:$0x19280] =	vst v63  }
0x47e: {  	s18 =	simm.s32 $0x16280  }
0x47f: {  	[tilespmem:s18], [sflag:$0x3] =	stream.indirect_vreg.gather [hbm4b:s5+s3], $0x80, v3, vm0, $0xb8;
	[tilespmem:$0x19280] =	vst v63  }
0x480: {  	s31 =	simm.s32 $0x16A80  }
0x481: {  	[tilespmem:s31], [sflag:$0x3] =	stream.indirect_vreg.gather [hbm4b:s6+s3], $0x80, v3, vm0, $0xb8;
	[tilespmem:$0x19280] =	vst v63  }
0x482: {  	v3 =	vld [tilespmem:$0xD30];
	_ =	sdelay $0x4  }
0x483: {  	v25 =	vshll.u32 v3, $0x2  }
0x484: {  	v3 =	vand.u32 $0x7, v3;
	v4 =	vand.u32 $0xFFFFFFE0, v25  }
0x485: {  	v3 =	vor.u32 v3, v4  }
0x486: {  	v4 =	vperm.xlane v3, v0;
	_ =	sdelay $0x1  }
0x487: {  	v4 =	vadd.s32 v1, v4;
	_ =	sdelay $0x1  }
0x488: {  	v3 =	vperm.xlane v3, v2;
	_ =	sdelay $0x1  }
0x489: {  	s9 =	simm.s32 $0x17280;
	v3 =	vadd.s32 v1, v3  }
0x48a: {  	[tilespmem:s9], [sflag:$0x3] =	stream.indirect_vreg.gather [hbm4b:s5+s3], $0x80, v4, vm0, $0xb8;
	[tilespmem:$0x19280] =	vst v63  }
0x48b: {  	s15 =	simm.s32 $0x17A80  }
0x48c: {  	[tilespmem:s15], [sflag:$0x3] =	stream.indirect_vreg.gather [hbm4b:s6+s3], $0x80, v4, vm0, $0xb8;
	[tilespmem:$0x19280] =	vst v63  }
0x48d: {  	s18 =	simm.s32 $0x18280  }
0x48e: {  	[tilespmem:s18], [sflag:$0x3] =	stream.indirect_vreg.gather [hbm4b:s5+s3], $0x80, v3, vm0, $0xb8;
	[tilespmem:$0x19280] =	vst v63  }
0x48f: {  	s31 =	simm.s32 $0x18A80  }
0x490: {  	[tilespmem:s31], [sflag:$0x3] =	stream.indirect_vreg.gather [hbm4b:s6+s3], $0x80, v3, vm0, $0xb8;
	[tilespmem:$0x19280] =	vst v63  }
0x491: {  	_ =	swait.ge [sflag:s8], $0x8000  }
0x492: {  	s9 =	rddreg [dreg:$0x14]  }
0x493: {  	[sflag:s8] =	ssyncset.done $0x0;
	s15 =	sld [smem:$0x7EE]  }
0x494: {  	s18 =	sld [smem:$0x7EF];
	[sflag:s8] =	ssyncadd.s32 $0xFFFF8000  }
0x495: {  	[hbm4b:s9+s3] =	stream.linear.scatter [tilespmem:s13], [sflag:$0x4], $0x8000, $0x38;
	[tilespmem:$0x19280] =	vst v63  }
0x496: {  	_ = 	snop  }
0x497: {  	[tilespmem:s18], [sflag:$0x8] =	stream.indirect.gather [hbm4b:s0+s10], $0x1, s15, s10, $0xb8;
	[tilespmem:$0x19280] =	vst v63  }
0x498: {  	_ =	swait.ge [sflag:s23], $0x8000  }
0x499: {  	[sflag:s23] =	ssyncset.done $0x0  }
0x49a: {  	[sflag:s23] =	ssyncadd.s32 $0xFFFF8000  }
0x49b: {  	_ =	swait.ge [sflag:s11], $0x40  }
0x49c: {  	[sflag:s11] =	ssyncset.done $0x0  }
0x49d: {  	[sflag:s11] =	ssyncadd.s32 $0xFFFFFFC0  }
0x49e: {  	v3 =	vld [tilespmem:$0xD80];
	_ =	sdelay $0x4  }
0x49f: {  	v26 =	vshll.u32 v3, $0x2  }
0x4a0: {  	v3 =	vand.u32 $0x7, v3;
	v4 =	vand.u32 $0xFFFFFFE0, v26  }
0x4a1: {  	v3 =	vor.u32 v3, v4  }
0x4a2: {  	v4 =	vperm.xlane v3, v0;
	_ =	sdelay $0x1  }
0x4a3: {  	v4 =	vadd.s32 v1, v4;
	_ =	sdelay $0x1  }
0x4a4: {  	v3 =	vperm.xlane v3, v2;
	_ =	sdelay $0x1  }
0x4a5: {  	v3 =	vadd.s32 v1, v3  }
0x4a6: {  	[tilespmem:s13], [sflag:$0x1] =	stream.indirect_vreg.gather [hbm4b:s5+s3], $0x80, v4, vm0, $0xb8;
	[tilespmem:$0x19280] =	vst v63  }
0x4a7: {  	s14 =	simm.s32 $0x1A80  }
0x4a8: {  	[tilespmem:s14], [sflag:$0x1] =	stream.indirect_vreg.gather [hbm4b:s6+s3], $0x80, v4, vm0, $0xb8;
	[tilespmem:$0x19280] =	vst v63  }
0x4a9: {  	s16 =	simm.s32 $0x2280  }
0x4aa: {  	[tilespmem:s16], [sflag:$0x1] =	stream.indirect_vreg.gather [hbm4b:s5+s3], $0x80, v3, vm0, $0xb8;
	[tilespmem:$0x19280] =	vst v63  }
0x4ab: {  	s17 =	simm.s32 $0x2A80  }
0x4ac: {  	[tilespmem:s17], [sflag:$0x1] =	stream.indirect_vreg.gather [hbm4b:s6+s3], $0x80, v3, vm0, $0xb8;
	[tilespmem:$0x19280] =	vst v63  }
0x4ad: {  	v3 =	vld [tilespmem:$0xD90];
	_ =	sdelay $0x4  }
0x4ae: {  	v27 =	vshll.u32 v3, $0x2  }
0x4af: {  	v3 =	vand.u32 $0x7, v3;
	v4 =	vand.u32 $0xFFFFFFE0, v27  }
0x4b0: {  	v3 =	vor.u32 v3, v4  }
0x4b1: {  	v4 =	vperm.xlane v3, v0;
	_ =	sdelay $0x1  }
0x4b2: {  	v4 =	vadd.s32 v1, v4;
	_ =	sdelay $0x1  }
0x4b3: {  	v3 =	vperm.xlane v3, v2;
	_ =	sdelay $0x1  }
0x4b4: {  	s30 =	simm.s32 $0x3280;
	v3 =	vadd.s32 v1, v3  }
0x4b5: {  	[tilespmem:s30], [sflag:$0x1] =	stream.indirect_vreg.gather [hbm4b:s5+s3], $0x80, v4, vm0, $0xb8;
	[tilespmem:$0x19280] =	vst v63  }
0x4b6: {  	s21 =	simm.s32 $0x3A80  }
0x4b7: {  	[tilespmem:s21], [sflag:$0x1] =	stream.indirect_vreg.gather [hbm4b:s6+s3], $0x80, v4, vm0, $0xb8;
	[tilespmem:$0x19280] =	vst v63  }
0x4b8: {  	s19 =	simm.s32 $0x4280  }
0x4b9: {  	[tilespmem:s19], [sflag:$0x1] =	stream.indirect_vreg.gather [hbm4b:s5+s3], $0x80, v3, vm0, $0xb8;
	[tilespmem:$0x19280] =	vst v63  }
0x4ba: {  	s7 =	simm.s32 $0x4A80  }
0x4bb: {  	[tilespmem:s7], [sflag:$0x1] =	stream.indirect_vreg.gather [hbm4b:s6+s3], $0x80, v3, vm0, $0xb8;
	[tilespmem:$0x19280] =	vst v63  }
0x4bc: {  	v3 =	vld [tilespmem:$0xDA0];
	_ =	sdelay $0x4  }
0x4bd: {  	v28 =	vshll.u32 v3, $0x2  }
0x4be: {  	v3 =	vand.u32 $0x7, v3;
	v4 =	vand.u32 $0xFFFFFFE0, v28  }
0x4bf: {  	v3 =	vor.u32 v3, v4  }
0x4c0: {  	v4 =	vperm.xlane v3, v0;
	_ =	sdelay $0x1  }
0x4c1: {  	v4 =	vadd.s32 v1, v4;
	_ =	sdelay $0x1  }
0x4c2: {  	v3 =	vperm.xlane v3, v2;
	_ =	sdelay $0x1  }
0x4c3: {  	s9 =	simm.s32 $0x5280;
	v3 =	vadd.s32 v1, v3  }
0x4c4: {  	[tilespmem:s9], [sflag:$0x1] =	stream.indirect_vreg.gather [hbm4b:s5+s3], $0x80, v4, vm0, $0xb8;
	[tilespmem:$0x19280] =	vst v63  }
0x4c5: {  	s30 =	simm.s32 $0x5A80  }
0x4c6: {  	[tilespmem:s30], [sflag:$0x1] =	stream.indirect_vreg.gather [hbm4b:s6+s3], $0x80, v4, vm0, $0xb8;
	[tilespmem:$0x19280] =	vst v63  }
0x4c7: {  	s31 =	simm.s32 $0x6280  }
0x4c8: {  	[tilespmem:s31], [sflag:$0x1] =	stream.indirect_vreg.gather [hbm4b:s5+s3], $0x80, v3, vm0, $0xb8;
	[tilespmem:$0x19280] =	vst v63  }
0x4c9: {  	s7 =	simm.s32 $0x6A80  }
0x4ca: {  	[tilespmem:s7], [sflag:$0x1] =	stream.indirect_vreg.gather [hbm4b:s6+s3], $0x80, v3, vm0, $0xb8;
	[tilespmem:$0x19280] =	vst v63  }
0x4cb: {  	v3 =	vld [tilespmem:$0xDB0];
	_ =	sdelay $0x4  }
0x4cc: {  	v29 =	vshll.u32 v3, $0x2  }
0x4cd: {  	v3 =	vand.u32 $0x7, v3;
	v4 =	vand.u32 $0xFFFFFFE0, v29  }
0x4ce: {  	v3 =	vor.u32 v3, v4  }
0x4cf: {  	v4 =	vperm.xlane v3, v0;
	_ =	sdelay $0x1  }
0x4d0: {  	v4 =	vadd.s32 v1, v4;
	_ =	sdelay $0x1  }
0x4d1: {  	v3 =	vperm.xlane v3, v2;
	_ =	sdelay $0x1  }
0x4d2: {  	s9 =	simm.s32 $0x7280;
	v3 =	vadd.s32 v1, v3  }
0x4d3: {  	[tilespmem:s9], [sflag:$0x1] =	stream.indirect_vreg.gather [hbm4b:s5+s3], $0x80, v4, vm0, $0xb8;
	[tilespmem:$0x19280] =	vst v63  }
0x4d4: {  	s30 =	simm.s32 $0x7A80  }
0x4d5: {  	[tilespmem:s30], [sflag:$0x1] =	stream.indirect_vreg.gather [hbm4b:s6+s3], $0x80, v4, vm0, $0xb8;
	[tilespmem:$0x19280] =	vst v63  }
0x4d6: {  	s31 =	simm.s32 $0x8280  }
0x4d7: {  	[tilespmem:s31], [sflag:$0x1] =	stream.indirect_vreg.gather [hbm4b:s5+s3], $0x80, v3, vm0, $0xb8;
	[tilespmem:$0x19280] =	vst v63  }
0x4d8: {  	s7 =	simm.s32 $0x8A80  }
0x4d9: {  	[tilespmem:s7], [sflag:$0x1] =	stream.indirect_vreg.gather [hbm4b:s6+s3], $0x80, v3, vm0, $0xb8;
	[tilespmem:$0x19280] =	vst v63  }
0x4da: {  	_ =	swait.ge [sflag:s24], $0x8000  }
0x4db: {  	s9 =	rddreg [dreg:$0x15]  }
0x4dc: {  	[sflag:s24] =	ssyncset.done $0x0;
	s7 =	sld [smem:$0x7F0]  }
0x4dd: {  	s30 =	sld [smem:$0x7F1];
	[sflag:s24] =	ssyncadd.s32 $0xFFFF8000  }
0x4de: {  	[hbm4b:s9+s3] =	stream.linear.scatter [tilespmem:s4], [sflag:$0x5], $0x8000, $0x38;
	[tilespmem:$0x19280] =	vst v63  }
0x4df: {  	_ = 	snop  }
0x4e0: {  	[tilespmem:s30], [sflag:$0x9] =	stream.indirect.gather [hbm4b:s0+s10], $0x1, s7, s10, $0xb8;
	[tilespmem:$0x19280] =	vst v63  }
0x4e1: {  	_ =	swait.ge [sflag:s25], $0x8000  }
0x4e2: {  	[sflag:s25] =	ssyncset.done $0x0  }
0x4e3: {  	[sflag:s25] =	ssyncadd.s32 $0xFFFF8000  }
0x4e4: {  	_ =	swait.ge [sflag:s29], $0x40  }
0x4e5: {  	[sflag:s29] =	ssyncset.done $0x0  }
0x4e6: {  	[sflag:s29] =	ssyncadd.s32 $0xFFFFFFC0  }
0x4e7: {  	v3 =	vld [tilespmem:$0xE00];
	_ =	sdelay $0x4  }
0x4e8: {  	v30 =	vshll.u32 v3, $0x2  }
0x4e9: {  	v3 =	vand.u32 $0x7, v3;
	v4 =	vand.u32 $0xFFFFFFE0, v30  }
0x4ea: {  	v3 =	vor.u32 v3, v4  }
0x4eb: {  	v4 =	vperm.xlane v3, v0;
	_ =	sdelay $0x1  }
0x4ec: {  	v4 =	vadd.s32 v1, v4;
	_ =	sdelay $0x1  }
0x4ed: {  	v3 =	vperm.xlane v3, v2;
	_ =	sdelay $0x1  }
0x4ee: {  	v3 =	vadd.s32 v1, v3  }
0x4ef: {  	[tilespmem:s4], [sflag:$0x2] =	stream.indirect_vreg.gather [hbm4b:s5+s3], $0x80, v4, vm0, $0xb8;
	[tilespmem:$0x19280] =	vst v63  }
0x4f0: {  	s20 =	simm.s32 $0x9A80  }
0x4f1: {  	[tilespmem:s20], [sflag:$0x2] =	stream.indirect_vreg.gather [hbm4b:s6+s3], $0x80, v4, vm0, $0xb8;
	[tilespmem:$0x19280] =	vst v63  }
0x4f2: {  	s22 =	simm.s32 $0xA280  }
0x4f3: {  	[tilespmem:s22], [sflag:$0x2] =	stream.indirect_vreg.gather [hbm4b:s5+s3], $0x80, v3, vm0, $0xb8;
	[tilespmem:$0x19280] =	vst v63  }
0x4f4: {  	s31 =	simm.s32 $0xAA80  }
0x4f5: {  	[tilespmem:s31], [sflag:$0x2] =	stream.indirect_vreg.gather [hbm4b:s6+s3], $0x80, v3, vm0, $0xb8;
	[tilespmem:$0x19280] =	vst v63  }
0x4f6: {  	v3 =	vld [tilespmem:$0xE10];
	_ =	sdelay $0x4  }
0x4f7: {  	v31 =	vshll.u32 v3, $0x2  }
0x4f8: {  	v3 =	vand.u32 $0x7, v3;
	v4 =	vand.u32 $0xFFFFFFE0, v31  }
0x4f9: {  	v3 =	vor.u32 v3, v4  }
0x4fa: {  	v4 =	vperm.xlane v3, v0;
	_ =	sdelay $0x1  }
0x4fb: {  	v4 =	vadd.s32 v1, v4;
	_ =	sdelay $0x1  }
0x4fc: {  	v3 =	vperm.xlane v3, v2;
	_ =	sdelay $0x1  }
0x4fd: {  	s7 =	simm.s32 $0xB280;
	v3 =	vadd.s32 v1, v3  }
0x4fe: {  	[tilespmem:s7], [sflag:$0x2] =	stream.indirect_vreg.gather [hbm4b:s5+s3], $0x80, v4, vm0, $0xb8;
	[tilespmem:$0x19280] =	vst v63  }
0x4ff: {  	s9 =	simm.s32 $0xBA80  }
0x500: {  	[tilespmem:s9], [sflag:$0x2] =	stream.indirect_vreg.gather [hbm4b:s6+s3], $0x80, v4, vm0, $0xb8;
	[tilespmem:$0x19280] =	vst v63  }
0x501: {  	s31 =	simm.s32 $0xC280  }
0x502: {  	[tilespmem:s31], [sflag:$0x2] =	stream.indirect_vreg.gather [hbm4b:s5+s3], $0x80, v3, vm0, $0xb8;
	[tilespmem:$0x19280] =	vst v63  }
0x503: {  	s7 =	simm.s32 $0xCA80  }
0x504: {  	[tilespmem:s7], [sflag:$0x2] =	stream.indirect_vreg.gather [hbm4b:s6+s3], $0x80, v3, vm0, $0xb8;
	[tilespmem:$0x19280] =	vst v63  }
0x505: {  	v3 =	vld [tilespmem:$0xE20];
	_ =	sdelay $0x4  }
0x506: {  	v32 =	vshll.u32 v3, $0x2  }
0x507: {  	v3 =	vand.u32 $0x7, v3;
	v4 =	vand.u32 $0xFFFFFFE0, v32  }
0x508: {  	v3 =	vor.u32 v3, v4  }
0x509: {  	v4 =	vperm.xlane v3, v0;
	_ =	sdelay $0x1  }
0x50a: {  	v4 =	vadd.s32 v1, v4;
	_ =	sdelay $0x1  }
0x50b: {  	v3 =	vperm.xlane v3, v2;
	_ =	sdelay $0x1  }
0x50c: {  	s9 =	simm.s32 $0xD280;
	v3 =	vadd.s32 v1, v3  }
0x50d: {  	[tilespmem:s9], [sflag:$0x2] =	stream.indirect_vreg.gather [hbm4b:s5+s3], $0x80, v4, vm0, $0xb8;
	[tilespmem:$0x19280] =	vst v63  }
0x50e: {  	s31 =	simm.s32 $0xDA80  }
0x50f: {  	[tilespmem:s31], [sflag:$0x2] =	stream.indirect_vreg.gather [hbm4b:s6+s3], $0x80, v4, vm0, $0xb8;
	[tilespmem:$0x19280] =	vst v63  }
0x510: {  	s7 =	simm.s32 $0xE280  }
0x511: {  	[tilespmem:s7], [sflag:$0x2] =	stream.indirect_vreg.gather [hbm4b:s5+s3], $0x80, v3, vm0, $0xb8;
	[tilespmem:$0x19280] =	vst v63  }
0x512: {  	s9 =	simm.s32 $0xEA80  }
0x513: {  	[tilespmem:s9], [sflag:$0x2] =	stream.indirect_vreg.gather [hbm4b:s6+s3], $0x80, v3, vm0, $0xb8;
	[tilespmem:$0x19280] =	vst v63  }
0x514: {  	v3 =	vld [tilespmem:$0xE30];
	_ =	sdelay $0x4  }
0x515: {  	v33 =	vshll.u32 v3, $0x2  }
0x516: {  	v3 =	vand.u32 $0x7, v3;
	v4 =	vand.u32 $0xFFFFFFE0, v33  }
0x517: {  	v3 =	vor.u32 v3, v4  }
0x518: {  	v4 =	vperm.xlane v3, v0;
	_ =	sdelay $0x1  }
0x519: {  	v4 =	vadd.s32 v1, v4;
	_ =	sdelay $0x1  }
0x51a: {  	v3 =	vperm.xlane v3, v2;
	_ =	sdelay $0x1  }
0x51b: {  	s31 =	simm.s32 $0xF280;
	v3 =	vadd.s32 v1, v3  }
0x51c: {  	[tilespmem:s31], [sflag:$0x2] =	stream.indirect_vreg.gather [hbm4b:s5+s3], $0x80, v4, vm0, $0xb8;
	[tilespmem:$0x19280] =	vst v63  }
0x51d: {  	s7 =	simm.s32 $0xFA80  }
0x51e: {  	[tilespmem:s7], [sflag:$0x2] =	stream.indirect_vreg.gather [hbm4b:s6+s3], $0x80, v4, vm0, $0xb8;
	[tilespmem:$0x19280] =	vst v63  }
0x51f: {  	s9 =	simm.s32 $0x10280  }
0x520: {  	[tilespmem:s9], [sflag:$0x2] =	stream.indirect_vreg.gather [hbm4b:s5+s3], $0x80, v3, vm0, $0xb8;
	[tilespmem:$0x19280] =	vst v63  }
0x521: {  	s31 =	simm.s32 $0x10A80  }
0x522: {  	[tilespmem:s31], [sflag:$0x2] =	stream.indirect_vreg.gather [hbm4b:s6+s3], $0x80, v3, vm0, $0xb8;
	[tilespmem:$0x19280] =	vst v63  }
0x523: {  	_ =	swait.ge [sflag:s26], $0x8000  }
0x524: {  	s2 =	rddreg [dreg:$0x16]  }
0x525: {  	[sflag:s26] =	ssyncset.done $0x0;
	s9 =	sld [smem:$0x7F2]  }
0x526: {  	s7 =	sld [smem:$0x7F3];
	[sflag:s26] =	ssyncadd.s32 $0xFFFF8000  }
0x527: {  	[hbm4b:s2+s3] =	stream.linear.scatter [tilespmem:s12], [sflag:$0x6], $0x8000, $0x38;
	[tilespmem:$0x19280] =	vst v63  }
0x528: {  	_ = 	snop  }
0x529: {  	[tilespmem:s7], [sflag:$0x7] =	stream.indirect.gather [hbm4b:s0+s10], $0x1, s9, s10, $0xb8;
	[tilespmem:$0x19280] =	vst v63  }
0x52a: {  	_ =	swait.ge [sflag:s28], $0x8000  }
0x52b: {  	[sflag:s28] =	ssyncset.done $0x0  }
0x52c: {  	[sflag:s28] =	ssyncadd.s32 $0xFFFF8000  }
0x52d: {  	_ =	swait.ge [sflag:s1], $0x40  }
0x52e: {  	[sflag:s1] =	ssyncset.done $0x0  }
0x52f: {  	[sflag:s1] =	ssyncadd.s32 $0xFFFFFFC0  }
0x530: {  	v3 =	vld [tilespmem:$0xE80];
	_ =	sdelay $0x4  }
0x531: {  	v34 =	vshll.u32 v3, $0x2  }
0x532: {  	v3 =	vand.u32 $0x7, v3;
	v4 =	vand.u32 $0xFFFFFFE0, v34  }
0x533: {  	v3 =	vor.u32 v3, v4  }
0x534: {  	v4 =	vperm.xlane v3, v0;
	_ =	sdelay $0x1  }
0x535: {  	v4 =	vadd.s32 v1, v4;
	_ =	sdelay $0x1  }
0x536: {  	v3 =	vperm.xlane v3, v2;
	_ =	sdelay $0x1  }
0x537: {  	v3 =	vadd.s32 v1, v3  }
0x538: {  	[tilespmem:s12], [sflag:$0x3] =	stream.indirect_vreg.gather [hbm4b:s5+s3], $0x80, v4, vm0, $0xb8;
	[tilespmem:$0x19280] =	vst v63  }
0x539: {  	s7 =	simm.s32 $0x11A80  }
0x53a: {  	[tilespmem:s7], [sflag:$0x3] =	stream.indirect_vreg.gather [hbm4b:s6+s3], $0x80, v4, vm0, $0xb8;
	[tilespmem:$0x19280] =	vst v63  }
0x53b: {  	s9 =	simm.s32 $0x12280  }
0x53c: {  	[tilespmem:s9], [sflag:$0x3] =	stream.indirect_vreg.gather [hbm4b:s5+s3], $0x80, v3, vm0, $0xb8;
	[tilespmem:$0x19280] =	vst v63  }
0x53d: {  	s31 =	simm.s32 $0x12A80  }
0x53e: {  	[tilespmem:s31], [sflag:$0x3] =	stream.indirect_vreg.gather [hbm4b:s6+s3], $0x80, v3, vm0, $0xb8;
	[tilespmem:$0x19280] =	vst v63  }
0x53f: {  	v3 =	vld [tilespmem:$0xE90];
	_ =	sdelay $0x4  }
0x540: {  	v35 =	vshll.u32 v3, $0x2  }
0x541: {  	v3 =	vand.u32 $0x7, v3;
	v4 =	vand.u32 $0xFFFFFFE0, v35  }
0x542: {  	v3 =	vor.u32 v3, v4  }
0x543: {  	v4 =	vperm.xlane v3, v0;
	_ =	sdelay $0x1  }
0x544: {  	v4 =	vadd.s32 v1, v4;
	_ =	sdelay $0x1  }
0x545: {  	v3 =	vperm.xlane v3, v2;
	_ =	sdelay $0x1  }
0x546: {  	s7 =	simm.s32 $0x13280;
	v3 =	vadd.s32 v1, v3  }
0x547: {  	[tilespmem:s7], [sflag:$0x3] =	stream.indirect_vreg.gather [hbm4b:s5+s3], $0x80, v4, vm0, $0xb8;
	[tilespmem:$0x19280] =	vst v63  }
0x548: {  	s9 =	simm.s32 $0x13A80  }
0x549: {  	[tilespmem:s9], [sflag:$0x3] =	stream.indirect_vreg.gather [hbm4b:s6+s3], $0x80, v4, vm0, $0xb8;
	[tilespmem:$0x19280] =	vst v63  }
0x54a: {  	s31 =	simm.s32 $0x14280  }
0x54b: {  	[tilespmem:s31], [sflag:$0x3] =	stream.indirect_vreg.gather [hbm4b:s5+s3], $0x80, v3, vm0, $0xb8;
	[tilespmem:$0x19280] =	vst v63  }
0x54c: {  	s7 =	simm.s32 $0x14A80  }
0x54d: {  	[tilespmem:s7], [sflag:$0x3] =	stream.indirect_vreg.gather [hbm4b:s6+s3], $0x80, v3, vm0, $0xb8;
	[tilespmem:$0x19280] =	vst v63  }
0x54e: {  	v3 =	vld [tilespmem:$0xEA0];
	_ =	sdelay $0x4  }
0x54f: {  	v36 =	vshll.u32 v3, $0x2  }
0x550: {  	v3 =	vand.u32 $0x7, v3;
	v4 =	vand.u32 $0xFFFFFFE0, v36  }
0x551: {  	v3 =	vor.u32 v3, v4  }
0x552: {  	v4 =	vperm.xlane v3, v0;
	_ =	sdelay $0x1  }
0x553: {  	v4 =	vadd.s32 v1, v4;
	_ =	sdelay $0x1  }
0x554: {  	v3 =	vperm.xlane v3, v2;
	_ =	sdelay $0x1  }
0x555: {  	s9 =	simm.s32 $0x15280;
	v3 =	vadd.s32 v1, v3  }
0x556: {  	[tilespmem:s9], [sflag:$0x3] =	stream.indirect_vreg.gather [hbm4b:s5+s3], $0x80, v4, vm0, $0xb8;
	[tilespmem:$0x19280] =	vst v63  }
0x557: {  	s31 =	simm.s32 $0x15A80  }
0x558: {  	[tilespmem:s31], [sflag:$0x3] =	stream.indirect_vreg.gather [hbm4b:s6+s3], $0x80, v4, vm0, $0xb8;
	[tilespmem:$0x19280] =	vst v63  }
0x559: {  	s7 =	simm.s32 $0x16280  }
0x55a: {  	[tilespmem:s7], [sflag:$0x3] =	stream.indirect_vreg.gather [hbm4b:s5+s3], $0x80, v3, vm0, $0xb8;
	[tilespmem:$0x19280] =	vst v63  }
0x55b: {  	s9 =	simm.s32 $0x16A80  }
0x55c: {  	[tilespmem:s9], [sflag:$0x3] =	stream.indirect_vreg.gather [hbm4b:s6+s3], $0x80, v3, vm0, $0xb8;
	[tilespmem:$0x19280] =	vst v63  }
0x55d: {  	v3 =	vld [tilespmem:$0xEB0];
	_ =	sdelay $0x4  }
0x55e: {  	v37 =	vshll.u32 v3, $0x2  }
0x55f: {  	v3 =	vand.u32 $0x7, v3;
	v4 =	vand.u32 $0xFFFFFFE0, v37  }
0x560: {  	v3 =	vor.u32 v3, v4  }
0x561: {  	v4 =	vperm.xlane v3, v0;
	_ =	sdelay $0x1  }
0x562: {  	v4 =	vadd.s32 v1, v4;
	_ =	sdelay $0x1  }
0x563: {  	v3 =	vperm.xlane v3, v2;
	_ =	sdelay $0x1  }
0x564: {  	s31 =	simm.s32 $0x17280;
	v3 =	vadd.s32 v1, v3  }
0x565: {  	[tilespmem:s31], [sflag:$0x3] =	stream.indirect_vreg.gather [hbm4b:s5+s3], $0x80, v4, vm0, $0xb8;
	[tilespmem:$0x19280] =	vst v63  }
0x566: {  	s7 =	simm.s32 $0x17A80  }
0x567: {  	[tilespmem:s7], [sflag:$0x3] =	stream.indirect_vreg.gather [hbm4b:s6+s3], $0x80, v4, vm0, $0xb8;
	[tilespmem:$0x19280] =	vst v63  }
0x568: {  	s9 =	simm.s32 $0x18280  }
0x569: {  	[tilespmem:s9], [sflag:$0x3] =	stream.indirect_vreg.gather [hbm4b:s5+s3], $0x80, v3, vm0, $0xb8;
	[tilespmem:$0x19280] =	vst v63  }
0x56a: {  	s31 =	simm.s32 $0x18A80  }
0x56b: {  	[tilespmem:s31], [sflag:$0x3] =	stream.indirect_vreg.gather [hbm4b:s6+s3], $0x80, v3, vm0, $0xb8;
	[tilespmem:$0x19280] =	vst v63  }
0x56c: {  	_ =	swait.ge [sflag:s8], $0x8000  }
0x56d: {  	s2 =	rddreg [dreg:$0x17]  }
0x56e: {  	[sflag:s8] =	ssyncset.done $0x0;
	s9 =	sld [smem:$0x7F4]  }
0x56f: {  	s7 =	sld [smem:$0x7F5];
	[sflag:s8] =	ssyncadd.s32 $0xFFFF8000  }
0x570: {  	[hbm4b:s2+s3] =	stream.linear.scatter [tilespmem:s13], [sflag:$0x4], $0x8000, $0x38;
	[tilespmem:$0x19280] =	vst v63  }
0x571: {  	_ = 	snop  }
0x572: {  	[tilespmem:s7], [sflag:$0x8] =	stream.indirect.gather [hbm4b:s0+s10], $0x1, s9, s10, $0xb8;
	[tilespmem:$0x19280] =	vst v63  }
0x573: {  	_ =	swait.ge [sflag:s23], $0x8000  }
0x574: {  	[sflag:s23] =	ssyncset.done $0x0  }
0x575: {  	[sflag:s23] =	ssyncadd.s32 $0xFFFF8000  }
0x576: {  	_ =	swait.ge [sflag:s11], $0x40  }
0x577: {  	[sflag:s11] =	ssyncset.done $0x0  }
0x578: {  	[sflag:s11] =	ssyncadd.s32 $0xFFFFFFC0  }
0x579: {  	v3 =	vld [tilespmem:$0xF00];
	_ =	sdelay $0x4  }
0x57a: {  	v38 =	vshll.u32 v3, $0x2  }
0x57b: {  	v3 =	vand.u32 $0x7, v3;
	v4 =	vand.u32 $0xFFFFFFE0, v38  }
0x57c: {  	v3 =	vor.u32 v3, v4  }
0x57d: {  	v4 =	vperm.xlane v3, v0;
	_ =	sdelay $0x1  }
0x57e: {  	v4 =	vadd.s32 v1, v4;
	_ =	sdelay $0x1  }
0x57f: {  	v3 =	vperm.xlane v3, v2;
	_ =	sdelay $0x1  }
0x580: {  	v3 =	vadd.s32 v1, v3  }
0x581: {  	[tilespmem:s13], [sflag:$0x1] =	stream.indirect_vreg.gather [hbm4b:s5+s3], $0x80, v4, vm0, $0xb8;
	[tilespmem:$0x19280] =	vst v63  }
0x582: {  	s14 =	simm.s32 $0x1A80  }
0x583: {  	[tilespmem:s14], [sflag:$0x1] =	stream.indirect_vreg.gather [hbm4b:s6+s3], $0x80, v4, vm0, $0xb8;
	[tilespmem:$0x19280] =	vst v63  }
0x584: {  	s15 =	simm.s32 $0x2280  }
0x585: {  	[tilespmem:s15], [sflag:$0x1] =	stream.indirect_vreg.gather [hbm4b:s5+s3], $0x80, v3, vm0, $0xb8;
	[tilespmem:$0x19280] =	vst v63  }
0x586: {  	s16 =	simm.s32 $0x2A80  }
0x587: {  	[tilespmem:s16], [sflag:$0x1] =	stream.indirect_vreg.gather [hbm4b:s6+s3], $0x80, v3, vm0, $0xb8;
	[tilespmem:$0x19280] =	vst v63  }
0x588: {  	v3 =	vld [tilespmem:$0xF10];
	_ =	sdelay $0x4  }
0x589: {  	v39 =	vshll.u32 v3, $0x2  }
0x58a: {  	v3 =	vand.u32 $0x7, v3;
	v4 =	vand.u32 $0xFFFFFFE0, v39  }
0x58b: {  	v3 =	vor.u32 v3, v4  }
0x58c: {  	v4 =	vperm.xlane v3, v0;
	_ =	sdelay $0x1  }
0x58d: {  	v4 =	vadd.s32 v1, v4;
	_ =	sdelay $0x1  }
0x58e: {  	v3 =	vperm.xlane v3, v2;
	_ =	sdelay $0x1  }
0x58f: {  	s17 =	simm.s32 $0x3280;
	v3 =	vadd.s32 v1, v3  }
0x590: {  	[tilespmem:s17], [sflag:$0x1] =	stream.indirect_vreg.gather [hbm4b:s5+s3], $0x80, v4, vm0, $0xb8;
	[tilespmem:$0x19280] =	vst v63  }
0x591: {  	s21 =	simm.s32 $0x3A80  }
0x592: {  	[tilespmem:s21], [sflag:$0x1] =	stream.indirect_vreg.gather [hbm4b:s6+s3], $0x80, v4, vm0, $0xb8;
	[tilespmem:$0x19280] =	vst v63  }
0x593: {  	s18 =	simm.s32 $0x4280  }
0x594: {  	[tilespmem:s18], [sflag:$0x1] =	stream.indirect_vreg.gather [hbm4b:s5+s3], $0x80, v3, vm0, $0xb8;
	[tilespmem:$0x19280] =	vst v63  }
0x595: {  	s19 =	simm.s32 $0x4A80  }
0x596: {  	[tilespmem:s19], [sflag:$0x1] =	stream.indirect_vreg.gather [hbm4b:s6+s3], $0x80, v3, vm0, $0xb8;
	[tilespmem:$0x19280] =	vst v63  }
0x597: {  	v3 =	vld [tilespmem:$0xF20];
	_ =	sdelay $0x4  }
0x598: {  	v40 =	vshll.u32 v3, $0x2  }
0x599: {  	v3 =	vand.u32 $0x7, v3;
	v4 =	vand.u32 $0xFFFFFFE0, v40  }
0x59a: {  	v3 =	vor.u32 v3, v4  }
0x59b: {  	v4 =	vperm.xlane v3, v0;
	_ =	sdelay $0x1  }
0x59c: {  	v4 =	vadd.s32 v1, v4;
	_ =	sdelay $0x1  }
0x59d: {  	v3 =	vperm.xlane v3, v2;
	_ =	sdelay $0x1  }
0x59e: {  	s21 =	simm.s32 $0x5280;
	v3 =	vadd.s32 v1, v3  }
0x59f: {  	[tilespmem:s21], [sflag:$0x1] =	stream.indirect_vreg.gather [hbm4b:s5+s3], $0x80, v4, vm0, $0xb8;
	[tilespmem:$0x19280] =	vst v63  }
0x5a0: {  	s31 =	simm.s32 $0x5A80  }
0x5a1: {  	[tilespmem:s31], [sflag:$0x1] =	stream.indirect_vreg.gather [hbm4b:s6+s3], $0x80, v4, vm0, $0xb8;
	[tilespmem:$0x19280] =	vst v63  }
0x5a2: {  	s7 =	simm.s32 $0x6280  }
0x5a3: {  	[tilespmem:s7], [sflag:$0x1] =	stream.indirect_vreg.gather [hbm4b:s5+s3], $0x80, v3, vm0, $0xb8;
	[tilespmem:$0x19280] =	vst v63  }
0x5a4: {  	s9 =	simm.s32 $0x6A80  }
0x5a5: {  	[tilespmem:s9], [sflag:$0x1] =	stream.indirect_vreg.gather [hbm4b:s6+s3], $0x80, v3, vm0, $0xb8;
	[tilespmem:$0x19280] =	vst v63  }
0x5a6: {  	v3 =	vld [tilespmem:$0xF30];
	_ =	sdelay $0x4  }
0x5a7: {  	v41 =	vshll.u32 v3, $0x2  }
0x5a8: {  	v3 =	vand.u32 $0x7, v3;
	v4 =	vand.u32 $0xFFFFFFE0, v41  }
0x5a9: {  	v3 =	vor.u32 v3, v4  }
0x5aa: {  	v4 =	vperm.xlane v3, v0;
	_ =	sdelay $0x1  }
0x5ab: {  	v4 =	vadd.s32 v1, v4;
	_ =	sdelay $0x1  }
0x5ac: {  	v3 =	vperm.xlane v3, v2;
	_ =	sdelay $0x1  }
0x5ad: {  	s14 =	simm.s32 $0x7280;
	v3 =	vadd.s32 v1, v3  }
0x5ae: {  	[tilespmem:s14], [sflag:$0x1] =	stream.indirect_vreg.gather [hbm4b:s5+s3], $0x80, v4, vm0, $0xb8;
	[tilespmem:$0x19280] =	vst v63  }
0x5af: {  	s15 =	simm.s32 $0x7A80  }
0x5b0: {  	[tilespmem:s15], [sflag:$0x1] =	stream.indirect_vreg.gather [hbm4b:s6+s3], $0x80, v4, vm0, $0xb8;
	[tilespmem:$0x19280] =	vst v63  }
0x5b1: {  	s16 =	simm.s32 $0x8280  }
0x5b2: {  	[tilespmem:s16], [sflag:$0x1] =	stream.indirect_vreg.gather [hbm4b:s5+s3], $0x80, v3, vm0, $0xb8;
	[tilespmem:$0x19280] =	vst v63  }
0x5b3: {  	s17 =	simm.s32 $0x8A80  }
0x5b4: {  	[tilespmem:s17], [sflag:$0x1] =	stream.indirect_vreg.gather [hbm4b:s6+s3], $0x80, v3, vm0, $0xb8;
	[tilespmem:$0x19280] =	vst v63  }
0x5b5: {  	_ =	swait.ge [sflag:s24], $0x8000  }
0x5b6: {  	s18 =	rddreg [dreg:$0x18]  }
0x5b7: {  	[sflag:s24] =	ssyncset.done $0x0;
	s19 =	sld [smem:$0x7F6]  }
0x5b8: {  	s21 =	sld [smem:$0x7F7];
	[sflag:s24] =	ssyncadd.s32 $0xFFFF8000  }
0x5b9: {  	[hbm4b:s18+s3] =	stream.linear.scatter [tilespmem:s4], [sflag:$0x5], $0x8000, $0x38;
	[tilespmem:$0x19280] =	vst v63  }
0x5ba: {  	_ = 	snop  }
0x5bb: {  	[tilespmem:s21], [sflag:$0x9] =	stream.indirect.gather [hbm4b:s0+s10], $0x1, s19, s10, $0xb8;
	[tilespmem:$0x19280] =	vst v63  }
0x5bc: {  	_ =	swait.ge [sflag:s25], $0x8000  }
0x5bd: {  	[sflag:s25] =	ssyncset.done $0x0  }
0x5be: {  	[sflag:s25] =	ssyncadd.s32 $0xFFFF8000  }
0x5bf: {  	_ =	swait.ge [sflag:s29], $0x40  }
0x5c0: {  	[sflag:s29] =	ssyncset.done $0x0  }
0x5c1: {  	[sflag:s29] =	ssyncadd.s32 $0xFFFFFFC0  }
0x5c2: {  	v3 =	vld [tilespmem:$0xF80];
	_ =	sdelay $0x4  }
0x5c3: {  	v42 =	vshll.u32 v3, $0x2  }
0x5c4: {  	v3 =	vand.u32 $0x7, v3;
	v4 =	vand.u32 $0xFFFFFFE0, v42  }
0x5c5: {  	v3 =	vor.u32 v3, v4  }
0x5c6: {  	v4 =	vperm.xlane v3, v0;
	_ =	sdelay $0x1  }
0x5c7: {  	v4 =	vadd.s32 v1, v4;
	_ =	sdelay $0x1  }
0x5c8: {  	v3 =	vperm.xlane v3, v2;
	_ =	sdelay $0x1  }
0x5c9: {  	v3 =	vadd.s32 v1, v3  }
0x5ca: {  	[tilespmem:s4], [sflag:$0x2] =	stream.indirect_vreg.gather [hbm4b:s5+s3], $0x80, v4, vm0, $0xb8;
	[tilespmem:$0x19280] =	vst v63  }
0x5cb: {  	s20 =	simm.s32 $0x9A80  }
0x5cc: {  	[tilespmem:s20], [sflag:$0x2] =	stream.indirect_vreg.gather [hbm4b:s6+s3], $0x80, v4, vm0, $0xb8;
	[tilespmem:$0x19280] =	vst v63  }
0x5cd: {  	s22 =	simm.s32 $0xA280  }
0x5ce: {  	[tilespmem:s22], [sflag:$0x2] =	stream.indirect_vreg.gather [hbm4b:s5+s3], $0x80, v3, vm0, $0xb8;
	[tilespmem:$0x19280] =	vst v63  }
0x5cf: {  	s31 =	simm.s32 $0xAA80  }
0x5d0: {  	[tilespmem:s31], [sflag:$0x2] =	stream.indirect_vreg.gather [hbm4b:s6+s3], $0x80, v3, vm0, $0xb8;
	[tilespmem:$0x19280] =	vst v63  }
0x5d1: {  	v3 =	vld [tilespmem:$0xF90];
	_ =	sdelay $0x4  }
0x5d2: {  	v43 =	vshll.u32 v3, $0x2  }
0x5d3: {  	v3 =	vand.u32 $0x7, v3;
	v4 =	vand.u32 $0xFFFFFFE0, v43  }
0x5d4: {  	v3 =	vor.u32 v3, v4  }
0x5d5: {  	v4 =	vperm.xlane v3, v0;
	_ =	sdelay $0x1  }
0x5d6: {  	v4 =	vadd.s32 v1, v4;
	_ =	sdelay $0x1  }
0x5d7: {  	v3 =	vperm.xlane v3, v2;
	_ =	sdelay $0x1  }
0x5d8: {  	s30 =	simm.s32 $0xB280;
	v3 =	vadd.s32 v1, v3  }
0x5d9: {  	[tilespmem:s30], [sflag:$0x2] =	stream.indirect_vreg.gather [hbm4b:s5+s3], $0x80, v4, vm0, $0xb8;
	[tilespmem:$0x19280] =	vst v63  }
0x5da: {  	s7 =	simm.s32 $0xBA80  }
0x5db: {  	[tilespmem:s7], [sflag:$0x2] =	stream.indirect_vreg.gather [hbm4b:s6+s3], $0x80, v4, vm0, $0xb8;
	[tilespmem:$0x19280] =	vst v63  }
0x5dc: {  	s9 =	simm.s32 $0xC280  }
0x5dd: {  	[tilespmem:s9], [sflag:$0x2] =	stream.indirect_vreg.gather [hbm4b:s5+s3], $0x80, v3, vm0, $0xb8;
	[tilespmem:$0x19280] =	vst v63  }
0x5de: {  	s14 =	simm.s32 $0xCA80  }
0x5df: {  	[tilespmem:s14], [sflag:$0x2] =	stream.indirect_vreg.gather [hbm4b:s6+s3], $0x80, v3, vm0, $0xb8;
	[tilespmem:$0x19280] =	vst v63  }
0x5e0: {  	v3 =	vld [tilespmem:$0xFA0];
	_ =	sdelay $0x4  }
0x5e1: {  	v44 =	vshll.u32 v3, $0x2  }
0x5e2: {  	v3 =	vand.u32 $0x7, v3;
	v4 =	vand.u32 $0xFFFFFFE0, v44  }
0x5e3: {  	v3 =	vor.u32 v3, v4  }
0x5e4: {  	v4 =	vperm.xlane v3, v0;
	_ =	sdelay $0x1  }
0x5e5: {  	v4 =	vadd.s32 v1, v4;
	_ =	sdelay $0x1  }
0x5e6: {  	v3 =	vperm.xlane v3, v2;
	_ =	sdelay $0x1  }
0x5e7: {  	s15 =	simm.s32 $0xD280;
	v3 =	vadd.s32 v1, v3  }
0x5e8: {  	[tilespmem:s15], [sflag:$0x2] =	stream.indirect_vreg.gather [hbm4b:s5+s3], $0x80, v4, vm0, $0xb8;
	[tilespmem:$0x19280] =	vst v63  }
0x5e9: {  	s16 =	simm.s32 $0xDA80  }
0x5ea: {  	[tilespmem:s16], [sflag:$0x2] =	stream.indirect_vreg.gather [hbm4b:s6+s3], $0x80, v4, vm0, $0xb8;
	[tilespmem:$0x19280] =	vst v63  }
0x5eb: {  	s17 =	simm.s32 $0xE280  }
0x5ec: {  	[tilespmem:s17], [sflag:$0x2] =	stream.indirect_vreg.gather [hbm4b:s5+s3], $0x80, v3, vm0, $0xb8;
	[tilespmem:$0x19280] =	vst v63  }
0x5ed: {  	s18 =	simm.s32 $0xEA80  }
0x5ee: {  	[tilespmem:s18], [sflag:$0x2] =	stream.indirect_vreg.gather [hbm4b:s6+s3], $0x80, v3, vm0, $0xb8;
	[tilespmem:$0x19280] =	vst v63  }
0x5ef: {  	v3 =	vld [tilespmem:$0xFB0];
	_ =	sdelay $0x4  }
0x5f0: {  	v45 =	vshll.u32 v3, $0x2  }
0x5f1: {  	v3 =	vand.u32 $0x7, v3;
	v4 =	vand.u32 $0xFFFFFFE0, v45  }
0x5f2: {  	v3 =	vor.u32 v3, v4  }
0x5f3: {  	v4 =	vperm.xlane v3, v0;
	_ =	sdelay $0x1  }
0x5f4: {  	v4 =	vadd.s32 v1, v4;
	_ =	sdelay $0x1  }
0x5f5: {  	v3 =	vperm.xlane v3, v2;
	_ =	sdelay $0x1  }
0x5f6: {  	s19 =	simm.s32 $0xF280;
	v3 =	vadd.s32 v1, v3  }
0x5f7: {  	[tilespmem:s19], [sflag:$0x2] =	stream.indirect_vreg.gather [hbm4b:s5+s3], $0x80, v4, vm0, $0xb8;
	[tilespmem:$0x19280] =	vst v63  }
0x5f8: {  	s20 =	simm.s32 $0xFA80  }
0x5f9: {  	[tilespmem:s20], [sflag:$0x2] =	stream.indirect_vreg.gather [hbm4b:s6+s3], $0x80, v4, vm0, $0xb8;
	[tilespmem:$0x19280] =	vst v63  }
0x5fa: {  	s21 =	simm.s32 $0x10280  }
0x5fb: {  	[tilespmem:s21], [sflag:$0x2] =	stream.indirect_vreg.gather [hbm4b:s5+s3], $0x80, v3, vm0, $0xb8;
	[tilespmem:$0x19280] =	vst v63  }
0x5fc: {  	s22 =	simm.s32 $0x10A80  }
0x5fd: {  	[tilespmem:s22], [sflag:$0x2] =	stream.indirect_vreg.gather [hbm4b:s6+s3], $0x80, v3, vm0, $0xb8;
	[tilespmem:$0x19280] =	vst v63  }
0x5fe: {  	_ =	swait.ge [sflag:s26], $0x8000  }
0x5ff: {  	s30 =	rddreg [dreg:$0x19]  }
0x600: {  	[sflag:s26] =	ssyncset.done $0x0;
	s7 =	sld [smem:$0x7F8]  }
0x601: {  	s14 =	sld [smem:$0x7F9];
	[sflag:s26] =	ssyncadd.s32 $0xFFFF8000  }
0x602: {  	[hbm4b:s30+s3] =	stream.linear.scatter [tilespmem:s12], [sflag:$0x6], $0x8000, $0x38;
	[tilespmem:$0x19280] =	vst v63  }
0x603: {  	_ = 	snop  }
0x604: {  	[tilespmem:s14], [sflag:$0x7] =	stream.indirect.gather [hbm4b:s0+s10], $0x1, s7, s10, $0xb8;
	[tilespmem:$0x19280] =	vst v63  }
0x605: {  	_ =	swait.ge [sflag:s28], $0x8000  }
0x606: {  	[sflag:s28] =	ssyncset.done $0x0  }
0x607: {  	[sflag:s28] =	ssyncadd.s32 $0xFFFF8000  }
0x608: {  	_ =	swait.ge [sflag:s1], $0x40  }
0x609: {  	[sflag:s1] =	ssyncset.done $0x0  }
0x60a: {  	[sflag:s1] =	ssyncadd.s32 $0xFFFFFFC0  }
0x60b: {  	v3 =	vld [tilespmem:$0x1000];
	_ =	sdelay $0x4  }
0x60c: {  	v46 =	vshll.u32 v3, $0x2  }
0x60d: {  	v3 =	vand.u32 $0x7, v3;
	v4 =	vand.u32 $0xFFFFFFE0, v46  }
0x60e: {  	v3 =	vor.u32 v3, v4  }
0x60f: {  	v4 =	vperm.xlane v3, v0;
	_ =	sdelay $0x1  }
0x610: {  	v4 =	vadd.s32 v1, v4;
	_ =	sdelay $0x1  }
0x611: {  	v3 =	vperm.xlane v3, v2;
	_ =	sdelay $0x1  }
0x612: {  	v3 =	vadd.s32 v1, v3  }
0x613: {  	[tilespmem:s12], [sflag:$0x3] =	stream.indirect_vreg.gather [hbm4b:s5+s3], $0x80, v4, vm0, $0xb8;
	[tilespmem:$0x19280] =	vst v63  }
0x614: {  	s15 =	simm.s32 $0x11A80  }
0x615: {  	[tilespmem:s15], [sflag:$0x3] =	stream.indirect_vreg.gather [hbm4b:s6+s3], $0x80, v4, vm0, $0xb8;
	[tilespmem:$0x19280] =	vst v63  }
0x616: {  	s16 =	simm.s32 $0x12280  }
0x617: {  	[tilespmem:s16], [sflag:$0x3] =	stream.indirect_vreg.gather [hbm4b:s5+s3], $0x80, v3, vm0, $0xb8;
	[tilespmem:$0x19280] =	vst v63  }
0x618: {  	s17 =	simm.s32 $0x12A80  }
0x619: {  	[tilespmem:s17], [sflag:$0x3] =	stream.indirect_vreg.gather [hbm4b:s6+s3], $0x80, v3, vm0, $0xb8;
	[tilespmem:$0x19280] =	vst v63  }
0x61a: {  	v3 =	vld [tilespmem:$0x1010];
	_ =	sdelay $0x4  }
0x61b: {  	v47 =	vshll.u32 v3, $0x2  }
0x61c: {  	v3 =	vand.u32 $0x7, v3;
	v4 =	vand.u32 $0xFFFFFFE0, v47  }
0x61d: {  	v3 =	vor.u32 v3, v4  }
0x61e: {  	v4 =	vperm.xlane v3, v0;
	_ =	sdelay $0x1  }
0x61f: {  	v4 =	vadd.s32 v1, v4;
	_ =	sdelay $0x1  }
0x620: {  	v3 =	vperm.xlane v3, v2;
	_ =	sdelay $0x1  }
0x621: {  	s18 =	simm.s32 $0x13280;
	v3 =	vadd.s32 v1, v3  }
0x622: {  	[tilespmem:s18], [sflag:$0x3] =	stream.indirect_vreg.gather [hbm4b:s5+s3], $0x80, v4, vm0, $0xb8;
	[tilespmem:$0x19280] =	vst v63  }
0x623: {  	s19 =	simm.s32 $0x13A80  }
0x624: {  	[tilespmem:s19], [sflag:$0x3] =	stream.indirect_vreg.gather [hbm4b:s6+s3], $0x80, v4, vm0, $0xb8;
	[tilespmem:$0x19280] =	vst v63  }
0x625: {  	s20 =	simm.s32 $0x14280  }
0x626: {  	[tilespmem:s20], [sflag:$0x3] =	stream.indirect_vreg.gather [hbm4b:s5+s3], $0x80, v3, vm0, $0xb8;
	[tilespmem:$0x19280] =	vst v63  }
0x627: {  	s21 =	simm.s32 $0x14A80  }
0x628: {  	[tilespmem:s21], [sflag:$0x3] =	stream.indirect_vreg.gather [hbm4b:s6+s3], $0x80, v3, vm0, $0xb8;
	[tilespmem:$0x19280] =	vst v63  }
0x629: {  	v3 =	vld [tilespmem:$0x1020];
	_ =	sdelay $0x4  }
0x62a: {  	v48 =	vshll.u32 v3, $0x2  }
0x62b: {  	v3 =	vand.u32 $0x7, v3;
	v4 =	vand.u32 $0xFFFFFFE0, v48  }
0x62c: {  	v3 =	vor.u32 v3, v4  }
0x62d: {  	v4 =	vperm.xlane v3, v0;
	_ =	sdelay $0x1  }
0x62e: {  	v4 =	vadd.s32 v1, v4;
	_ =	sdelay $0x1  }
0x62f: {  	v3 =	vperm.xlane v3, v2;
	_ =	sdelay $0x1  }
0x630: {  	s22 =	simm.s32 $0x15280;
	v3 =	vadd.s32 v1, v3  }
0x631: {  	[tilespmem:s22], [sflag:$0x3] =	stream.indirect_vreg.gather [hbm4b:s5+s3], $0x80, v4, vm0, $0xb8;
	[tilespmem:$0x19280] =	vst v63  }
0x632: {  	s30 =	simm.s32 $0x15A80  }
0x633: {  	[tilespmem:s30], [sflag:$0x3] =	stream.indirect_vreg.gather [hbm4b:s6+s3], $0x80, v4, vm0, $0xb8;
	[tilespmem:$0x19280] =	vst v63  }
0x634: {  	s31 =	simm.s32 $0x16280  }
0x635: {  	[tilespmem:s31], [sflag:$0x3] =	stream.indirect_vreg.gather [hbm4b:s5+s3], $0x80, v3, vm0, $0xb8;
	[tilespmem:$0x19280] =	vst v63  }
0x636: {  	s9 =	simm.s32 $0x16A80  }
0x637: {  	[tilespmem:s9], [sflag:$0x3] =	stream.indirect_vreg.gather [hbm4b:s6+s3], $0x80, v3, vm0, $0xb8;
	[tilespmem:$0x19280] =	vst v63  }
0x638: {  	v3 =	vld [tilespmem:$0x1030];
	_ =	sdelay $0x4  }
0x639: {  	v49 =	vshll.u32 v3, $0x2  }
0x63a: {  	v3 =	vand.u32 $0x7, v3;
	v4 =	vand.u32 $0xFFFFFFE0, v49  }
0x63b: {  	v3 =	vor.u32 v3, v4  }
0x63c: {  	v4 =	vperm.xlane v3, v0;
	_ =	sdelay $0x1  }
0x63d: {  	v4 =	vadd.s32 v1, v4;
	_ =	sdelay $0x1  }
0x63e: {  	v3 =	vperm.xlane v3, v2;
	_ =	sdelay $0x1  }
0x63f: {  	s21 =	simm.s32 $0x17280;
	v3 =	vadd.s32 v1, v3  }
0x640: {  	[tilespmem:s21], [sflag:$0x3] =	stream.indirect_vreg.gather [hbm4b:s5+s3], $0x80, v4, vm0, $0xb8;
	[tilespmem:$0x19280] =	vst v63  }
0x641: {  	s22 =	simm.s32 $0x17A80  }
0x642: {  	[tilespmem:s22], [sflag:$0x3] =	stream.indirect_vreg.gather [hbm4b:s6+s3], $0x80, v4, vm0, $0xb8;
	[tilespmem:$0x19280] =	vst v63  }
0x643: {  	s30 =	simm.s32 $0x18280  }
0x644: {  	[tilespmem:s30], [sflag:$0x3] =	stream.indirect_vreg.gather [hbm4b:s5+s3], $0x80, v3, vm0, $0xb8;
	[tilespmem:$0x19280] =	vst v63  }
0x645: {  	s31 =	simm.s32 $0x18A80  }
0x646: {  	[tilespmem:s31], [sflag:$0x3] =	stream.indirect_vreg.gather [hbm4b:s6+s3], $0x80, v3, vm0, $0xb8;
	[tilespmem:$0x19280] =	vst v63  }
0x647: {  	_ =	swait.ge [sflag:s8], $0x8000  }
0x648: {  	s2 =	rddreg [dreg:$0x1a]  }
0x649: {  	[sflag:s8] =	ssyncset.done $0x0;
	s9 =	sld [smem:$0x7FA]  }
0x64a: {  	s31 =	sld [smem:$0x7FB];
	[sflag:s8] =	ssyncadd.s32 $0xFFFF8000  }
0x64b: {  	[hbm4b:s2+s3] =	stream.linear.scatter [tilespmem:s13], [sflag:$0x4], $0x8000, $0x38;
	[tilespmem:$0x19280] =	vst v63  }
0x64c: {  	_ = 	snop  }
0x64d: {  	[tilespmem:s31], [sflag:$0x8] =	stream.indirect.gather [hbm4b:s0+s10], $0x1, s9, s10, $0xb8;
	[tilespmem:$0x19280] =	vst v63  }
0x64e: {  	_ =	swait.ge [sflag:s23], $0x8000  }
0x64f: {  	[sflag:s23] =	ssyncset.done $0x0  }
0x650: {  	[sflag:s23] =	ssyncadd.s32 $0xFFFF8000  }
0x651: {  	_ =	swait.ge [sflag:s11], $0x40  }
0x652: {  	[sflag:s11] =	ssyncset.done $0x0  }
0x653: {  	[sflag:s11] =	ssyncadd.s32 $0xFFFFFFC0  }
0x654: {  	v3 =	vld [tilespmem:$0x1080];
	_ =	sdelay $0x4  }
0x655: {  	v50 =	vshll.u32 v3, $0x2  }
0x656: {  	v3 =	vand.u32 $0x7, v3;
	v4 =	vand.u32 $0xFFFFFFE0, v50  }
0x657: {  	v3 =	vor.u32 v3, v4  }
0x658: {  	v4 =	vperm.xlane v3, v0;
	_ =	sdelay $0x1  }
0x659: {  	v4 =	vadd.s32 v1, v4;
	_ =	sdelay $0x1  }
0x65a: {  	v3 =	vperm.xlane v3, v2;
	_ =	sdelay $0x1  }
0x65b: {  	v3 =	vadd.s32 v1, v3  }
0x65c: {  	[tilespmem:s13], [sflag:$0x1] =	stream.indirect_vreg.gather [hbm4b:s5+s3], $0x80, v4, vm0, $0xb8;
	[tilespmem:$0x19280] =	vst v63  }
0x65d: {  	s9 =	simm.s32 $0x1A80  }
0x65e: {  	[tilespmem:s9], [sflag:$0x1] =	stream.indirect_vreg.gather [hbm4b:s6+s3], $0x80, v4, vm0, $0xb8;
	[tilespmem:$0x19280] =	vst v63  }
0x65f: {  	s31 =	simm.s32 $0x2280  }
0x660: {  	[tilespmem:s31], [sflag:$0x1] =	stream.indirect_vreg.gather [hbm4b:s5+s3], $0x80, v3, vm0, $0xb8;
	[tilespmem:$0x19280] =	vst v63  }
0x661: {  	s9 =	simm.s32 $0x2A80  }
0x662: {  	[tilespmem:s9], [sflag:$0x1] =	stream.indirect_vreg.gather [hbm4b:s6+s3], $0x80, v3, vm0, $0xb8;
	[tilespmem:$0x19280] =	vst v63  }
0x663: {  	v3 =	vld [tilespmem:$0x1090];
	_ =	sdelay $0x4  }
0x664: {  	v51 =	vshll.u32 v3, $0x2  }
0x665: {  	v3 =	vand.u32 $0x7, v3;
	v4 =	vand.u32 $0xFFFFFFE0, v51  }
0x666: {  	v3 =	vor.u32 v3, v4  }
0x667: {  	v4 =	vperm.xlane v3, v0;
	_ =	sdelay $0x1  }
0x668: {  	v4 =	vadd.s32 v1, v4;
	_ =	sdelay $0x1  }
0x669: {  	v3 =	vperm.xlane v3, v2;
	_ =	sdelay $0x1  }
0x66a: {  	s31 =	simm.s32 $0x3280;
	v3 =	vadd.s32 v1, v3  }
0x66b: {  	[tilespmem:s31], [sflag:$0x1] =	stream.indirect_vreg.gather [hbm4b:s5+s3], $0x80, v4, vm0, $0xb8;
	[tilespmem:$0x19280] =	vst v63  }
0x66c: {  	s9 =	simm.s32 $0x3A80  }
0x66d: {  	[tilespmem:s9], [sflag:$0x1] =	stream.indirect_vreg.gather [hbm4b:s6+s3], $0x80, v4, vm0, $0xb8;
	[tilespmem:$0x19280] =	vst v63  }
0x66e: {  	s31 =	simm.s32 $0x4280  }
0x66f: {  	[tilespmem:s31], [sflag:$0x1] =	stream.indirect_vreg.gather [hbm4b:s5+s3], $0x80, v3, vm0, $0xb8;
	[tilespmem:$0x19280] =	vst v63  }
0x670: {  	s9 =	simm.s32 $0x4A80  }
0x671: {  	[tilespmem:s9], [sflag:$0x1] =	stream.indirect_vreg.gather [hbm4b:s6+s3], $0x80, v3, vm0, $0xb8;
	[tilespmem:$0x19280] =	vst v63  }
0x672: {  	v3 =	vld [tilespmem:$0x10A0];
	_ =	sdelay $0x4  }
0x673: {  	v52 =	vshll.u32 v3, $0x2  }
0x674: {  	v3 =	vand.u32 $0x7, v3;
	v4 =	vand.u32 $0xFFFFFFE0, v52  }
0x675: {  	v3 =	vor.u32 v3, v4  }
0x676: {  	v4 =	vperm.xlane v3, v0;
	_ =	sdelay $0x1  }
0x677: {  	v4 =	vadd.s32 v1, v4;
	_ =	sdelay $0x1  }
0x678: {  	v3 =	vperm.xlane v3, v2;
	_ =	sdelay $0x1  }
0x679: {  	s31 =	simm.s32 $0x5280;
	v3 =	vadd.s32 v1, v3  }
0x67a: {  	[tilespmem:s31], [sflag:$0x1] =	stream.indirect_vreg.gather [hbm4b:s5+s3], $0x80, v4, vm0, $0xb8;
	[tilespmem:$0x19280] =	vst v63  }
0x67b: {  	s9 =	simm.s32 $0x5A80  }
0x67c: {  	[tilespmem:s9], [sflag:$0x1] =	stream.indirect_vreg.gather [hbm4b:s6+s3], $0x80, v4, vm0, $0xb8;
	[tilespmem:$0x19280] =	vst v63  }
0x67d: {  	s31 =	simm.s32 $0x6280  }
0x67e: {  	[tilespmem:s31], [sflag:$0x1] =	stream.indirect_vreg.gather [hbm4b:s5+s3], $0x80, v3, vm0, $0xb8;
	[tilespmem:$0x19280] =	vst v63  }
0x67f: {  	s9 =	simm.s32 $0x6A80  }
0x680: {  	[tilespmem:s9], [sflag:$0x1] =	stream.indirect_vreg.gather [hbm4b:s6+s3], $0x80, v3, vm0, $0xb8;
	[tilespmem:$0x19280] =	vst v63  }
0x681: {  	v3 =	vld [tilespmem:$0x10B0];
	_ =	sdelay $0x4  }
0x682: {  	v53 =	vshll.u32 v3, $0x2  }
0x683: {  	v3 =	vand.u32 $0x7, v3;
	v4 =	vand.u32 $0xFFFFFFE0, v53  }
0x684: {  	v3 =	vor.u32 v3, v4  }
0x685: {  	v4 =	vperm.xlane v3, v0;
	_ =	sdelay $0x1  }
0x686: {  	v4 =	vadd.s32 v1, v4;
	_ =	sdelay $0x1  }
0x687: {  	v3 =	vperm.xlane v3, v2;
	_ =	sdelay $0x1  }
0x688: {  	s31 =	simm.s32 $0x7280;
	v3 =	vadd.s32 v1, v3  }
0x689: {  	[tilespmem:s31], [sflag:$0x1] =	stream.indirect_vreg.gather [hbm4b:s5+s3], $0x80, v4, vm0, $0xb8;
	[tilespmem:$0x19280] =	vst v63  }
0x68a: {  	s9 =	simm.s32 $0x7A80  }
0x68b: {  	[tilespmem:s9], [sflag:$0x1] =	stream.indirect_vreg.gather [hbm4b:s6+s3], $0x80, v4, vm0, $0xb8;
	[tilespmem:$0x19280] =	vst v63  }
0x68c: {  	s31 =	simm.s32 $0x8280  }
0x68d: {  	[tilespmem:s31], [sflag:$0x1] =	stream.indirect_vreg.gather [hbm4b:s5+s3], $0x80, v3, vm0, $0xb8;
	[tilespmem:$0x19280] =	vst v63  }
0x68e: {  	s9 =	simm.s32 $0x8A80  }
0x68f: {  	[tilespmem:s9], [sflag:$0x1] =	stream.indirect_vreg.gather [hbm4b:s6+s3], $0x80, v3, vm0, $0xb8;
	[tilespmem:$0x19280] =	vst v63  }
0x690: {  	_ =	swait.ge [sflag:s24], $0x8000  }
0x691: {  	s2 =	rddreg [dreg:$0x1b]  }
0x692: {  	[sflag:s24] =	ssyncset.done $0x0;
	s9 =	sld [smem:$0x7FC]  }
0x693: {  	s31 =	sld [smem:$0x7FD];
	[sflag:s24] =	ssyncadd.s32 $0xFFFF8000  }
0x694: {  	[hbm4b:s2+s3] =	stream.linear.scatter [tilespmem:s4], [sflag:$0x5], $0x8000, $0x38;
	[tilespmem:$0x19280] =	vst v63  }
0x695: {  	_ = 	snop  }
0x696: {  	[tilespmem:s31], [sflag:$0x9] =	stream.indirect.gather [hbm4b:s0+s10], $0x1, s9, s10, $0xb8;
	[tilespmem:$0x19280] =	vst v63  }
0x697: {  	_ =	swait.ge [sflag:s25], $0x8000  }
0x698: {  	[sflag:s25] =	ssyncset.done $0x0  }
0x699: {  	[sflag:s25] =	ssyncadd.s32 $0xFFFF8000  }
0x69a: {  	_ =	swait.ge [sflag:s29], $0x40  }
0x69b: {  	[sflag:s29] =	ssyncset.done $0x0  }
0x69c: {  	[sflag:s29] =	ssyncadd.s32 $0xFFFFFFC0  }
0x69d: {  	v3 =	vld [tilespmem:$0x1100];
	_ =	sdelay $0x4  }
0x69e: {  	v54 =	vshll.u32 v3, $0x2  }
0x69f: {  	v3 =	vand.u32 $0x7, v3;
	v4 =	vand.u32 $0xFFFFFFE0, v54  }
0x6a0: {  	v3 =	vor.u32 v3, v4  }
0x6a1: {  	v4 =	vperm.xlane v3, v0;
	_ =	sdelay $0x1  }
0x6a2: {  	v4 =	vadd.s32 v1, v4;
	_ =	sdelay $0x1  }
0x6a3: {  	v3 =	vperm.xlane v3, v2;
	_ =	sdelay $0x1  }
0x6a4: {  	v3 =	vadd.s32 v1, v3  }
0x6a5: {  	[tilespmem:s4], [sflag:$0x2] =	stream.indirect_vreg.gather [hbm4b:s5+s3], $0x80, v4, vm0, $0xb8;
	[tilespmem:$0x19280] =	vst v63  }
0x6a6: {  	s31 =	simm.s32 $0x9A80  }
0x6a7: {  	[tilespmem:s31], [sflag:$0x2] =	stream.indirect_vreg.gather [hbm4b:s6+s3], $0x80, v4, vm0, $0xb8;
	[tilespmem:$0x19280] =	vst v63  }
0x6a8: {  	s9 =	simm.s32 $0xA280  }
0x6a9: {  	[tilespmem:s9], [sflag:$0x2] =	stream.indirect_vreg.gather [hbm4b:s5+s3], $0x80, v3, vm0, $0xb8;
	[tilespmem:$0x19280] =	vst v63  }
0x6aa: {  	s31 =	simm.s32 $0xAA80  }
0x6ab: {  	[tilespmem:s31], [sflag:$0x2] =	stream.indirect_vreg.gather [hbm4b:s6+s3], $0x80, v3, vm0, $0xb8;
	[tilespmem:$0x19280] =	vst v63  }
0x6ac: {  	v3 =	vld [tilespmem:$0x1110];
	_ =	sdelay $0x4  }
0x6ad: {  	v55 =	vshll.u32 v3, $0x2  }
0x6ae: {  	v3 =	vand.u32 $0x7, v3;
	v4 =	vand.u32 $0xFFFFFFE0, v55  }
0x6af: {  	v3 =	vor.u32 v3, v4  }
0x6b0: {  	v4 =	vperm.xlane v3, v0;
	_ =	sdelay $0x1  }
0x6b1: {  	v4 =	vadd.s32 v1, v4;
	_ =	sdelay $0x1  }
0x6b2: {  	v3 =	vperm.xlane v3, v2;
	_ =	sdelay $0x1  }
0x6b3: {  	s9 =	simm.s32 $0xB280;
	v3 =	vadd.s32 v1, v3  }
0x6b4: {  	[tilespmem:s9], [sflag:$0x2] =	stream.indirect_vreg.gather [hbm4b:s5+s3], $0x80, v4, vm0, $0xb8;
	[tilespmem:$0x19280] =	vst v63  }
0x6b5: {  	s31 =	simm.s32 $0xBA80  }
0x6b6: {  	[tilespmem:s31], [sflag:$0x2] =	stream.indirect_vreg.gather [hbm4b:s6+s3], $0x80, v4, vm0, $0xb8;
	[tilespmem:$0x19280] =	vst v63  }
0x6b7: {  	s9 =	simm.s32 $0xC280  }
0x6b8: {  	[tilespmem:s9], [sflag:$0x2] =	stream.indirect_vreg.gather [hbm4b:s5+s3], $0x80, v3, vm0, $0xb8;
	[tilespmem:$0x19280] =	vst v63  }
0x6b9: {  	s31 =	simm.s32 $0xCA80  }
0x6ba: {  	[tilespmem:s31], [sflag:$0x2] =	stream.indirect_vreg.gather [hbm4b:s6+s3], $0x80, v3, vm0, $0xb8;
	[tilespmem:$0x19280] =	vst v63  }
0x6bb: {  	v3 =	vld [tilespmem:$0x1120];
	_ =	sdelay $0x4  }
0x6bc: {  	v56 =	vshll.u32 v3, $0x2  }
0x6bd: {  	v3 =	vand.u32 $0x7, v3;
	v4 =	vand.u32 $0xFFFFFFE0, v56  }
0x6be: {  	v3 =	vor.u32 v3, v4  }
0x6bf: {  	v4 =	vperm.xlane v3, v0;
	_ =	sdelay $0x1  }
0x6c0: {  	v4 =	vadd.s32 v1, v4;
	_ =	sdelay $0x1  }
0x6c1: {  	v3 =	vperm.xlane v3, v2;
	_ =	sdelay $0x1  }
0x6c2: {  	s9 =	simm.s32 $0xD280;
	v3 =	vadd.s32 v1, v3  }
0x6c3: {  	[tilespmem:s9], [sflag:$0x2] =	stream.indirect_vreg.gather [hbm4b:s5+s3], $0x80, v4, vm0, $0xb8;
	[tilespmem:$0x19280] =	vst v63  }
0x6c4: {  	s31 =	simm.s32 $0xDA80  }
0x6c5: {  	[tilespmem:s31], [sflag:$0x2] =	stream.indirect_vreg.gather [hbm4b:s6+s3], $0x80, v4, vm0, $0xb8;
	[tilespmem:$0x19280] =	vst v63  }
0x6c6: {  	s9 =	simm.s32 $0xE280  }
0x6c7: {  	[tilespmem:s9], [sflag:$0x2] =	stream.indirect_vreg.gather [hbm4b:s5+s3], $0x80, v3, vm0, $0xb8;
	[tilespmem:$0x19280] =	vst v63  }
0x6c8: {  	s31 =	simm.s32 $0xEA80  }
0x6c9: {  	[tilespmem:s31], [sflag:$0x2] =	stream.indirect_vreg.gather [hbm4b:s6+s3], $0x80, v3, vm0, $0xb8;
	[tilespmem:$0x19280] =	vst v63  }
0x6ca: {  	v3 =	vld [tilespmem:$0x1130];
	_ =	sdelay $0x4  }
0x6cb: {  	v57 =	vshll.u32 v3, $0x2  }
0x6cc: {  	v3 =	vand.u32 $0x7, v3;
	v4 =	vand.u32 $0xFFFFFFE0, v57  }
0x6cd: {  	v3 =	vor.u32 v3, v4  }
0x6ce: {  	v4 =	vperm.xlane v3, v0;
	_ =	sdelay $0x1  }
0x6cf: {  	v4 =	vadd.s32 v1, v4;
	_ =	sdelay $0x1  }
0x6d0: {  	v3 =	vperm.xlane v3, v2;
	_ =	sdelay $0x1  }
0x6d1: {  	s9 =	simm.s32 $0xF280;
	v3 =	vadd.s32 v1, v3  }
0x6d2: {  	[tilespmem:s9], [sflag:$0x2] =	stream.indirect_vreg.gather [hbm4b:s5+s3], $0x80, v4, vm0, $0xb8;
	[tilespmem:$0x19280] =	vst v63  }
0x6d3: {  	s31 =	simm.s32 $0xFA80  }
0x6d4: {  	[tilespmem:s31], [sflag:$0x2] =	stream.indirect_vreg.gather [hbm4b:s6+s3], $0x80, v4, vm0, $0xb8;
	[tilespmem:$0x19280] =	vst v63  }
0x6d5: {  	s9 =	simm.s32 $0x10280  }
0x6d6: {  	[tilespmem:s9], [sflag:$0x2] =	stream.indirect_vreg.gather [hbm4b:s5+s3], $0x80, v3, vm0, $0xb8;
	[tilespmem:$0x19280] =	vst v63  }
0x6d7: {  	s31 =	simm.s32 $0x10A80  }
0x6d8: {  	[tilespmem:s31], [sflag:$0x2] =	stream.indirect_vreg.gather [hbm4b:s6+s3], $0x80, v3, vm0, $0xb8;
	[tilespmem:$0x19280] =	vst v63  }
0x6d9: {  	_ =	swait.ge [sflag:s26], $0x8000  }
0x6da: {  	[sflag:s26] =	ssyncset.done $0x0  }
0x6db: {  	s9 =	rddreg [dreg:$0x1c];
	[sflag:s26] =	ssyncadd.s32 $0xFFFF8000  }
0x6dc: {  	[hbm4b:s9+s3] =	stream.linear.scatter [tilespmem:s12], [sflag:$0x6], $0x8000, $0x38;
	[tilespmem:$0x19280] =	vst v63  }
0x6dd: {  	_ =	swait.ge [sflag:s28], $0x8000  }
0x6de: {  	[sflag:s28] =	ssyncset.done $0x0  }
0x6df: {  	[sflag:s28] =	ssyncadd.s32 $0xFFFF8000  }
0x6e0: {  	_ =	swait.ge [sflag:s1], $0x40  }
0x6e1: {  	[sflag:s1] =	ssyncset.done $0x0  }
0x6e2: {  	[sflag:s1] =	ssyncadd.s32 $0xFFFFFFC0  }
0x6e3: {  	v3 =	vld [tilespmem:$0x1180];
	_ =	sdelay $0x4  }
0x6e4: {  	v58 =	vshll.u32 v3, $0x2  }
0x6e5: {  	v3 =	vand.u32 $0x7, v3;
	v4 =	vand.u32 $0xFFFFFFE0, v58  }
0x6e6: {  	v3 =	vor.u32 v3, v4  }
0x6e7: {  	v4 =	vperm.xlane v3, v0;
	_ =	sdelay $0x1  }
0x6e8: {  	v4 =	vadd.s32 v1, v4;
	_ =	sdelay $0x1  }
0x6e9: {  	v3 =	vperm.xlane v3, v2;
	_ =	sdelay $0x1  }
0x6ea: {  	v3 =	vadd.s32 v1, v3  }
0x6eb: {  	[tilespmem:s12], [sflag:$0x3] =	stream.indirect_vreg.gather [hbm4b:s5+s3], $0x80, v4, vm0, $0xb8;
	[tilespmem:$0x19280] =	vst v63  }
0x6ec: {  	s7 =	simm.s32 $0x11A80  }
0x6ed: {  	[tilespmem:s7], [sflag:$0x3] =	stream.indirect_vreg.gather [hbm4b:s6+s3], $0x80, v4, vm0, $0xb8;
	[tilespmem:$0x19280] =	vst v63  }
0x6ee: {  	s14 =	simm.s32 $0x12280  }
0x6ef: {  	[tilespmem:s14], [sflag:$0x3] =	stream.indirect_vreg.gather [hbm4b:s5+s3], $0x80, v3, vm0, $0xb8;
	[tilespmem:$0x19280] =	vst v63  }
0x6f0: {  	s14 =	simm.s32 $0x12A80  }
0x6f1: {  	[tilespmem:s14], [sflag:$0x3] =	stream.indirect_vreg.gather [hbm4b:s6+s3], $0x80, v3, vm0, $0xb8;
	[tilespmem:$0x19280] =	vst v63  }
0x6f2: {  	v3 =	vld [tilespmem:$0x1190];
	_ =	sdelay $0x4  }
0x6f3: {  	v59 =	vshll.u32 v3, $0x2  }
0x6f4: {  	v3 =	vand.u32 $0x7, v3;
	v4 =	vand.u32 $0xFFFFFFE0, v59  }
0x6f5: {  	v3 =	vor.u32 v3, v4  }
0x6f6: {  	v4 =	vperm.xlane v3, v0;
	_ =	sdelay $0x1  }
0x6f7: {  	v4 =	vadd.s32 v1, v4;
	_ =	sdelay $0x1  }
0x6f8: {  	v3 =	vperm.xlane v3, v2;
	_ =	sdelay $0x1  }
0x6f9: {  	s15 =	simm.s32 $0x13280;
	v3 =	vadd.s32 v1, v3  }
0x6fa: {  	[tilespmem:s15], [sflag:$0x3] =	stream.indirect_vreg.gather [hbm4b:s5+s3], $0x80, v4, vm0, $0xb8;
	[tilespmem:$0x19280] =	vst v63  }
0x6fb: {  	s16 =	simm.s32 $0x13A80  }
0x6fc: {  	[tilespmem:s16], [sflag:$0x3] =	stream.indirect_vreg.gather [hbm4b:s6+s3], $0x80, v4, vm0, $0xb8;
	[tilespmem:$0x19280] =	vst v63  }
0x6fd: {  	s17 =	simm.s32 $0x14280  }
0x6fe: {  	[tilespmem:s17], [sflag:$0x3] =	stream.indirect_vreg.gather [hbm4b:s5+s3], $0x80, v3, vm0, $0xb8;
	[tilespmem:$0x19280] =	vst v63  }
0x6ff: {  	s17 =	simm.s32 $0x14A80  }
0x700: {  	[tilespmem:s17], [sflag:$0x3] =	stream.indirect_vreg.gather [hbm4b:s6+s3], $0x80, v3, vm0, $0xb8;
	[tilespmem:$0x19280] =	vst v63  }
0x701: {  	v3 =	vld [tilespmem:$0x11A0];
	_ =	sdelay $0x4  }
0x702: {  	v60 =	vshll.u32 v3, $0x2  }
0x703: {  	v3 =	vand.u32 $0x7, v3;
	v4 =	vand.u32 $0xFFFFFFE0, v60  }
0x704: {  	v3 =	vor.u32 v3, v4  }
0x705: {  	v4 =	vperm.xlane v3, v0;
	_ =	sdelay $0x1  }
0x706: {  	v4 =	vadd.s32 v1, v4;
	_ =	sdelay $0x1  }
0x707: {  	v3 =	vperm.xlane v3, v2;
	_ =	sdelay $0x1  }
0x708: {  	s18 =	simm.s32 $0x15280;
	v3 =	vadd.s32 v1, v3  }
0x709: {  	[tilespmem:s18], [sflag:$0x3] =	stream.indirect_vreg.gather [hbm4b:s5+s3], $0x80, v4, vm0, $0xb8;
	[tilespmem:$0x19280] =	vst v63  }
0x70a: {  	s19 =	simm.s32 $0x15A80  }
0x70b: {  	[tilespmem:s19], [sflag:$0x3] =	stream.indirect_vreg.gather [hbm4b:s6+s3], $0x80, v4, vm0, $0xb8;
	[tilespmem:$0x19280] =	vst v63  }
0x70c: {  	s20 =	simm.s32 $0x16280  }
0x70d: {  	[tilespmem:s20], [sflag:$0x3] =	stream.indirect_vreg.gather [hbm4b:s5+s3], $0x80, v3, vm0, $0xb8;
	[tilespmem:$0x19280] =	vst v63  }
0x70e: {  	s20 =	simm.s32 $0x16A80  }
0x70f: {  	[tilespmem:s20], [sflag:$0x3] =	stream.indirect_vreg.gather [hbm4b:s6+s3], $0x80, v3, vm0, $0xb8;
	[tilespmem:$0x19280] =	vst v63  }
0x710: {  	v3 =	vld [tilespmem:$0x11B0];
	_ =	sdelay $0x4  }
0x711: {  	v61 =	vshll.u32 v3, $0x2  }
0x712: {  	v3 =	vand.u32 $0x7, v3;
	v4 =	vand.u32 $0xFFFFFFE0, v61  }
0x713: {  	v3 =	vor.u32 v3, v4  }
0x714: {  	v4 =	vperm.xlane v3, v0;
	_ =	sdelay $0x1  }
0x715: {  	v4 =	vadd.s32 v1, v4;
	_ =	sdelay $0x1  }
0x716: {  	v3 =	vperm.xlane v3, v2;
	_ =	sdelay $0x1  }
0x717: {  	s21 =	simm.s32 $0x17280;
	v3 =	vadd.s32 v1, v3  }
0x718: {  	[tilespmem:s21], [sflag:$0x3] =	stream.indirect_vreg.gather [hbm4b:s5+s3], $0x80, v4, vm0, $0xb8;
	[tilespmem:$0x19280] =	vst v63  }
0x719: {  	s22 =	simm.s32 $0x17A80  }
0x71a: {  	[tilespmem:s22], [sflag:$0x3] =	stream.indirect_vreg.gather [hbm4b:s6+s3], $0x80, v4, vm0, $0xb8;
	[tilespmem:$0x19280] =	vst v63  }
0x71b: {  	s30 =	simm.s32 $0x18280  }
0x71c: {  	[tilespmem:s30], [sflag:$0x3] =	stream.indirect_vreg.gather [hbm4b:s5+s3], $0x80, v3, vm0, $0xb8;
	[tilespmem:$0x19280] =	vst v63  }
0x71d: {  	s30 =	simm.s32 $0x18A80  }
0x71e: {  	[tilespmem:s30], [sflag:$0x3] =	stream.indirect_vreg.gather [hbm4b:s6+s3], $0x80, v3, vm0, $0xb8;
	[tilespmem:$0x19280] =	vst v63  }
0x71f: {  	_ =	swait.ge [sflag:s8], $0x8000  }
0x720: {  	[sflag:s8] =	ssyncset.done $0x0  }
0x721: {  	s31 =	rddreg [dreg:$0x1d];
	[sflag:s8] =	ssyncadd.s32 $0xFFFF8000  }
0x722: {  	[hbm4b:s31+s3] =	stream.linear.scatter [tilespmem:s13], [sflag:$0x4], $0x8000, $0x38;
	[tilespmem:$0x19280] =	vst v63  }
0x723: {  	_ =	swait.ge [sflag:s24], $0x8000  }
0x724: {  	[sflag:s24] =	ssyncset.done $0x0  }
0x725: {  	s7 =	rddreg [dreg:$0x1e];
	[sflag:s24] =	ssyncadd.s32 $0xFFFF8000  }
0x726: {  	[hbm4b:s7+s3] =	stream.linear.scatter [tilespmem:s4], [sflag:$0x5], $0x8000, $0x38;
	[tilespmem:$0x19280] =	vst v63  }
0x727: {  	_ =	swait.ge [sflag:s26], $0x8000  }
0x728: {  	[sflag:s26] =	ssyncset.done $0x0  }
0x729: {  	s9 =	rddreg [dreg:$0x1f];
	[sflag:s26] =	ssyncadd.s32 $0xFFFF8000  }
0x72a: {  	[hbm4b:s9+s3] =	stream.linear.scatter [tilespmem:s12], [sflag:$0x6], $0x8000, $0x38;
	[tilespmem:$0x19280] =	vst v63  }
0x72b: {  	_ =	swait.ge [sflag:s23], $0x8000  }
0x72c: {  	[sflag:s23] =	ssyncset.done $0x0  }
0x72d: {  	[sflag:s23] =	ssyncadd.s32 $0xFFFF8000  }
0x72e: {  	_ =	swait.ge [sflag:s25], $0x8000  }
0x72f: {  	[sflag:s25] =	ssyncset.done $0x0  }
0x730: {  	[sflag:s25] =	ssyncadd.s32 $0xFFFF8000  }
0x731: {  	_ =	swait.ge [sflag:s28], $0x8000  }
0x732: {  	[sflag:s28] =	ssyncset.done $0x0  }
0x733: {  	[sflag:s28] =	ssyncadd.s32 $0xFFFF8000  }
0x734: {  	v3 =	vld [tilespmem:$0x1200];
	_ =	sdelay $0x4  }
0x735: {  	v62 =	vshll.u32 v3, $0x2  }
0x736: {  	v3 =	vand.u32 $0x7, v3;
	v4 =	vand.u32 $0xFFFFFFE0, v62  }
0x737: {  	v3 =	vor.u32 v3, v4  }
0x738: {  	v4 =	vperm.xlane v3, v0;
	_ =	sdelay $0x1  }
0x739: {  	v4 =	vadd.s32 v1, v4;
	_ =	sdelay $0x1  }
0x73a: {  	v3 =	vperm.xlane v3, v2;
	_ =	sdelay $0x1  }
0x73b: {  	v3 =	vadd.s32 v1, v3  }
0x73c: {  	[tilespmem:s13], [sflag:$0xA] =	stream.indirect_vreg.gather [hbm4b:s5+s3], $0x80, v4, vm0, $0xb8;
	[tilespmem:$0x19280] =	vst v63  }
0x73d: {  	s14 =	simm.s32 $0x1A80  }
0x73e: {  	[tilespmem:s14], [sflag:$0xA] =	stream.indirect_vreg.gather [hbm4b:s6+s3], $0x80, v4, vm0, $0xb8;
	[tilespmem:$0x19280] =	vst v63  }
0x73f: {  	s15 =	simm.s32 $0x2280  }
0x740: {  	[tilespmem:s15], [sflag:$0xA] =	stream.indirect_vreg.gather [hbm4b:s5+s3], $0x80, v3, vm0, $0xb8;
	[tilespmem:$0x19280] =	vst v63  }
0x741: {  	s17 =	simm.s32 $0x2A80  }
0x742: {  	[tilespmem:s17], [sflag:$0xA] =	stream.indirect_vreg.gather [hbm4b:s6+s3], $0x80, v3, vm0, $0xb8;
	[tilespmem:$0x19280] =	vst v63  }
0x743: {  	v3 =	vld [tilespmem:$0x1210];
	_ =	sdelay $0x4  }
0x744: {  	v63 =	vshll.u32 v3, $0x2  }
0x745: {  	v3 =	vand.u32 $0x7, v3;
	v4 =	vand.u32 $0xFFFFFFE0, v63  }
0x746: {  	v3 =	vor.u32 v3, v4  }
0x747: {  	v4 =	vperm.xlane v3, v0;
	_ =	sdelay $0x1  }
0x748: {  	v4 =	vadd.s32 v1, v4;
	_ =	sdelay $0x1  }
0x749: {  	v3 =	vperm.xlane v3, v2;
	_ =	sdelay $0x1  }
0x74a: {  	s18 =	simm.s32 $0x3280;
	v3 =	vadd.s32 v1, v3  }
0x74b: {  	[tilespmem:s18], [sflag:$0xA] =	stream.indirect_vreg.gather [hbm4b:s5+s3], $0x80, v4, vm0, $0xb8;
	[tilespmem:$0x19280] =	vst v63  }
0x74c: {  	s19 =	simm.s32 $0x3A80  }
0x74d: {  	[tilespmem:s19], [sflag:$0xA] =	stream.indirect_vreg.gather [hbm4b:s6+s3], $0x80, v4, vm0, $0xb8;
	[tilespmem:$0x19280] =	vst v63  }
0x74e: {  	s20 =	simm.s32 $0x4280  }
0x74f: {  	[tilespmem:s20], [sflag:$0xA] =	stream.indirect_vreg.gather [hbm4b:s5+s3], $0x80, v3, vm0, $0xb8;
	[tilespmem:$0x19280] =	vst v63  }
0x750: {  	s21 =	simm.s32 $0x4A80;
	s22 =	simm.s32 $0xA;
	s16 =	sld [smem:$0x7CC]  }
0x751: {  	[tilespmem:s21], [sflag:$0xA] =	stream.indirect_vreg.gather [hbm4b:s6+s3], $0x80, v3, vm0, $0xb8;
	[tilespmem:$0x19280] =	vst v63  }
0x752: {  	_ =	swait.ge [sflag:s22], $0x4000  }
0x753: {  	s30 =	sld [smem:$0x7CE]  }
0x754: {  	p0 =	sne.s32 s16, $0x1;
	[sflag:s22] =	ssyncset.done $0x0  }
.Ltmp0:
0x755: {  	s31 =	simm.s32 $0xB;
	[sflag:s22] =	ssyncadd.s32 $0xFFFFC000;
	(pc) =	sbr.rel @p0 .LBB2_1-.Ltmp0, $4  }
0x756: {  	[hbm4b:s30+s3] =	stream.linear.scatter [tilespmem:s13], [sflag:$0xB], $0x4000, $0x38;
	[tilespmem:$0x19280] =	vst v63  }
0x757: {  	_ =	swait.ge [sflag:s31], $0x4000  }
0x758: {  	[sflag:s31] =	ssyncset.done $0x0  }
0x759: {  	s7 =	sadd.s32 $0xFFFFFFFF, s16;
	[sflag:s31] =	ssyncadd.s32 $0xFFFFC000  }
0x75a: {  	_ =	sfence.sel $0x180000  }
0x75b: {  	[bflag:$0x0] =	sbarrier.arrive $0xFFFF  }
0x75c: {  	_ =	strace $0x90000047  }
0x75d: {  	s0 =	stileid.u32;
	[bflag:$0x2] =	sbarrier.arrive $0xFFFF  }
0x75e: {  	p0 =	sne.s32 s0, $0x0;
	s0 =	rddreg [dreg:$0x6]  }
0x75f: {  	s0 =	sadd.s32 @!p0 $0x100000, s0  }
0x760: {  	[sflag:s0] =	ssyncadd.tile.s32 @!p0 $0x1;
	_ =	shalt  }
.Lfunc_end2:
_tile_overlayer_lowered:
.L_overlay_start_2:
0x761: {  	(tag) =	ssettag $0x2  }
0x762: {  	s0 =	rddreg [dreg:$0x0];
	s2 =	stileid.u32  }
0x763: {  	s1 =	rddreg [dreg:$0x1];
	p0 =	sne.s32 s2, $0x0  }
0x764: {  	s3 =	rddreg [dreg:$0x2];
	[bflag:$0x3] =	sbarrier.arrive $0xFFFF;
	s2 =	simm.s32 @!p0 $0x1C0B  }
0x765: {  	[timem:s3], [sflag:s2] =	dma.local @!p0 [hbm:s0], s1  }
0x766: {  	s0 =	simm.s32 @!p0 $0xB  }
0x767: {  	_ =	swait.ge @!p0 [sflag:s0], s1  }
0x768: {  	s1 =	ssub.s32 @!p0 $0x0, s1;
	[sflag:s0] =	ssyncset.done @!p0 $0x0  }
0x769: {  	[sflag:s0] =	ssyncadd.s32 @!p0 s1  }
0x76a: {  	[bflag:$0x3] =	sbarrier.arrive $0xFFFF  }
0x76b: {  	_ =	shalt  }

</sc_bundles>
